<compile_context>
chip_gen: v7x
topology: tpu7x:2x2x1
jax: 0.10.2.dev20260603
libtpu: 0.0.44.dev20260713+nightly
codegen_flags: <defaults>
</compile_context>

<pallas_src>
import functools

import jax
import jax.numpy as jnp
from jax import lax
from jax.experimental import pallas as pl
from jax.experimental.pallas import tpu as pltpu
from jax.experimental.pallas import tpu_sc as plsc

_VOCAB = 100000
_EMB = 64
_HID = 128
_NCLS = 4
_B = 16384
_L = 200

_NC = 2
_NS = 16
_NW = _NC * _NS
_BAGS_PER_W = _B // _NW
_CB = 2
_ROWS = _CB * _L
_CHUNKS = _BAGS_PER_W // _CB


def _pool_body(texts_ref, table_ref, out_ref,
               idx0, idx1, idx2, idx3, rows0, rows1, rows2, rows3,
               pooled_v, acc_v,
               gsem0, gsem1, gsem2, gsem3, isem0, isem1, isem2, isem3):
    c = lax.axis_index("c")
    s = lax.axis_index("s")
    w = c * _NS + s
    my_bag0 = w * _BAGS_PER_W

    idxv = [idx0, idx1, idx2, idx3]
    rows = [rows0, rows1, rows2, rows3]
    gsems = [gsem0, gsem1, gsem2, gsem3]
    isems = [isem0, isem1, isem2, isem3]

    def chunk_base(i):
        raw = (my_bag0 + i * _CB) * _L
        return jnp.minimum(raw, jnp.int32(_B * _L - _ROWS))

    def idx_copy(i, b):
        return pltpu.make_async_copy(
            texts_ref.at[pl.ds(chunk_base(i), _ROWS)], idxv[b], isems[b])

    def gather_copy(b):
        return pltpu.make_async_copy(table_ref.at[idxv[b]], rows[b], gsems[b])

    idx_copy(0, 0).start()
    idx_copy(1, 1).start()
    idx_copy(2, 2).start()
    idx_copy(0, 0).wait()
    gather_copy(0).start()
    idx_copy(1, 1).wait()
    gather_copy(1).start()

    zero = jnp.zeros((16,), jnp.float32)
    _GRP = 40

    def consume(b, i):
        def bag_body(j, _):
            roff0 = j * _L
            for t in range(4):
                acc_v[pl.ds(t * 16, 16)] = zero

            def grp_body(g, _):
                base = roff0 + g * _GRP
                a = [acc_v[pl.ds(t * 16, 16)] for t in range(4)]
                for rr in range(_GRP):
                    p0 = plsc.bitcast(rows[b][base + rr, pl.ds(0, 32)],
                                      jnp.int32)
                    p1 = plsc.bitcast(rows[b][base + rr, pl.ds(32, 32)],
                                      jnp.int32)
                    a[0] = a[0] + plsc.bitcast(p0 << 16, jnp.float32)
                    a[1] = a[1] + plsc.bitcast(p0, jnp.float32)
                    a[2] = a[2] + plsc.bitcast(p1 << 16, jnp.float32)
                    a[3] = a[3] + plsc.bitcast(p1, jnp.float32)
                for t in range(4):
                    acc_v[pl.ds(t * 16, 16)] = a[t]
                return _

            lax.fori_loop(0, _L // _GRP, grp_body, None)
            prow = i * _CB + j
            for t in range(4):
                pooled_v[prow, pl.ds(t * 16, 16)] = acc_v[pl.ds(t * 16, 16)]
            return _

        lax.fori_loop(0, _CB, bag_body, None)

    def quad_step(k, _):
        i0 = 4 * k
        for b in range(4):
            i = i0 + b
            gather_copy(b).wait()
            idx_copy(i + 3, (b + 3) % 4).start()
            idx_copy(i + 2, (b + 2) % 4).wait()
            gather_copy((b + 2) % 4).start()
            consume(b, i)
        return _

    lax.fori_loop(0, _CHUNKS // 4, quad_step, None)

    gather_copy(0).wait()
    gather_copy(1).wait()
    idx_copy(_CHUNKS + 2, 2).wait()

    pltpu.sync_copy(pooled_v, out_ref.at[pl.ds(my_bag0, _BAGS_PER_W), :])


@functools.partial(
    pl.kernel,
    out_type=jax.ShapeDtypeStruct((_B, _EMB), jnp.float32),
    mesh=plsc.VectorSubcoreMesh(
        core_axis_name="c", subcore_axis_name="s",
        num_cores=_NC, num_subcores=_NS),
    scratch_types=(
        [pltpu.VMEM((_ROWS,), jnp.int32) for _ in range(4)]
        + [pltpu.VMEM((_ROWS, _EMB), jnp.bfloat16) for _ in range(4)]
        + [pltpu.VMEM((_BAGS_PER_W, _EMB), jnp.float32),
           pltpu.VMEM((64,), jnp.float32)]
        + [pltpu.SemaphoreType.DMA for _ in range(8)]
    ),
    compiler_params=pltpu.CompilerParams(use_tc_tiling_on_sc=False, needs_layout_passes=False),
)
def _pool(texts_ref, table_ref, out_ref, *scratch):
    _pool_body(texts_ref, table_ref, out_ref, *scratch)


def _mlp_body(x_ref, w1_ref, b1_ref, w2_ref, b2_ref, wc_ref, bc_ref, out_ref):
    x = x_ref[...] * (1.0 / _L)
    h = jnp.maximum(jnp.dot(x, w1_ref[...], preferred_element_type=jnp.float32)
                    + b1_ref[...], 0.0)
    h = jnp.maximum(jnp.dot(h, w2_ref[...], preferred_element_type=jnp.float32)
                    + b2_ref[...], 0.0)
    out_ref[...] = (jnp.dot(h, wc_ref[...], preferred_element_type=jnp.float32)
                    + bc_ref[...])


def _mlp(pooled_sum, W1, b1, W2, b2, Wc, bc):
    bm = 8192
    grid = (_B // bm,)
    full = lambda shape: pl.BlockSpec(shape, lambda i: (0,) * len(shape))
    return pl.pallas_call(
        _mlp_body,
        grid=grid,
        in_specs=[
            pl.BlockSpec((bm, _EMB), lambda i: (i, 0)),
            full((_EMB, _HID)),
            full((1, _HID)),
            full((_HID, _HID)),
            full((1, _HID)),
            full((_HID, _NCLS)),
            full((1, _NCLS)),
        ],
        out_specs=pl.BlockSpec((bm, _NCLS), lambda i: (i, 0)),
        out_shape=jax.ShapeDtypeStruct((_B, _NCLS), jnp.float32),
    )(pooled_sum, W1, b1.reshape(1, _HID), W2, b2.reshape(1, _HID),
      Wc, bc.reshape(1, _NCLS))


_POOL_COL_ORDER = (tuple(range(0, 32, 2)) + tuple(range(1, 32, 2))
                   + tuple(range(32, 64, 2)) + tuple(range(33, 64, 2)))


def kernel(texts, embed_table, W1, b1, W2, b2, Wc, bc):
    texts_flat = texts.reshape(-1).astype(jnp.int32)
    table_bf16 = embed_table.astype(jnp.bfloat16)
    pooled_sum = _pool(texts_flat, table_bf16)
    W1p = W1[jnp.array(_POOL_COL_ORDER), :]
    return _mlp(pooled_sum, W1p, b1, W2, b2, Wc, bc)

# --- scband reference (transcript-rebuilt; emitter-appended) ---
"""Pipeline reference for scband-bag-of-embeddings-87823491268987 (READ-ONLY COPY).

The authoritative reference and input builder live on the scoring server;
editing this copy changes nothing except your own understanding.
"""

import jax, jax.numpy as jnp
import numpy as np

VOCAB = 100000
EMB = 64
HID = 128
NUM_CLASS = 4
B = 16384
L = 200

def setup_inputs(seed: int = 0) -> dict:
    key = jax.random.key(seed)
    ks = jax.random.split(key, 8)
    texts = jax.random.randint(ks[0], (B, L), 0, VOCAB, dtype=jnp.int64) if jax.config.read('jax_enable_x64') else jax.random.randint(ks[0], (B, L), 0, VOCAB, dtype=jnp.int32)
    embed_table = jax.random.normal(ks[1], (VOCAB, EMB), dtype=jnp.float32) * 0.02
    W1 = jax.random.normal(ks[2], (EMB, HID), dtype=jnp.float32) * (1.0 / np.sqrt(EMB))
    b1 = jnp.zeros((HID,), dtype=jnp.float32)
    W2 = jax.random.normal(ks[3], (HID, HID), dtype=jnp.float32) * (1.0 / np.sqrt(HID))
    b2 = jnp.zeros((HID,), dtype=jnp.float32)
    Wc = jax.random.normal(ks[4], (HID, NUM_CLASS), dtype=jnp.float32) * (1.0 / np.sqrt(HID))
    bc = jnp.zeros((NUM_CLASS,), dtype=jnp.float32)
    return {"texts": texts, "embed_table": embed_table, "W1": W1, "b1": b1, "W2": W2, "b2": b2, "Wc": Wc, "bc": bc}

def reference(texts, embed_table, W1, b1, W2, b2, Wc, bc):
    # embedding lookup: [B, L, EMB]
    emb = jnp.take(embed_table, texts, axis=0)
    # mean over sequence dim
    pooled = jnp.mean(emb, axis=1)
    # hidden1 + relu
    h = jnp.maximum(pooled @ W1 + b1, 0.0)
    # hidden2 + relu
    h = jnp.maximum(h @ W2 + b2, 0.0)
    # dropout is identity in eval mode
    logits = h @ Wc + bc
    return logits

if __name__ == "__main__":
    import jax
    _d = setup_inputs()
    print(jax.jit(kernel)(*tuple(_d.values())))

</pallas_src>

<mosaic_0001>
#map = affine_map<(d0, d1) -> (0)>
#map1 = affine_map<(d0, d1) -> (0, 0)>
module attributes {stable_mosaic.version = 14 : i64} {
  func.func @_pool(%arg0: i32, %arg1: i32, %arg2: memref<3276800xi32, #tpu.memory_space<hbm>>, %arg3: memref<100000x64xbf16, #tpu.memory_space<hbm>>, %arg4: memref<16384x64xf32, #tpu.memory_space<hbm>>, %arg5: memref<400xi32, #tpu.memory_space<vmem>>, %arg6: memref<400xi32, #tpu.memory_space<vmem>>, %arg7: memref<400xi32, #tpu.memory_space<vmem>>, %arg8: memref<400xi32, #tpu.memory_space<vmem>>, %arg9: memref<400x64xbf16, #tpu.memory_space<vmem>>, %arg10: memref<400x64xbf16, #tpu.memory_space<vmem>>, %arg11: memref<400x64xbf16, #tpu.memory_space<vmem>>, %arg12: memref<400x64xbf16, #tpu.memory_space<vmem>>, %arg13: memref<512x64xf32, #tpu.memory_space<vmem>>, %arg14: memref<64xf32, #tpu.memory_space<vmem>>, %arg15: memref<!tpu.dma_semaphore, #tpu.memory_space<semaphore_mem>>, %arg16: memref<!tpu.dma_semaphore, #tpu.memory_space<semaphore_mem>>, %arg17: memref<!tpu.dma_semaphore, #tpu.memory_space<semaphore_mem>>, %arg18: memref<!tpu.dma_semaphore, #tpu.memory_space<semaphore_mem>>, %arg19: memref<!tpu.dma_semaphore, #tpu.memory_space<semaphore_mem>>, %arg20: memref<!tpu.dma_semaphore, #tpu.memory_space<semaphore_mem>>, %arg21: memref<!tpu.dma_semaphore, #tpu.memory_space<semaphore_mem>>, %arg22: memref<!tpu.dma_semaphore, #tpu.memory_space<semaphore_mem>>) attributes {dimension_semantics = [#tpu.dimension_semantics<core_parallel>, #tpu.dimension_semantics<subcore_parallel>], iteration_bounds = array<i64: 2, 16>, scalar_prefetch = 0 : i64, scratch_operands = 18 : i64, tpu.core_type = #tpu.core_type<sc_vector_subcore>, window_params = [{transform_indices = #map}, {transform_indices = #map1}, {transform_indices = #map1}]} {
    %mul3A = arith.constant 16 : i32
    %mul3A_0 = arith.muli %arg0, %mul3A : i32
    %add3A = arith.addi %mul3A_0, %arg1 : i32
    %mul3A_1 = arith.constant 512 : i32
    %mul3A_2 = arith.muli %add3A, %mul3A_1 : i32
    %add3A_3 = arith.constant 0 : i32
    %add3A_4 = arith.addi %mul3A_2, %add3A_3 : i32
    %mul3A_5 = arith.constant 200 : i32
    %mul3A_6 = arith.muli %add3A_4, %mul3A_5 : i32
    %min3A = arith.constant 3276400 : i32
    %min3A_7 = arith.minsi %mul3A_6, %min3A : i32
    %dma_start3A = tpu.memref_slice %arg2[%min3A_7] : memref<3276800xi32, #tpu.memory_space<hbm>> -> memref<400xi32, #tpu.memory_space<hbm>>
    %dma_start3A_8 = tpu.memref_slice %arg2[%min3A_7] : memref<3276800xi32, #tpu.memory_space<hbm>> -> memref<400xi32, #tpu.memory_space<hbm>>
    tpu.enqueue_dma source(%dma_start3A_8 : memref<400xi32, #tpu.memory_space<hbm>>) target(%arg5 : memref<400xi32, #tpu.memory_space<vmem>>) target_semaphore(%arg19 : memref<!tpu.dma_semaphore, #tpu.memory_space<semaphore_mem>>)
    %add3A_9 = arith.constant 2 : i32
    %add3A_10 = arith.addi %mul3A_2, %add3A_9 : i32
    %mul3A_11 = arith.constant 200 : i32
    %mul3A_12 = arith.muli %add3A_10, %mul3A_11 : i32
    %min3A_13 = arith.constant 3276400 : i32
    %min3A_14 = arith.minsi %mul3A_12, %min3A_13 : i32
    %dma_start3A_15 = tpu.memref_slice %arg2[%min3A_14] : memref<3276800xi32, #tpu.memory_space<hbm>> -> memref<400xi32, #tpu.memory_space<hbm>>
    %dma_start3A_16 = tpu.memref_slice %arg2[%min3A_14] : memref<3276800xi32, #tpu.memory_space<hbm>> -> memref<400xi32, #tpu.memory_space<hbm>>
    tpu.enqueue_dma source(%dma_start3A_16 : memref<400xi32, #tpu.memory_space<hbm>>) target(%arg6 : memref<400xi32, #tpu.memory_space<vmem>>) target_semaphore(%arg20 : memref<!tpu.dma_semaphore, #tpu.memory_space<semaphore_mem>>)
    %add3A_17 = arith.constant 4 : i32
    %add3A_18 = arith.addi %mul3A_2, %add3A_17 : i32
    %mul3A_19 = arith.constant 200 : i32
    %mul3A_20 = arith.muli %add3A_18, %mul3A_19 : i32
    %min3A_21 = arith.constant 3276400 : i32
    %min3A_22 = arith.minsi %mul3A_20, %min3A_21 : i32
    %dma_start3A_23 = tpu.memref_slice %arg2[%min3A_22] : memref<3276800xi32, #tpu.memory_space<hbm>> -> memref<400xi32, #tpu.memory_space<hbm>>
    %dma_start3A_24 = tpu.memref_slice %arg2[%min3A_22] : memref<3276800xi32, #tpu.memory_space<hbm>> -> memref<400xi32, #tpu.memory_space<hbm>>
    tpu.enqueue_dma source(%dma_start3A_24 : memref<400xi32, #tpu.memory_space<hbm>>) target(%arg7 : memref<400xi32, #tpu.memory_space<vmem>>) target_semaphore(%arg21 : memref<!tpu.dma_semaphore, #tpu.memory_space<semaphore_mem>>)
    %add3A_25 = arith.constant 0 : i32
    %add3A_26 = arith.addi %mul3A_2, %add3A_25 : i32
    %mul3A_27 = arith.constant 200 : i32
    %mul3A_28 = arith.muli %add3A_26, %mul3A_27 : i32
    %min3A_29 = arith.constant 3276400 : i32
    %min3A_30 = arith.minsi %mul3A_28, %min3A_29 : i32
    %dma_wait3A = tpu.memref_slice %arg2[%min3A_30] : memref<3276800xi32, #tpu.memory_space<hbm>> -> memref<400xi32, #tpu.memory_space<hbm>>
    %dma_wait3A_31 = tpu.memref_slice %arg2[%min3A_30] : memref<3276800xi32, #tpu.memory_space<hbm>> -> memref<400xi32, #tpu.memory_space<hbm>>
    tpu.wait_dma2 semaphore(%arg19 : memref<!tpu.dma_semaphore, #tpu.memory_space<semaphore_mem>>) src(%dma_wait3A_31 : memref<400xi32, #tpu.memory_space<hbm>>) dst(%arg5 : memref<400xi32, #tpu.memory_space<vmem>>)
    %dma_start3A_32 = arith.constant 0 : i32
    %dma_start3A_33 = arith.constant 0 : i32
    %dma_start3A_34 = tpu.memref_slice %arg3[%dma_start3A_32, %dma_start3A_33] : memref<100000x64xbf16, #tpu.memory_space<hbm>> -> memref<100000x64xbf16, #tpu.memory_space<hbm>>
    tpu.enqueue_indirect_dma source(%dma_start3A_34 : memref<100000x64xbf16, #tpu.memory_space<hbm>>) target(%arg9 : memref<400x64xbf16, #tpu.memory_space<vmem>>) offsets(%arg5 : memref<400xi32, #tpu.memory_space<vmem>>) semaphore(%arg15 : memref<!tpu.dma_semaphore, #tpu.memory_space<semaphore_mem>>)
    %add3A_35 = arith.constant 2 : i32
    %add3A_36 = arith.addi %mul3A_2, %add3A_35 : i32
    %mul3A_37 = arith.constant 200 : i32
    %mul3A_38 = arith.muli %add3A_36, %mul3A_37 : i32
    %min3A_39 = arith.constant 3276400 : i32
    %min3A_40 = arith.minsi %mul3A_38, %min3A_39 : i32
    %dma_wait3A_41 = tpu.memref_slice %arg2[%min3A_40] : memref<3276800xi32, #tpu.memory_space<hbm>> -> memref<400xi32, #tpu.memory_space<hbm>>
    %dma_wait3A_42 = tpu.memref_slice %arg2[%min3A_40] : memref<3276800xi32, #tpu.memory_space<hbm>> -> memref<400xi32, #tpu.memory_space<hbm>>
    tpu.wait_dma2 semaphore(%arg20 : memref<!tpu.dma_semaphore, #tpu.memory_space<semaphore_mem>>) src(%dma_wait3A_42 : memref<400xi32, #tpu.memory_space<hbm>>) dst(%arg6 : memref<400xi32, #tpu.memory_space<vmem>>)
    %dma_start3A_43 = arith.constant 0 : i32
    %dma_start3A_44 = arith.constant 0 : i32
    %dma_start3A_45 = tpu.memref_slice %arg3[%dma_start3A_43, %dma_start3A_44] : memref<100000x64xbf16, #tpu.memory_space<hbm>> -> memref<100000x64xbf16, #tpu.memory_space<hbm>>
    tpu.enqueue_indirect_dma source(%dma_start3A_45 : memref<100000x64xbf16, #tpu.memory_space<hbm>>) target(%arg10 : memref<400x64xbf16, #tpu.memory_space<vmem>>) offsets(%arg6 : memref<400xi32, #tpu.memory_space<vmem>>) semaphore(%arg16 : memref<!tpu.dma_semaphore, #tpu.memory_space<semaphore_mem>>)
    %broadcast_in_dim3A = arith.constant 0.000000e+00 : f32
    %broadcast_in_dim3A_46 = vector.broadcast %broadcast_in_dim3A : f32 to vector<16xf32>
    %scan3A = arith.constant 0 : i32
    %scan3A_47 = arith.constant 64 : i32
    %scan3A_48 = arith.addi %scan3A, %scan3A_47 : i32
    %scan3A_49 = arith.constant 1 : i32
    scf.for %scan3A_65 = %scan3A to %scan3A_48 step %scan3A_49  : i32 {
      %mul3A_66 = arith.constant 4 : i32
      %mul3A_67 = arith.muli %mul3A_66, %scan3A_65 : i32
      %add3A_68 = arith.constant 0 : i32
      %add3A_69 = arith.addi %mul3A_67, %add3A_68 : i32
      %dma_wait3A_70 = arith.constant 0 : i32
      %dma_wait3A_71 = arith.constant 0 : i32
      %dma_wait3A_72 = tpu.memref_slice %arg3[%dma_wait3A_70, %dma_wait3A_71] : memref<100000x64xbf16, #tpu.memory_space<hbm>> -> memref<100000x64xbf16, #tpu.memory_space<hbm>>
      tpu.wait_indirect_dma semaphore(%arg15 : memref<!tpu.dma_semaphore, #tpu.memory_space<semaphore_mem>>) src(%dma_wait3A_72 : memref<100000x64xbf16, #tpu.memory_space<hbm>>) dst(%arg9 : memref<400x64xbf16, #tpu.memory_space<vmem>>)
      %add3A_73 = arith.constant 3 : i32
      %add3A_74 = arith.addi %add3A_69, %add3A_73 : i32
      %mul3A_75 = arith.constant 2 : i32
      %mul3A_76 = arith.muli %add3A_74, %mul3A_75 : i32
      %add3A_77 = arith.addi %mul3A_2, %mul3A_76 : i32
      %mul3A_78 = arith.constant 200 : i32
      %mul3A_79 = arith.muli %add3A_77, %mul3A_78 : i32
      %min3A_80 = arith.constant 3276400 : i32
      %min3A_81 = arith.minsi %mul3A_79, %min3A_80 : i32
      %dma_start3A_82 = tpu.memref_slice %arg2[%min3A_81] : memref<3276800xi32, #tpu.memory_space<hbm>> -> memref<400xi32, #tpu.memory_space<hbm>>
      %dma_start3A_83 = tpu.memref_slice %arg2[%min3A_81] : memref<3276800xi32, #tpu.memory_space<hbm>> -> memref<400xi32, #tpu.memory_space<hbm>>
      tpu.enqueue_dma source(%dma_start3A_83 : memref<400xi32, #tpu.memory_space<hbm>>) target(%arg8 : memref<400xi32, #tpu.memory_space<vmem>>) target_semaphore(%arg22 : memref<!tpu.dma_semaphore, #tpu.memory_space<semaphore_mem>>)
      %add3A_84 = arith.constant 2 : i32
      %add3A_85 = arith.addi %add3A_69, %add3A_84 : i32
      %mul3A_86 = arith.constant 2 : i32
      %mul3A_87 = arith.muli %add3A_85, %mul3A_86 : i32
      %add3A_88 = arith.addi %mul3A_2, %mul3A_87 : i32
      %mul3A_89 = arith.constant 200 : i32
      %mul3A_90 = arith.muli %add3A_88, %mul3A_89 : i32
      %min3A_91 = arith.constant 3276400 : i32
      %min3A_92 = arith.minsi %mul3A_90, %min3A_91 : i32
      %dma_wait3A_93 = tpu.memref_slice %arg2[%min3A_92] : memref<3276800xi32, #tpu.memory_space<hbm>> -> memref<400xi32, #tpu.memory_space<hbm>>
      %dma_wait3A_94 = tpu.memref_slice %arg2[%min3A_92] : memref<3276800xi32, #tpu.memory_space<hbm>> -> memref<400xi32, #tpu.memory_space<hbm>>
      tpu.wait_dma2 semaphore(%arg21 : memref<!tpu.dma_semaphore, #tpu.memory_space<semaphore_mem>>) src(%dma_wait3A_94 : memref<400xi32, #tpu.memory_space<hbm>>) dst(%arg7 : memref<400xi32, #tpu.memory_space<vmem>>)
      %dma_start3A_95 = arith.constant 0 : i32
      %dma_start3A_96 = arith.constant 0 : i32
      %dma_start3A_97 = tpu.memref_slice %arg3[%dma_start3A_95, %dma_start3A_96] : memref<100000x64xbf16, #tpu.memory_space<hbm>> -> memref<100000x64xbf16, #tpu.memory_space<hbm>>
      tpu.enqueue_indirect_dma source(%dma_start3A_97 : memref<100000x64xbf16, #tpu.memory_space<hbm>>) target(%arg11 : memref<400x64xbf16, #tpu.memory_space<vmem>>) offsets(%arg7 : memref<400xi32, #tpu.memory_space<vmem>>) semaphore(%arg17 : memref<!tpu.dma_semaphore, #tpu.memory_space<semaphore_mem>>)
      %scan3A_98 = arith.constant 0 : i32
      %scan3A_99 = arith.constant 2 : i32
      %scan3A_100 = arith.addi %scan3A_98, %scan3A_99 : i32
      %scan3A_101 = arith.constant 1 : i32
      scf.for %scan3A_208 = %scan3A_98 to %scan3A_100 step %scan3A_101  : i32 {
        %mul3A_209 = arith.constant 200 : i32
        %mul3A_210 = arith.muli %scan3A_208, %mul3A_209 : i32
        %swap3A = arith.constant 0 : index
        %swap3A_211 = tpu.vector_load %arg14[%swap3A] {strides = array<i32>} : memref<64xf32, #tpu.memory_space<vmem>>, vector<16xf32>,
        tpu.vector_store %arg14[%swap3A], %broadcast_in_dim3A_46 {strides = array<i32>} : memref<64xf32, #tpu.memory_space<vmem>>, vector<16xf32>,
        %swap3A_212 = arith.constant 16 : index
        %swap3A_213 = tpu.vector_load %arg14[%swap3A_212] {strides = array<i32>} : memref<64xf32, #tpu.memory_space<vmem>>, vector<16xf32>,
        tpu.vector_store %arg14[%swap3A_212], %broadcast_in_dim3A_46 {strides = array<i32>} : memref<64xf32, #tpu.memory_space<vmem>>, vector<16xf32>,
        %swap3A_214 = arith.constant 32 : index
        %swap3A_215 = tpu.vector_load %arg14[%swap3A_214] {strides = array<i32>} : memref<64xf32, #tpu.memory_space<vmem>>, vector<16xf32>,
        tpu.vector_store %arg14[%swap3A_214], %broadcast_in_dim3A_46 {strides = array<i32>} : memref<64xf32, #tpu.memory_space<vmem>>, vector<16xf32>,
        %swap3A_216 = arith.constant 48 : index
        %swap3A_217 = tpu.vector_load %arg14[%swap3A_216] {strides = array<i32>} : memref<64xf32, #tpu.memory_space<vmem>>, vector<16xf32>,
        tpu.vector_store %arg14[%swap3A_216], %broadcast_in_dim3A_46 {strides = array<i32>} : memref<64xf32, #tpu.memory_space<vmem>>, vector<16xf32>,
        %scan3A_218 = arith.constant 0 : i32
        %scan3A_219 = arith.constant 5 : i32
        %scan3A_220 = arith.addi %scan3A_218, %scan3A_219 : i32
        %scan3A_221 = arith.constant 1 : i32
        scf.for %scan3A_245 = %scan3A_218 to %scan3A_220 step %scan3A_221  : i32 {
          %mul3A_246 = arith.constant 40 : i32
          %mul3A_247 = arith.muli %scan3A_245, %mul3A_246 : i32
          %add3A_248 = arith.addi %mul3A_210, %mul3A_247 : i32
          %get3A_249 = arith.constant 0 : index
          %get3A_250 = tpu.vector_load %arg14[%get3A_249] {strides = array<i32>} : memref<64xf32, #tpu.memory_space<vmem>>, vector<16xf32>,
          %get3A_251 = arith.constant 16 : index
          %get3A_252 = tpu.vector_load %arg14[%get3A_251] {strides = array<i32>} : memref<64xf32, #tpu.memory_space<vmem>>, vector<16xf32>,
          %get3A_253 = arith.constant 32 : index
          %get3A_254 = tpu.vector_load %arg14[%get3A_253] {strides = array<i32>} : memref<64xf32, #tpu.memory_space<vmem>>, vector<16xf32>,
          %get3A_255 = arith.constant 48 : index
          %get3A_256 = tpu.vector_load %arg14[%get3A_255] {strides = array<i32>} : memref<64xf32, #tpu.memory_space<vmem>>, vector<16xf32>,
          %add3A_257 = arith.constant 0 : i32
          %add3A_258 = arith.addi %add3A_248, %add3A_257 : i32
          %get3A_259 = arith.index_cast %add3A_258 : i32 to index
          %get3A_260 = arith.constant 0 : index
          %get3A_261 = tpu.vector_load %arg9[%get3A_259, %get3A_260] {strides = array<i32>} : memref<400x64xbf16, #tpu.memory_space<vmem>>, vector<32xbf16>,
          %bitcast3A = vector.bitcast %get3A_261 : vector<32xbf16> to vector<16xi32>
          %add3A_262 = arith.constant 0 : i32
          %add3A_263 = arith.addi %add3A_248, %add3A_262 : i32
          %get3A_264 = arith.index_cast %add3A_263 : i32 to index
          %get3A_265 = arith.constant 32 : index
          %get3A_266 = tpu.vector_load %arg9[%get3A_264, %get3A_265] {strides = array<i32>} : memref<400x64xbf16, #tpu.memory_space<vmem>>, vector<32xbf16>,
          %bitcast3A_267 = vector.bitcast %get3A_266 : vector<32xbf16> to vector<16xi32>
          %shift_left3A = arith.constant 16 : i32
          %shift_left3A_268 = vector.broadcast %shift_left3A : i32 to vector<16xi32>
          %shift_left3A_269 = arith.shli %bitcast3A, %shift_left3A_268 : vector<16xi32>
          %bitcast3A_270 = vector.bitcast %shift_left3A_269 : vector<16xi32> to vector<16xf32>
          %add3A_271 = arith.addf %get3A_250, %bitcast3A_270 : vector<16xf32>
          %bitcast3A_272 = vector.bitcast %bitcast3A : vector<16xi32> to vector<16xf32>
          %add3A_273 = arith.addf %get3A_252, %bitcast3A_272 : vector<16xf32>
          %shift_left3A_274 = arith.constant 16 : i32
          %shift_left3A_275 = vector.broadcast %shift_left3A_274 : i32 to vector<16xi32>
          %shift_left3A_276 = arith.shli %bitcast3A_267, %shift_left3A_275 : vector<16xi32>
          %bitcast3A_277 = vector.bitcast %shift_left3A_276 : vector<16xi32> to vector<16xf32>
          %add3A_278 = arith.addf %get3A_254, %bitcast3A_277 : vector<16xf32>
          %bitcast3A_279 = vector.bitcast %bitcast3A_267 : vector<16xi32> to vector<16xf32>
          %add3A_280 = arith.addf %get3A_256, %bitcast3A_279 : vector<16xf32>
          %add3A_281 = arith.constant 1 : i32
          %add3A_282 = arith.addi %add3A_248, %add3A_281 : i32
          %get3A_283 = arith.index_cast %add3A_282 : i32 to index
          %get3A_284 = arith.constant 0 : index
          %get3A_285 = tpu.vector_load %arg9[%get3A_283, %get3A_284] {strides = array<i32>} : memref<400x64xbf16, #tpu.memory_space<vmem>>, vector<32xbf16>,
          %bitcast3A_286 = vector.bitcast %get3A_285 : vector<32xbf16> to vector<16xi32>
          %add3A_287 = arith.constant 1 : i32
          %add3A_288 = arith.addi %add3A_248, %add3A_287 : i32
          %get3A_289 = arith.index_cast %add3A_288 : i32 to index
          %get3A_290 = arith.constant 32 : index
          %get3A_291 = tpu.vector_load %arg9[%get3A_289, %get3A_290] {strides = array<i32>} : memref<400x64xbf16, #tpu.memory_space<vmem>>, vector<32xbf16>,
          %bitcast3A_292 = vector.bitcast %get3A_291 : vector<32xbf16> to vector<16xi32>
          %shift_left3A_293 = arith.constant 16 : i32
          %shift_left3A_294 = vector.broadcast %shift_left3A_293 : i32 to vector<16xi32>
          %shift_left3A_295 = arith.shli %bitcast3A_286, %shift_left3A_294 : vector<16xi32>
          %bitcast3A_296 = vector.bitcast %shift_left3A_295 : vector<16xi32> to vector<16xf32>
          %add3A_297 = arith.addf %add3A_271, %bitcast3A_296 : vector<16xf32>
          %bitcast3A_298 = vector.bitcast %bitcast3A_286 : vector<16xi32> to vector<16xf32>
          %add3A_299 = arith.addf %add3A_273, %bitcast3A_298 : vector<16xf32>
          %shift_left3A_300 = arith.constant 16 : i32
          %shift_left3A_301 = vector.broadcast %shift_left3A_300 : i32 to vector<16xi32>
          %shift_left3A_302 = arith.shli %bitcast3A_292, %shift_left3A_301 : vector<16xi32>
          %bitcast3A_303 = vector.bitcast %shift_left3A_302 : vector<16xi32> to vector<16xf32>
          %add3A_304 = arith.addf %add3A_278, %bitcast3A_303 : vector<16xf32>
          %bitcast3A_305 = vector.bitcast %bitcast3A_292 : vector<16xi32> to vector<16xf32>
          %add3A_306 = arith.addf %add3A_280, %bitcast3A_305 : vector<16xf32>
          %add3A_307 = arith.constant 2 : i32
          %add3A_308 = arith.addi %add3A_248, %add3A_307 : i32
          %get3A_309 = arith.index_cast %add3A_308 : i32 to index
          %get3A_310 = arith.constant 0 : index
          %get3A_311 = tpu.vector_load %arg9[%get3A_309, %get3A_310] {strides = array<i32>} : memref<400x64xbf16, #tpu.memory_space<vmem>>, vector<32xbf16>,
          %bitcast3A_312 = vector.bitcast %get3A_311 : vector<32xbf16> to vector<16xi32>
          %add3A_313 = arith.constant 2 : i32
          %add3A_314 = arith.addi %add3A_248, %add3A_313 : i32
          %get3A_315 = arith.index_cast %add3A_314 : i32 to index
          %get3A_316 = arith.constant 32 : index
          %get3A_317 = tpu.vector_load %arg9[%get3A_315, %get3A_316] {strides = array<i32>} : memref<400x64xbf16, #tpu.memory_space<vmem>>, vector<32xbf16>,
          %bitcast3A_318 = vector.bitcast %get3A_317 : vector<32xbf16> to vector<16xi32>
          %shift_left3A_319 = arith.constant 16 : i32
          %shift_left3A_320 = vector.broadcast %shift_left3A_319 : i32 to vector<16xi32>
          %shift_left3A_321 = arith.shli %bitcast3A_312, %shift_left3A_320 : vector<16xi32>
          %bitcast3A_322 = vector.bitcast %shift_left3A_321 : vector<16xi32> to vector<16xf32>
          %add3A_323 = arith.addf %add3A_297, %bitcast3A_322 : vector<16xf32>
          %bitcast3A_324 = vector.bitcast %bitcast3A_312 : vector<16xi32> to vector<16xf32>
          %add3A_325 = arith.addf %add3A_299, %bitcast3A_324 : vector<16xf32>
          %shift_left3A_326 = arith.constant 16 : i32
          %shift_left3A_327 = vector.broadcast %shift_left3A_326 : i32 to vector<16xi32>
          %shift_left3A_328 = arith.shli %bitcast3A_318, %shift_left3A_327 : vector<16xi32>
          %bitcast3A_329 = vector.bitcast %shift_left3A_328 : vector<16xi32> to vector<16xf32>
          %add3A_330 = arith.addf %add3A_304, %bitcast3A_329 : vector<16xf32>
          %bitcast3A_331 = vector.bitcast %bitcast3A_318 : vector<16xi32> to vector<16xf32>
          %add3A_332 = arith.addf %add3A_306, %bitcast3A_331 : vector<16xf32>
          %add3A_333 = arith.constant 3 : i32
          %add3A_334 = arith.addi %add3A_248, %add3A_333 : i32
          %get3A_335 = arith.index_cast %add3A_334 : i32 to index
          %get3A_336 = arith.constant 0 : index
          %get3A_337 = tpu.vector_load %arg9[%get3A_335, %get3A_336] {strides = array<i32>} : memref<400x64xbf16, #tpu.memory_space<vmem>>, vector<32xbf16>,
          %bitcast3A_338 = vector.bitcast %get3A_337 : vector<32xbf16> to vector<16xi32>
          %add3A_339 = arith.constant 3 : i32
          %add3A_340 = arith.addi %add3A_248, %add3A_339 : i32
          %get3A_341 = arith.index_cast %add3A_340 : i32 to index
          %get3A_342 = arith.constant 32 : index
          %get3A_343 = tpu.vector_load %arg9[%get3A_341, %get3A_342] {strides = array<i32>} : memref<400x64xbf16, #tpu.memory_space<vmem>>, vector<32xbf16>,
          %bitcast3A_344 = vector.bitcast %get3A_343 : vector<32xbf16> to vector<16xi32>
          %shift_left3A_345 = arith.constant 16 : i32
          %shift_left3A_346 = vector.broadcast %shift_left3A_345 : i32 to vector<16xi32>
          %shift_left3A_347 = arith.shli %bitcast3A_338, %shift_left3A_346 : vector<16xi32>
          %bitcast3A_348 = vector.bitcast %shift_left3A_347 : vector<16xi32> to vector<16xf32>
          %add3A_349 = arith.addf %add3A_323, %bitcast3A_348 : vector<16xf32>
          %bitcast3A_350 = vector.bitcast %bitcast3A_338 : vector<16xi32> to vector<16xf32>
          %add3A_351 = arith.addf %add3A_325, %bitcast3A_350 : vector<16xf32>
          %shift_left3A_352 = arith.constant 16 : i32
          %shift_left3A_353 = vector.broadcast %shift_left3A_352 : i32 to vector<16xi32>
          %shift_left3A_354 = arith.shli %bitcast3A_344, %shift_left3A_353 : vector<16xi32>
          %bitcast3A_355 = vector.bitcast %shift_left3A_354 : vector<16xi32> to vector<16xf32>
          %add3A_356 = arith.addf %add3A_330, %bitcast3A_355 : vector<16xf32>
          %bitcast3A_357 = vector.bitcast %bitcast3A_344 : vector<16xi32> to vector<16xf32>
          %add3A_358 = arith.addf %add3A_332, %bitcast3A_357 : vector<16xf32>
          %add3A_359 = arith.constant 4 : i32
          %add3A_360 = arith.addi %add3A_248, %add3A_359 : i32
          %get3A_361 = arith.index_cast %add3A_360 : i32 to index
          %get3A_362 = arith.constant 0 : index
          %get3A_363 = tpu.vector_load %arg9[%get3A_361, %get3A_362] {strides = array<i32>} : memref<400x64xbf16, #tpu.memory_space<vmem>>, vector<32xbf16>,
          %bitcast3A_364 = vector.bitcast %get3A_363 : vector<32xbf16> to vector<16xi32>
          %add3A_365 = arith.constant 4 : i32
          %add3A_366 = arith.addi %add3A_248, %add3A_365 : i32
          %get3A_367 = arith.index_cast %add3A_366 : i32 to index
          %get3A_368 = arith.constant 32 : index
          %get3A_369 = tpu.vector_load %arg9[%get3A_367, %get3A_368] {strides = array<i32>} : memref<400x64xbf16, #tpu.memory_space<vmem>>, vector<32xbf16>,
          %bitcast3A_370 = vector.bitcast %get3A_369 : vector<32xbf16> to vector<16xi32>
          %shift_left3A_371 = arith.constant 16 : i32
          %shift_left3A_372 = vector.broadcast %shift_left3A_371 : i32 to vector<16xi32>
          %shift_left3A_373 = arith.shli %bitcast3A_364, %shift_left3A_372 : vector<16xi32>
          %bitcast3A_374 = vector.bitcast %shift_left3A_373 : vector<16xi32> to vector<16xf32>
          %add3A_375 = arith.addf %add3A_349, %bitcast3A_374 : vector<16xf32>
          %bitcast3A_376 = vector.bitcast %bitcast3A_364 : vector<16xi32> to vector<16xf32>
          %add3A_377 = arith.addf %add3A_351, %bitcast3A_376 : vector<16xf32>
          %shift_left3A_378 = arith.constant 16 : i32
          %shift_left3A_379 = vector.broadcast %shift_left3A_378 : i32 to vector<16xi32>
          %shift_left3A_380 = arith.shli %bitcast3A_370, %shift_left3A_379 : vector<16xi32>
          %bitcast3A_381 = vector.bitcast %shift_left3A_380 : vector<16xi32> to vector<16xf32>
          %add3A_382 = arith.addf %add3A_356, %bitcast3A_381 : vector<16xf32>
          %bitcast3A_383 = vector.bitcast %bitcast3A_370 : vector<16xi32> to vector<16xf32>
          %add3A_384 = arith.addf %add3A_358, %bitcast3A_383 : vector<16xf32>
          %add3A_385 = arith.constant 5 : i32
          %add3A_386 = arith.addi %add3A_248, %add3A_385 : i32
          %get3A_387 = arith.index_cast %add3A_386 : i32 to index
          %get3A_388 = arith.constant 0 : index
          %get3A_389 = tpu.vector_load %arg9[%get3A_387, %get3A_388] {strides = array<i32>} : memref<400x64xbf16, #tpu.memory_space<vmem>>, vector<32xbf16>,
          %bitcast3A_390 = vector.bitcast %get3A_389 : vector<32xbf16> to vector<16xi32>
          %add3A_391 = arith.constant 5 : i32
          %add3A_392 = arith.addi %add3A_248, %add3A_391 : i32
          %get3A_393 = arith.index_cast %add3A_392 : i32 to index
          %get3A_394 = arith.constant 32 : index
          %get3A_395 = tpu.vector_load %arg9[%get3A_393, %get3A_394] {strides = array<i32>} : memref<400x64xbf16, #tpu.memory_space<vmem>>, vector<32xbf16>,
          %bitcast3A_396 = vector.bitcast %get3A_395 : vector<32xbf16> to vector<16xi32>
          %shift_left3A_397 = arith.constant 16 : i32
          %shift_left3A_398 = vector.broadcast %shift_left3A_397 : i32 to vector<16xi32>
          %shift_left3A_399 = arith.shli %bitcast3A_390, %shift_left3A_398 : vector<16xi32>
          %bitcast3A_400 = vector.bitcast %shift_left3A_399 : vector<16xi32> to vector<16xf32>
          %add3A_401 = arith.addf %add3A_375, %bitcast3A_400 : vector<16xf32>
          %bitcast3A_402 = vector.bitcast %bitcast3A_390 : vector<16xi32> to vector<16xf32>
          %add3A_403 = arith.addf %add3A_377, %bitcast3A_402 : vector<16xf32>
          %shift_left3A_404 = arith.constant 16 : i32
          %shift_left3A_405 = vector.broadcast %shift_left3A_404 : i32 to vector<16xi32>
          %shift_left3A_406 = arith.shli %bitcast3A_396, %shift_left3A_405 : vector<16xi32>
          %bitcast3A_407 = vector.bitcast %shift_left3A_406 : vector<16xi32> to vector<16xf32>
          %add3A_408 = arith.addf %add3A_382, %bitcast3A_407 : vector<16xf32>
          %bitcast3A_409 = vector.bitcast %bitcast3A_396 : vector<16xi32> to vector<16xf32>
          %add3A_410 = arith.addf %add3A_384, %bitcast3A_409 : vector<16xf32>
          %add3A_411 = arith.constant 6 : i32
          %add3A_412 = arith.addi %add3A_248, %add3A_411 : i32
          %get3A_413 = arith.index_cast %add3A_412 : i32 to index
          %get3A_414 = arith.constant 0 : index
          %get3A_415 = tpu.vector_load %arg9[%get3A_413, %get3A_414] {strides = array<i32>} : memref<400x64xbf16, #tpu.memory_space<vmem>>, vector<32xbf16>,
          %bitcast3A_416 = vector.bitcast %get3A_415 : vector<32xbf16> to vector<16xi32>
          %add3A_417 = arith.constant 6 : i32
          %add3A_418 = arith.addi %add3A_248, %add3A_417 : i32
          %get3A_419 = arith.index_cast %add3A_418 : i32 to index
          %get3A_420 = arith.constant 32 : index
          %get3A_421 = tpu.vector_load %arg9[%get3A_419, %get3A_420] {strides = array<i32>} : memref<400x64xbf16, #tpu.memory_space<vmem>>, vector<32xbf16>,
          %bitcast3A_422 = vector.bitcast %get3A_421 : vector<32xbf16> to vector<16xi32>
          %shift_left3A_423 = arith.constant 16 : i32
          %shift_left3A_424 = vector.broadcast %shift_left3A_423 : i32 to vector<16xi32>
          %shift_left3A_425 = arith.shli %bitcast3A_416, %shift_left3A_424 : vector<16xi32>
          %bitcast3A_426 = vector.bitcast %shift_left3A_425 : vector<16xi32> to vector<16xf32>
          %add3A_427 = arith.addf %add3A_401, %bitcast3A_426 : vector<16xf32>
          %bitcast3A_428 = vector.bitcast %bitcast3A_416 : vector<16xi32> to vector<16xf32>
          %add3A_429 = arith.addf %add3A_403, %bitcast3A_428 : vector<16xf32>
          %shift_left3A_430 = arith.constant 16 : i32
          %shift_left3A_431 = vector.broadcast %shift_left3A_430 : i32 to vector<16xi32>
          %shift_left3A_432 = arith.shli %bitcast3A_422, %shift_left3A_431 : vector<16xi32>
          %bitcast3A_433 = vector.bitcast %shift_left3A_432 : vector<16xi32> to vector<16xf32>
          %add3A_434 = arith.addf %add3A_408, %bitcast3A_433 : vector<16xf32>
          %bitcast3A_435 = vector.bitcast %bitcast3A_422 : vector<16xi32> to vector<16xf32>
          %add3A_436 = arith.addf %add3A_410, %bitcast3A_435 : vector<16xf32>
          %add3A_437 = arith.constant 7 : i32
          %add3A_438 = arith.addi %add3A_248, %add3A_437 : i32
          %get3A_439 = arith.index_cast %add3A_438 : i32 to index
          %get3A_440 = arith.constant 0 : index
          %get3A_441 = tpu.vector_load %arg9[%get3A_439, %get3A_440] {strides = array<i32>} : memref<400x64xbf16, #tpu.memory_space<vmem>>, vector<32xbf16>,
          %bitcast3A_442 = vector.bitcast %get3A_441 : vector<32xbf16> to vector<16xi32>
          %add3A_443 = arith.constant 7 : i32
          %add3A_444 = arith.addi %add3A_248, %add3A_443 : i32
          %get3A_445 = arith.index_cast %add3A_444 : i32 to index
          %get3A_446 = arith.constant 32 : index
          %get3A_447 = tpu.vector_load %arg9[%get3A_445, %get3A_446] {strides = array<i32>} : memref<400x64xbf16, #tpu.memory_space<vmem>>, vector<32xbf16>,
          %bitcast3A_448 = vector.bitcast %get3A_447 : vector<32xbf16> to vector<16xi32>
          %shift_left3A_449 = arith.constant 16 : i32
          %shift_left3A_450 = vector.broadcast %shift_left3A_449 : i32 to vector<16xi32>
          %shift_left3A_451 = arith.shli %bitcast3A_442, %shift_left3A_450 : vector<16xi32>
          %bitcast3A_452 = vector.bitcast %shift_left3A_451 : vector<16xi32> to vector<16xf32>
          %add3A_453 = arith.addf %add3A_427, %bitcast3A_452 : vector<16xf32>
          %bitcast3A_454 = vector.bitcast %bitcast3A_442 : vector<16xi32> to vector<16xf32>
          %add3A_455 = arith.addf %add3A_429, %bitcast3A_454 : vector<16xf32>
          %shift_left3A_456 = arith.constant 16 : i32
          %shift_left3A_457 = vector.broadcast %shift_left3A_456 : i32 to vector<16xi32>
          %shift_left3A_458 = arith.shli %bitcast3A_448, %shift_left3A_457 : vector<16xi32>
          %bitcast3A_459 = vector.bitcast %shift_left3A_458 : vector<16xi32> to vector<16xf32>
          %add3A_460 = arith.addf %add3A_434, %bitcast3A_459 : vector<16xf32>
          %bitcast3A_461 = vector.bitcast %bitcast3A_448 : vector<16xi32> to vector<16xf32>
          %add3A_462 = arith.addf %add3A_436, %bitcast3A_461 : vector<16xf32>
          %add3A_463 = arith.constant 8 : i32
          %add3A_464 = arith.addi %add3A_248, %add3A_463 : i32
          %get3A_465 = arith.index_cast %add3A_464 : i32 to index
          %get3A_466 = arith.constant 0 : index
          %get3A_467 = tpu.vector_load %arg9[%get3A_465, %get3A_466] {strides = array<i32>} : memref<400x64xbf16, #tpu.memory_space<vmem>>, vector<32xbf16>,
          %bitcast3A_468 = vector.bitcast %get3A_467 : vector<32xbf16> to vector<16xi32>
          %add3A_469 = arith.constant 8 : i32
          %add3A_470 = arith.addi %add3A_248, %add3A_469 : i32
          %get3A_471 = arith.index_cast %add3A_470 : i32 to index
          %get3A_472 = arith.constant 32 : index
          %get3A_473 = tpu.vector_load %arg9[%get3A_471, %get3A_472] {strides = array<i32>} : memref<400x64xbf16, #tpu.memory_space<vmem>>, vector<32xbf16>,
          %bitcast3A_474 = vector.bitcast %get3A_473 : vector<32xbf16> to vector<16xi32>
          %shift_left3A_475 = arith.constant 16 : i32
          %shift_left3A_476 = vector.broadcast %shift_left3A_475 : i32 to vector<16xi32>
          %shift_left3A_477 = arith.shli %bitcast3A_468, %shift_left3A_476 : vector<16xi32>
          %bitcast3A_478 = vector.bitcast %shift_left3A_477 : vector<16xi32> to vector<16xf32>
          %add3A_479 = arith.addf %add3A_453, %bitcast3A_478 : vector<16xf32>
          %bitcast3A_480 = vector.bitcast %bitcast3A_468 : vector<16xi32> to vector<16xf32>
          %add3A_481 = arith.addf %add3A_455, %bitcast3A_480 : vector<16xf32>
          %shift_left3A_482 = arith.constant 16 : i32
          %shift_left3A_483 = vector.broadcast %shift_left3A_482 : i32 to vector<16xi32>
          %shift_left3A_484 = arith.shli %bitcast3A_474, %shift_left3A_483 : vector<16xi32>
          %bitcast3A_485 = vector.bitcast %shift_left3A_484 : vector<16xi32> to vector<16xf32>
          %add3A_486 = arith.addf %add3A_460, %bitcast3A_485 : vector<16xf32>
          %bitcast3A_487 = vector.bitcast %bitcast3A_474 : vector<16xi32> to vector<16xf32>
          %add3A_488 = arith.addf %add3A_462, %bitcast3A_487 : vector<16xf32>
          %add3A_489 = arith.constant 9 : i32
          %add3A_490 = arith.addi %add3A_248, %add3A_489 : i32
          %get3A_491 = arith.index_cast %add3A_490 : i32 to index
          %get3A_492 = arith.constant 0 : index
          %get3A_493 = tpu.vector_load %arg9[%get3A_491, %get3A_492] {strides = array<i32>} : memref<400x64xbf16, #tpu.memory_space<vmem>>, vector<32xbf16>,
          %bitcast3A_494 = vector.bitcast %get3A_493 : vector<32xbf16> to vector<16xi32>
          %add3A_495 = arith.constant 9 : i32
          %add3A_496 = arith.addi %add3A_248, %add3A_495 : i32
          %get3A_497 = arith.index_cast %add3A_496 : i32 to index
          %get3A_498 = arith.constant 32 : index
          %get3A_499 = tpu.vector_load %arg9[%get3A_497, %get3A_498] {strides = array<i32>} : memref<400x64xbf16, #tpu.memory_space<vmem>>, vector<32xbf16>,
          %bitcast3A_500 = vector.bitcast %get3A_499 : vector<32xbf16> to vector<16xi32>
          %shift_left3A_501 = arith.constant 16 : i32
          %shift_left3A_502 = vector.broadcast %shift_left3A_501 : i32 to vector<16xi32>
          %shift_left3A_503 = arith.shli %bitcast3A_494, %shift_left3A_502 : vector<16xi32>
          %bitcast3A_504 = vector.bitcast %shift_left3A_503 : vector<16xi32> to vector<16xf32>
          %add3A_505 = arith.addf %add3A_479, %bitcast3A_504 : vector<16xf32>
          %bitcast3A_506 = vector.bitcast %bitcast3A_494 : vector<16xi32> to vector<16xf32>
          %add3A_507 = arith.addf %add3A_481, %bitcast3A_506 : vector<16xf32>
          %shift_left3A_508 = arith.constant 16 : i32
          %shift_left3A_509 = vector.broadcast %shift_left3A_508 : i32 to vector<16xi32>
          %shift_left3A_510 = arith.shli %bitcast3A_500, %shift_left3A_509 : vector<16xi32>
          %bitcast3A_511 = vector.bitcast %shift_left3A_510 : vector<16xi32> to vector<16xf32>
          %add3A_512 = arith.addf %add3A_486, %bitcast3A_511 : vector<16xf32>
          %bitcast3A_513 = vector.bitcast %bitcast3A_500 : vector<16xi32> to vector<16xf32>
          %add3A_514 = arith.addf %add3A_488, %bitcast3A_513 : vector<16xf32>
          %add3A_515 = arith.constant 10 : i32
          %add3A_516 = arith.addi %add3A_248, %add3A_515 : i32
          %get3A_517 = arith.index_cast %add3A_516 : i32 to index
          %get3A_518 = arith.constant 0 : index
          %get3A_519 = tpu.vector_load %arg9[%get3A_517, %get3A_518] {strides = array<i32>} : memref<400x64xbf16, #tpu.memory_space<vmem>>, vector<32xbf16>,
          %bitcast3A_520 = vector.bitcast %get3A_519 : vector<32xbf16> to vector<16xi32>
          %add3A_521 = arith.constant 10 : i32
          %add3A_522 = arith.addi %add3A_248, %add3A_521 : i32
          %get3A_523 = arith.index_cast %add3A_522 : i32 to index
          %get3A_524 = arith.constant 32 : index
          %get3A_525 = tpu.vector_load %arg9[%get3A_523, %get3A_524] {strides = array<i32>} : memref<400x64xbf16, #tpu.memory_space<vmem>>, vector<32xbf16>,
          %bitcast3A_526 = vector.bitcast %get3A_525 : vector<32xbf16> to vector<16xi32>
          %shift_left3A_527 = arith.constant 16 : i32
          %shift_left3A_528 = vector.broadcast %shift_left3A_527 : i32 to vector<16xi32>
          %shift_left3A_529 = arith.shli %bitcast3A_520, %shift_left3A_528 : vector<16xi32>
          %bitcast3A_530 = vector.bitcast %shift_left3A_529 : vector<16xi32> to vector<16xf32>
          %add3A_531 = arith.addf %add3A_505, %bitcast3A_530 : vector<16xf32>
          %bitcast3A_532 = vector.bitcast %bitcast3A_520 : vector<16xi32> to vector<16xf32>
          %add3A_533 = arith.addf %add3A_507, %bitcast3A_532 : vector<16xf32>
          %shift_left3A_534 = arith.constant 16 : i32
          %shift_left3A_535 = vector.broadcast %shift_left3A_534 : i32 to vector<16xi32>
          %shift_left3A_536 = arith.shli %bitcast3A_526, %shift_left3A_535 : vector<16xi32>
          %bitcast3A_537 = vector.bitcast %shift_left3A_536 : vector<16xi32> to vector<16xf32>
          %add3A_538 = arith.addf %add3A_512, %bitcast3A_537 : vector<16xf32>
          %bitcast3A_539 = vector.bitcast %bitcast3A_526 : vector<16xi32> to vector<16xf32>
          %add3A_540 = arith.addf %add3A_514, %bitcast3A_539 : vector<16xf32>
          %add3A_541 = arith.constant 11 : i32
          %add3A_542 = arith.addi %add3A_248, %add3A_541 : i32
          %get3A_543 = arith.index_cast %add3A_542 : i32 to index
          %get3A_544 = arith.constant 0 : index
          %get3A_545 = tpu.vector_load %arg9[%get3A_543, %get3A_544] {strides = array<i32>} : memref<400x64xbf16, #tpu.memory_space<vmem>>, vector<32xbf16>,
          %bitcast3A_546 = vector.bitcast %get3A_545 : vector<32xbf16> to vector<16xi32>
          %add3A_547 = arith.constant 11 : i32
          %add3A_548 = arith.addi %add3A_248, %add3A_547 : i32
          %get3A_549 = arith.index_cast %add3A_548 : i32 to index
          %get3A_550 = arith.constant 32 : index
          %get3A_551 = tpu.vector_load %arg9[%get3A_549, %get3A_550] {strides = array<i32>} : memref<400x64xbf16, #tpu.memory_space<vmem>>, vector<32xbf16>,
          %bitcast3A_552 = vector.bitcast %get3A_551 : vector<32xbf16> to vector<16xi32>
          %shift_left3A_553 = arith.constant 16 : i32
          %shift_left3A_554 = vector.broadcast %shift_left3A_553 : i32 to vector<16xi32>
          %shift_left3A_555 = arith.shli %bitcast3A_546, %shift_left3A_554 : vector<16xi32>
          %bitcast3A_556 = vector.bitcast %shift_left3A_555 : vector<16xi32> to vector<16xf32>
          %add3A_557 = arith.addf %add3A_531, %bitcast3A_556 : vector<16xf32>
          %bitcast3A_558 = vector.bitcast %bitcast3A_546 : vector<16xi32> to vector<16xf32>
          %add3A_559 = arith.addf %add3A_533, %bitcast3A_558 : vector<16xf32>
          %shift_left3A_560 = arith.constant 16 : i32
          %shift_left3A_561 = vector.broadcast %shift_left3A_560 : i32 to vector<16xi32>
          %shift_left3A_562 = arith.shli %bitcast3A_552, %shift_left3A_561 : vector<16xi32>
          %bitcast3A_563 = vector.bitcast %shift_left3A_562 : vector<16xi32> to vector<16xf32>
          %add3A_564 = arith.addf %add3A_538, %bitcast3A_563 : vector<16xf32>
          %bitcast3A_565 = vector.bitcast %bitcast3A_552 : vector<16xi32> to vector<16xf32>
          %add3A_566 = arith.addf %add3A_540, %bitcast3A_565 : vector<16xf32>
          %add3A_567 = arith.constant 12 : i32
          %add3A_568 = arith.addi %add3A_248, %add3A_567 : i32
          %get3A_569 = arith.index_cast %add3A_568 : i32 to index
          %get3A_570 = arith.constant 0 : index
          %get3A_571 = tpu.vector_load %arg9[%get3A_569, %get3A_570] {strides = array<i32>} : memref<400x64xbf16, #tpu.memory_space<vmem>>, vector<32xbf16>,
          %bitcast3A_572 = vector.bitcast %get3A_571 : vector<32xbf16> to vector<16xi32>
          %add3A_573 = arith.constant 12 : i32
          %add3A_574 = arith.addi %add3A_248, %add3A_573 : i32
          %get3A_575 = arith.index_cast %add3A_574 : i32 to index
          %get3A_576 = arith.constant 32 : index
          %get3A_577 = tpu.vector_load %arg9[%get3A_575, %get3A_576] {strides = array<i32>} : memref<400x64xbf16, #tpu.memory_space<vmem>>, vector<32xbf16>,
          %bitcast3A_578 = vector.bitcast %get3A_577 : vector<32xbf16> to vector<16xi32>
          %shift_left3A_579 = arith.constant 16 : i32
          %shift_left3A_580 = vector.broadcast %shift_left3A_579 : i32 to vector<16xi32>
          %shift_left3A_581 = arith.shli %bitcast3A_572, %shift_left3A_580 : vector<16xi32>
          %bitcast3A_582 = vector.bitcast %shift_left3A_581 : vector<16xi32> to vector<16xf32>
          %add3A_583 = arith.addf %add3A_557, %bitcast3A_582 : vector<16xf32>
          %bitcast3A_584 = vector.bitcast %bitcast3A_572 : vector<16xi32> to vector<16xf32>
          %add3A_585 = arith.addf %add3A_559, %bitcast3A_584 : vector<16xf32>
          %shift_left3A_586 = arith.constant 16 : i32
          %shift_left3A_587 = vector.broadcast %shift_left3A_586 : i32 to vector<16xi32>
          %shift_left3A_588 = arith.shli %bitcast3A_578, %shift_left3A_587 : vector<16xi32>
          %bitcast3A_589 = vector.bitcast %shift_left3A_588 : vector<16xi32> to vector<16xf32>
          %add3A_590 = arith.addf %add3A_564, %bitcast3A_589 : vector<16xf32>
          %bitcast3A_591 = vector.bitcast %bitcast3A_578 : vector<16xi32> to vector<16xf32>
          %add3A_592 = arith.addf %add3A_566, %bitcast3A_591 : vector<16xf32>
          %add3A_593 = arith.constant 13 : i32
          %add3A_594 = arith.addi %add3A_248, %add3A_593 : i32
          %get3A_595 = arith.index_cast %add3A_594 : i32 to index
          %get3A_596 = arith.constant 0 : index
          %get3A_597 = tpu.vector_load %arg9[%get3A_595, %get3A_596] {strides = array<i32>} : memref<400x64xbf16, #tpu.memory_space<vmem>>, vector<32xbf16>,
          %bitcast3A_598 = vector.bitcast %get3A_597 : vector<32xbf16> to vector<16xi32>
          %add3A_599 = arith.constant 13 : i32
          %add3A_600 = arith.addi %add3A_248, %add3A_599 : i32
          %get3A_601 = arith.index_cast %add3A_600 : i32 to index
          %get3A_602 = arith.constant 32 : index
          %get3A_603 = tpu.vector_load %arg9[%get3A_601, %get3A_602] {strides = array<i32>} : memref<400x64xbf16, #tpu.memory_space<vmem>>, vector<32xbf16>,
          %bitcast3A_604 = vector.bitcast %get3A_603 : vector<32xbf16> to vector<16xi32>
          %shift_left3A_605 = arith.constant 16 : i32
          %shift_left3A_606 = vector.broadcast %shift_left3A_605 : i32 to vector<16xi32>
          %shift_left3A_607 = arith.shli %bitcast3A_598, %shift_left3A_606 : vector<16xi32>
          %bitcast3A_608 = vector.bitcast %shift_left3A_607 : vector<16xi32> to vector<16xf32>
          %add3A_609 = arith.addf %add3A_583, %bitcast3A_608 : vector<16xf32>
          %bitcast3A_610 = vector.bitcast %bitcast3A_598 : vector<16xi32> to vector<16xf32>
          %add3A_611 = arith.addf %add3A_585, %bitcast3A_610 : vector<16xf32>
          %shift_left3A_612 = arith.constant 16 : i32
          %shift_left3A_613 = vector.broadcast %shift_left3A_612 : i32 to vector<16xi32>
          %shift_left3A_614 = arith.shli %bitcast3A_604, %shift_left3A_613 : vector<16xi32>
          %bitcast3A_615 = vector.bitcast %shift_left3A_614 : vector<16xi32> to vector<16xf32>
          %add3A_616 = arith.addf %add3A_590, %bitcast3A_615 : vector<16xf32>
          %bitcast3A_617 = vector.bitcast %bitcast3A_604 : vector<16xi32> to vector<16xf32>
          %add3A_618 = arith.addf %add3A_592, %bitcast3A_617 : vector<16xf32>
          %add3A_619 = arith.constant 14 : i32
          %add3A_620 = arith.addi %add3A_248, %add3A_619 : i32
          %get3A_621 = arith.index_cast %add3A_620 : i32 to index
          %get3A_622 = arith.constant 0 : index
          %get3A_623 = tpu.vector_load %arg9[%get3A_621, %get3A_622] {strides = array<i32>} : memref<400x64xbf16, #tpu.memory_space<vmem>>, vector<32xbf16>,
          %bitcast3A_624 = vector.bitcast %get3A_623 : vector<32xbf16> to vector<16xi32>
          %add3A_625 = arith.constant 14 : i32
          %add3A_626 = arith.addi %add3A_248, %add3A_625 : i32
          %get3A_627 = arith.index_cast %add3A_626 : i32 to index
          %get3A_628 = arith.constant 32 : index
          %get3A_629 = tpu.vector_load %arg9[%get3A_627, %get3A_628] {strides = array<i32>} : memref<400x64xbf16, #tpu.memory_space<vmem>>, vector<32xbf16>,
          %bitcast3A_630 = vector.bitcast %get3A_629 : vector<32xbf16> to vector<16xi32>
          %shift_left3A_631 = arith.constant 16 : i32
          %shift_left3A_632 = vector.broadcast %shift_left3A_631 : i32 to vector<16xi32>
          %shift_left3A_633 = arith.shli %bitcast3A_624, %shift_left3A_632 : vector<16xi32>
          %bitcast3A_634 = vector.bitcast %shift_left3A_633 : vector<16xi32> to vector<16xf32>
          %add3A_635 = arith.addf %add3A_609, %bitcast3A_634 : vector<16xf32>
          %bitcast3A_636 = vector.bitcast %bitcast3A_624 : vector<16xi32> to vector<16xf32>
          %add3A_637 = arith.addf %add3A_611, %bitcast3A_636 : vector<16xf32>
          %shift_left3A_638 = arith.constant 16 : i32
          %shift_left3A_639 = vector.broadcast %shift_left3A_638 : i32 to vector<16xi32>
          %shift_left3A_640 = arith.shli %bitcast3A_630, %shift_left3A_639 : vector<16xi32>
          %bitcast3A_641 = vector.bitcast %shift_left3A_640 : vector<16xi32> to vector<16xf32>
          %add3A_642 = arith.addf %add3A_616, %bitcast3A_641 : vector<16xf32>
          %bitcast3A_643 = vector.bitcast %bitcast3A_630 : vector<16xi32> to vector<16xf32>
          %add3A_644 = arith.addf %add3A_618, %bitcast3A_643 : vector<16xf32>
          %add3A_645 = arith.constant 15 : i32
          %add3A_646 = arith.addi %add3A_248, %add3A_645 : i32
          %get3A_647 = arith.index_cast %add3A_646 : i32 to index
          %get3A_648 = arith.constant 0 : index
          %get3A_649 = tpu.vector_load %arg9[%get3A_647, %get3A_648] {strides = array<i32>} : memref<400x64xbf16, #tpu.memory_space<vmem>>, vector<32xbf16>,
          %bitcast3A_650 = vector.bitcast %get3A_649 : vector<32xbf16> to vector<16xi32>
          %add3A_651 = arith.constant 15 : i32
          %add3A_652 = arith.addi %add3A_248, %add3A_651 : i32
          %get3A_653 = arith.index_cast %add3A_652 : i32 to index
          %get3A_654 = arith.constant 32 : index
          %get3A_655 = tpu.vector_load %arg9[%get3A_653, %get3A_654] {strides = array<i32>} : memref<400x64xbf16, #tpu.memory_space<vmem>>, vector<32xbf16>,
          %bitcast3A_656 = vector.bitcast %get3A_655 : vector<32xbf16> to vector<16xi32>
          %shift_left3A_657 = arith.constant 16 : i32
          %shift_left3A_658 = vector.broadcast %shift_left3A_657 : i32 to vector<16xi32>
          %shift_left3A_659 = arith.shli %bitcast3A_650, %shift_left3A_658 : vector<16xi32>
          %bitcast3A_660 = vector.bitcast %shift_left3A_659 : vector<16xi32> to vector<16xf32>
          %add3A_661 = arith.addf %add3A_635, %bitcast3A_660 : vector<16xf32>
          %bitcast3A_662 = vector.bitcast %bitcast3A_650 : vector<16xi32> to vector<16xf32>
          %add3A_663 = arith.addf %add3A_637, %bitcast3A_662 : vector<16xf32>
          %shift_left3A_664 = arith.constant 16 : i32
          %shift_left3A_665 = vector.broadcast %shift_left3A_664 : i32 to vector<16xi32>
          %shift_left3A_666 = arith.shli %bitcast3A_656, %shift_left3A_665 : vector<16xi32>
          %bitcast3A_667 = vector.bitcast %shift_left3A_666 : vector<16xi32> to vector<16xf32>
          %add3A_668 = arith.addf %add3A_642, %bitcast3A_667 : vector<16xf32>
          %bitcast3A_669 = vector.bitcast %bitcast3A_656 : vector<16xi32> to vector<16xf32>
          %add3A_670 = arith.addf %add3A_644, %bitcast3A_669 : vector<16xf32>
          %add3A_671 = arith.constant 16 : i32
          %add3A_672 = arith.addi %add3A_248, %add3A_671 : i32
          %get3A_673 = arith.index_cast %add3A_672 : i32 to index
          %get3A_674 = arith.constant 0 : index
          %get3A_675 = tpu.vector_load %arg9[%get3A_673, %get3A_674] {strides = array<i32>} : memref<400x64xbf16, #tpu.memory_space<vmem>>, vector<32xbf16>,
          %bitcast3A_676 = vector.bitcast %get3A_675 : vector<32xbf16> to vector<16xi32>
          %add3A_677 = arith.constant 16 : i32
          %add3A_678 = arith.addi %add3A_248, %add3A_677 : i32
          %get3A_679 = arith.index_cast %add3A_678 : i32 to index
          %get3A_680 = arith.constant 32 : index
          %get3A_681 = tpu.vector_load %arg9[%get3A_679, %get3A_680] {strides = array<i32>} : memref<400x64xbf16, #tpu.memory_space<vmem>>, vector<32xbf16>,
          %bitcast3A_682 = vector.bitcast %get3A_681 : vector<32xbf16> to vector<16xi32>
          %shift_left3A_683 = arith.constant 16 : i32
          %shift_left3A_684 = vector.broadcast %shift_left3A_683 : i32 to vector<16xi32>
          %shift_left3A_685 = arith.shli %bitcast3A_676, %shift_left3A_684 : vector<16xi32>
          %bitcast3A_686 = vector.bitcast %shift_left3A_685 : vector<16xi32> to vector<16xf32>
          %add3A_687 = arith.addf %add3A_661, %bitcast3A_686 : vector<16xf32>
          %bitcast3A_688 = vector.bitcast %bitcast3A_676 : vector<16xi32> to vector<16xf32>
          %add3A_689 = arith.addf %add3A_663, %bitcast3A_688 : vector<16xf32>
          %shift_left3A_690 = arith.constant 16 : i32
          %shift_left3A_691 = vector.broadcast %shift_left3A_690 : i32 to vector<16xi32>
          %shift_left3A_692 = arith.shli %bitcast3A_682, %shift_left3A_691 : vector<16xi32>
          %bitcast3A_693 = vector.bitcast %shift_left3A_692 : vector<16xi32> to vector<16xf32>
          %add3A_694 = arith.addf %add3A_668, %bitcast3A_693 : vector<16xf32>
          %bitcast3A_695 = vector.bitcast %bitcast3A_682 : vector<16xi32> to vector<16xf32>
          %add3A_696 = arith.addf %add3A_670, %bitcast3A_695 : vector<16xf32>
          %add3A_697 = arith.constant 17 : i32
          %add3A_698 = arith.addi %add3A_248, %add3A_697 : i32
          %get3A_699 = arith.index_cast %add3A_698 : i32 to index
          %get3A_700 = arith.constant 0 : index
          %get3A_701 = tpu.vector_load %arg9[%get3A_699, %get3A_700] {strides = array<i32>} : memref<400x64xbf16, #tpu.memory_space<vmem>>, vector<32xbf16>,
          %bitcast3A_702 = vector.bitcast %get3A_701 : vector<32xbf16> to vector<16xi32>
          %add3A_703 = arith.constant 17 : i32
          %add3A_704 = arith.addi %add3A_248, %add3A_703 : i32
          %get3A_705 = arith.index_cast %add3A_704 : i32 to index
          %get3A_706 = arith.constant 32 : index
          %get3A_707 = tpu.vector_load %arg9[%get3A_705, %get3A_706] {strides = array<i32>} : memref<400x64xbf16, #tpu.memory_space<vmem>>, vector<32xbf16>,
          %bitcast3A_708 = vector.bitcast %get3A_707 : vector<32xbf16> to vector<16xi32>
          %shift_left3A_709 = arith.constant 16 : i32
          %shift_left3A_710 = vector.broadcast %shift_left3A_709 : i32 to vector<16xi32>
          %shift_left3A_711 = arith.shli %bitcast3A_702, %shift_left3A_710 : vector<16xi32>
          %bitcast3A_712 = vector.bitcast %shift_left3A_711 : vector<16xi32> to vector<16xf32>
          %add3A_713 = arith.addf %add3A_687, %bitcast3A_712 : vector<16xf32>
          %bitcast3A_714 = vector.bitcast %bitcast3A_702 : vector<16xi32> to vector<16xf32>
          %add3A_715 = arith.addf %add3A_689, %bitcast3A_714 : vector<16xf32>
          %shift_left3A_716 = arith.constant 16 : i32
          %shift_left3A_717 = vector.broadcast %shift_left3A_716 : i32 to vector<16xi32>
          %shift_left3A_718 = arith.shli %bitcast3A_708, %shift_left3A_717 : vector<16xi32>
          %bitcast3A_719 = vector.bitcast %shift_left3A_718 : vector<16xi32> to vector<16xf32>
          %add3A_720 = arith.addf %add3A_694, %bitcast3A_719 : vector<16xf32>
          %bitcast3A_721 = vector.bitcast %bitcast3A_708 : vector<16xi32> to vector<16xf32>
          %add3A_722 = arith.addf %add3A_696, %bitcast3A_721 : vector<16xf32>
          %add3A_723 = arith.constant 18 : i32
          %add3A_724 = arith.addi %add3A_248, %add3A_723 : i32
          %get3A_725 = arith.index_cast %add3A_724 : i32 to index
          %get3A_726 = arith.constant 0 : index
          %get3A_727 = tpu.vector_load %arg9[%get3A_725, %get3A_726] {strides = array<i32>} : memref<400x64xbf16, #tpu.memory_space<vmem>>, vector<32xbf16>,
          %bitcast3A_728 = vector.bitcast %get3A_727 : vector<32xbf16> to vector<16xi32>
          %add3A_729 = arith.constant 18 : i32
          %add3A_730 = arith.addi %add3A_248, %add3A_729 : i32
          %get3A_731 = arith.index_cast %add3A_730 : i32 to index
          %get3A_732 = arith.constant 32 : index
          %get3A_733 = tpu.vector_load %arg9[%get3A_731, %get3A_732] {strides = array<i32>} : memref<400x64xbf16, #tpu.memory_space<vmem>>, vector<32xbf16>,
          %bitcast3A_734 = vector.bitcast %get3A_733 : vector<32xbf16> to vector<16xi32>
          %shift_left3A_735 = arith.constant 16 : i32
          %shift_left3A_736 = vector.broadcast %shift_left3A_735 : i32 to vector<16xi32>
          %shift_left3A_737 = arith.shli %bitcast3A_728, %shift_left3A_736 : vector<16xi32>
          %bitcast3A_738 = vector.bitcast %shift_left3A_737 : vector<16xi32> to vector<16xf32>
          %add3A_739 = arith.addf %add3A_713, %bitcast3A_738 : vector<16xf32>
          %bitcast3A_740 = vector.bitcast %bitcast3A_728 : vector<16xi32> to vector<16xf32>
          %add3A_741 = arith.addf %add3A_715, %bitcast3A_740 : vector<16xf32>
          %shift_left3A_742 = arith.constant 16 : i32
          %shift_left3A_743 = vector.broadcast %shift_left3A_742 : i32 to vector<16xi32>
          %shift_left3A_744 = arith.shli %bitcast3A_734, %shift_left3A_743 : vector<16xi32>
          %bitcast3A_745 = vector.bitcast %shift_left3A_744 : vector<16xi32> to vector<16xf32>
          %add3A_746 = arith.addf %add3A_720, %bitcast3A_745 : vector<16xf32>
          %bitcast3A_747 = vector.bitcast %bitcast3A_734 : vector<16xi32> to vector<16xf32>
          %add3A_748 = arith.addf %add3A_722, %bitcast3A_747 : vector<16xf32>
          %add3A_749 = arith.constant 19 : i32
          %add3A_750 = arith.addi %add3A_248, %add3A_749 : i32
          %get3A_751 = arith.index_cast %add3A_750 : i32 to index
          %get3A_752 = arith.constant 0 : index
          %get3A_753 = tpu.vector_load %arg9[%get3A_751, %get3A_752] {strides = array<i32>} : memref<400x64xbf16, #tpu.memory_space<vmem>>, vector<32xbf16>,
          %bitcast3A_754 = vector.bitcast %get3A_753 : vector<32xbf16> to vector<16xi32>
          %add3A_755 = arith.constant 19 : i32
          %add3A_756 = arith.addi %add3A_248, %add3A_755 : i32
          %get3A_757 = arith.index_cast %add3A_756 : i32 to index
          %get3A_758 = arith.constant 32 : index
          %get3A_759 = tpu.vector_load %arg9[%get3A_757, %get3A_758] {strides = array<i32>} : memref<400x64xbf16, #tpu.memory_space<vmem>>, vector<32xbf16>,
          %bitcast3A_760 = vector.bitcast %get3A_759 : vector<32xbf16> to vector<16xi32>
          %shift_left3A_761 = arith.constant 16 : i32
          %shift_left3A_762 = vector.broadcast %shift_left3A_761 : i32 to vector<16xi32>
          %shift_left3A_763 = arith.shli %bitcast3A_754, %shift_left3A_762 : vector<16xi32>
          %bitcast3A_764 = vector.bitcast %shift_left3A_763 : vector<16xi32> to vector<16xf32>
          %add3A_765 = arith.addf %add3A_739, %bitcast3A_764 : vector<16xf32>
          %bitcast3A_766 = vector.bitcast %bitcast3A_754 : vector<16xi32> to vector<16xf32>
          %add3A_767 = arith.addf %add3A_741, %bitcast3A_766 : vector<16xf32>
          %shift_left3A_768 = arith.constant 16 : i32
          %shift_left3A_769 = vector.broadcast %shift_left3A_768 : i32 to vector<16xi32>
          %shift_left3A_770 = arith.shli %bitcast3A_760, %shift_left3A_769 : vector<16xi32>
          %bitcast3A_771 = vector.bitcast %shift_left3A_770 : vector<16xi32> to vector<16xf32>
          %add3A_772 = arith.addf %add3A_746, %bitcast3A_771 : vector<16xf32>
          %bitcast3A_773 = vector.bitcast %bitcast3A_760 : vector<16xi32> to vector<16xf32>
          %add3A_774 = arith.addf %add3A_748, %bitcast3A_773 : vector<16xf32>
          %add3A_775 = arith.constant 20 : i32
          %add3A_776 = arith.addi %add3A_248, %add3A_775 : i32
          %get3A_777 = arith.index_cast %add3A_776 : i32 to index
          %get3A_778 = arith.constant 0 : index
          %get3A_779 = tpu.vector_load %arg9[%get3A_777, %get3A_778] {strides = array<i32>} : memref<400x64xbf16, #tpu.memory_space<vmem>>, vector<32xbf16>,
          %bitcast3A_780 = vector.bitcast %get3A_779 : vector<32xbf16> to vector<16xi32>
          %add3A_781 = arith.constant 20 : i32
          %add3A_782 = arith.addi %add3A_248, %add3A_781 : i32
          %get3A_783 = arith.index_cast %add3A_782 : i32 to index
          %get3A_784 = arith.constant 32 : index
          %get3A_785 = tpu.vector_load %arg9[%get3A_783, %get3A_784] {strides = array<i32>} : memref<400x64xbf16, #tpu.memory_space<vmem>>, vector<32xbf16>,
          %bitcast3A_786 = vector.bitcast %get3A_785 : vector<32xbf16> to vector<16xi32>
          %shift_left3A_787 = arith.constant 16 : i32
          %shift_left3A_788 = vector.broadcast %shift_left3A_787 : i32 to vector<16xi32>
          %shift_left3A_789 = arith.shli %bitcast3A_780, %shift_left3A_788 : vector<16xi32>
          %bitcast3A_790 = vector.bitcast %shift_left3A_789 : vector<16xi32> to vector<16xf32>
          %add3A_791 = arith.addf %add3A_765, %bitcast3A_790 : vector<16xf32>
          %bitcast3A_792 = vector.bitcast %bitcast3A_780 : vector<16xi32> to vector<16xf32>
          %add3A_793 = arith.addf %add3A_767, %bitcast3A_792 : vector<16xf32>
          %shift_left3A_794 = arith.constant 16 : i32
          %shift_left3A_795 = vector.broadcast %shift_left3A_794 : i32 to vector<16xi32>
          %shift_left3A_796 = arith.shli %bitcast3A_786, %shift_left3A_795 : vector<16xi32>
          %bitcast3A_797 = vector.bitcast %shift_left3A_796 : vector<16xi32> to vector<16xf32>
          %add3A_798 = arith.addf %add3A_772, %bitcast3A_797 : vector<16xf32>
          %bitcast3A_799 = vector.bitcast %bitcast3A_786 : vector<16xi32> to vector<16xf32>
          %add3A_800 = arith.addf %add3A_774, %bitcast3A_799 : vector<16xf32>
          %add3A_801 = arith.constant 21 : i32
          %add3A_802 = arith.addi %add3A_248, %add3A_801 : i32
          %get3A_803 = arith.index_cast %add3A_802 : i32 to index
          %get3A_804 = arith.constant 0 : index
          %get3A_805 = tpu.vector_load %arg9[%get3A_803, %get3A_804] {strides = array<i32>} : memref<400x64xbf16, #tpu.memory_space<vmem>>, vector<32xbf16>,
          %bitcast3A_806 = vector.bitcast %get3A_805 : vector<32xbf16> to vector<16xi32>
          %add3A_807 = arith.constant 21 : i32
          %add3A_808 = arith.addi %add3A_248, %add3A_807 : i32
          %get3A_809 = arith.index_cast %add3A_808 : i32 to index
          %get3A_810 = arith.constant 32 : index
          %get3A_811 = tpu.vector_load %arg9[%get3A_809, %get3A_810] {strides = array<i32>} : memref<400x64xbf16, #tpu.memory_space<vmem>>, vector<32xbf16>,
          %bitcast3A_812 = vector.bitcast %get3A_811 : vector<32xbf16> to vector<16xi32>
          %shift_left3A_813 = arith.constant 16 : i32
          %shift_left3A_814 = vector.broadcast %shift_left3A_813 : i32 to vector<16xi32>
          %shift_left3A_815 = arith.shli %bitcast3A_806, %shift_left3A_814 : vector<16xi32>
          %bitcast3A_816 = vector.bitcast %shift_left3A_815 : vector<16xi32> to vector<16xf32>
          %add3A_817 = arith.addf %add3A_791, %bitcast3A_816 : vector<16xf32>
          %bitcast3A_818 = vector.bitcast %bitcast3A_806 : vector<16xi32> to vector<16xf32>
          %add3A_819 = arith.addf %add3A_793, %bitcast3A_818 : vector<16xf32>
          %shift_left3A_820 = arith.constant 16 : i32
          %shift_left3A_821 = vector.broadcast %shift_left3A_820 : i32 to vector<16xi32>
          %shift_left3A_822 = arith.shli %bitcast3A_812, %shift_left3A_821 : vector<16xi32>
          %bitcast3A_823 = vector.bitcast %shift_left3A_822 : vector<16xi32> to vector<16xf32>
          %add3A_824 = arith.addf %add3A_798, %bitcast3A_823 : vector<16xf32>
          %bitcast3A_825 = vector.bitcast %bitcast3A_812 : vector<16xi32> to vector<16xf32>
          %add3A_826 = arith.addf %add3A_800, %bitcast3A_825 : vector<16xf32>
          %add3A_827 = arith.constant 22 : i32
          %add3A_828 = arith.addi %add3A_248, %add3A_827 : i32
          %get3A_829 = arith.index_cast %add3A_828 : i32 to index
          %get3A_830 = arith.constant 0 : index
          %get3A_831 = tpu.vector_load %arg9[%get3A_829, %get3A_830] {strides = array<i32>} : memref<400x64xbf16, #tpu.memory_space<vmem>>, vector<32xbf16>,
          %bitcast3A_832 = vector.bitcast %get3A_831 : vector<32xbf16> to vector<16xi32>
          %add3A_833 = arith.constant 22 : i32
          %add3A_834 = arith.addi %add3A_248, %add3A_833 : i32
          %get3A_835 = arith.index_cast %add3A_834 : i32 to index
          %get3A_836 = arith.constant 32 : index
          %get3A_837 = tpu.vector_load %arg9[%get3A_835, %get3A_836] {strides = array<i32>} : memref<400x64xbf16, #tpu.memory_space<vmem>>, vector<32xbf16>,
          %bitcast3A_838 = vector.bitcast %get3A_837 : vector<32xbf16> to vector<16xi32>
          %shift_left3A_839 = arith.constant 16 : i32
          %shift_left3A_840 = vector.broadcast %shift_left3A_839 : i32 to vector<16xi32>
          %shift_left3A_841 = arith.shli %bitcast3A_832, %shift_left3A_840 : vector<16xi32>
          %bitcast3A_842 = vector.bitcast %shift_left3A_841 : vector<16xi32> to vector<16xf32>
          %add3A_843 = arith.addf %add3A_817, %bitcast3A_842 : vector<16xf32>
          %bitcast3A_844 = vector.bitcast %bitcast3A_832 : vector<16xi32> to vector<16xf32>
          %add3A_845 = arith.addf %add3A_819, %bitcast3A_844 : vector<16xf32>
          %shift_left3A_846 = arith.constant 16 : i32
          %shift_left3A_847 = vector.broadcast %shift_left3A_846 : i32 to vector<16xi32>
          %shift_left3A_848 = arith.shli %bitcast3A_838, %shift_left3A_847 : vector<16xi32>
          %bitcast3A_849 = vector.bitcast %shift_left3A_848 : vector<16xi32> to vector<16xf32>
          %add3A_850 = arith.addf %add3A_824, %bitcast3A_849 : vector<16xf32>
          %bitcast3A_851 = vector.bitcast %bitcast3A_838 : vector<16xi32> to vector<16xf32>
          %add3A_852 = arith.addf %add3A_826, %bitcast3A_851 : vector<16xf32>
          %add3A_853 = arith.constant 23 : i32
          %add3A_854 = arith.addi %add3A_248, %add3A_853 : i32
          %get3A_855 = arith.index_cast %add3A_854 : i32 to index
          %get3A_856 = arith.constant 0 : index
          %get3A_857 = tpu.vector_load %arg9[%get3A_855, %get3A_856] {strides = array<i32>} : memref<400x64xbf16, #tpu.memory_space<vmem>>, vector<32xbf16>,
          %bitcast3A_858 = vector.bitcast %get3A_857 : vector<32xbf16> to vector<16xi32>
          %add3A_859 = arith.constant 23 : i32
          %add3A_860 = arith.addi %add3A_248, %add3A_859 : i32
          %get3A_861 = arith.index_cast %add3A_860 : i32 to index
          %get3A_862 = arith.constant 32 : index
          %get3A_863 = tpu.vector_load %arg9[%get3A_861, %get3A_862] {strides = array<i32>} : memref<400x64xbf16, #tpu.memory_space<vmem>>, vector<32xbf16>,
          %bitcast3A_864 = vector.bitcast %get3A_863 : vector<32xbf16> to vector<16xi32>
          %shift_left3A_865 = arith.constant 16 : i32
          %shift_left3A_866 = vector.broadcast %shift_left3A_865 : i32 to vector<16xi32>
          %shift_left3A_867 = arith.shli %bitcast3A_858, %shift_left3A_866 : vector<16xi32>
          %bitcast3A_868 = vector.bitcast %shift_left3A_867 : vector<16xi32> to vector<16xf32>
          %add3A_869 = arith.addf %add3A_843, %bitcast3A_868 : vector<16xf32>
          %bitcast3A_870 = vector.bitcast %bitcast3A_858 : vector<16xi32> to vector<16xf32>
          %add3A_871 = arith.addf %add3A_845, %bitcast3A_870 : vector<16xf32>
          %shift_left3A_872 = arith.constant 16 : i32
          %shift_left3A_873 = vector.broadcast %shift_left3A_872 : i32 to vector<16xi32>
          %shift_left3A_874 = arith.shli %bitcast3A_864, %shift_left3A_873 : vector<16xi32>
          %bitcast3A_875 = vector.bitcast %shift_left3A_874 : vector<16xi32> to vector<16xf32>
          %add3A_876 = arith.addf %add3A_850, %bitcast3A_875 : vector<16xf32>
          %bitcast3A_877 = vector.bitcast %bitcast3A_864 : vector<16xi32> to vector<16xf32>
          %add3A_878 = arith.addf %add3A_852, %bitcast3A_877 : vector<16xf32>
          %add3A_879 = arith.constant 24 : i32
          %add3A_880 = arith.addi %add3A_248, %add3A_879 : i32
          %get3A_881 = arith.index_cast %add3A_880 : i32 to index
          %get3A_882 = arith.constant 0 : index
          %get3A_883 = tpu.vector_load %arg9[%get3A_881, %get3A_882] {strides = array<i32>} : memref<400x64xbf16, #tpu.memory_space<vmem>>, vector<32xbf16>,
          %bitcast3A_884 = vector.bitcast %get3A_883 : vector<32xbf16> to vector<16xi32>
          %add3A_885 = arith.constant 24 : i32
          %add3A_886 = arith.addi %add3A_248, %add3A_885 : i32
          %get3A_887 = arith.index_cast %add3A_886 : i32 to index
          %get3A_888 = arith.constant 32 : index
          %get3A_889 = tpu.vector_load %arg9[%get3A_887, %get3A_888] {strides = array<i32>} : memref<400x64xbf16, #tpu.memory_space<vmem>>, vector<32xbf16>,
          %bitcast3A_890 = vector.bitcast %get3A_889 : vector<32xbf16> to vector<16xi32>
          %shift_left3A_891 = arith.constant 16 : i32
          %shift_left3A_892 = vector.broadcast %shift_left3A_891 : i32 to vector<16xi32>
          %shift_left3A_893 = arith.shli %bitcast3A_884, %shift_left3A_892 : vector<16xi32>
          %bitcast3A_894 = vector.bitcast %shift_left3A_893 : vector<16xi32> to vector<16xf32>
          %add3A_895 = arith.addf %add3A_869, %bitcast3A_894 : vector<16xf32>
          %bitcast3A_896 = vector.bitcast %bitcast3A_884 : vector<16xi32> to vector<16xf32>
          %add3A_897 = arith.addf %add3A_871, %bitcast3A_896 : vector<16xf32>
          %shift_left3A_898 = arith.constant 16 : i32
          %shift_left3A_899 = vector.broadcast %shift_left3A_898 : i32 to vector<16xi32>
          %shift_left3A_900 = arith.shli %bitcast3A_890, %shift_left3A_899 : vector<16xi32>
          %bitcast3A_901 = vector.bitcast %shift_left3A_900 : vector<16xi32> to vector<16xf32>
          %add3A_902 = arith.addf %add3A_876, %bitcast3A_901 : vector<16xf32>
          %bitcast3A_903 = vector.bitcast %bitcast3A_890 : vector<16xi32> to vector<16xf32>
          %add3A_904 = arith.addf %add3A_878, %bitcast3A_903 : vector<16xf32>
          %add3A_905 = arith.constant 25 : i32
          %add3A_906 = arith.addi %add3A_248, %add3A_905 : i32
          %get3A_907 = arith.index_cast %add3A_906 : i32 to index
          %get3A_908 = arith.constant 0 : index
          %get3A_909 = tpu.vector_load %arg9[%get3A_907, %get3A_908] {strides = array<i32>} : memref<400x64xbf16, #tpu.memory_space<vmem>>, vector<32xbf16>,
          %bitcast3A_910 = vector.bitcast %get3A_909 : vector<32xbf16> to vector<16xi32>
          %add3A_911 = arith.constant 25 : i32
          %add3A_912 = arith.addi %add3A_248, %add3A_911 : i32
          %get3A_913 = arith.index_cast %add3A_912 : i32 to index
          %get3A_914 = arith.constant 32 : index
          %get3A_915 = tpu.vector_load %arg9[%get3A_913, %get3A_914] {strides = array<i32>} : memref<400x64xbf16, #tpu.memory_space<vmem>>, vector<32xbf16>,
          %bitcast3A_916 = vector.bitcast %get3A_915 : vector<32xbf16> to vector<16xi32>
          %shift_left3A_917 = arith.constant 16 : i32
          %shift_left3A_918 = vector.broadcast %shift_left3A_917 : i32 to vector<16xi32>
          %shift_left3A_919 = arith.shli %bitcast3A_910, %shift_left3A_918 : vector<16xi32>
          %bitcast3A_920 = vector.bitcast %shift_left3A_919 : vector<16xi32> to vector<16xf32>
          %add3A_921 = arith.addf %add3A_895, %bitcast3A_920 : vector<16xf32>
          %bitcast3A_922 = vector.bitcast %bitcast3A_910 : vector<16xi32> to vector<16xf32>
          %add3A_923 = arith.addf %add3A_897, %bitcast3A_922 : vector<16xf32>
          %shift_left3A_924 = arith.constant 16 : i32
          %shift_left3A_925 = vector.broadcast %shift_left3A_924 : i32 to vector<16xi32>
          %shift_left3A_926 = arith.shli %bitcast3A_916, %shift_left3A_925 : vector<16xi32>
          %bitcast3A_927 = vector.bitcast %shift_left3A_926 : vector<16xi32> to vector<16xf32>
          %add3A_928 = arith.addf %add3A_902, %bitcast3A_927 : vector<16xf32>
          %bitcast3A_929 = vector.bitcast %bitcast3A_916 : vector<16xi32> to vector<16xf32>
          %add3A_930 = arith.addf %add3A_904, %bitcast3A_929 : vector<16xf32>
          %add3A_931 = arith.constant 26 : i32
          %add3A_932 = arith.addi %add3A_248, %add3A_931 : i32
          %get3A_933 = arith.index_cast %add3A_932 : i32 to index
          %get3A_934 = arith.constant 0 : index
          %get3A_935 = tpu.vector_load %arg9[%get3A_933, %get3A_934] {strides = array<i32>} : memref<400x64xbf16, #tpu.memory_space<vmem>>, vector<32xbf16>,
          %bitcast3A_936 = vector.bitcast %get3A_935 : vector<32xbf16> to vector<16xi32>
          %add3A_937 = arith.constant 26 : i32
          %add3A_938 = arith.addi %add3A_248, %add3A_937 : i32
          %get3A_939 = arith.index_cast %add3A_938 : i32 to index
          %get3A_940 = arith.constant 32 : index
          %get3A_941 = tpu.vector_load %arg9[%get3A_939, %get3A_940] {strides = array<i32>} : memref<400x64xbf16, #tpu.memory_space<vmem>>, vector<32xbf16>,
          %bitcast3A_942 = vector.bitcast %get3A_941 : vector<32xbf16> to vector<16xi32>
          %shift_left3A_943 = arith.constant 16 : i32
          %shift_left3A_944 = vector.broadcast %shift_left3A_943 : i32 to vector<16xi32>
          %shift_left3A_945 = arith.shli %bitcast3A_936, %shift_left3A_944 : vector<16xi32>
          %bitcast3A_946 = vector.bitcast %shift_left3A_945 : vector<16xi32> to vector<16xf32>
          %add3A_947 = arith.addf %add3A_921, %bitcast3A_946 : vector<16xf32>
          %bitcast3A_948 = vector.bitcast %bitcast3A_936 : vector<16xi32> to vector<16xf32>
          %add3A_949 = arith.addf %add3A_923, %bitcast3A_948 : vector<16xf32>
          %shift_left3A_950 = arith.constant 16 : i32
          %shift_left3A_951 = vector.broadcast %shift_left3A_950 : i32 to vector<16xi32>
          %shift_left3A_952 = arith.shli %bitcast3A_942, %shift_left3A_951 : vector<16xi32>
          %bitcast3A_953 = vector.bitcast %shift_left3A_952 : vector<16xi32> to vector<16xf32>
          %add3A_954 = arith.addf %add3A_928, %bitcast3A_953 : vector<16xf32>
          %bitcast3A_955 = vector.bitcast %bitcast3A_942 : vector<16xi32> to vector<16xf32>
          %add3A_956 = arith.addf %add3A_930, %bitcast3A_955 : vector<16xf32>
          %add3A_957 = arith.constant 27 : i32
          %add3A_958 = arith.addi %add3A_248, %add3A_957 : i32
          %get3A_959 = arith.index_cast %add3A_958 : i32 to index
          %get3A_960 = arith.constant 0 : index
          %get3A_961 = tpu.vector_load %arg9[%get3A_959, %get3A_960] {strides = array<i32>} : memref<400x64xbf16, #tpu.memory_space<vmem>>, vector<32xbf16>,
          %bitcast3A_962 = vector.bitcast %get3A_961 : vector<32xbf16> to vector<16xi32>
          %add3A_963 = arith.constant 27 : i32
          %add3A_964 = arith.addi %add3A_248, %add3A_963 : i32
          %get3A_965 = arith.index_cast %add3A_964 : i32 to index
          %get3A_966 = arith.constant 32 : index
          %get3A_967 = tpu.vector_load %arg9[%get3A_965, %get3A_966] {strides = array<i32>} : memref<400x64xbf16, #tpu.memory_space<vmem>>, vector<32xbf16>,
          %bitcast3A_968 = vector.bitcast %get3A_967 : vector<32xbf16> to vector<16xi32>
          %shift_left3A_969 = arith.constant 16 : i32
          %shift_left3A_970 = vector.broadcast %shift_left3A_969 : i32 to vector<16xi32>
          %shift_left3A_971 = arith.shli %bitcast3A_962, %shift_left3A_970 : vector<16xi32>
          %bitcast3A_972 = vector.bitcast %shift_left3A_971 : vector<16xi32> to vector<16xf32>
          %add3A_973 = arith.addf %add3A_947, %bitcast3A_972 : vector<16xf32>
          %bitcast3A_974 = vector.bitcast %bitcast3A_962 : vector<16xi32> to vector<16xf32>
          %add3A_975 = arith.addf %add3A_949, %bitcast3A_974 : vector<16xf32>
          %shift_left3A_976 = arith.constant 16 : i32
          %shift_left3A_977 = vector.broadcast %shift_left3A_976 : i32 to vector<16xi32>
          %shift_left3A_978 = arith.shli %bitcast3A_968, %shift_left3A_977 : vector<16xi32>
          %bitcast3A_979 = vector.bitcast %shift_left3A_978 : vector<16xi32> to vector<16xf32>
          %add3A_980 = arith.addf %add3A_954, %bitcast3A_979 : vector<16xf32>
          %bitcast3A_981 = vector.bitcast %bitcast3A_968 : vector<16xi32> to vector<16xf32>
          %add3A_982 = arith.addf %add3A_956, %bitcast3A_981 : vector<16xf32>
          %add3A_983 = arith.constant 28 : i32
          %add3A_984 = arith.addi %add3A_248, %add3A_983 : i32
          %get3A_985 = arith.index_cast %add3A_984 : i32 to index
          %get3A_986 = arith.constant 0 : index
          %get3A_987 = tpu.vector_load %arg9[%get3A_985, %get3A_986] {strides = array<i32>} : memref<400x64xbf16, #tpu.memory_space<vmem>>, vector<32xbf16>,
          %bitcast3A_988 = vector.bitcast %get3A_987 : vector<32xbf16> to vector<16xi32>
          %add3A_989 = arith.constant 28 : i32
          %add3A_990 = arith.addi %add3A_248, %add3A_989 : i32
          %get3A_991 = arith.index_cast %add3A_990 : i32 to index
          %get3A_992 = arith.constant 32 : index
          %get3A_993 = tpu.vector_load %arg9[%get3A_991, %get3A_992] {strides = array<i32>} : memref<400x64xbf16, #tpu.memory_space<vmem>>, vector<32xbf16>,
          %bitcast3A_994 = vector.bitcast %get3A_993 : vector<32xbf16> to vector<16xi32>
          %shift_left3A_995 = arith.constant 16 : i32
          %shift_left3A_996 = vector.broadcast %shift_left3A_995 : i32 to vector<16xi32>
          %shift_left3A_997 = arith.shli %bitcast3A_988, %shift_left3A_996 : vector<16xi32>
          %bitcast3A_998 = vector.bitcast %shift_left3A_997 : vector<16xi32> to vector<16xf32>
          %add3A_999 = arith.addf %add3A_973, %bitcast3A_998 : vector<16xf32>
          %bitcast3A_1000 = vector.bitcast %bitcast3A_988 : vector<16xi32> to vector<16xf32>
          %add3A_1001 = arith.addf %add3A_975, %bitcast3A_1000 : vector<16xf32>
          %shift_left3A_1002 = arith.constant 16 : i32
          %shift_left3A_1003 = vector.broadcast %shift_left3A_1002 : i32 to vector<16xi32>
          %shift_left3A_1004 = arith.shli %bitcast3A_994, %shift_left3A_1003 : vector<16xi32>
          %bitcast3A_1005 = vector.bitcast %shift_left3A_1004 : vector<16xi32> to vector<16xf32>
          %add3A_1006 = arith.addf %add3A_980, %bitcast3A_1005 : vector<16xf32>
          %bitcast3A_1007 = vector.bitcast %bitcast3A_994 : vector<16xi32> to vector<16xf32>
          %add3A_1008 = arith.addf %add3A_982, %bitcast3A_1007 : vector<16xf32>
          %add3A_1009 = arith.constant 29 : i32
          %add3A_1010 = arith.addi %add3A_248, %add3A_1009 : i32
          %get3A_1011 = arith.index_cast %add3A_1010 : i32 to index
          %get3A_1012 = arith.constant 0 : index
          %get3A_1013 = tpu.vector_load %arg9[%get3A_1011, %get3A_1012] {strides = array<i32>} : memref<400x64xbf16, #tpu.memory_space<vmem>>, vector<32xbf16>,
          %bitcast3A_1014 = vector.bitcast %get3A_1013 : vector<32xbf16> to vector<16xi32>
          %add3A_1015 = arith.constant 29 : i32
          %add3A_1016 = arith.addi %add3A_248, %add3A_1015 : i32
          %get3A_1017 = arith.index_cast %add3A_1016 : i32 to index
          %get3A_1018 = arith.constant 32 : index
          %get3A_1019 = tpu.vector_load %arg9[%get3A_1017, %get3A_1018] {strides = array<i32>} : memref<400x64xbf16, #tpu.memory_space<vmem>>, vector<32xbf16>,
          %bitcast3A_1020 = vector.bitcast %get3A_1019 : vector<32xbf16> to vector<16xi32>
          %shift_left3A_1021 = arith.constant 16 : i32
          %shift_left3A_1022 = vector.broadcast %shift_left3A_1021 : i32 to vector<16xi32>
          %shift_left3A_1023 = arith.shli %bitcast3A_1014, %shift_left3A_1022 : vector<16xi32>
          %bitcast3A_1024 = vector.bitcast %shift_left3A_1023 : vector<16xi32> to vector<16xf32>
          %add3A_1025 = arith.addf %add3A_999, %bitcast3A_1024 : vector<16xf32>
          %bitcast3A_1026 = vector.bitcast %bitcast3A_1014 : vector<16xi32> to vector<16xf32>
          %add3A_1027 = arith.addf %add3A_1001, %bitcast3A_1026 : vector<16xf32>
          %shift_left3A_1028 = arith.constant 16 : i32
          %shift_left3A_1029 = vector.broadcast %shift_left3A_1028 : i32 to vector<16xi32>
          %shift_left3A_1030 = arith.shli %bitcast3A_1020, %shift_left3A_1029 : vector<16xi32>
          %bitcast3A_1031 = vector.bitcast %shift_left3A_1030 : vector<16xi32> to vector<16xf32>
          %add3A_1032 = arith.addf %add3A_1006, %bitcast3A_1031 : vector<16xf32>
          %bitcast3A_1033 = vector.bitcast %bitcast3A_1020 : vector<16xi32> to vector<16xf32>
          %add3A_1034 = arith.addf %add3A_1008, %bitcast3A_1033 : vector<16xf32>
          %add3A_1035 = arith.constant 30 : i32
          %add3A_1036 = arith.addi %add3A_248, %add3A_1035 : i32
          %get3A_1037 = arith.index_cast %add3A_1036 : i32 to index
          %get3A_1038 = arith.constant 0 : index
          %get3A_1039 = tpu.vector_load %arg9[%get3A_1037, %get3A_1038] {strides = array<i32>} : memref<400x64xbf16, #tpu.memory_space<vmem>>, vector<32xbf16>,
          %bitcast3A_1040 = vector.bitcast %get3A_1039 : vector<32xbf16> to vector<16xi32>
          %add3A_1041 = arith.constant 30 : i32
          %add3A_1042 = arith.addi %add3A_248, %add3A_1041 : i32
          %get3A_1043 = arith.index_cast %add3A_1042 : i32 to index
          %get3A_1044 = arith.constant 32 : index
          %get3A_1045 = tpu.vector_load %arg9[%get3A_1043, %get3A_1044] {strides = array<i32>} : memref<400x64xbf16, #tpu.memory_space<vmem>>, vector<32xbf16>,
          %bitcast3A_1046 = vector.bitcast %get3A_1045 : vector<32xbf16> to vector<16xi32>
          %shift_left3A_1047 = arith.constant 16 : i32
          %shift_left3A_1048 = vector.broadcast %shift_left3A_1047 : i32 to vector<16xi32>
          %shift_left3A_1049 = arith.shli %bitcast3A_1040, %shift_left3A_1048 : vector<16xi32>
          %bitcast3A_1050 = vector.bitcast %shift_left3A_1049 : vector<16xi32> to vector<16xf32>
          %add3A_1051 = arith.addf %add3A_1025, %bitcast3A_1050 : vector<16xf32>
          %bitcast3A_1052 = vector.bitcast %bitcast3A_1040 : vector<16xi32> to vector<16xf32>
          %add3A_1053 = arith.addf %add3A_1027, %bitcast3A_1052 : vector<16xf32>
          %shift_left3A_1054 = arith.constant 16 : i32
          %shift_left3A_1055 = vector.broadcast %shift_left3A_1054 : i32 to vector<16xi32>
          %shift_left3A_1056 = arith.shli %bitcast3A_1046, %shift_left3A_1055 : vector<16xi32>
          %bitcast3A_1057 = vector.bitcast %shift_left3A_1056 : vector<16xi32> to vector<16xf32>
          %add3A_1058 = arith.addf %add3A_1032, %bitcast3A_1057 : vector<16xf32>
          %bitcast3A_1059 = vector.bitcast %bitcast3A_1046 : vector<16xi32> to vector<16xf32>
          %add3A_1060 = arith.addf %add3A_1034, %bitcast3A_1059 : vector<16xf32>
          %add3A_1061 = arith.constant 31 : i32
          %add3A_1062 = arith.addi %add3A_248, %add3A_1061 : i32
          %get3A_1063 = arith.index_cast %add3A_1062 : i32 to index
          %get3A_1064 = arith.constant 0 : index
          %get3A_1065 = tpu.vector_load %arg9[%get3A_1063, %get3A_1064] {strides = array<i32>} : memref<400x64xbf16, #tpu.memory_space<vmem>>, vector<32xbf16>,
          %bitcast3A_1066 = vector.bitcast %get3A_1065 : vector<32xbf16> to vector<16xi32>
          %add3A_1067 = arith.constant 31 : i32
          %add3A_1068 = arith.addi %add3A_248, %add3A_1067 : i32
          %get3A_1069 = arith.index_cast %add3A_1068 : i32 to index
          %get3A_1070 = arith.constant 32 : index
          %get3A_1071 = tpu.vector_load %arg9[%get3A_1069, %get3A_1070] {strides = array<i32>} : memref<400x64xbf16, #tpu.memory_space<vmem>>, vector<32xbf16>,
          %bitcast3A_1072 = vector.bitcast %get3A_1071 : vector<32xbf16> to vector<16xi32>
          %shift_left3A_1073 = arith.constant 16 : i32
          %shift_left3A_1074 = vector.broadcast %shift_left3A_1073 : i32 to vector<16xi32>
          %shift_left3A_1075 = arith.shli %bitcast3A_1066, %shift_left3A_1074 : vector<16xi32>
          %bitcast3A_1076 = vector.bitcast %shift_left3A_1075 : vector<16xi32> to vector<16xf32>
          %add3A_1077 = arith.addf %add3A_1051, %bitcast3A_1076 : vector<16xf32>
          %bitcast3A_1078 = vector.bitcast %bitcast3A_1066 : vector<16xi32> to vector<16xf32>
          %add3A_1079 = arith.addf %add3A_1053, %bitcast3A_1078 : vector<16xf32>
          %shift_left3A_1080 = arith.constant 16 : i32
          %shift_left3A_1081 = vector.broadcast %shift_left3A_1080 : i32 to vector<16xi32>
          %shift_left3A_1082 = arith.shli %bitcast3A_1072, %shift_left3A_1081 : vector<16xi32>
          %bitcast3A_1083 = vector.bitcast %shift_left3A_1082 : vector<16xi32> to vector<16xf32>
          %add3A_1084 = arith.addf %add3A_1058, %bitcast3A_1083 : vector<16xf32>
          %bitcast3A_1085 = vector.bitcast %bitcast3A_1072 : vector<16xi32> to vector<16xf32>
          %add3A_1086 = arith.addf %add3A_1060, %bitcast3A_1085 : vector<16xf32>
          %add3A_1087 = arith.constant 32 : i32
          %add3A_1088 = arith.addi %add3A_248, %add3A_1087 : i32
          %get3A_1089 = arith.index_cast %add3A_1088 : i32 to index
          %get3A_1090 = arith.constant 0 : index
          %get3A_1091 = tpu.vector_load %arg9[%get3A_1089, %get3A_1090] {strides = array<i32>} : memref<400x64xbf16, #tpu.memory_space<vmem>>, vector<32xbf16>,
          %bitcast3A_1092 = vector.bitcast %get3A_1091 : vector<32xbf16> to vector<16xi32>
          %add3A_1093 = arith.constant 32 : i32
          %add3A_1094 = arith.addi %add3A_248, %add3A_1093 : i32
          %get3A_1095 = arith.index_cast %add3A_1094 : i32 to index
          %get3A_1096 = arith.constant 32 : index
          %get3A_1097 = tpu.vector_load %arg9[%get3A_1095, %get3A_1096] {strides = array<i32>} : memref<400x64xbf16, #tpu.memory_space<vmem>>, vector<32xbf16>,
          %bitcast3A_1098 = vector.bitcast %get3A_1097 : vector<32xbf16> to vector<16xi32>
          %shift_left3A_1099 = arith.constant 16 : i32
          %shift_left3A_1100 = vector.broadcast %shift_left3A_1099 : i32 to vector<16xi32>
          %shift_left3A_1101 = arith.shli %bitcast3A_1092, %shift_left3A_1100 : vector<16xi32>
          %bitcast3A_1102 = vector.bitcast %shift_left3A_1101 : vector<16xi32> to vector<16xf32>
          %add3A_1103 = arith.addf %add3A_1077, %bitcast3A_1102 : vector<16xf32>
          %bitcast3A_1104 = vector.bitcast %bitcast3A_1092 : vector<16xi32> to vector<16xf32>
          %add3A_1105 = arith.addf %add3A_1079, %bitcast3A_1104 : vector<16xf32>
          %shift_left3A_1106 = arith.constant 16 : i32
          %shift_left3A_1107 = vector.broadcast %shift_left3A_1106 : i32 to vector<16xi32>
          %shift_left3A_1108 = arith.shli %bitcast3A_1098, %shift_left3A_1107 : vector<16xi32>
          %bitcast3A_1109 = vector.bitcast %shift_left3A_1108 : vector<16xi32> to vector<16xf32>
          %add3A_1110 = arith.addf %add3A_1084, %bitcast3A_1109 : vector<16xf32>
          %bitcast3A_1111 = vector.bitcast %bitcast3A_1098 : vector<16xi32> to vector<16xf32>
          %add3A_1112 = arith.addf %add3A_1086, %bitcast3A_1111 : vector<16xf32>
          %add3A_1113 = arith.constant 33 : i32
          %add3A_1114 = arith.addi %add3A_248, %add3A_1113 : i32
          %get3A_1115 = arith.index_cast %add3A_1114 : i32 to index
          %get3A_1116 = arith.constant 0 : index
          %get3A_1117 = tpu.vector_load %arg9[%get3A_1115, %get3A_1116] {strides = array<i32>} : memref<400x64xbf16, #tpu.memory_space<vmem>>, vector<32xbf16>,
          %bitcast3A_1118 = vector.bitcast %get3A_1117 : vector<32xbf16> to vector<16xi32>
          %add3A_1119 = arith.constant 33 : i32
          %add3A_1120 = arith.addi %add3A_248, %add3A_1119 : i32
          %get3A_1121 = arith.index_cast %add3A_1120 : i32 to index
          %get3A_1122 = arith.constant 32 : index
          %get3A_1123 = tpu.vector_load %arg9[%get3A_1121, %get3A_1122] {strides = array<i32>} : memref<400x64xbf16, #tpu.memory_space<vmem>>, vector<32xbf16>,
          %bitcast3A_1124 = vector.bitcast %get3A_1123 : vector<32xbf16> to vector<16xi32>
          %shift_left3A_1125 = arith.constant 16 : i32
          %shift_left3A_1126 = vector.broadcast %shift_left3A_1125 : i32 to vector<16xi32>
          %shift_left3A_1127 = arith.shli %bitcast3A_1118, %shift_left3A_1126 : vector<16xi32>
          %bitcast3A_1128 = vector.bitcast %shift_left3A_1127 : vector<16xi32> to vector<16xf32>
          %add3A_1129 = arith.addf %add3A_1103, %bitcast3A_1128 : vector<16xf32>
          %bitcast3A_1130 = vector.bitcast %bitcast3A_1118 : vector<16xi32> to vector<16xf32>
          %add3A_1131 = arith.addf %add3A_1105, %bitcast3A_1130 : vector<16xf32>
          %shift_left3A_1132 = arith.constant 16 : i32
          %shift_left3A_1133 = vector.broadcast %shift_left3A_1132 : i32 to vector<16xi32>
          %shift_left3A_1134 = arith.shli %bitcast3A_1124, %shift_left3A_1133 : vector<16xi32>
          %bitcast3A_1135 = vector.bitcast %shift_left3A_1134 : vector<16xi32> to vector<16xf32>
          %add3A_1136 = arith.addf %add3A_1110, %bitcast3A_1135 : vector<16xf32>
          %bitcast3A_1137 = vector.bitcast %bitcast3A_1124 : vector<16xi32> to vector<16xf32>
          %add3A_1138 = arith.addf %add3A_1112, %bitcast3A_1137 : vector<16xf32>
          %add3A_1139 = arith.constant 34 : i32
          %add3A_1140 = arith.addi %add3A_248, %add3A_1139 : i32
          %get3A_1141 = arith.index_cast %add3A_1140 : i32 to index
          %get3A_1142 = arith.constant 0 : index
          %get3A_1143 = tpu.vector_load %arg9[%get3A_1141, %get3A_1142] {strides = array<i32>} : memref<400x64xbf16, #tpu.memory_space<vmem>>, vector<32xbf16>,
          %bitcast3A_1144 = vector.bitcast %get3A_1143 : vector<32xbf16> to vector<16xi32>
          %add3A_1145 = arith.constant 34 : i32
          %add3A_1146 = arith.addi %add3A_248, %add3A_1145 : i32
          %get3A_1147 = arith.index_cast %add3A_1146 : i32 to index
          %get3A_1148 = arith.constant 32 : index
          %get3A_1149 = tpu.vector_load %arg9[%get3A_1147, %get3A_1148] {strides = array<i32>} : memref<400x64xbf16, #tpu.memory_space<vmem>>, vector<32xbf16>,
          %bitcast3A_1150 = vector.bitcast %get3A_1149 : vector<32xbf16> to vector<16xi32>
          %shift_left3A_1151 = arith.constant 16 : i32
          %shift_left3A_1152 = vector.broadcast %shift_left3A_1151 : i32 to vector<16xi32>
          %shift_left3A_1153 = arith.shli %bitcast3A_1144, %shift_left3A_1152 : vector<16xi32>
          %bitcast3A_1154 = vector.bitcast %shift_left3A_1153 : vector<16xi32> to vector<16xf32>
          %add3A_1155 = arith.addf %add3A_1129, %bitcast3A_1154 : vector<16xf32>
          %bitcast3A_1156 = vector.bitcast %bitcast3A_1144 : vector<16xi32> to vector<16xf32>
          %add3A_1157 = arith.addf %add3A_1131, %bitcast3A_1156 : vector<16xf32>
          %shift_left3A_1158 = arith.constant 16 : i32
          %shift_left3A_1159 = vector.broadcast %shift_left3A_1158 : i32 to vector<16xi32>
          %shift_left3A_1160 = arith.shli %bitcast3A_1150, %shift_left3A_1159 : vector<16xi32>
          %bitcast3A_1161 = vector.bitcast %shift_left3A_1160 : vector<16xi32> to vector<16xf32>
          %add3A_1162 = arith.addf %add3A_1136, %bitcast3A_1161 : vector<16xf32>
          %bitcast3A_1163 = vector.bitcast %bitcast3A_1150 : vector<16xi32> to vector<16xf32>
          %add3A_1164 = arith.addf %add3A_1138, %bitcast3A_1163 : vector<16xf32>
          %add3A_1165 = arith.constant 35 : i32
          %add3A_1166 = arith.addi %add3A_248, %add3A_1165 : i32
          %get3A_1167 = arith.index_cast %add3A_1166 : i32 to index
          %get3A_1168 = arith.constant 0 : index
          %get3A_1169 = tpu.vector_load %arg9[%get3A_1167, %get3A_1168] {strides = array<i32>} : memref<400x64xbf16, #tpu.memory_space<vmem>>, vector<32xbf16>,
          %bitcast3A_1170 = vector.bitcast %get3A_1169 : vector<32xbf16> to vector<16xi32>
          %add3A_1171 = arith.constant 35 : i32
          %add3A_1172 = arith.addi %add3A_248, %add3A_1171 : i32
          %get3A_1173 = arith.index_cast %add3A_1172 : i32 to index
          %get3A_1174 = arith.constant 32 : index
          %get3A_1175 = tpu.vector_load %arg9[%get3A_1173, %get3A_1174] {strides = array<i32>} : memref<400x64xbf16, #tpu.memory_space<vmem>>, vector<32xbf16>,
          %bitcast3A_1176 = vector.bitcast %get3A_1175 : vector<32xbf16> to vector<16xi32>
          %shift_left3A_1177 = arith.constant 16 : i32
          %shift_left3A_1178 = vector.broadcast %shift_left3A_1177 : i32 to vector<16xi32>
          %shift_left3A_1179 = arith.shli %bitcast3A_1170, %shift_left3A_1178 : vector<16xi32>
          %bitcast3A_1180 = vector.bitcast %shift_left3A_1179 : vector<16xi32> to vector<16xf32>
          %add3A_1181 = arith.addf %add3A_1155, %bitcast3A_1180 : vector<16xf32>
          %bitcast3A_1182 = vector.bitcast %bitcast3A_1170 : vector<16xi32> to vector<16xf32>
          %add3A_1183 = arith.addf %add3A_1157, %bitcast3A_1182 : vector<16xf32>
          %shift_left3A_1184 = arith.constant 16 : i32
          %shift_left3A_1185 = vector.broadcast %shift_left3A_1184 : i32 to vector<16xi32>
          %shift_left3A_1186 = arith.shli %bitcast3A_1176, %shift_left3A_1185 : vector<16xi32>
          %bitcast3A_1187 = vector.bitcast %shift_left3A_1186 : vector<16xi32> to vector<16xf32>
          %add3A_1188 = arith.addf %add3A_1162, %bitcast3A_1187 : vector<16xf32>
          %bitcast3A_1189 = vector.bitcast %bitcast3A_1176 : vector<16xi32> to vector<16xf32>
          %add3A_1190 = arith.addf %add3A_1164, %bitcast3A_1189 : vector<16xf32>
          %add3A_1191 = arith.constant 36 : i32
          %add3A_1192 = arith.addi %add3A_248, %add3A_1191 : i32
          %get3A_1193 = arith.index_cast %add3A_1192 : i32 to index
          %get3A_1194 = arith.constant 0 : index
          %get3A_1195 = tpu.vector_load %arg9[%get3A_1193, %get3A_1194] {strides = array<i32>} : memref<400x64xbf16, #tpu.memory_space<vmem>>, vector<32xbf16>,
          %bitcast3A_1196 = vector.bitcast %get3A_1195 : vector<32xbf16> to vector<16xi32>
          %add3A_1197 = arith.constant 36 : i32
          %add3A_1198 = arith.addi %add3A_248, %add3A_1197 : i32
          %get3A_1199 = arith.index_cast %add3A_1198 : i32 to index
          %get3A_1200 = arith.constant 32 : index
          %get3A_1201 = tpu.vector_load %arg9[%get3A_1199, %get3A_1200] {strides = array<i32>} : memref<400x64xbf16, #tpu.memory_space<vmem>>, vector<32xbf16>,
          %bitcast3A_1202 = vector.bitcast %get3A_1201 : vector<32xbf16> to vector<16xi32>
          %shift_left3A_1203 = arith.constant 16 : i32
          %shift_left3A_1204 = vector.broadcast %shift_left3A_1203 : i32 to vector<16xi32>
          %shift_left3A_1205 = arith.shli %bitcast3A_1196, %shift_left3A_1204 : vector<16xi32>
          %bitcast3A_1206 = vector.bitcast %shift_left3A_1205 : vector<16xi32> to vector<16xf32>
          %add3A_1207 = arith.addf %add3A_1181, %bitcast3A_1206 : vector<16xf32>
          %bitcast3A_1208 = vector.bitcast %bitcast3A_1196 : vector<16xi32> to vector<16xf32>
          %add3A_1209 = arith.addf %add3A_1183, %bitcast3A_1208 : vector<16xf32>
          %shift_left3A_1210 = arith.constant 16 : i32
          %shift_left3A_1211 = vector.broadcast %shift_left3A_1210 : i32 to vector<16xi32>
          %shift_left3A_1212 = arith.shli %bitcast3A_1202, %shift_left3A_1211 : vector<16xi32>
          %bitcast3A_1213 = vector.bitcast %shift_left3A_1212 : vector<16xi32> to vector<16xf32>
          %add3A_1214 = arith.addf %add3A_1188, %bitcast3A_1213 : vector<16xf32>
          %bitcast3A_1215 = vector.bitcast %bitcast3A_1202 : vector<16xi32> to vector<16xf32>
          %add3A_1216 = arith.addf %add3A_1190, %bitcast3A_1215 : vector<16xf32>
          %add3A_1217 = arith.constant 37 : i32
          %add3A_1218 = arith.addi %add3A_248, %add3A_1217 : i32
          %get3A_1219 = arith.index_cast %add3A_1218 : i32 to index
          %get3A_1220 = arith.constant 0 : index
          %get3A_1221 = tpu.vector_load %arg9[%get3A_1219, %get3A_1220] {strides = array<i32>} : memref<400x64xbf16, #tpu.memory_space<vmem>>, vector<32xbf16>,
          %bitcast3A_1222 = vector.bitcast %get3A_1221 : vector<32xbf16> to vector<16xi32>
          %add3A_1223 = arith.constant 37 : i32
          %add3A_1224 = arith.addi %add3A_248, %add3A_1223 : i32
          %get3A_1225 = arith.index_cast %add3A_1224 : i32 to index
          %get3A_1226 = arith.constant 32 : index
          %get3A_1227 = tpu.vector_load %arg9[%get3A_1225, %get3A_1226] {strides = array<i32>} : memref<400x64xbf16, #tpu.memory_space<vmem>>, vector<32xbf16>,
          %bitcast3A_1228 = vector.bitcast %get3A_1227 : vector<32xbf16> to vector<16xi32>
          %shift_left3A_1229 = arith.constant 16 : i32
          %shift_left3A_1230 = vector.broadcast %shift_left3A_1229 : i32 to vector<16xi32>
          %shift_left3A_1231 = arith.shli %bitcast3A_1222, %shift_left3A_1230 : vector<16xi32>
          %bitcast3A_1232 = vector.bitcast %shift_left3A_1231 : vector<16xi32> to vector<16xf32>
          %add3A_1233 = arith.addf %add3A_1207, %bitcast3A_1232 : vector<16xf32>
          %bitcast3A_1234 = vector.bitcast %bitcast3A_1222 : vector<16xi32> to vector<16xf32>
          %add3A_1235 = arith.addf %add3A_1209, %bitcast3A_1234 : vector<16xf32>
          %shift_left3A_1236 = arith.constant 16 : i32
          %shift_left3A_1237 = vector.broadcast %shift_left3A_1236 : i32 to vector<16xi32>
          %shift_left3A_1238 = arith.shli %bitcast3A_1228, %shift_left3A_1237 : vector<16xi32>
          %bitcast3A_1239 = vector.bitcast %shift_left3A_1238 : vector<16xi32> to vector<16xf32>
          %add3A_1240 = arith.addf %add3A_1214, %bitcast3A_1239 : vector<16xf32>
          %bitcast3A_1241 = vector.bitcast %bitcast3A_1228 : vector<16xi32> to vector<16xf32>
          %add3A_1242 = arith.addf %add3A_1216, %bitcast3A_1241 : vector<16xf32>
          %add3A_1243 = arith.constant 38 : i32
          %add3A_1244 = arith.addi %add3A_248, %add3A_1243 : i32
          %get3A_1245 = arith.index_cast %add3A_1244 : i32 to index
          %get3A_1246 = arith.constant 0 : index
          %get3A_1247 = tpu.vector_load %arg9[%get3A_1245, %get3A_1246] {strides = array<i32>} : memref<400x64xbf16, #tpu.memory_space<vmem>>, vector<32xbf16>,
          %bitcast3A_1248 = vector.bitcast %get3A_1247 : vector<32xbf16> to vector<16xi32>
          %add3A_1249 = arith.constant 38 : i32
          %add3A_1250 = arith.addi %add3A_248, %add3A_1249 : i32
          %get3A_1251 = arith.index_cast %add3A_1250 : i32 to index
          %get3A_1252 = arith.constant 32 : index
          %get3A_1253 = tpu.vector_load %arg9[%get3A_1251, %get3A_1252] {strides = array<i32>} : memref<400x64xbf16, #tpu.memory_space<vmem>>, vector<32xbf16>,
          %bitcast3A_1254 = vector.bitcast %get3A_1253 : vector<32xbf16> to vector<16xi32>
          %shift_left3A_1255 = arith.constant 16 : i32
          %shift_left3A_1256 = vector.broadcast %shift_left3A_1255 : i32 to vector<16xi32>
          %shift_left3A_1257 = arith.shli %bitcast3A_1248, %shift_left3A_1256 : vector<16xi32>
          %bitcast3A_1258 = vector.bitcast %shift_left3A_1257 : vector<16xi32> to vector<16xf32>
          %add3A_1259 = arith.addf %add3A_1233, %bitcast3A_1258 : vector<16xf32>
          %bitcast3A_1260 = vector.bitcast %bitcast3A_1248 : vector<16xi32> to vector<16xf32>
          %add3A_1261 = arith.addf %add3A_1235, %bitcast3A_1260 : vector<16xf32>
          %shift_left3A_1262 = arith.constant 16 : i32
          %shift_left3A_1263 = vector.broadcast %shift_left3A_1262 : i32 to vector<16xi32>
          %shift_left3A_1264 = arith.shli %bitcast3A_1254, %shift_left3A_1263 : vector<16xi32>
          %bitcast3A_1265 = vector.bitcast %shift_left3A_1264 : vector<16xi32> to vector<16xf32>
          %add3A_1266 = arith.addf %add3A_1240, %bitcast3A_1265 : vector<16xf32>
          %bitcast3A_1267 = vector.bitcast %bitcast3A_1254 : vector<16xi32> to vector<16xf32>
          %add3A_1268 = arith.addf %add3A_1242, %bitcast3A_1267 : vector<16xf32>
          %add3A_1269 = arith.constant 39 : i32
          %add3A_1270 = arith.addi %add3A_248, %add3A_1269 : i32
          %get3A_1271 = arith.index_cast %add3A_1270 : i32 to index
          %get3A_1272 = arith.constant 0 : index
          %get3A_1273 = tpu.vector_load %arg9[%get3A_1271, %get3A_1272] {strides = array<i32>} : memref<400x64xbf16, #tpu.memory_space<vmem>>, vector<32xbf16>,
          %bitcast3A_1274 = vector.bitcast %get3A_1273 : vector<32xbf16> to vector<16xi32>
          %add3A_1275 = arith.constant 39 : i32
          %add3A_1276 = arith.addi %add3A_248, %add3A_1275 : i32
          %get3A_1277 = arith.index_cast %add3A_1276 : i32 to index
          %get3A_1278 = arith.constant 32 : index
          %get3A_1279 = tpu.vector_load %arg9[%get3A_1277, %get3A_1278] {strides = array<i32>} : memref<400x64xbf16, #tpu.memory_space<vmem>>, vector<32xbf16>,
          %bitcast3A_1280 = vector.bitcast %get3A_1279 : vector<32xbf16> to vector<16xi32>
          %shift_left3A_1281 = arith.constant 16 : i32
          %shift_left3A_1282 = vector.broadcast %shift_left3A_1281 : i32 to vector<16xi32>
          %shift_left3A_1283 = arith.shli %bitcast3A_1274, %shift_left3A_1282 : vector<16xi32>
          %bitcast3A_1284 = vector.bitcast %shift_left3A_1283 : vector<16xi32> to vector<16xf32>
          %add3A_1285 = arith.addf %add3A_1259, %bitcast3A_1284 : vector<16xf32>
          %bitcast3A_1286 = vector.bitcast %bitcast3A_1274 : vector<16xi32> to vector<16xf32>
          %add3A_1287 = arith.addf %add3A_1261, %bitcast3A_1286 : vector<16xf32>
          %shift_left3A_1288 = arith.constant 16 : i32
          %shift_left3A_1289 = vector.broadcast %shift_left3A_1288 : i32 to vector<16xi32>
          %shift_left3A_1290 = arith.shli %bitcast3A_1280, %shift_left3A_1289 : vector<16xi32>
          %bitcast3A_1291 = vector.bitcast %shift_left3A_1290 : vector<16xi32> to vector<16xf32>
          %add3A_1292 = arith.addf %add3A_1266, %bitcast3A_1291 : vector<16xf32>
          %bitcast3A_1293 = vector.bitcast %bitcast3A_1280 : vector<16xi32> to vector<16xf32>
          %add3A_1294 = arith.addf %add3A_1268, %bitcast3A_1293 : vector<16xf32>
          %swap3A_1295 = arith.constant 0 : index
          %swap3A_1296 = tpu.vector_load %arg14[%swap3A_1295] {strides = array<i32>} : memref<64xf32, #tpu.memory_space<vmem>>, vector<16xf32>,
          tpu.vector_store %arg14[%swap3A_1295], %add3A_1285 {strides = array<i32>} : memref<64xf32, #tpu.memory_space<vmem>>, vector<16xf32>,
          %swap3A_1297 = arith.constant 16 : index
          %swap3A_1298 = tpu.vector_load %arg14[%swap3A_1297] {strides = array<i32>} : memref<64xf32, #tpu.memory_space<vmem>>, vector<16xf32>,
          tpu.vector_store %arg14[%swap3A_1297], %add3A_1287 {strides = array<i32>} : memref<64xf32, #tpu.memory_space<vmem>>, vector<16xf32>,
          %swap3A_1299 = arith.constant 32 : index
          %swap3A_1300 = tpu.vector_load %arg14[%swap3A_1299] {strides = array<i32>} : memref<64xf32, #tpu.memory_space<vmem>>, vector<16xf32>,
          tpu.vector_store %arg14[%swap3A_1299], %add3A_1292 {strides = array<i32>} : memref<64xf32, #tpu.memory_space<vmem>>, vector<16xf32>,
          %swap3A_1301 = arith.constant 48 : index
          %swap3A_1302 = tpu.vector_load %arg14[%swap3A_1301] {strides = array<i32>} : memref<64xf32, #tpu.memory_space<vmem>>, vector<16xf32>,
          tpu.vector_store %arg14[%swap3A_1301], %add3A_1294 {strides = array<i32>} : memref<64xf32, #tpu.memory_space<vmem>>, vector<16xf32>,
        }
        %scan3A_222 = arith.constant 5 : i32
        %mul3A_223 = arith.constant 2 : i32
        %mul3A_224 = arith.muli %add3A_69, %mul3A_223 : i32
        %add3A_225 = arith.addi %mul3A_224, %scan3A_208 : i32
        %get3A = arith.constant 0 : index
        %get3A_226 = tpu.vector_load %arg14[%get3A] {strides = array<i32>} : memref<64xf32, #tpu.memory_space<vmem>>, vector<16xf32>,
        %swap3A_227 = arith.index_cast %add3A_225 : i32 to index
        %swap3A_228 = arith.constant 0 : index
        %swap3A_229 = tpu.vector_load %arg13[%swap3A_227, %swap3A_228] {strides = array<i32>} : memref<512x64xf32, #tpu.memory_space<vmem>>, vector<16xf32>,
        tpu.vector_store %arg13[%swap3A_227, %swap3A_228], %get3A_226 {strides = array<i32>} : memref<512x64xf32, #tpu.memory_space<vmem>>, vector<16xf32>,
        %get3A_230 = arith.constant 16 : index
        %get3A_231 = tpu.vector_load %arg14[%get3A_230] {strides = array<i32>} : memref<64xf32, #tpu.memory_space<vmem>>, vector<16xf32>,
        %swap3A_232 = arith.index_cast %add3A_225 : i32 to index
        %swap3A_233 = arith.constant 16 : index
        %swap3A_234 = tpu.vector_load %arg13[%swap3A_232, %swap3A_233] {strides = array<i32>} : memref<512x64xf32, #tpu.memory_space<vmem>>, vector<16xf32>,
        tpu.vector_store %arg13[%swap3A_232, %swap3A_233], %get3A_231 {strides = array<i32>} : memref<512x64xf32, #tpu.memory_space<vmem>>, vector<16xf32>,
        %get3A_235 = arith.constant 32 : index
        %get3A_236 = tpu.vector_load %arg14[%get3A_235] {strides = array<i32>} : memref<64xf32, #tpu.memory_space<vmem>>, vector<16xf32>,
        %swap3A_237 = arith.index_cast %add3A_225 : i32 to index
        %swap3A_238 = arith.constant 32 : index
        %swap3A_239 = tpu.vector_load %arg13[%swap3A_237, %swap3A_238] {strides = array<i32>} : memref<512x64xf32, #tpu.memory_space<vmem>>, vector<16xf32>,
        tpu.vector_store %arg13[%swap3A_237, %swap3A_238], %get3A_236 {strides = array<i32>} : memref<512x64xf32, #tpu.memory_space<vmem>>, vector<16xf32>,
        %get3A_240 = arith.constant 48 : index
        %get3A_241 = tpu.vector_load %arg14[%get3A_240] {strides = array<i32>} : memref<64xf32, #tpu.memory_space<vmem>>, vector<16xf32>,
        %swap3A_242 = arith.index_cast %add3A_225 : i32 to index
        %swap3A_243 = arith.constant 48 : index
        %swap3A_244 = tpu.vector_load %arg13[%swap3A_242, %swap3A_243] {strides = array<i32>} : memref<512x64xf32, #tpu.memory_space<vmem>>, vector<16xf32>,
        tpu.vector_store %arg13[%swap3A_242, %swap3A_243], %get3A_241 {strides = array<i32>} : memref<512x64xf32, #tpu.memory_space<vmem>>, vector<16xf32>,
      }
      %scan3A_102 = arith.constant 2 : i32
      %add3A_103 = arith.constant 1 : i32
      %add3A_104 = arith.addi %mul3A_67, %add3A_103 : i32
      %dma_wait3A_105 = arith.constant 0 : i32
      %dma_wait3A_106 = arith.constant 0 : i32
      %dma_wait3A_107 = tpu.memref_slice %arg3[%dma_wait3A_105, %dma_wait3A_106] : memref<100000x64xbf16, #tpu.memory_space<hbm>> -> memref<100000x64xbf16, #tpu.memory_space<hbm>>
      tpu.wait_indirect_dma semaphore(%arg16 : memref<!tpu.dma_semaphore, #tpu.memory_space<semaphore_mem>>) src(%dma_wait3A_107 : memref<100000x64xbf16, #tpu.memory_space<hbm>>) dst(%arg10 : memref<400x64xbf16, #tpu.memory_space<vmem>>)
      %add3A_108 = arith.constant 3 : i32
      %add3A_109 = arith.addi %add3A_104, %add3A_108 : i32
      %mul3A_110 = arith.constant 2 : i32
      %mul3A_111 = arith.muli %add3A_109, %mul3A_110 : i32
      %add3A_112 = arith.addi %mul3A_2, %mul3A_111 : i32
      %mul3A_113 = arith.constant 200 : i32
      %mul3A_114 = arith.muli %add3A_112, %mul3A_113 : i32
      %min3A_115 = arith.constant 3276400 : i32
      %min3A_116 = arith.minsi %mul3A_114, %min3A_115 : i32
      %dma_start3A_117 = tpu.memref_slice %arg2[%min3A_116] : memref<3276800xi32, #tpu.memory_space<hbm>> -> memref<400xi32, #tpu.memory_space<hbm>>
      %dma_start3A_118 = tpu.memref_slice %arg2[%min3A_116] : memref<3276800xi32, #tpu.memory_space<hbm>> -> memref<400xi32, #tpu.memory_space<hbm>>
      tpu.enqueue_dma source(%dma_start3A_118 : memref<400xi32, #tpu.memory_space<hbm>>) target(%arg5 : memref<400xi32, #tpu.memory_space<vmem>>) target_semaphore(%arg19 : memref<!tpu.dma_semaphore, #tpu.memory_space<semaphore_mem>>)
      %add3A_119 = arith.constant 2 : i32
      %add3A_120 = arith.addi %add3A_104, %add3A_119 : i32
      %mul3A_121 = arith.constant 2 : i32
      %mul3A_122 = arith.muli %add3A_120, %mul3A_121 : i32
      %add3A_123 = arith.addi %mul3A_2, %mul3A_122 : i32
      %mul3A_124 = arith.constant 200 : i32
      %mul3A_125 = arith.muli %add3A_123, %mul3A_124 : i32
      %min3A_126 = arith.constant 3276400 : i32
      %min3A_127 = arith.minsi %mul3A_125, %min3A_126 : i32
      %dma_wait3A_128 = tpu.memref_slice %arg2[%min3A_127] : memref<3276800xi32, #tpu.memory_space<hbm>> -> memref<400xi32, #tpu.memory_space<hbm>>
      %dma_wait3A_129 = tpu.memref_slice %arg2[%min3A_127] : memref<3276800xi32, #tpu.memory_space<hbm>> -> memref<400xi32, #tpu.memory_space<hbm>>
      tpu.wait_dma2 semaphore(%arg22 : memref<!tpu.dma_semaphore, #tpu.memory_space<semaphore_mem>>) src(%dma_wait3A_129 : memref<400xi32, #tpu.memory_space<hbm>>) dst(%arg8 : memref<400xi32, #tpu.memory_space<vmem>>)
      %dma_start3A_130 = arith.constant 0 : i32
      %dma_start3A_131 = arith.constant 0 : i32
      %dma_start3A_132 = tpu.memref_slice %arg3[%dma_start3A_130, %dma_start3A_131] : memref<100000x64xbf16, #tpu.memory_space<hbm>> -> memref<100000x64xbf16, #tpu.memory_space<hbm>>
      tpu.enqueue_indirect_dma source(%dma_start3A_132 : memref<100000x64xbf16, #tpu.memory_space<hbm>>) target(%arg12 : memref<400x64xbf16, #tpu.memory_space<vmem>>) offsets(%arg8 : memref<400xi32, #tpu.memory_space<vmem>>) semaphore(%arg18 : memref<!tpu.dma_semaphore, #tpu.memory_space<semaphore_mem>>)
      %scan3A_133 = arith.constant 0 : i32
      %scan3A_134 = arith.constant 2 : i32
      %scan3A_135 = arith.addi %scan3A_133, %scan3A_134 : i32
      %scan3A_136 = arith.constant 1 : i32
      scf.for %scan3A_208 = %scan3A_133 to %scan3A_135 step %scan3A_136  : i32 {
        %mul3A_209 = arith.constant 200 : i32
        %mul3A_210 = arith.muli %scan3A_208, %mul3A_209 : i32
        %swap3A = arith.constant 0 : index
        %swap3A_211 = tpu.vector_load %arg14[%swap3A] {strides = array<i32>} : memref<64xf32, #tpu.memory_space<vmem>>, vector<16xf32>,
        tpu.vector_store %arg14[%swap3A], %broadcast_in_dim3A_46 {strides = array<i32>} : memref<64xf32, #tpu.memory_space<vmem>>, vector<16xf32>,
        %swap3A_212 = arith.constant 16 : index
        %swap3A_213 = tpu.vector_load %arg14[%swap3A_212] {strides = array<i32>} : memref<64xf32, #tpu.memory_space<vmem>>, vector<16xf32>,
        tpu.vector_store %arg14[%swap3A_212], %broadcast_in_dim3A_46 {strides = array<i32>} : memref<64xf32, #tpu.memory_space<vmem>>, vector<16xf32>,
        %swap3A_214 = arith.constant 32 : index
        %swap3A_215 = tpu.vector_load %arg14[%swap3A_214] {strides = array<i32>} : memref<64xf32, #tpu.memory_space<vmem>>, vector<16xf32>,
        tpu.vector_store %arg14[%swap3A_214], %broadcast_in_dim3A_46 {strides = array<i32>} : memref<64xf32, #tpu.memory_space<vmem>>, vector<16xf32>,
        %swap3A_216 = arith.constant 48 : index
        %swap3A_217 = tpu.vector_load %arg14[%swap3A_216] {strides = array<i32>} : memref<64xf32, #tpu.memory_space<vmem>>, vector<16xf32>,
        tpu.vector_store %arg14[%swap3A_216], %broadcast_in_dim3A_46 {strides = array<i32>} : memref<64xf32, #tpu.memory_space<vmem>>, vector<16xf32>,
        %scan3A_218 = arith.constant 0 : i32
        %scan3A_219 = arith.constant 5 : i32
        %scan3A_220 = arith.addi %scan3A_218, %scan3A_219 : i32
        %scan3A_221 = arith.constant 1 : i32
        scf.for %scan3A_245 = %scan3A_218 to %scan3A_220 step %scan3A_221  : i32 {
          %mul3A_246 = arith.constant 40 : i32
          %mul3A_247 = arith.muli %scan3A_245, %mul3A_246 : i32
          %add3A_248 = arith.addi %mul3A_210, %mul3A_247 : i32
          %get3A_249 = arith.constant 0 : index
          %get3A_250 = tpu.vector_load %arg14[%get3A_249] {strides = array<i32>} : memref<64xf32, #tpu.memory_space<vmem>>, vector<16xf32>,
          %get3A_251 = arith.constant 16 : index
          %get3A_252 = tpu.vector_load %arg14[%get3A_251] {strides = array<i32>} : memref<64xf32, #tpu.memory_space<vmem>>, vector<16xf32>,
          %get3A_253 = arith.constant 32 : index
          %get3A_254 = tpu.vector_load %arg14[%get3A_253] {strides = array<i32>} : memref<64xf32, #tpu.memory_space<vmem>>, vector<16xf32>,
          %get3A_255 = arith.constant 48 : index
          %get3A_256 = tpu.vector_load %arg14[%get3A_255] {strides = array<i32>} : memref<64xf32, #tpu.memory_space<vmem>>, vector<16xf32>,
          %add3A_257 = arith.constant 0 : i32
          %add3A_258 = arith.addi %add3A_248, %add3A_257 : i32
          %get3A_259 = arith.index_cast %add3A_258 : i32 to index
          %get3A_260 = arith.constant 0 : index
          %get3A_261 = tpu.vector_load %arg10[%get3A_259, %get3A_260] {strides = array<i32>} : memref<400x64xbf16, #tpu.memory_space<vmem>>, vector<32xbf16>,
          %bitcast3A = vector.bitcast %get3A_261 : vector<32xbf16> to vector<16xi32>
          %add3A_262 = arith.constant 0 : i32
          %add3A_263 = arith.addi %add3A_248, %add3A_262 : i32
          %get3A_264 = arith.index_cast %add3A_263 : i32 to index
          %get3A_265 = arith.constant 32 : index
          %get3A_266 = tpu.vector_load %arg10[%get3A_264, %get3A_265] {strides = array<i32>} : memref<400x64xbf16, #tpu.memory_space<vmem>>, vector<32xbf16>,
          %bitcast3A_267 = vector.bitcast %get3A_266 : vector<32xbf16> to vector<16xi32>
          %shift_left3A = arith.constant 16 : i32
          %shift_left3A_268 = vector.broadcast %shift_left3A : i32 to vector<16xi32>
          %shift_left3A_269 = arith.shli %bitcast3A, %shift_left3A_268 : vector<16xi32>
          %bitcast3A_270 = vector.bitcast %shift_left3A_269 : vector<16xi32> to vector<16xf32>
          %add3A_271 = arith.addf %get3A_250, %bitcast3A_270 : vector<16xf32>
          %bitcast3A_272 = vector.bitcast %bitcast3A : vector<16xi32> to vector<16xf32>
          %add3A_273 = arith.addf %get3A_252, %bitcast3A_272 : vector<16xf32>
          %shift_left3A_274 = arith.constant 16 : i32
          %shift_left3A_275 = vector.broadcast %shift_left3A_274 : i32 to vector<16xi32>
          %shift_left3A_276 = arith.shli %bitcast3A_267, %shift_left3A_275 : vector<16xi32>
          %bitcast3A_277 = vector.bitcast %shift_left3A_276 : vector<16xi32> to vector<16xf32>
          %add3A_278 = arith.addf %get3A_254, %bitcast3A_277 : vector<16xf32>
          %bitcast3A_279 = vector.bitcast %bitcast3A_267 : vector<16xi32> to vector<16xf32>
          %add3A_280 = arith.addf %get3A_256, %bitcast3A_279 : vector<16xf32>
          %add3A_281 = arith.constant 1 : i32
          %add3A_282 = arith.addi %add3A_248, %add3A_281 : i32
          %get3A_283 = arith.index_cast %add3A_282 : i32 to index
          %get3A_284 = arith.constant 0 : index
          %get3A_285 = tpu.vector_load %arg10[%get3A_283, %get3A_284] {strides = array<i32>} : memref<400x64xbf16, #tpu.memory_space<vmem>>, vector<32xbf16>,
          %bitcast3A_286 = vector.bitcast %get3A_285 : vector<32xbf16> to vector<16xi32>
          %add3A_287 = arith.constant 1 : i32
          %add3A_288 = arith.addi %add3A_248, %add3A_287 : i32
          %get3A_289 = arith.index_cast %add3A_288 : i32 to index
          %get3A_290 = arith.constant 32 : index
          %get3A_291 = tpu.vector_load %arg10[%get3A_289, %get3A_290] {strides = array<i32>} : memref<400x64xbf16, #tpu.memory_space<vmem>>, vector<32xbf16>,
          %bitcast3A_292 = vector.bitcast %get3A_291 : vector<32xbf16> to vector<16xi32>
          %shift_left3A_293 = arith.constant 16 : i32
          %shift_left3A_294 = vector.broadcast %shift_left3A_293 : i32 to vector<16xi32>
          %shift_left3A_295 = arith.shli %bitcast3A_286, %shift_left3A_294 : vector<16xi32>
          %bitcast3A_296 = vector.bitcast %shift_left3A_295 : vector<16xi32> to vector<16xf32>
          %add3A_297 = arith.addf %add3A_271, %bitcast3A_296 : vector<16xf32>
          %bitcast3A_298 = vector.bitcast %bitcast3A_286 : vector<16xi32> to vector<16xf32>
          %add3A_299 = arith.addf %add3A_273, %bitcast3A_298 : vector<16xf32>
          %shift_left3A_300 = arith.constant 16 : i32
          %shift_left3A_301 = vector.broadcast %shift_left3A_300 : i32 to vector<16xi32>
          %shift_left3A_302 = arith.shli %bitcast3A_292, %shift_left3A_301 : vector<16xi32>
          %bitcast3A_303 = vector.bitcast %shift_left3A_302 : vector<16xi32> to vector<16xf32>
          %add3A_304 = arith.addf %add3A_278, %bitcast3A_303 : vector<16xf32>
          %bitcast3A_305 = vector.bitcast %bitcast3A_292 : vector<16xi32> to vector<16xf32>
          %add3A_306 = arith.addf %add3A_280, %bitcast3A_305 : vector<16xf32>
          %add3A_307 = arith.constant 2 : i32
          %add3A_308 = arith.addi %add3A_248, %add3A_307 : i32
          %get3A_309 = arith.index_cast %add3A_308 : i32 to index
          %get3A_310 = arith.constant 0 : index
          %get3A_311 = tpu.vector_load %arg10[%get3A_309, %get3A_310] {strides = array<i32>} : memref<400x64xbf16, #tpu.memory_space<vmem>>, vector<32xbf16>,
          %bitcast3A_312 = vector.bitcast %get3A_311 : vector<32xbf16> to vector<16xi32>
          %add3A_313 = arith.constant 2 : i32
          %add3A_314 = arith.addi %add3A_248, %add3A_313 : i32
          %get3A_315 = arith.index_cast %add3A_314 : i32 to index
          %get3A_316 = arith.constant 32 : index
          %get3A_317 = tpu.vector_load %arg10[%get3A_315, %get3A_316] {strides = array<i32>} : memref<400x64xbf16, #tpu.memory_space<vmem>>, vector<32xbf16>,
          %bitcast3A_318 = vector.bitcast %get3A_317 : vector<32xbf16> to vector<16xi32>
          %shift_left3A_319 = arith.constant 16 : i32
          %shift_left3A_320 = vector.broadcast %shift_left3A_319 : i32 to vector<16xi32>
          %shift_left3A_321 = arith.shli %bitcast3A_312, %shift_left3A_320 : vector<16xi32>
          %bitcast3A_322 = vector.bitcast %shift_left3A_321 : vector<16xi32> to vector<16xf32>
          %add3A_323 = arith.addf %add3A_297, %bitcast3A_322 : vector<16xf32>
          %bitcast3A_324 = vector.bitcast %bitcast3A_312 : vector<16xi32> to vector<16xf32>
          %add3A_325 = arith.addf %add3A_299, %bitcast3A_324 : vector<16xf32>
          %shift_left3A_326 = arith.constant 16 : i32
          %shift_left3A_327 = vector.broadcast %shift_left3A_326 : i32 to vector<16xi32>
          %shift_left3A_328 = arith.shli %bitcast3A_318, %shift_left3A_327 : vector<16xi32>
          %bitcast3A_329 = vector.bitcast %shift_left3A_328 : vector<16xi32> to vector<16xf32>
          %add3A_330 = arith.addf %add3A_304, %bitcast3A_329 : vector<16xf32>
          %bitcast3A_331 = vector.bitcast %bitcast3A_318 : vector<16xi32> to vector<16xf32>
          %add3A_332 = arith.addf %add3A_306, %bitcast3A_331 : vector<16xf32>
          %add3A_333 = arith.constant 3 : i32
          %add3A_334 = arith.addi %add3A_248, %add3A_333 : i32
          %get3A_335 = arith.index_cast %add3A_334 : i32 to index
          %get3A_336 = arith.constant 0 : index
          %get3A_337 = tpu.vector_load %arg10[%get3A_335, %get3A_336] {strides = array<i32>} : memref<400x64xbf16, #tpu.memory_space<vmem>>, vector<32xbf16>,
          %bitcast3A_338 = vector.bitcast %get3A_337 : vector<32xbf16> to vector<16xi32>
          %add3A_339 = arith.constant 3 : i32
          %add3A_340 = arith.addi %add3A_248, %add3A_339 : i32
          %get3A_341 = arith.index_cast %add3A_340 : i32 to index
          %get3A_342 = arith.constant 32 : index
          %get3A_343 = tpu.vector_load %arg10[%get3A_341, %get3A_342] {strides = array<i32>} : memref<400x64xbf16, #tpu.memory_space<vmem>>, vector<32xbf16>,
          %bitcast3A_344 = vector.bitcast %get3A_343 : vector<32xbf16> to vector<16xi32>
          %shift_left3A_345 = arith.constant 16 : i32
          %shift_left3A_346 = vector.broadcast %shift_left3A_345 : i32 to vector<16xi32>
          %shift_left3A_347 = arith.shli %bitcast3A_338, %shift_left3A_346 : vector<16xi32>
          %bitcast3A_348 = vector.bitcast %shift_left3A_347 : vector<16xi32> to vector<16xf32>
          %add3A_349 = arith.addf %add3A_323, %bitcast3A_348 : vector<16xf32>
          %bitcast3A_350 = vector.bitcast %bitcast3A_338 : vector<16xi32> to vector<16xf32>
          %add3A_351 = arith.addf %add3A_325, %bitcast3A_350 : vector<16xf32>
          %shift_left3A_352 = arith.constant 16 : i32
          %shift_left3A_353 = vector.broadcast %shift_left3A_352 : i32 to vector<16xi32>
          %shift_left3A_354 = arith.shli %bitcast3A_344, %shift_left3A_353 : vector<16xi32>
          %bitcast3A_355 = vector.bitcast %shift_left3A_354 : vector<16xi32> to vector<16xf32>
          %add3A_356 = arith.addf %add3A_330, %bitcast3A_355 : vector<16xf32>
          %bitcast3A_357 = vector.bitcast %bitcast3A_344 : vector<16xi32> to vector<16xf32>
          %add3A_358 = arith.addf %add3A_332, %bitcast3A_357 : vector<16xf32>
          %add3A_359 = arith.constant 4 : i32
          %add3A_360 = arith.addi %add3A_248, %add3A_359 : i32
          %get3A_361 = arith.index_cast %add3A_360 : i32 to index
          %get3A_362 = arith.constant 0 : index
          %get3A_363 = tpu.vector_load %arg10[%get3A_361, %get3A_362] {strides = array<i32>} : memref<400x64xbf16, #tpu.memory_space<vmem>>, vector<32xbf16>,
          %bitcast3A_364 = vector.bitcast %get3A_363 : vector<32xbf16> to vector<16xi32>
          %add3A_365 = arith.constant 4 : i32
          %add3A_366 = arith.addi %add3A_248, %add3A_365 : i32
          %get3A_367 = arith.index_cast %add3A_366 : i32 to index
          %get3A_368 = arith.constant 32 : index
          %get3A_369 = tpu.vector_load %arg10[%get3A_367, %get3A_368] {strides = array<i32>} : memref<400x64xbf16, #tpu.memory_space<vmem>>, vector<32xbf16>,
          %bitcast3A_370 = vector.bitcast %get3A_369 : vector<32xbf16> to vector<16xi32>
          %shift_left3A_371 = arith.constant 16 : i32
          %shift_left3A_372 = vector.broadcast %shift_left3A_371 : i32 to vector<16xi32>
          %shift_left3A_373 = arith.shli %bitcast3A_364, %shift_left3A_372 : vector<16xi32>
          %bitcast3A_374 = vector.bitcast %shift_left3A_373 : vector<16xi32> to vector<16xf32>
          %add3A_375 = arith.addf %add3A_349, %bitcast3A_374 : vector<16xf32>
          %bitcast3A_376 = vector.bitcast %bitcast3A_364 : vector<16xi32> to vector<16xf32>
          %add3A_377 = arith.addf %add3A_351, %bitcast3A_376 : vector<16xf32>
          %shift_left3A_378 = arith.constant 16 : i32
          %shift_left3A_379 = vector.broadcast %shift_left3A_378 : i32 to vector<16xi32>
          %shift_left3A_380 = arith.shli %bitcast3A_370, %shift_left3A_379 : vector<16xi32>
          %bitcast3A_381 = vector.bitcast %shift_left3A_380 : vector<16xi32> to vector<16xf32>
          %add3A_382 = arith.addf %add3A_356, %bitcast3A_381 : vector<16xf32>
          %bitcast3A_383 = vector.bitcast %bitcast3A_370 : vector<16xi32> to vector<16xf32>
          %add3A_384 = arith.addf %add3A_358, %bitcast3A_383 : vector<16xf32>
          %add3A_385 = arith.constant 5 : i32
          %add3A_386 = arith.addi %add3A_248, %add3A_385 : i32
          %get3A_387 = arith.index_cast %add3A_386 : i32 to index
          %get3A_388 = arith.constant 0 : index
          %get3A_389 = tpu.vector_load %arg10[%get3A_387, %get3A_388] {strides = array<i32>} : memref<400x64xbf16, #tpu.memory_space<vmem>>, vector<32xbf16>,
          %bitcast3A_390 = vector.bitcast %get3A_389 : vector<32xbf16> to vector<16xi32>
          %add3A_391 = arith.constant 5 : i32
          %add3A_392 = arith.addi %add3A_248, %add3A_391 : i32
          %get3A_393 = arith.index_cast %add3A_392 : i32 to index
          %get3A_394 = arith.constant 32 : index
          %get3A_395 = tpu.vector_load %arg10[%get3A_393, %get3A_394] {strides = array<i32>} : memref<400x64xbf16, #tpu.memory_space<vmem>>, vector<32xbf16>,
          %bitcast3A_396 = vector.bitcast %get3A_395 : vector<32xbf16> to vector<16xi32>
          %shift_left3A_397 = arith.constant 16 : i32
          %shift_left3A_398 = vector.broadcast %shift_left3A_397 : i32 to vector<16xi32>
          %shift_left3A_399 = arith.shli %bitcast3A_390, %shift_left3A_398 : vector<16xi32>
          %bitcast3A_400 = vector.bitcast %shift_left3A_399 : vector<16xi32> to vector<16xf32>
          %add3A_401 = arith.addf %add3A_375, %bitcast3A_400 : vector<16xf32>
          %bitcast3A_402 = vector.bitcast %bitcast3A_390 : vector<16xi32> to vector<16xf32>
          %add3A_403 = arith.addf %add3A_377, %bitcast3A_402 : vector<16xf32>
          %shift_left3A_404 = arith.constant 16 : i32
          %shift_left3A_405 = vector.broadcast %shift_left3A_404 : i32 to vector<16xi32>
          %shift_left3A_406 = arith.shli %bitcast3A_396, %shift_left3A_405 : vector<16xi32>
          %bitcast3A_407 = vector.bitcast %shift_left3A_406 : vector<16xi32> to vector<16xf32>
          %add3A_408 = arith.addf %add3A_382, %bitcast3A_407 : vector<16xf32>
          %bitcast3A_409 = vector.bitcast %bitcast3A_396 : vector<16xi32> to vector<16xf32>
          %add3A_410 = arith.addf %add3A_384, %bitcast3A_409 : vector<16xf32>
          %add3A_411 = arith.constant 6 : i32
          %add3A_412 = arith.addi %add3A_248, %add3A_411 : i32
          %get3A_413 = arith.index_cast %add3A_412 : i32 to index
          %get3A_414 = arith.constant 0 : index
          %get3A_415 = tpu.vector_load %arg10[%get3A_413, %get3A_414] {strides = array<i32>} : memref<400x64xbf16, #tpu.memory_space<vmem>>, vector<32xbf16>,
          %bitcast3A_416 = vector.bitcast %get3A_415 : vector<32xbf16> to vector<16xi32>
          %add3A_417 = arith.constant 6 : i32
          %add3A_418 = arith.addi %add3A_248, %add3A_417 : i32
          %get3A_419 = arith.index_cast %add3A_418 : i32 to index
          %get3A_420 = arith.constant 32 : index
          %get3A_421 = tpu.vector_load %arg10[%get3A_419, %get3A_420] {strides = array<i32>} : memref<400x64xbf16, #tpu.memory_space<vmem>>, vector<32xbf16>,
          %bitcast3A_422 = vector.bitcast %get3A_421 : vector<32xbf16> to vector<16xi32>
          %shift_left3A_423 = arith.constant 16 : i32
          %shift_left3A_424 = vector.broadcast %shift_left3A_423 : i32 to vector<16xi32>
          %shift_left3A_425 = arith.shli %bitcast3A_416, %shift_left3A_424 : vector<16xi32>
          %bitcast3A_426 = vector.bitcast %shift_left3A_425 : vector<16xi32> to vector<16xf32>
          %add3A_427 = arith.addf %add3A_401, %bitcast3A_426 : vector<16xf32>
          %bitcast3A_428 = vector.bitcast %bitcast3A_416 : vector<16xi32> to vector<16xf32>
          %add3A_429 = arith.addf %add3A_403, %bitcast3A_428 : vector<16xf32>
          %shift_left3A_430 = arith.constant 16 : i32
          %shift_left3A_431 = vector.broadcast %shift_left3A_430 : i32 to vector<16xi32>
          %shift_left3A_432 = arith.shli %bitcast3A_422, %shift_left3A_431 : vector<16xi32>
          %bitcast3A_433 = vector.bitcast %shift_left3A_432 : vector<16xi32> to vector<16xf32>
          %add3A_434 = arith.addf %add3A_408, %bitcast3A_433 : vector<16xf32>
          %bitcast3A_435 = vector.bitcast %bitcast3A_422 : vector<16xi32> to vector<16xf32>
          %add3A_436 = arith.addf %add3A_410, %bitcast3A_435 : vector<16xf32>
          %add3A_437 = arith.constant 7 : i32
          %add3A_438 = arith.addi %add3A_248, %add3A_437 : i32
          %get3A_439 = arith.index_cast %add3A_438 : i32 to index
          %get3A_440 = arith.constant 0 : index
          %get3A_441 = tpu.vector_load %arg10[%get3A_439, %get3A_440] {strides = array<i32>} : memref<400x64xbf16, #tpu.memory_space<vmem>>, vector<32xbf16>,
          %bitcast3A_442 = vector.bitcast %get3A_441 : vector<32xbf16> to vector<16xi32>
          %add3A_443 = arith.constant 7 : i32
          %add3A_444 = arith.addi %add3A_248, %add3A_443 : i32
          %get3A_445 = arith.index_cast %add3A_444 : i32 to index
          %get3A_446 = arith.constant 32 : index
          %get3A_447 = tpu.vector_load %arg10[%get3A_445, %get3A_446] {strides = array<i32>} : memref<400x64xbf16, #tpu.memory_space<vmem>>, vector<32xbf16>,
          %bitcast3A_448 = vector.bitcast %get3A_447 : vector<32xbf16> to vector<16xi32>
          %shift_left3A_449 = arith.constant 16 : i32
          %shift_left3A_450 = vector.broadcast %shift_left3A_449 : i32 to vector<16xi32>
          %shift_left3A_451 = arith.shli %bitcast3A_442, %shift_left3A_450 : vector<16xi32>
          %bitcast3A_452 = vector.bitcast %shift_left3A_451 : vector<16xi32> to vector<16xf32>
          %add3A_453 = arith.addf %add3A_427, %bitcast3A_452 : vector<16xf32>
          %bitcast3A_454 = vector.bitcast %bitcast3A_442 : vector<16xi32> to vector<16xf32>
          %add3A_455 = arith.addf %add3A_429, %bitcast3A_454 : vector<16xf32>
          %shift_left3A_456 = arith.constant 16 : i32
          %shift_left3A_457 = vector.broadcast %shift_left3A_456 : i32 to vector<16xi32>
          %shift_left3A_458 = arith.shli %bitcast3A_448, %shift_left3A_457 : vector<16xi32>
          %bitcast3A_459 = vector.bitcast %shift_left3A_458 : vector<16xi32> to vector<16xf32>
          %add3A_460 = arith.addf %add3A_434, %bitcast3A_459 : vector<16xf32>
          %bitcast3A_461 = vector.bitcast %bitcast3A_448 : vector<16xi32> to vector<16xf32>
          %add3A_462 = arith.addf %add3A_436, %bitcast3A_461 : vector<16xf32>
          %add3A_463 = arith.constant 8 : i32
          %add3A_464 = arith.addi %add3A_248, %add3A_463 : i32
          %get3A_465 = arith.index_cast %add3A_464 : i32 to index
          %get3A_466 = arith.constant 0 : index
          %get3A_467 = tpu.vector_load %arg10[%get3A_465, %get3A_466] {strides = array<i32>} : memref<400x64xbf16, #tpu.memory_space<vmem>>, vector<32xbf16>,
          %bitcast3A_468 = vector.bitcast %get3A_467 : vector<32xbf16> to vector<16xi32>
          %add3A_469 = arith.constant 8 : i32
          %add3A_470 = arith.addi %add3A_248, %add3A_469 : i32
          %get3A_471 = arith.index_cast %add3A_470 : i32 to index
          %get3A_472 = arith.constant 32 : index
          %get3A_473 = tpu.vector_load %arg10[%get3A_471, %get3A_472] {strides = array<i32>} : memref<400x64xbf16, #tpu.memory_space<vmem>>, vector<32xbf16>,
          %bitcast3A_474 = vector.bitcast %get3A_473 : vector<32xbf16> to vector<16xi32>
          %shift_left3A_475 = arith.constant 16 : i32
          %shift_left3A_476 = vector.broadcast %shift_left3A_475 : i32 to vector<16xi32>
          %shift_left3A_477 = arith.shli %bitcast3A_468, %shift_left3A_476 : vector<16xi32>
          %bitcast3A_478 = vector.bitcast %shift_left3A_477 : vector<16xi32> to vector<16xf32>
          %add3A_479 = arith.addf %add3A_453, %bitcast3A_478 : vector<16xf32>
          %bitcast3A_480 = vector.bitcast %bitcast3A_468 : vector<16xi32> to vector<16xf32>
          %add3A_481 = arith.addf %add3A_455, %bitcast3A_480 : vector<16xf32>
          %shift_left3A_482 = arith.constant 16 : i32
          %shift_left3A_483 = vector.broadcast %shift_left3A_482 : i32 to vector<16xi32>
          %shift_left3A_484 = arith.shli %bitcast3A_474, %shift_left3A_483 : vector<16xi32>
          %bitcast3A_485 = vector.bitcast %shift_left3A_484 : vector<16xi32> to vector<16xf32>
          %add3A_486 = arith.addf %add3A_460, %bitcast3A_485 : vector<16xf32>
          %bitcast3A_487 = vector.bitcast %bitcast3A_474 : vector<16xi32> to vector<16xf32>
          %add3A_488 = arith.addf %add3A_462, %bitcast3A_487 : vector<16xf32>
          %add3A_489 = arith.constant 9 : i32
          %add3A_490 = arith.addi %add3A_248, %add3A_489 : i32
          %get3A_491 = arith.index_cast %add3A_490 : i32 to index
          %get3A_492 = arith.constant 0 : index
          %get3A_493 = tpu.vector_load %arg10[%get3A_491, %get3A_492] {strides = array<i32>} : memref<400x64xbf16, #tpu.memory_space<vmem>>, vector<32xbf16>,
          %bitcast3A_494 = vector.bitcast %get3A_493 : vector<32xbf16> to vector<16xi32>
          %add3A_495 = arith.constant 9 : i32
          %add3A_496 = arith.addi %add3A_248, %add3A_495 : i32
          %get3A_497 = arith.index_cast %add3A_496 : i32 to index
          %get3A_498 = arith.constant 32 : index
          %get3A_499 = tpu.vector_load %arg10[%get3A_497, %get3A_498] {strides = array<i32>} : memref<400x64xbf16, #tpu.memory_space<vmem>>, vector<32xbf16>,
          %bitcast3A_500 = vector.bitcast %get3A_499 : vector<32xbf16> to vector<16xi32>
          %shift_left3A_501 = arith.constant 16 : i32
          %shift_left3A_502 = vector.broadcast %shift_left3A_501 : i32 to vector<16xi32>
          %shift_left3A_503 = arith.shli %bitcast3A_494, %shift_left3A_502 : vector<16xi32>
          %bitcast3A_504 = vector.bitcast %shift_left3A_503 : vector<16xi32> to vector<16xf32>
          %add3A_505 = arith.addf %add3A_479, %bitcast3A_504 : vector<16xf32>
          %bitcast3A_506 = vector.bitcast %bitcast3A_494 : vector<16xi32> to vector<16xf32>
          %add3A_507 = arith.addf %add3A_481, %bitcast3A_506 : vector<16xf32>
          %shift_left3A_508 = arith.constant 16 : i32
          %shift_left3A_509 = vector.broadcast %shift_left3A_508 : i32 to vector<16xi32>
          %shift_left3A_510 = arith.shli %bitcast3A_500, %shift_left3A_509 : vector<16xi32>
          %bitcast3A_511 = vector.bitcast %shift_left3A_510 : vector<16xi32> to vector<16xf32>
          %add3A_512 = arith.addf %add3A_486, %bitcast3A_511 : vector<16xf32>
          %bitcast3A_513 = vector.bitcast %bitcast3A_500 : vector<16xi32> to vector<16xf32>
          %add3A_514 = arith.addf %add3A_488, %bitcast3A_513 : vector<16xf32>
          %add3A_515 = arith.constant 10 : i32
          %add3A_516 = arith.addi %add3A_248, %add3A_515 : i32
          %get3A_517 = arith.index_cast %add3A_516 : i32 to index
          %get3A_518 = arith.constant 0 : index
          %get3A_519 = tpu.vector_load %arg10[%get3A_517, %get3A_518] {strides = array<i32>} : memref<400x64xbf16, #tpu.memory_space<vmem>>, vector<32xbf16>,
          %bitcast3A_520 = vector.bitcast %get3A_519 : vector<32xbf16> to vector<16xi32>
          %add3A_521 = arith.constant 10 : i32
          %add3A_522 = arith.addi %add3A_248, %add3A_521 : i32
          %get3A_523 = arith.index_cast %add3A_522 : i32 to index
          %get3A_524 = arith.constant 32 : index
          %get3A_525 = tpu.vector_load %arg10[%get3A_523, %get3A_524] {strides = array<i32>} : memref<400x64xbf16, #tpu.memory_space<vmem>>, vector<32xbf16>,
          %bitcast3A_526 = vector.bitcast %get3A_525 : vector<32xbf16> to vector<16xi32>
          %shift_left3A_527 = arith.constant 16 : i32
          %shift_left3A_528 = vector.broadcast %shift_left3A_527 : i32 to vector<16xi32>
          %shift_left3A_529 = arith.shli %bitcast3A_520, %shift_left3A_528 : vector<16xi32>
          %bitcast3A_530 = vector.bitcast %shift_left3A_529 : vector<16xi32> to vector<16xf32>
          %add3A_531 = arith.addf %add3A_505, %bitcast3A_530 : vector<16xf32>
          %bitcast3A_532 = vector.bitcast %bitcast3A_520 : vector<16xi32> to vector<16xf32>
          %add3A_533 = arith.addf %add3A_507, %bitcast3A_532 : vector<16xf32>
          %shift_left3A_534 = arith.constant 16 : i32
          %shift_left3A_535 = vector.broadcast %shift_left3A_534 : i32 to vector<16xi32>
          %shift_left3A_536 = arith.shli %bitcast3A_526, %shift_left3A_535 : vector<16xi32>
          %bitcast3A_537 = vector.bitcast %shift_left3A_536 : vector<16xi32> to vector<16xf32>
          %add3A_538 = arith.addf %add3A_512, %bitcast3A_537 : vector<16xf32>
          %bitcast3A_539 = vector.bitcast %bitcast3A_526 : vector<16xi32> to vector<16xf32>
          %add3A_540 = arith.addf %add3A_514, %bitcast3A_539 : vector<16xf32>
          %add3A_541 = arith.constant 11 : i32
          %add3A_542 = arith.addi %add3A_248, %add3A_541 : i32
          %get3A_543 = arith.index_cast %add3A_542 : i32 to index
          %get3A_544 = arith.constant 0 : index
          %get3A_545 = tpu.vector_load %arg10[%get3A_543, %get3A_544] {strides = array<i32>} : memref<400x64xbf16, #tpu.memory_space<vmem>>, vector<32xbf16>,
          %bitcast3A_546 = vector.bitcast %get3A_545 : vector<32xbf16> to vector<16xi32>
          %add3A_547 = arith.constant 11 : i32
          %add3A_548 = arith.addi %add3A_248, %add3A_547 : i32
          %get3A_549 = arith.index_cast %add3A_548 : i32 to index
          %get3A_550 = arith.constant 32 : index
          %get3A_551 = tpu.vector_load %arg10[%get3A_549, %get3A_550] {strides = array<i32>} : memref<400x64xbf16, #tpu.memory_space<vmem>>, vector<32xbf16>,
          %bitcast3A_552 = vector.bitcast %get3A_551 : vector<32xbf16> to vector<16xi32>
          %shift_left3A_553 = arith.constant 16 : i32
          %shift_left3A_554 = vector.broadcast %shift_left3A_553 : i32 to vector<16xi32>
          %shift_left3A_555 = arith.shli %bitcast3A_546, %shift_left3A_554 : vector<16xi32>
          %bitcast3A_556 = vector.bitcast %shift_left3A_555 : vector<16xi32> to vector<16xf32>
          %add3A_557 = arith.addf %add3A_531, %bitcast3A_556 : vector<16xf32>
          %bitcast3A_558 = vector.bitcast %bitcast3A_546 : vector<16xi32> to vector<16xf32>
          %add3A_559 = arith.addf %add3A_533, %bitcast3A_558 : vector<16xf32>
          %shift_left3A_560 = arith.constant 16 : i32
          %shift_left3A_561 = vector.broadcast %shift_left3A_560 : i32 to vector<16xi32>
          %shift_left3A_562 = arith.shli %bitcast3A_552, %shift_left3A_561 : vector<16xi32>
          %bitcast3A_563 = vector.bitcast %shift_left3A_562 : vector<16xi32> to vector<16xf32>
          %add3A_564 = arith.addf %add3A_538, %bitcast3A_563 : vector<16xf32>
          %bitcast3A_565 = vector.bitcast %bitcast3A_552 : vector<16xi32> to vector<16xf32>
          %add3A_566 = arith.addf %add3A_540, %bitcast3A_565 : vector<16xf32>
          %add3A_567 = arith.constant 12 : i32
          %add3A_568 = arith.addi %add3A_248, %add3A_567 : i32
          %get3A_569 = arith.index_cast %add3A_568 : i32 to index
          %get3A_570 = arith.constant 0 : index
          %get3A_571 = tpu.vector_load %arg10[%get3A_569, %get3A_570] {strides = array<i32>} : memref<400x64xbf16, #tpu.memory_space<vmem>>, vector<32xbf16>,
          %bitcast3A_572 = vector.bitcast %get3A_571 : vector<32xbf16> to vector<16xi32>
          %add3A_573 = arith.constant 12 : i32
          %add3A_574 = arith.addi %add3A_248, %add3A_573 : i32
          %get3A_575 = arith.index_cast %add3A_574 : i32 to index
          %get3A_576 = arith.constant 32 : index
          %get3A_577 = tpu.vector_load %arg10[%get3A_575, %get3A_576] {strides = array<i32>} : memref<400x64xbf16, #tpu.memory_space<vmem>>, vector<32xbf16>,
          %bitcast3A_578 = vector.bitcast %get3A_577 : vector<32xbf16> to vector<16xi32>
          %shift_left3A_579 = arith.constant 16 : i32
          %shift_left3A_580 = vector.broadcast %shift_left3A_579 : i32 to vector<16xi32>
          %shift_left3A_581 = arith.shli %bitcast3A_572, %shift_left3A_580 : vector<16xi32>
          %bitcast3A_582 = vector.bitcast %shift_left3A_581 : vector<16xi32> to vector<16xf32>
          %add3A_583 = arith.addf %add3A_557, %bitcast3A_582 : vector<16xf32>
          %bitcast3A_584 = vector.bitcast %bitcast3A_572 : vector<16xi32> to vector<16xf32>
          %add3A_585 = arith.addf %add3A_559, %bitcast3A_584 : vector<16xf32>
          %shift_left3A_586 = arith.constant 16 : i32
          %shift_left3A_587 = vector.broadcast %shift_left3A_586 : i32 to vector<16xi32>
          %shift_left3A_588 = arith.shli %bitcast3A_578, %shift_left3A_587 : vector<16xi32>
          %bitcast3A_589 = vector.bitcast %shift_left3A_588 : vector<16xi32> to vector<16xf32>
          %add3A_590 = arith.addf %add3A_564, %bitcast3A_589 : vector<16xf32>
          %bitcast3A_591 = vector.bitcast %bitcast3A_578 : vector<16xi32> to vector<16xf32>
          %add3A_592 = arith.addf %add3A_566, %bitcast3A_591 : vector<16xf32>
          %add3A_593 = arith.constant 13 : i32
          %add3A_594 = arith.addi %add3A_248, %add3A_593 : i32
          %get3A_595 = arith.index_cast %add3A_594 : i32 to index
          %get3A_596 = arith.constant 0 : index
          %get3A_597 = tpu.vector_load %arg10[%get3A_595, %get3A_596] {strides = array<i32>} : memref<400x64xbf16, #tpu.memory_space<vmem>>, vector<32xbf16>,
          %bitcast3A_598 = vector.bitcast %get3A_597 : vector<32xbf16> to vector<16xi32>
          %add3A_599 = arith.constant 13 : i32
          %add3A_600 = arith.addi %add3A_248, %add3A_599 : i32
          %get3A_601 = arith.index_cast %add3A_600 : i32 to index
          %get3A_602 = arith.constant 32 : index
          %get3A_603 = tpu.vector_load %arg10[%get3A_601, %get3A_602] {strides = array<i32>} : memref<400x64xbf16, #tpu.memory_space<vmem>>, vector<32xbf16>,
          %bitcast3A_604 = vector.bitcast %get3A_603 : vector<32xbf16> to vector<16xi32>
          %shift_left3A_605 = arith.constant 16 : i32
          %shift_left3A_606 = vector.broadcast %shift_left3A_605 : i32 to vector<16xi32>
          %shift_left3A_607 = arith.shli %bitcast3A_598, %shift_left3A_606 : vector<16xi32>
          %bitcast3A_608 = vector.bitcast %shift_left3A_607 : vector<16xi32> to vector<16xf32>
          %add3A_609 = arith.addf %add3A_583, %bitcast3A_608 : vector<16xf32>
          %bitcast3A_610 = vector.bitcast %bitcast3A_598 : vector<16xi32> to vector<16xf32>
          %add3A_611 = arith.addf %add3A_585, %bitcast3A_610 : vector<16xf32>
          %shift_left3A_612 = arith.constant 16 : i32
          %shift_left3A_613 = vector.broadcast %shift_left3A_612 : i32 to vector<16xi32>
          %shift_left3A_614 = arith.shli %bitcast3A_604, %shift_left3A_613 : vector<16xi32>
          %bitcast3A_615 = vector.bitcast %shift_left3A_614 : vector<16xi32> to vector<16xf32>
          %add3A_616 = arith.addf %add3A_590, %bitcast3A_615 : vector<16xf32>
          %bitcast3A_617 = vector.bitcast %bitcast3A_604 : vector<16xi32> to vector<16xf32>
          %add3A_618 = arith.addf %add3A_592, %bitcast3A_617 : vector<16xf32>
          %add3A_619 = arith.constant 14 : i32
          %add3A_620 = arith.addi %add3A_248, %add3A_619 : i32
          %get3A_621 = arith.index_cast %add3A_620 : i32 to index
          %get3A_622 = arith.constant 0 : index
          %get3A_623 = tpu.vector_load %arg10[%get3A_621, %get3A_622] {strides = array<i32>} : memref<400x64xbf16, #tpu.memory_space<vmem>>, vector<32xbf16>,
          %bitcast3A_624 = vector.bitcast %get3A_623 : vector<32xbf16> to vector<16xi32>
          %add3A_625 = arith.constant 14 : i32
          %add3A_626 = arith.addi %add3A_248, %add3A_625 : i32
          %get3A_627 = arith.index_cast %add3A_626 : i32 to index
          %get3A_628 = arith.constant 32 : index
          %get3A_629 = tpu.vector_load %arg10[%get3A_627, %get3A_628] {strides = array<i32>} : memref<400x64xbf16, #tpu.memory_space<vmem>>, vector<32xbf16>,
          %bitcast3A_630 = vector.bitcast %get3A_629 : vector<32xbf16> to vector<16xi32>
          %shift_left3A_631 = arith.constant 16 : i32
          %shift_left3A_632 = vector.broadcast %shift_left3A_631 : i32 to vector<16xi32>
          %shift_left3A_633 = arith.shli %bitcast3A_624, %shift_left3A_632 : vector<16xi32>
          %bitcast3A_634 = vector.bitcast %shift_left3A_633 : vector<16xi32> to vector<16xf32>
          %add3A_635 = arith.addf %add3A_609, %bitcast3A_634 : vector<16xf32>
          %bitcast3A_636 = vector.bitcast %bitcast3A_624 : vector<16xi32> to vector<16xf32>
          %add3A_637 = arith.addf %add3A_611, %bitcast3A_636 : vector<16xf32>
          %shift_left3A_638 = arith.constant 16 : i32
          %shift_left3A_639 = vector.broadcast %shift_left3A_638 : i32 to vector<16xi32>
          %shift_left3A_640 = arith.shli %bitcast3A_630, %shift_left3A_639 : vector<16xi32>
          %bitcast3A_641 = vector.bitcast %shift_left3A_640 : vector<16xi32> to vector<16xf32>
          %add3A_642 = arith.addf %add3A_616, %bitcast3A_641 : vector<16xf32>
          %bitcast3A_643 = vector.bitcast %bitcast3A_630 : vector<16xi32> to vector<16xf32>
          %add3A_644 = arith.addf %add3A_618, %bitcast3A_643 : vector<16xf32>
          %add3A_645 = arith.constant 15 : i32
          %add3A_646 = arith.addi %add3A_248, %add3A_645 : i32
          %get3A_647 = arith.index_cast %add3A_646 : i32 to index
          %get3A_648 = arith.constant 0 : index
          %get3A_649 = tpu.vector_load %arg10[%get3A_647, %get3A_648] {strides = array<i32>} : memref<400x64xbf16, #tpu.memory_space<vmem>>, vector<32xbf16>,
          %bitcast3A_650 = vector.bitcast %get3A_649 : vector<32xbf16> to vector<16xi32>
          %add3A_651 = arith.constant 15 : i32
          %add3A_652 = arith.addi %add3A_248, %add3A_651 : i32
          %get3A_653 = arith.index_cast %add3A_652 : i32 to index
          %get3A_654 = arith.constant 32 : index
          %get3A_655 = tpu.vector_load %arg10[%get3A_653, %get3A_654] {strides = array<i32>} : memref<400x64xbf16, #tpu.memory_space<vmem>>, vector<32xbf16>,
          %bitcast3A_656 = vector.bitcast %get3A_655 : vector<32xbf16> to vector<16xi32>
          %shift_left3A_657 = arith.constant 16 : i32
          %shift_left3A_658 = vector.broadcast %shift_left3A_657 : i32 to vector<16xi32>
          %shift_left3A_659 = arith.shli %bitcast3A_650, %shift_left3A_658 : vector<16xi32>
          %bitcast3A_660 = vector.bitcast %shift_left3A_659 : vector<16xi32> to vector<16xf32>
          %add3A_661 = arith.addf %add3A_635, %bitcast3A_660 : vector<16xf32>
          %bitcast3A_662 = vector.bitcast %bitcast3A_650 : vector<16xi32> to vector<16xf32>
          %add3A_663 = arith.addf %add3A_637, %bitcast3A_662 : vector<16xf32>
          %shift_left3A_664 = arith.constant 16 : i32
          %shift_left3A_665 = vector.broadcast %shift_left3A_664 : i32 to vector<16xi32>
          %shift_left3A_666 = arith.shli %bitcast3A_656, %shift_left3A_665 : vector<16xi32>
          %bitcast3A_667 = vector.bitcast %shift_left3A_666 : vector<16xi32> to vector<16xf32>
          %add3A_668 = arith.addf %add3A_642, %bitcast3A_667 : vector<16xf32>
          %bitcast3A_669 = vector.bitcast %bitcast3A_656 : vector<16xi32> to vector<16xf32>
          %add3A_670 = arith.addf %add3A_644, %bitcast3A_669 : vector<16xf32>
          %add3A_671 = arith.constant 16 : i32
          %add3A_672 = arith.addi %add3A_248, %add3A_671 : i32
          %get3A_673 = arith.index_cast %add3A_672 : i32 to index
          %get3A_674 = arith.constant 0 : index
          %get3A_675 = tpu.vector_load %arg10[%get3A_673, %get3A_674] {strides = array<i32>} : memref<400x64xbf16, #tpu.memory_space<vmem>>, vector<32xbf16>,
          %bitcast3A_676 = vector.bitcast %get3A_675 : vector<32xbf16> to vector<16xi32>
          %add3A_677 = arith.constant 16 : i32
          %add3A_678 = arith.addi %add3A_248, %add3A_677 : i32
          %get3A_679 = arith.index_cast %add3A_678 : i32 to index
          %get3A_680 = arith.constant 32 : index
          %get3A_681 = tpu.vector_load %arg10[%get3A_679, %get3A_680] {strides = array<i32>} : memref<400x64xbf16, #tpu.memory_space<vmem>>, vector<32xbf16>,
          %bitcast3A_682 = vector.bitcast %get3A_681 : vector<32xbf16> to vector<16xi32>
          %shift_left3A_683 = arith.constant 16 : i32
          %shift_left3A_684 = vector.broadcast %shift_left3A_683 : i32 to vector<16xi32>
          %shift_left3A_685 = arith.shli %bitcast3A_676, %shift_left3A_684 : vector<16xi32>
          %bitcast3A_686 = vector.bitcast %shift_left3A_685 : vector<16xi32> to vector<16xf32>
          %add3A_687 = arith.addf %add3A_661, %bitcast3A_686 : vector<16xf32>
          %bitcast3A_688 = vector.bitcast %bitcast3A_676 : vector<16xi32> to vector<16xf32>
          %add3A_689 = arith.addf %add3A_663, %bitcast3A_688 : vector<16xf32>
          %shift_left3A_690 = arith.constant 16 : i32
          %shift_left3A_691 = vector.broadcast %shift_left3A_690 : i32 to vector<16xi32>
          %shift_left3A_692 = arith.shli %bitcast3A_682, %shift_left3A_691 : vector<16xi32>
          %bitcast3A_693 = vector.bitcast %shift_left3A_692 : vector<16xi32> to vector<16xf32>
          %add3A_694 = arith.addf %add3A_668, %bitcast3A_693 : vector<16xf32>
          %bitcast3A_695 = vector.bitcast %bitcast3A_682 : vector<16xi32> to vector<16xf32>
          %add3A_696 = arith.addf %add3A_670, %bitcast3A_695 : vector<16xf32>
          %add3A_697 = arith.constant 17 : i32
          %add3A_698 = arith.addi %add3A_248, %add3A_697 : i32
          %get3A_699 = arith.index_cast %add3A_698 : i32 to index
          %get3A_700 = arith.constant 0 : index
          %get3A_701 = tpu.vector_load %arg10[%get3A_699, %get3A_700] {strides = array<i32>} : memref<400x64xbf16, #tpu.memory_space<vmem>>, vector<32xbf16>,
          %bitcast3A_702 = vector.bitcast %get3A_701 : vector<32xbf16> to vector<16xi32>
          %add3A_703 = arith.constant 17 : i32
          %add3A_704 = arith.addi %add3A_248, %add3A_703 : i32
          %get3A_705 = arith.index_cast %add3A_704 : i32 to index
          %get3A_706 = arith.constant 32 : index
          %get3A_707 = tpu.vector_load %arg10[%get3A_705, %get3A_706] {strides = array<i32>} : memref<400x64xbf16, #tpu.memory_space<vmem>>, vector<32xbf16>,
          %bitcast3A_708 = vector.bitcast %get3A_707 : vector<32xbf16> to vector<16xi32>
          %shift_left3A_709 = arith.constant 16 : i32
          %shift_left3A_710 = vector.broadcast %shift_left3A_709 : i32 to vector<16xi32>
          %shift_left3A_711 = arith.shli %bitcast3A_702, %shift_left3A_710 : vector<16xi32>
          %bitcast3A_712 = vector.bitcast %shift_left3A_711 : vector<16xi32> to vector<16xf32>
          %add3A_713 = arith.addf %add3A_687, %bitcast3A_712 : vector<16xf32>
          %bitcast3A_714 = vector.bitcast %bitcast3A_702 : vector<16xi32> to vector<16xf32>
          %add3A_715 = arith.addf %add3A_689, %bitcast3A_714 : vector<16xf32>
          %shift_left3A_716 = arith.constant 16 : i32
          %shift_left3A_717 = vector.broadcast %shift_left3A_716 : i32 to vector<16xi32>
          %shift_left3A_718 = arith.shli %bitcast3A_708, %shift_left3A_717 : vector<16xi32>
          %bitcast3A_719 = vector.bitcast %shift_left3A_718 : vector<16xi32> to vector<16xf32>
          %add3A_720 = arith.addf %add3A_694, %bitcast3A_719 : vector<16xf32>
          %bitcast3A_721 = vector.bitcast %bitcast3A_708 : vector<16xi32> to vector<16xf32>
          %add3A_722 = arith.addf %add3A_696, %bitcast3A_721 : vector<16xf32>
          %add3A_723 = arith.constant 18 : i32
          %add3A_724 = arith.addi %add3A_248, %add3A_723 : i32
          %get3A_725 = arith.index_cast %add3A_724 : i32 to index
          %get3A_726 = arith.constant 0 : index
          %get3A_727 = tpu.vector_load %arg10[%get3A_725, %get3A_726] {strides = array<i32>} : memref<400x64xbf16, #tpu.memory_space<vmem>>, vector<32xbf16>,
          %bitcast3A_728 = vector.bitcast %get3A_727 : vector<32xbf16> to vector<16xi32>
          %add3A_729 = arith.constant 18 : i32
          %add3A_730 = arith.addi %add3A_248, %add3A_729 : i32
          %get3A_731 = arith.index_cast %add3A_730 : i32 to index
          %get3A_732 = arith.constant 32 : index
          %get3A_733 = tpu.vector_load %arg10[%get3A_731, %get3A_732] {strides = array<i32>} : memref<400x64xbf16, #tpu.memory_space<vmem>>, vector<32xbf16>,
          %bitcast3A_734 = vector.bitcast %get3A_733 : vector<32xbf16> to vector<16xi32>
          %shift_left3A_735 = arith.constant 16 : i32
          %shift_left3A_736 = vector.broadcast %shift_left3A_735 : i32 to vector<16xi32>
          %shift_left3A_737 = arith.shli %bitcast3A_728, %shift_left3A_736 : vector<16xi32>
          %bitcast3A_738 = vector.bitcast %shift_left3A_737 : vector<16xi32> to vector<16xf32>
          %add3A_739 = arith.addf %add3A_713, %bitcast3A_738 : vector<16xf32>
          %bitcast3A_740 = vector.bitcast %bitcast3A_728 : vector<16xi32> to vector<16xf32>
          %add3A_741 = arith.addf %add3A_715, %bitcast3A_740 : vector<16xf32>
          %shift_left3A_742 = arith.constant 16 : i32
          %shift_left3A_743 = vector.broadcast %shift_left3A_742 : i32 to vector<16xi32>
          %shift_left3A_744 = arith.shli %bitcast3A_734, %shift_left3A_743 : vector<16xi32>
          %bitcast3A_745 = vector.bitcast %shift_left3A_744 : vector<16xi32> to vector<16xf32>
          %add3A_746 = arith.addf %add3A_720, %bitcast3A_745 : vector<16xf32>
          %bitcast3A_747 = vector.bitcast %bitcast3A_734 : vector<16xi32> to vector<16xf32>
          %add3A_748 = arith.addf %add3A_722, %bitcast3A_747 : vector<16xf32>
          %add3A_749 = arith.constant 19 : i32
          %add3A_750 = arith.addi %add3A_248, %add3A_749 : i32
          %get3A_751 = arith.index_cast %add3A_750 : i32 to index
          %get3A_752 = arith.constant 0 : index
          %get3A_753 = tpu.vector_load %arg10[%get3A_751, %get3A_752] {strides = array<i32>} : memref<400x64xbf16, #tpu.memory_space<vmem>>, vector<32xbf16>,
          %bitcast3A_754 = vector.bitcast %get3A_753 : vector<32xbf16> to vector<16xi32>
          %add3A_755 = arith.constant 19 : i32
          %add3A_756 = arith.addi %add3A_248, %add3A_755 : i32
          %get3A_757 = arith.index_cast %add3A_756 : i32 to index
          %get3A_758 = arith.constant 32 : index
          %get3A_759 = tpu.vector_load %arg10[%get3A_757, %get3A_758] {strides = array<i32>} : memref<400x64xbf16, #tpu.memory_space<vmem>>, vector<32xbf16>,
          %bitcast3A_760 = vector.bitcast %get3A_759 : vector<32xbf16> to vector<16xi32>
          %shift_left3A_761 = arith.constant 16 : i32
          %shift_left3A_762 = vector.broadcast %shift_left3A_761 : i32 to vector<16xi32>
          %shift_left3A_763 = arith.shli %bitcast3A_754, %shift_left3A_762 : vector<16xi32>
          %bitcast3A_764 = vector.bitcast %shift_left3A_763 : vector<16xi32> to vector<16xf32>
          %add3A_765 = arith.addf %add3A_739, %bitcast3A_764 : vector<16xf32>
          %bitcast3A_766 = vector.bitcast %bitcast3A_754 : vector<16xi32> to vector<16xf32>
          %add3A_767 = arith.addf %add3A_741, %bitcast3A_766 : vector<16xf32>
          %shift_left3A_768 = arith.constant 16 : i32
          %shift_left3A_769 = vector.broadcast %shift_left3A_768 : i32 to vector<16xi32>
          %shift_left3A_770 = arith.shli %bitcast3A_760, %shift_left3A_769 : vector<16xi32>
          %bitcast3A_771 = vector.bitcast %shift_left3A_770 : vector<16xi32> to vector<16xf32>
          %add3A_772 = arith.addf %add3A_746, %bitcast3A_771 : vector<16xf32>
          %bitcast3A_773 = vector.bitcast %bitcast3A_760 : vector<16xi32> to vector<16xf32>
          %add3A_774 = arith.addf %add3A_748, %bitcast3A_773 : vector<16xf32>
          %add3A_775 = arith.constant 20 : i32
          %add3A_776 = arith.addi %add3A_248, %add3A_775 : i32
          %get3A_777 = arith.index_cast %add3A_776 : i32 to index
          %get3A_778 = arith.constant 0 : index
          %get3A_779 = tpu.vector_load %arg10[%get3A_777, %get3A_778] {strides = array<i32>} : memref<400x64xbf16, #tpu.memory_space<vmem>>, vector<32xbf16>,
          %bitcast3A_780 = vector.bitcast %get3A_779 : vector<32xbf16> to vector<16xi32>
          %add3A_781 = arith.constant 20 : i32
          %add3A_782 = arith.addi %add3A_248, %add3A_781 : i32
          %get3A_783 = arith.index_cast %add3A_782 : i32 to index
          %get3A_784 = arith.constant 32 : index
          %get3A_785 = tpu.vector_load %arg10[%get3A_783, %get3A_784] {strides = array<i32>} : memref<400x64xbf16, #tpu.memory_space<vmem>>, vector<32xbf16>,
          %bitcast3A_786 = vector.bitcast %get3A_785 : vector<32xbf16> to vector<16xi32>
          %shift_left3A_787 = arith.constant 16 : i32
          %shift_left3A_788 = vector.broadcast %shift_left3A_787 : i32 to vector<16xi32>
          %shift_left3A_789 = arith.shli %bitcast3A_780, %shift_left3A_788 : vector<16xi32>
          %bitcast3A_790 = vector.bitcast %shift_left3A_789 : vector<16xi32> to vector<16xf32>
          %add3A_791 = arith.addf %add3A_765, %bitcast3A_790 : vector<16xf32>
          %bitcast3A_792 = vector.bitcast %bitcast3A_780 : vector<16xi32> to vector<16xf32>
          %add3A_793 = arith.addf %add3A_767, %bitcast3A_792 : vector<16xf32>
          %shift_left3A_794 = arith.constant 16 : i32
          %shift_left3A_795 = vector.broadcast %shift_left3A_794 : i32 to vector<16xi32>
          %shift_left3A_796 = arith.shli %bitcast3A_786, %shift_left3A_795 : vector<16xi32>
          %bitcast3A_797 = vector.bitcast %shift_left3A_796 : vector<16xi32> to vector<16xf32>
          %add3A_798 = arith.addf %add3A_772, %bitcast3A_797 : vector<16xf32>
          %bitcast3A_799 = vector.bitcast %bitcast3A_786 : vector<16xi32> to vector<16xf32>
          %add3A_800 = arith.addf %add3A_774, %bitcast3A_799 : vector<16xf32>
          %add3A_801 = arith.constant 21 : i32
          %add3A_802 = arith.addi %add3A_248, %add3A_801 : i32
          %get3A_803 = arith.index_cast %add3A_802 : i32 to index
          %get3A_804 = arith.constant 0 : index
          %get3A_805 = tpu.vector_load %arg10[%get3A_803, %get3A_804] {strides = array<i32>} : memref<400x64xbf16, #tpu.memory_space<vmem>>, vector<32xbf16>,
          %bitcast3A_806 = vector.bitcast %get3A_805 : vector<32xbf16> to vector<16xi32>
          %add3A_807 = arith.constant 21 : i32
          %add3A_808 = arith.addi %add3A_248, %add3A_807 : i32
          %get3A_809 = arith.index_cast %add3A_808 : i32 to index
          %get3A_810 = arith.constant 32 : index
          %get3A_811 = tpu.vector_load %arg10[%get3A_809, %get3A_810] {strides = array<i32>} : memref<400x64xbf16, #tpu.memory_space<vmem>>, vector<32xbf16>,
          %bitcast3A_812 = vector.bitcast %get3A_811 : vector<32xbf16> to vector<16xi32>
          %shift_left3A_813 = arith.constant 16 : i32
          %shift_left3A_814 = vector.broadcast %shift_left3A_813 : i32 to vector<16xi32>
          %shift_left3A_815 = arith.shli %bitcast3A_806, %shift_left3A_814 : vector<16xi32>
          %bitcast3A_816 = vector.bitcast %shift_left3A_815 : vector<16xi32> to vector<16xf32>
          %add3A_817 = arith.addf %add3A_791, %bitcast3A_816 : vector<16xf32>
          %bitcast3A_818 = vector.bitcast %bitcast3A_806 : vector<16xi32> to vector<16xf32>
          %add3A_819 = arith.addf %add3A_793, %bitcast3A_818 : vector<16xf32>
          %shift_left3A_820 = arith.constant 16 : i32
          %shift_left3A_821 = vector.broadcast %shift_left3A_820 : i32 to vector<16xi32>
          %shift_left3A_822 = arith.shli %bitcast3A_812, %shift_left3A_821 : vector<16xi32>
          %bitcast3A_823 = vector.bitcast %shift_left3A_822 : vector<16xi32> to vector<16xf32>
          %add3A_824 = arith.addf %add3A_798, %bitcast3A_823 : vector<16xf32>
          %bitcast3A_825 = vector.bitcast %bitcast3A_812 : vector<16xi32> to vector<16xf32>
          %add3A_826 = arith.addf %add3A_800, %bitcast3A_825 : vector<16xf32>
          %add3A_827 = arith.constant 22 : i32
          %add3A_828 = arith.addi %add3A_248, %add3A_827 : i32
          %get3A_829 = arith.index_cast %add3A_828 : i32 to index
          %get3A_830 = arith.constant 0 : index
          %get3A_831 = tpu.vector_load %arg10[%get3A_829, %get3A_830] {strides = array<i32>} : memref<400x64xbf16, #tpu.memory_space<vmem>>, vector<32xbf16>,
          %bitcast3A_832 = vector.bitcast %get3A_831 : vector<32xbf16> to vector<16xi32>
          %add3A_833 = arith.constant 22 : i32
          %add3A_834 = arith.addi %add3A_248, %add3A_833 : i32
          %get3A_835 = arith.index_cast %add3A_834 : i32 to index
          %get3A_836 = arith.constant 32 : index
          %get3A_837 = tpu.vector_load %arg10[%get3A_835, %get3A_836] {strides = array<i32>} : memref<400x64xbf16, #tpu.memory_space<vmem>>, vector<32xbf16>,
          %bitcast3A_838 = vector.bitcast %get3A_837 : vector<32xbf16> to vector<16xi32>
          %shift_left3A_839 = arith.constant 16 : i32
          %shift_left3A_840 = vector.broadcast %shift_left3A_839 : i32 to vector<16xi32>
          %shift_left3A_841 = arith.shli %bitcast3A_832, %shift_left3A_840 : vector<16xi32>
          %bitcast3A_842 = vector.bitcast %shift_left3A_841 : vector<16xi32> to vector<16xf32>
          %add3A_843 = arith.addf %add3A_817, %bitcast3A_842 : vector<16xf32>
          %bitcast3A_844 = vector.bitcast %bitcast3A_832 : vector<16xi32> to vector<16xf32>
          %add3A_845 = arith.addf %add3A_819, %bitcast3A_844 : vector<16xf32>
          %shift_left3A_846 = arith.constant 16 : i32
          %shift_left3A_847 = vector.broadcast %shift_left3A_846 : i32 to vector<16xi32>
          %shift_left3A_848 = arith.shli %bitcast3A_838, %shift_left3A_847 : vector<16xi32>
          %bitcast3A_849 = vector.bitcast %shift_left3A_848 : vector<16xi32> to vector<16xf32>
          %add3A_850 = arith.addf %add3A_824, %bitcast3A_849 : vector<16xf32>
          %bitcast3A_851 = vector.bitcast %bitcast3A_838 : vector<16xi32> to vector<16xf32>
          %add3A_852 = arith.addf %add3A_826, %bitcast3A_851 : vector<16xf32>
          %add3A_853 = arith.constant 23 : i32
          %add3A_854 = arith.addi %add3A_248, %add3A_853 : i32
          %get3A_855 = arith.index_cast %add3A_854 : i32 to index
          %get3A_856 = arith.constant 0 : index
          %get3A_857 = tpu.vector_load %arg10[%get3A_855, %get3A_856] {strides = array<i32>} : memref<400x64xbf16, #tpu.memory_space<vmem>>, vector<32xbf16>,
          %bitcast3A_858 = vector.bitcast %get3A_857 : vector<32xbf16> to vector<16xi32>
          %add3A_859 = arith.constant 23 : i32
          %add3A_860 = arith.addi %add3A_248, %add3A_859 : i32
          %get3A_861 = arith.index_cast %add3A_860 : i32 to index
          %get3A_862 = arith.constant 32 : index
          %get3A_863 = tpu.vector_load %arg10[%get3A_861, %get3A_862] {strides = array<i32>} : memref<400x64xbf16, #tpu.memory_space<vmem>>, vector<32xbf16>,
          %bitcast3A_864 = vector.bitcast %get3A_863 : vector<32xbf16> to vector<16xi32>
          %shift_left3A_865 = arith.constant 16 : i32
          %shift_left3A_866 = vector.broadcast %shift_left3A_865 : i32 to vector<16xi32>
          %shift_left3A_867 = arith.shli %bitcast3A_858, %shift_left3A_866 : vector<16xi32>
          %bitcast3A_868 = vector.bitcast %shift_left3A_867 : vector<16xi32> to vector<16xf32>
          %add3A_869 = arith.addf %add3A_843, %bitcast3A_868 : vector<16xf32>
          %bitcast3A_870 = vector.bitcast %bitcast3A_858 : vector<16xi32> to vector<16xf32>
          %add3A_871 = arith.addf %add3A_845, %bitcast3A_870 : vector<16xf32>
          %shift_left3A_872 = arith.constant 16 : i32
          %shift_left3A_873 = vector.broadcast %shift_left3A_872 : i32 to vector<16xi32>
          %shift_left3A_874 = arith.shli %bitcast3A_864, %shift_left3A_873 : vector<16xi32>
          %bitcast3A_875 = vector.bitcast %shift_left3A_874 : vector<16xi32> to vector<16xf32>
          %add3A_876 = arith.addf %add3A_850, %bitcast3A_875 : vector<16xf32>
          %bitcast3A_877 = vector.bitcast %bitcast3A_864 : vector<16xi32> to vector<16xf32>
          %add3A_878 = arith.addf %add3A_852, %bitcast3A_877 : vector<16xf32>
          %add3A_879 = arith.constant 24 : i32
          %add3A_880 = arith.addi %add3A_248, %add3A_879 : i32
          %get3A_881 = arith.index_cast %add3A_880 : i32 to index
          %get3A_882 = arith.constant 0 : index
          %get3A_883 = tpu.vector_load %arg10[%get3A_881, %get3A_882] {strides = array<i32>} : memref<400x64xbf16, #tpu.memory_space<vmem>>, vector<32xbf16>,
          %bitcast3A_884 = vector.bitcast %get3A_883 : vector<32xbf16> to vector<16xi32>
          %add3A_885 = arith.constant 24 : i32
          %add3A_886 = arith.addi %add3A_248, %add3A_885 : i32
          %get3A_887 = arith.index_cast %add3A_886 : i32 to index
          %get3A_888 = arith.constant 32 : index
          %get3A_889 = tpu.vector_load %arg10[%get3A_887, %get3A_888] {strides = array<i32>} : memref<400x64xbf16, #tpu.memory_space<vmem>>, vector<32xbf16>,
          %bitcast3A_890 = vector.bitcast %get3A_889 : vector<32xbf16> to vector<16xi32>
          %shift_left3A_891 = arith.constant 16 : i32
          %shift_left3A_892 = vector.broadcast %shift_left3A_891 : i32 to vector<16xi32>
          %shift_left3A_893 = arith.shli %bitcast3A_884, %shift_left3A_892 : vector<16xi32>
          %bitcast3A_894 = vector.bitcast %shift_left3A_893 : vector<16xi32> to vector<16xf32>
          %add3A_895 = arith.addf %add3A_869, %bitcast3A_894 : vector<16xf32>
          %bitcast3A_896 = vector.bitcast %bitcast3A_884 : vector<16xi32> to vector<16xf32>
          %add3A_897 = arith.addf %add3A_871, %bitcast3A_896 : vector<16xf32>
          %shift_left3A_898 = arith.constant 16 : i32
          %shift_left3A_899 = vector.broadcast %shift_left3A_898 : i32 to vector<16xi32>
          %shift_left3A_900 = arith.shli %bitcast3A_890, %shift_left3A_899 : vector<16xi32>
          %bitcast3A_901 = vector.bitcast %shift_left3A_900 : vector<16xi32> to vector<16xf32>
          %add3A_902 = arith.addf %add3A_876, %bitcast3A_901 : vector<16xf32>
          %bitcast3A_903 = vector.bitcast %bitcast3A_890 : vector<16xi32> to vector<16xf32>
          %add3A_904 = arith.addf %add3A_878, %bitcast3A_903 : vector<16xf32>
          %add3A_905 = arith.constant 25 : i32
          %add3A_906 = arith.addi %add3A_248, %add3A_905 : i32
          %get3A_907 = arith.index_cast %add3A_906 : i32 to index
          %get3A_908 = arith.constant 0 : index
          %get3A_909 = tpu.vector_load %arg10[%get3A_907, %get3A_908] {strides = array<i32>} : memref<400x64xbf16, #tpu.memory_space<vmem>>, vector<32xbf16>,
          %bitcast3A_910 = vector.bitcast %get3A_909 : vector<32xbf16> to vector<16xi32>
          %add3A_911 = arith.constant 25 : i32
          %add3A_912 = arith.addi %add3A_248, %add3A_911 : i32
          %get3A_913 = arith.index_cast %add3A_912 : i32 to index
          %get3A_914 = arith.constant 32 : index
          %get3A_915 = tpu.vector_load %arg10[%get3A_913, %get3A_914] {strides = array<i32>} : memref<400x64xbf16, #tpu.memory_space<vmem>>, vector<32xbf16>,
          %bitcast3A_916 = vector.bitcast %get3A_915 : vector<32xbf16> to vector<16xi32>
          %shift_left3A_917 = arith.constant 16 : i32
          %shift_left3A_918 = vector.broadcast %shift_left3A_917 : i32 to vector<16xi32>
          %shift_left3A_919 = arith.shli %bitcast3A_910, %shift_left3A_918 : vector<16xi32>
          %bitcast3A_920 = vector.bitcast %shift_left3A_919 : vector<16xi32> to vector<16xf32>
          %add3A_921 = arith.addf %add3A_895, %bitcast3A_920 : vector<16xf32>
          %bitcast3A_922 = vector.bitcast %bitcast3A_910 : vector<16xi32> to vector<16xf32>
          %add3A_923 = arith.addf %add3A_897, %bitcast3A_922 : vector<16xf32>
          %shift_left3A_924 = arith.constant 16 : i32
          %shift_left3A_925 = vector.broadcast %shift_left3A_924 : i32 to vector<16xi32>
          %shift_left3A_926 = arith.shli %bitcast3A_916, %shift_left3A_925 : vector<16xi32>
          %bitcast3A_927 = vector.bitcast %shift_left3A_926 : vector<16xi32> to vector<16xf32>
          %add3A_928 = arith.addf %add3A_902, %bitcast3A_927 : vector<16xf32>
          %bitcast3A_929 = vector.bitcast %bitcast3A_916 : vector<16xi32> to vector<16xf32>
          %add3A_930 = arith.addf %add3A_904, %bitcast3A_929 : vector<16xf32>
          %add3A_931 = arith.constant 26 : i32
          %add3A_932 = arith.addi %add3A_248, %add3A_931 : i32
          %get3A_933 = arith.index_cast %add3A_932 : i32 to index
          %get3A_934 = arith.constant 0 : index
          %get3A_935 = tpu.vector_load %arg10[%get3A_933, %get3A_934] {strides = array<i32>} : memref<400x64xbf16, #tpu.memory_space<vmem>>, vector<32xbf16>,
          %bitcast3A_936 = vector.bitcast %get3A_935 : vector<32xbf16> to vector<16xi32>
          %add3A_937 = arith.constant 26 : i32
          %add3A_938 = arith.addi %add3A_248, %add3A_937 : i32
          %get3A_939 = arith.index_cast %add3A_938 : i32 to index
          %get3A_940 = arith.constant 32 : index
          %get3A_941 = tpu.vector_load %arg10[%get3A_939, %get3A_940] {strides = array<i32>} : memref<400x64xbf16, #tpu.memory_space<vmem>>, vector<32xbf16>,
          %bitcast3A_942 = vector.bitcast %get3A_941 : vector<32xbf16> to vector<16xi32>
          %shift_left3A_943 = arith.constant 16 : i32
          %shift_left3A_944 = vector.broadcast %shift_left3A_943 : i32 to vector<16xi32>
          %shift_left3A_945 = arith.shli %bitcast3A_936, %shift_left3A_944 : vector<16xi32>
          %bitcast3A_946 = vector.bitcast %shift_left3A_945 : vector<16xi32> to vector<16xf32>
          %add3A_947 = arith.addf %add3A_921, %bitcast3A_946 : vector<16xf32>
          %bitcast3A_948 = vector.bitcast %bitcast3A_936 : vector<16xi32> to vector<16xf32>
          %add3A_949 = arith.addf %add3A_923, %bitcast3A_948 : vector<16xf32>
          %shift_left3A_950 = arith.constant 16 : i32
          %shift_left3A_951 = vector.broadcast %shift_left3A_950 : i32 to vector<16xi32>
          %shift_left3A_952 = arith.shli %bitcast3A_942, %shift_left3A_951 : vector<16xi32>
          %bitcast3A_953 = vector.bitcast %shift_left3A_952 : vector<16xi32> to vector<16xf32>
          %add3A_954 = arith.addf %add3A_928, %bitcast3A_953 : vector<16xf32>
          %bitcast3A_955 = vector.bitcast %bitcast3A_942 : vector<16xi32> to vector<16xf32>
          %add3A_956 = arith.addf %add3A_930, %bitcast3A_955 : vector<16xf32>
          %add3A_957 = arith.constant 27 : i32
          %add3A_958 = arith.addi %add3A_248, %add3A_957 : i32
          %get3A_959 = arith.index_cast %add3A_958 : i32 to index
          %get3A_960 = arith.constant 0 : index
          %get3A_961 = tpu.vector_load %arg10[%get3A_959, %get3A_960] {strides = array<i32>} : memref<400x64xbf16, #tpu.memory_space<vmem>>, vector<32xbf16>,
          %bitcast3A_962 = vector.bitcast %get3A_961 : vector<32xbf16> to vector<16xi32>
          %add3A_963 = arith.constant 27 : i32
          %add3A_964 = arith.addi %add3A_248, %add3A_963 : i32
          %get3A_965 = arith.index_cast %add3A_964 : i32 to index
          %get3A_966 = arith.constant 32 : index
          %get3A_967 = tpu.vector_load %arg10[%get3A_965, %get3A_966] {strides = array<i32>} : memref<400x64xbf16, #tpu.memory_space<vmem>>, vector<32xbf16>,
          %bitcast3A_968 = vector.bitcast %get3A_967 : vector<32xbf16> to vector<16xi32>
          %shift_left3A_969 = arith.constant 16 : i32
          %shift_left3A_970 = vector.broadcast %shift_left3A_969 : i32 to vector<16xi32>
          %shift_left3A_971 = arith.shli %bitcast3A_962, %shift_left3A_970 : vector<16xi32>
          %bitcast3A_972 = vector.bitcast %shift_left3A_971 : vector<16xi32> to vector<16xf32>
          %add3A_973 = arith.addf %add3A_947, %bitcast3A_972 : vector<16xf32>
          %bitcast3A_974 = vector.bitcast %bitcast3A_962 : vector<16xi32> to vector<16xf32>
          %add3A_975 = arith.addf %add3A_949, %bitcast3A_974 : vector<16xf32>
          %shift_left3A_976 = arith.constant 16 : i32
          %shift_left3A_977 = vector.broadcast %shift_left3A_976 : i32 to vector<16xi32>
          %shift_left3A_978 = arith.shli %bitcast3A_968, %shift_left3A_977 : vector<16xi32>
          %bitcast3A_979 = vector.bitcast %shift_left3A_978 : vector<16xi32> to vector<16xf32>
          %add3A_980 = arith.addf %add3A_954, %bitcast3A_979 : vector<16xf32>
          %bitcast3A_981 = vector.bitcast %bitcast3A_968 : vector<16xi32> to vector<16xf32>
          %add3A_982 = arith.addf %add3A_956, %bitcast3A_981 : vector<16xf32>
          %add3A_983 = arith.constant 28 : i32
          %add3A_984 = arith.addi %add3A_248, %add3A_983 : i32
          %get3A_985 = arith.index_cast %add3A_984 : i32 to index
          %get3A_986 = arith.constant 0 : index
          %get3A_987 = tpu.vector_load %arg10[%get3A_985, %get3A_986] {strides = array<i32>} : memref<400x64xbf16, #tpu.memory_space<vmem>>, vector<32xbf16>,
          %bitcast3A_988 = vector.bitcast %get3A_987 : vector<32xbf16> to vector<16xi32>
          %add3A_989 = arith.constant 28 : i32
          %add3A_990 = arith.addi %add3A_248, %add3A_989 : i32
          %get3A_991 = arith.index_cast %add3A_990 : i32 to index
          %get3A_992 = arith.constant 32 : index
          %get3A_993 = tpu.vector_load %arg10[%get3A_991, %get3A_992] {strides = array<i32>} : memref<400x64xbf16, #tpu.memory_space<vmem>>, vector<32xbf16>,
          %bitcast3A_994 = vector.bitcast %get3A_993 : vector<32xbf16> to vector<16xi32>
          %shift_left3A_995 = arith.constant 16 : i32
          %shift_left3A_996 = vector.broadcast %shift_left3A_995 : i32 to vector<16xi32>
          %shift_left3A_997 = arith.shli %bitcast3A_988, %shift_left3A_996 : vector<16xi32>
          %bitcast3A_998 = vector.bitcast %shift_left3A_997 : vector<16xi32> to vector<16xf32>
          %add3A_999 = arith.addf %add3A_973, %bitcast3A_998 : vector<16xf32>
          %bitcast3A_1000 = vector.bitcast %bitcast3A_988 : vector<16xi32> to vector<16xf32>
          %add3A_1001 = arith.addf %add3A_975, %bitcast3A_1000 : vector<16xf32>
          %shift_left3A_1002 = arith.constant 16 : i32
          %shift_left3A_1003 = vector.broadcast %shift_left3A_1002 : i32 to vector<16xi32>
          %shift_left3A_1004 = arith.shli %bitcast3A_994, %shift_left3A_1003 : vector<16xi32>
          %bitcast3A_1005 = vector.bitcast %shift_left3A_1004 : vector<16xi32> to vector<16xf32>
          %add3A_1006 = arith.addf %add3A_980, %bitcast3A_1005 : vector<16xf32>
          %bitcast3A_1007 = vector.bitcast %bitcast3A_994 : vector<16xi32> to vector<16xf32>
          %add3A_1008 = arith.addf %add3A_982, %bitcast3A_1007 : vector<16xf32>
          %add3A_1009 = arith.constant 29 : i32
          %add3A_1010 = arith.addi %add3A_248, %add3A_1009 : i32
          %get3A_1011 = arith.index_cast %add3A_1010 : i32 to index
          %get3A_1012 = arith.constant 0 : index
          %get3A_1013 = tpu.vector_load %arg10[%get3A_1011, %get3A_1012] {strides = array<i32>} : memref<400x64xbf16, #tpu.memory_space<vmem>>, vector<32xbf16>,
          %bitcast3A_1014 = vector.bitcast %get3A_1013 : vector<32xbf16> to vector<16xi32>
          %add3A_1015 = arith.constant 29 : i32
          %add3A_1016 = arith.addi %add3A_248, %add3A_1015 : i32
          %get3A_1017 = arith.index_cast %add3A_1016 : i32 to index
          %get3A_1018 = arith.constant 32 : index
          %get3A_1019 = tpu.vector_load %arg10[%get3A_1017, %get3A_1018] {strides = array<i32>} : memref<400x64xbf16, #tpu.memory_space<vmem>>, vector<32xbf16>,
          %bitcast3A_1020 = vector.bitcast %get3A_1019 : vector<32xbf16> to vector<16xi32>
          %shift_left3A_1021 = arith.constant 16 : i32
          %shift_left3A_1022 = vector.broadcast %shift_left3A_1021 : i32 to vector<16xi32>
          %shift_left3A_1023 = arith.shli %bitcast3A_1014, %shift_left3A_1022 : vector<16xi32>
          %bitcast3A_1024 = vector.bitcast %shift_left3A_1023 : vector<16xi32> to vector<16xf32>
          %add3A_1025 = arith.addf %add3A_999, %bitcast3A_1024 : vector<16xf32>
          %bitcast3A_1026 = vector.bitcast %bitcast3A_1014 : vector<16xi32> to vector<16xf32>
          %add3A_1027 = arith.addf %add3A_1001, %bitcast3A_1026 : vector<16xf32>
          %shift_left3A_1028 = arith.constant 16 : i32
          %shift_left3A_1029 = vector.broadcast %shift_left3A_1028 : i32 to vector<16xi32>
          %shift_left3A_1030 = arith.shli %bitcast3A_1020, %shift_left3A_1029 : vector<16xi32>
          %bitcast3A_1031 = vector.bitcast %shift_left3A_1030 : vector<16xi32> to vector<16xf32>
          %add3A_1032 = arith.addf %add3A_1006, %bitcast3A_1031 : vector<16xf32>
          %bitcast3A_1033 = vector.bitcast %bitcast3A_1020 : vector<16xi32> to vector<16xf32>
          %add3A_1034 = arith.addf %add3A_1008, %bitcast3A_1033 : vector<16xf32>
          %add3A_1035 = arith.constant 30 : i32
          %add3A_1036 = arith.addi %add3A_248, %add3A_1035 : i32
          %get3A_1037 = arith.index_cast %add3A_1036 : i32 to index
          %get3A_1038 = arith.constant 0 : index
          %get3A_1039 = tpu.vector_load %arg10[%get3A_1037, %get3A_1038] {strides = array<i32>} : memref<400x64xbf16, #tpu.memory_space<vmem>>, vector<32xbf16>,
          %bitcast3A_1040 = vector.bitcast %get3A_1039 : vector<32xbf16> to vector<16xi32>
          %add3A_1041 = arith.constant 30 : i32
          %add3A_1042 = arith.addi %add3A_248, %add3A_1041 : i32
          %get3A_1043 = arith.index_cast %add3A_1042 : i32 to index
          %get3A_1044 = arith.constant 32 : index
          %get3A_1045 = tpu.vector_load %arg10[%get3A_1043, %get3A_1044] {strides = array<i32>} : memref<400x64xbf16, #tpu.memory_space<vmem>>, vector<32xbf16>,
          %bitcast3A_1046 = vector.bitcast %get3A_1045 : vector<32xbf16> to vector<16xi32>
          %shift_left3A_1047 = arith.constant 16 : i32
          %shift_left3A_1048 = vector.broadcast %shift_left3A_1047 : i32 to vector<16xi32>
          %shift_left3A_1049 = arith.shli %bitcast3A_1040, %shift_left3A_1048 : vector<16xi32>
          %bitcast3A_1050 = vector.bitcast %shift_left3A_1049 : vector<16xi32> to vector<16xf32>
          %add3A_1051 = arith.addf %add3A_1025, %bitcast3A_1050 : vector<16xf32>
          %bitcast3A_1052 = vector.bitcast %bitcast3A_1040 : vector<16xi32> to vector<16xf32>
          %add3A_1053 = arith.addf %add3A_1027, %bitcast3A_1052 : vector<16xf32>
          %shift_left3A_1054 = arith.constant 16 : i32
          %shift_left3A_1055 = vector.broadcast %shift_left3A_1054 : i32 to vector<16xi32>
          %shift_left3A_1056 = arith.shli %bitcast3A_1046, %shift_left3A_1055 : vector<16xi32>
          %bitcast3A_1057 = vector.bitcast %shift_left3A_1056 : vector<16xi32> to vector<16xf32>
          %add3A_1058 = arith.addf %add3A_1032, %bitcast3A_1057 : vector<16xf32>
          %bitcast3A_1059 = vector.bitcast %bitcast3A_1046 : vector<16xi32> to vector<16xf32>
          %add3A_1060 = arith.addf %add3A_1034, %bitcast3A_1059 : vector<16xf32>
          %add3A_1061 = arith.constant 31 : i32
          %add3A_1062 = arith.addi %add3A_248, %add3A_1061 : i32
          %get3A_1063 = arith.index_cast %add3A_1062 : i32 to index
          %get3A_1064 = arith.constant 0 : index
          %get3A_1065 = tpu.vector_load %arg10[%get3A_1063, %get3A_1064] {strides = array<i32>} : memref<400x64xbf16, #tpu.memory_space<vmem>>, vector<32xbf16>,
          %bitcast3A_1066 = vector.bitcast %get3A_1065 : vector<32xbf16> to vector<16xi32>
          %add3A_1067 = arith.constant 31 : i32
          %add3A_1068 = arith.addi %add3A_248, %add3A_1067 : i32
          %get3A_1069 = arith.index_cast %add3A_1068 : i32 to index
          %get3A_1070 = arith.constant 32 : index
          %get3A_1071 = tpu.vector_load %arg10[%get3A_1069, %get3A_1070] {strides = array<i32>} : memref<400x64xbf16, #tpu.memory_space<vmem>>, vector<32xbf16>,
          %bitcast3A_1072 = vector.bitcast %get3A_1071 : vector<32xbf16> to vector<16xi32>
          %shift_left3A_1073 = arith.constant 16 : i32
          %shift_left3A_1074 = vector.broadcast %shift_left3A_1073 : i32 to vector<16xi32>
          %shift_left3A_1075 = arith.shli %bitcast3A_1066, %shift_left3A_1074 : vector<16xi32>
          %bitcast3A_1076 = vector.bitcast %shift_left3A_1075 : vector<16xi32> to vector<16xf32>
          %add3A_1077 = arith.addf %add3A_1051, %bitcast3A_1076 : vector<16xf32>
          %bitcast3A_1078 = vector.bitcast %bitcast3A_1066 : vector<16xi32> to vector<16xf32>
          %add3A_1079 = arith.addf %add3A_1053, %bitcast3A_1078 : vector<16xf32>
          %shift_left3A_1080 = arith.constant 16 : i32
          %shift_left3A_1081 = vector.broadcast %shift_left3A_1080 : i32 to vector<16xi32>
          %shift_left3A_1082 = arith.shli %bitcast3A_1072, %shift_left3A_1081 : vector<16xi32>
          %bitcast3A_1083 = vector.bitcast %shift_left3A_1082 : vector<16xi32> to vector<16xf32>
          %add3A_1084 = arith.addf %add3A_1058, %bitcast3A_1083 : vector<16xf32>
          %bitcast3A_1085 = vector.bitcast %bitcast3A_1072 : vector<16xi32> to vector<16xf32>
          %add3A_1086 = arith.addf %add3A_1060, %bitcast3A_1085 : vector<16xf32>
          %add3A_1087 = arith.constant 32 : i32
          %add3A_1088 = arith.addi %add3A_248, %add3A_1087 : i32
          %get3A_1089 = arith.index_cast %add3A_1088 : i32 to index
          %get3A_1090 = arith.constant 0 : index
          %get3A_1091 = tpu.vector_load %arg10[%get3A_1089, %get3A_1090] {strides = array<i32>} : memref<400x64xbf16, #tpu.memory_space<vmem>>, vector<32xbf16>,
          %bitcast3A_1092 = vector.bitcast %get3A_1091 : vector<32xbf16> to vector<16xi32>
          %add3A_1093 = arith.constant 32 : i32
          %add3A_1094 = arith.addi %add3A_248, %add3A_1093 : i32
          %get3A_1095 = arith.index_cast %add3A_1094 : i32 to index
          %get3A_1096 = arith.constant 32 : index
          %get3A_1097 = tpu.vector_load %arg10[%get3A_1095, %get3A_1096] {strides = array<i32>} : memref<400x64xbf16, #tpu.memory_space<vmem>>, vector<32xbf16>,
          %bitcast3A_1098 = vector.bitcast %get3A_1097 : vector<32xbf16> to vector<16xi32>
          %shift_left3A_1099 = arith.constant 16 : i32
          %shift_left3A_1100 = vector.broadcast %shift_left3A_1099 : i32 to vector<16xi32>
          %shift_left3A_1101 = arith.shli %bitcast3A_1092, %shift_left3A_1100 : vector<16xi32>
          %bitcast3A_1102 = vector.bitcast %shift_left3A_1101 : vector<16xi32> to vector<16xf32>
          %add3A_1103 = arith.addf %add3A_1077, %bitcast3A_1102 : vector<16xf32>
          %bitcast3A_1104 = vector.bitcast %bitcast3A_1092 : vector<16xi32> to vector<16xf32>
          %add3A_1105 = arith.addf %add3A_1079, %bitcast3A_1104 : vector<16xf32>
          %shift_left3A_1106 = arith.constant 16 : i32
          %shift_left3A_1107 = vector.broadcast %shift_left3A_1106 : i32 to vector<16xi32>
          %shift_left3A_1108 = arith.shli %bitcast3A_1098, %shift_left3A_1107 : vector<16xi32>
          %bitcast3A_1109 = vector.bitcast %shift_left3A_1108 : vector<16xi32> to vector<16xf32>
          %add3A_1110 = arith.addf %add3A_1084, %bitcast3A_1109 : vector<16xf32>
          %bitcast3A_1111 = vector.bitcast %bitcast3A_1098 : vector<16xi32> to vector<16xf32>
          %add3A_1112 = arith.addf %add3A_1086, %bitcast3A_1111 : vector<16xf32>
          %add3A_1113 = arith.constant 33 : i32
          %add3A_1114 = arith.addi %add3A_248, %add3A_1113 : i32
          %get3A_1115 = arith.index_cast %add3A_1114 : i32 to index
          %get3A_1116 = arith.constant 0 : index
          %get3A_1117 = tpu.vector_load %arg10[%get3A_1115, %get3A_1116] {strides = array<i32>} : memref<400x64xbf16, #tpu.memory_space<vmem>>, vector<32xbf16>,
          %bitcast3A_1118 = vector.bitcast %get3A_1117 : vector<32xbf16> to vector<16xi32>
          %add3A_1119 = arith.constant 33 : i32
          %add3A_1120 = arith.addi %add3A_248, %add3A_1119 : i32
          %get3A_1121 = arith.index_cast %add3A_1120 : i32 to index
          %get3A_1122 = arith.constant 32 : index
          %get3A_1123 = tpu.vector_load %arg10[%get3A_1121, %get3A_1122] {strides = array<i32>} : memref<400x64xbf16, #tpu.memory_space<vmem>>, vector<32xbf16>,
          %bitcast3A_1124 = vector.bitcast %get3A_1123 : vector<32xbf16> to vector<16xi32>
          %shift_left3A_1125 = arith.constant 16 : i32
          %shift_left3A_1126 = vector.broadcast %shift_left3A_1125 : i32 to vector<16xi32>
          %shift_left3A_1127 = arith.shli %bitcast3A_1118, %shift_left3A_1126 : vector<16xi32>
          %bitcast3A_1128 = vector.bitcast %shift_left3A_1127 : vector<16xi32> to vector<16xf32>
          %add3A_1129 = arith.addf %add3A_1103, %bitcast3A_1128 : vector<16xf32>
          %bitcast3A_1130 = vector.bitcast %bitcast3A_1118 : vector<16xi32> to vector<16xf32>
          %add3A_1131 = arith.addf %add3A_1105, %bitcast3A_1130 : vector<16xf32>
          %shift_left3A_1132 = arith.constant 16 : i32
          %shift_left3A_1133 = vector.broadcast %shift_left3A_1132 : i32 to vector<16xi32>
          %shift_left3A_1134 = arith.shli %bitcast3A_1124, %shift_left3A_1133 : vector<16xi32>
          %bitcast3A_1135 = vector.bitcast %shift_left3A_1134 : vector<16xi32> to vector<16xf32>
          %add3A_1136 = arith.addf %add3A_1110, %bitcast3A_1135 : vector<16xf32>
          %bitcast3A_1137 = vector.bitcast %bitcast3A_1124 : vector<16xi32> to vector<16xf32>
          %add3A_1138 = arith.addf %add3A_1112, %bitcast3A_1137 : vector<16xf32>
          %add3A_1139 = arith.constant 34 : i32
          %add3A_1140 = arith.addi %add3A_248, %add3A_1139 : i32
          %get3A_1141 = arith.index_cast %add3A_1140 : i32 to index
          %get3A_1142 = arith.constant 0 : index
          %get3A_1143 = tpu.vector_load %arg10[%get3A_1141, %get3A_1142] {strides = array<i32>} : memref<400x64xbf16, #tpu.memory_space<vmem>>, vector<32xbf16>,
          %bitcast3A_1144 = vector.bitcast %get3A_1143 : vector<32xbf16> to vector<16xi32>
          %add3A_1145 = arith.constant 34 : i32
          %add3A_1146 = arith.addi %add3A_248, %add3A_1145 : i32
          %get3A_1147 = arith.index_cast %add3A_1146 : i32 to index
          %get3A_1148 = arith.constant 32 : index
          %get3A_1149 = tpu.vector_load %arg10[%get3A_1147, %get3A_1148] {strides = array<i32>} : memref<400x64xbf16, #tpu.memory_space<vmem>>, vector<32xbf16>,
          %bitcast3A_1150 = vector.bitcast %get3A_1149 : vector<32xbf16> to vector<16xi32>
          %shift_left3A_1151 = arith.constant 16 : i32
          %shift_left3A_1152 = vector.broadcast %shift_left3A_1151 : i32 to vector<16xi32>
          %shift_left3A_1153 = arith.shli %bitcast3A_1144, %shift_left3A_1152 : vector<16xi32>
          %bitcast3A_1154 = vector.bitcast %shift_left3A_1153 : vector<16xi32> to vector<16xf32>
          %add3A_1155 = arith.addf %add3A_1129, %bitcast3A_1154 : vector<16xf32>
          %bitcast3A_1156 = vector.bitcast %bitcast3A_1144 : vector<16xi32> to vector<16xf32>
          %add3A_1157 = arith.addf %add3A_1131, %bitcast3A_1156 : vector<16xf32>
          %shift_left3A_1158 = arith.constant 16 : i32
          %shift_left3A_1159 = vector.broadcast %shift_left3A_1158 : i32 to vector<16xi32>
          %shift_left3A_1160 = arith.shli %bitcast3A_1150, %shift_left3A_1159 : vector<16xi32>
          %bitcast3A_1161 = vector.bitcast %shift_left3A_1160 : vector<16xi32> to vector<16xf32>
          %add3A_1162 = arith.addf %add3A_1136, %bitcast3A_1161 : vector<16xf32>
          %bitcast3A_1163 = vector.bitcast %bitcast3A_1150 : vector<16xi32> to vector<16xf32>
          %add3A_1164 = arith.addf %add3A_1138, %bitcast3A_1163 : vector<16xf32>
          %add3A_1165 = arith.constant 35 : i32
          %add3A_1166 = arith.addi %add3A_248, %add3A_1165 : i32
          %get3A_1167 = arith.index_cast %add3A_1166 : i32 to index
          %get3A_1168 = arith.constant 0 : index
          %get3A_1169 = tpu.vector_load %arg10[%get3A_1167, %get3A_1168] {strides = array<i32>} : memref<400x64xbf16, #tpu.memory_space<vmem>>, vector<32xbf16>,
          %bitcast3A_1170 = vector.bitcast %get3A_1169 : vector<32xbf16> to vector<16xi32>
          %add3A_1171 = arith.constant 35 : i32
          %add3A_1172 = arith.addi %add3A_248, %add3A_1171 : i32
          %get3A_1173 = arith.index_cast %add3A_1172 : i32 to index
          %get3A_1174 = arith.constant 32 : index
          %get3A_1175 = tpu.vector_load %arg10[%get3A_1173, %get3A_1174] {strides = array<i32>} : memref<400x64xbf16, #tpu.memory_space<vmem>>, vector<32xbf16>,
          %bitcast3A_1176 = vector.bitcast %get3A_1175 : vector<32xbf16> to vector<16xi32>
          %shift_left3A_1177 = arith.constant 16 : i32
          %shift_left3A_1178 = vector.broadcast %shift_left3A_1177 : i32 to vector<16xi32>
          %shift_left3A_1179 = arith.shli %bitcast3A_1170, %shift_left3A_1178 : vector<16xi32>
          %bitcast3A_1180 = vector.bitcast %shift_left3A_1179 : vector<16xi32> to vector<16xf32>
          %add3A_1181 = arith.addf %add3A_1155, %bitcast3A_1180 : vector<16xf32>
          %bitcast3A_1182 = vector.bitcast %bitcast3A_1170 : vector<16xi32> to vector<16xf32>
          %add3A_1183 = arith.addf %add3A_1157, %bitcast3A_1182 : vector<16xf32>
          %shift_left3A_1184 = arith.constant 16 : i32
          %shift_left3A_1185 = vector.broadcast %shift_left3A_1184 : i32 to vector<16xi32>
          %shift_left3A_1186 = arith.shli %bitcast3A_1176, %shift_left3A_1185 : vector<16xi32>
          %bitcast3A_1187 = vector.bitcast %shift_left3A_1186 : vector<16xi32> to vector<16xf32>
          %add3A_1188 = arith.addf %add3A_1162, %bitcast3A_1187 : vector<16xf32>
          %bitcast3A_1189 = vector.bitcast %bitcast3A_1176 : vector<16xi32> to vector<16xf32>
          %add3A_1190 = arith.addf %add3A_1164, %bitcast3A_1189 : vector<16xf32>
          %add3A_1191 = arith.constant 36 : i32
          %add3A_1192 = arith.addi %add3A_248, %add3A_1191 : i32
          %get3A_1193 = arith.index_cast %add3A_1192 : i32 to index
          %get3A_1194 = arith.constant 0 : index
          %get3A_1195 = tpu.vector_load %arg10[%get3A_1193, %get3A_1194] {strides = array<i32>} : memref<400x64xbf16, #tpu.memory_space<vmem>>, vector<32xbf16>,
          %bitcast3A_1196 = vector.bitcast %get3A_1195 : vector<32xbf16> to vector<16xi32>
          %add3A_1197 = arith.constant 36 : i32
          %add3A_1198 = arith.addi %add3A_248, %add3A_1197 : i32
          %get3A_1199 = arith.index_cast %add3A_1198 : i32 to index
          %get3A_1200 = arith.constant 32 : index
          %get3A_1201 = tpu.vector_load %arg10[%get3A_1199, %get3A_1200] {strides = array<i32>} : memref<400x64xbf16, #tpu.memory_space<vmem>>, vector<32xbf16>,
          %bitcast3A_1202 = vector.bitcast %get3A_1201 : vector<32xbf16> to vector<16xi32>
          %shift_left3A_1203 = arith.constant 16 : i32
          %shift_left3A_1204 = vector.broadcast %shift_left3A_1203 : i32 to vector<16xi32>
          %shift_left3A_1205 = arith.shli %bitcast3A_1196, %shift_left3A_1204 : vector<16xi32>
          %bitcast3A_1206 = vector.bitcast %shift_left3A_1205 : vector<16xi32> to vector<16xf32>
          %add3A_1207 = arith.addf %add3A_1181, %bitcast3A_1206 : vector<16xf32>
          %bitcast3A_1208 = vector.bitcast %bitcast3A_1196 : vector<16xi32> to vector<16xf32>
          %add3A_1209 = arith.addf %add3A_1183, %bitcast3A_1208 : vector<16xf32>
          %shift_left3A_1210 = arith.constant 16 : i32
          %shift_left3A_1211 = vector.broadcast %shift_left3A_1210 : i32 to vector<16xi32>
          %shift_left3A_1212 = arith.shli %bitcast3A_1202, %shift_left3A_1211 : vector<16xi32>
          %bitcast3A_1213 = vector.bitcast %shift_left3A_1212 : vector<16xi32> to vector<16xf32>
          %add3A_1214 = arith.addf %add3A_1188, %bitcast3A_1213 : vector<16xf32>
          %bitcast3A_1215 = vector.bitcast %bitcast3A_1202 : vector<16xi32> to vector<16xf32>
          %add3A_1216 = arith.addf %add3A_1190, %bitcast3A_1215 : vector<16xf32>
          %add3A_1217 = arith.constant 37 : i32
          %add3A_1218 = arith.addi %add3A_248, %add3A_1217 : i32
          %get3A_1219 = arith.index_cast %add3A_1218 : i32 to index
          %get3A_1220 = arith.constant 0 : index
          %get3A_1221 = tpu.vector_load %arg10[%get3A_1219, %get3A_1220] {strides = array<i32>} : memref<400x64xbf16, #tpu.memory_space<vmem>>, vector<32xbf16>,
          %bitcast3A_1222 = vector.bitcast %get3A_1221 : vector<32xbf16> to vector<16xi32>
          %add3A_1223 = arith.constant 37 : i32
          %add3A_1224 = arith.addi %add3A_248, %add3A_1223 : i32
          %get3A_1225 = arith.index_cast %add3A_1224 : i32 to index
          %get3A_1226 = arith.constant 32 : index
          %get3A_1227 = tpu.vector_load %arg10[%get3A_1225, %get3A_1226] {strides = array<i32>} : memref<400x64xbf16, #tpu.memory_space<vmem>>, vector<32xbf16>,
          %bitcast3A_1228 = vector.bitcast %get3A_1227 : vector<32xbf16> to vector<16xi32>
          %shift_left3A_1229 = arith.constant 16 : i32
          %shift_left3A_1230 = vector.broadcast %shift_left3A_1229 : i32 to vector<16xi32>
          %shift_left3A_1231 = arith.shli %bitcast3A_1222, %shift_left3A_1230 : vector<16xi32>
          %bitcast3A_1232 = vector.bitcast %shift_left3A_1231 : vector<16xi32> to vector<16xf32>
          %add3A_1233 = arith.addf %add3A_1207, %bitcast3A_1232 : vector<16xf32>
          %bitcast3A_1234 = vector.bitcast %bitcast3A_1222 : vector<16xi32> to vector<16xf32>
          %add3A_1235 = arith.addf %add3A_1209, %bitcast3A_1234 : vector<16xf32>
          %shift_left3A_1236 = arith.constant 16 : i32
          %shift_left3A_1237 = vector.broadcast %shift_left3A_1236 : i32 to vector<16xi32>
          %shift_left3A_1238 = arith.shli %bitcast3A_1228, %shift_left3A_1237 : vector<16xi32>
          %bitcast3A_1239 = vector.bitcast %shift_left3A_1238 : vector<16xi32> to vector<16xf32>
          %add3A_1240 = arith.addf %add3A_1214, %bitcast3A_1239 : vector<16xf32>
          %bitcast3A_1241 = vector.bitcast %bitcast3A_1228 : vector<16xi32> to vector<16xf32>
          %add3A_1242 = arith.addf %add3A_1216, %bitcast3A_1241 : vector<16xf32>
          %add3A_1243 = arith.constant 38 : i32
          %add3A_1244 = arith.addi %add3A_248, %add3A_1243 : i32
          %get3A_1245 = arith.index_cast %add3A_1244 : i32 to index
          %get3A_1246 = arith.constant 0 : index
          %get3A_1247 = tpu.vector_load %arg10[%get3A_1245, %get3A_1246] {strides = array<i32>} : memref<400x64xbf16, #tpu.memory_space<vmem>>, vector<32xbf16>,
          %bitcast3A_1248 = vector.bitcast %get3A_1247 : vector<32xbf16> to vector<16xi32>
          %add3A_1249 = arith.constant 38 : i32
          %add3A_1250 = arith.addi %add3A_248, %add3A_1249 : i32
          %get3A_1251 = arith.index_cast %add3A_1250 : i32 to index
          %get3A_1252 = arith.constant 32 : index
          %get3A_1253 = tpu.vector_load %arg10[%get3A_1251, %get3A_1252] {strides = array<i32>} : memref<400x64xbf16, #tpu.memory_space<vmem>>, vector<32xbf16>,
          %bitcast3A_1254 = vector.bitcast %get3A_1253 : vector<32xbf16> to vector<16xi32>
          %shift_left3A_1255 = arith.constant 16 : i32
          %shift_left3A_1256 = vector.broadcast %shift_left3A_1255 : i32 to vector<16xi32>
          %shift_left3A_1257 = arith.shli %bitcast3A_1248, %shift_left3A_1256 : vector<16xi32>
          %bitcast3A_1258 = vector.bitcast %shift_left3A_1257 : vector<16xi32> to vector<16xf32>
          %add3A_1259 = arith.addf %add3A_1233, %bitcast3A_1258 : vector<16xf32>
          %bitcast3A_1260 = vector.bitcast %bitcast3A_1248 : vector<16xi32> to vector<16xf32>
          %add3A_1261 = arith.addf %add3A_1235, %bitcast3A_1260 : vector<16xf32>
          %shift_left3A_1262 = arith.constant 16 : i32
          %shift_left3A_1263 = vector.broadcast %shift_left3A_1262 : i32 to vector<16xi32>
          %shift_left3A_1264 = arith.shli %bitcast3A_1254, %shift_left3A_1263 : vector<16xi32>
          %bitcast3A_1265 = vector.bitcast %shift_left3A_1264 : vector<16xi32> to vector<16xf32>
          %add3A_1266 = arith.addf %add3A_1240, %bitcast3A_1265 : vector<16xf32>
          %bitcast3A_1267 = vector.bitcast %bitcast3A_1254 : vector<16xi32> to vector<16xf32>
          %add3A_1268 = arith.addf %add3A_1242, %bitcast3A_1267 : vector<16xf32>
          %add3A_1269 = arith.constant 39 : i32
          %add3A_1270 = arith.addi %add3A_248, %add3A_1269 : i32
          %get3A_1271 = arith.index_cast %add3A_1270 : i32 to index
          %get3A_1272 = arith.constant 0 : index
          %get3A_1273 = tpu.vector_load %arg10[%get3A_1271, %get3A_1272] {strides = array<i32>} : memref<400x64xbf16, #tpu.memory_space<vmem>>, vector<32xbf16>,
          %bitcast3A_1274 = vector.bitcast %get3A_1273 : vector<32xbf16> to vector<16xi32>
          %add3A_1275 = arith.constant 39 : i32
          %add3A_1276 = arith.addi %add3A_248, %add3A_1275 : i32
          %get3A_1277 = arith.index_cast %add3A_1276 : i32 to index
          %get3A_1278 = arith.constant 32 : index
          %get3A_1279 = tpu.vector_load %arg10[%get3A_1277, %get3A_1278] {strides = array<i32>} : memref<400x64xbf16, #tpu.memory_space<vmem>>, vector<32xbf16>,
          %bitcast3A_1280 = vector.bitcast %get3A_1279 : vector<32xbf16> to vector<16xi32>
          %shift_left3A_1281 = arith.constant 16 : i32
          %shift_left3A_1282 = vector.broadcast %shift_left3A_1281 : i32 to vector<16xi32>
          %shift_left3A_1283 = arith.shli %bitcast3A_1274, %shift_left3A_1282 : vector<16xi32>
          %bitcast3A_1284 = vector.bitcast %shift_left3A_1283 : vector<16xi32> to vector<16xf32>
          %add3A_1285 = arith.addf %add3A_1259, %bitcast3A_1284 : vector<16xf32>
          %bitcast3A_1286 = vector.bitcast %bitcast3A_1274 : vector<16xi32> to vector<16xf32>
          %add3A_1287 = arith.addf %add3A_1261, %bitcast3A_1286 : vector<16xf32>
          %shift_left3A_1288 = arith.constant 16 : i32
          %shift_left3A_1289 = vector.broadcast %shift_left3A_1288 : i32 to vector<16xi32>
          %shift_left3A_1290 = arith.shli %bitcast3A_1280, %shift_left3A_1289 : vector<16xi32>
          %bitcast3A_1291 = vector.bitcast %shift_left3A_1290 : vector<16xi32> to vector<16xf32>
          %add3A_1292 = arith.addf %add3A_1266, %bitcast3A_1291 : vector<16xf32>
          %bitcast3A_1293 = vector.bitcast %bitcast3A_1280 : vector<16xi32> to vector<16xf32>
          %add3A_1294 = arith.addf %add3A_1268, %bitcast3A_1293 : vector<16xf32>
          %swap3A_1295 = arith.constant 0 : index
          %swap3A_1296 = tpu.vector_load %arg14[%swap3A_1295] {strides = array<i32>} : memref<64xf32, #tpu.memory_space<vmem>>, vector<16xf32>,
          tpu.vector_store %arg14[%swap3A_1295], %add3A_1285 {strides = array<i32>} : memref<64xf32, #tpu.memory_space<vmem>>, vector<16xf32>,
          %swap3A_1297 = arith.constant 16 : index
          %swap3A_1298 = tpu.vector_load %arg14[%swap3A_1297] {strides = array<i32>} : memref<64xf32, #tpu.memory_space<vmem>>, vector<16xf32>,
          tpu.vector_store %arg14[%swap3A_1297], %add3A_1287 {strides = array<i32>} : memref<64xf32, #tpu.memory_space<vmem>>, vector<16xf32>,
          %swap3A_1299 = arith.constant 32 : index
          %swap3A_1300 = tpu.vector_load %arg14[%swap3A_1299] {strides = array<i32>} : memref<64xf32, #tpu.memory_space<vmem>>, vector<16xf32>,
          tpu.vector_store %arg14[%swap3A_1299], %add3A_1292 {strides = array<i32>} : memref<64xf32, #tpu.memory_space<vmem>>, vector<16xf32>,
          %swap3A_1301 = arith.constant 48 : index
          %swap3A_1302 = tpu.vector_load %arg14[%swap3A_1301] {strides = array<i32>} : memref<64xf32, #tpu.memory_space<vmem>>, vector<16xf32>,
          tpu.vector_store %arg14[%swap3A_1301], %add3A_1294 {strides = array<i32>} : memref<64xf32, #tpu.memory_space<vmem>>, vector<16xf32>,
        }
        %scan3A_222 = arith.constant 5 : i32
        %mul3A_223 = arith.constant 2 : i32
        %mul3A_224 = arith.muli %add3A_104, %mul3A_223 : i32
        %add3A_225 = arith.addi %mul3A_224, %scan3A_208 : i32
        %get3A = arith.constant 0 : index
        %get3A_226 = tpu.vector_load %arg14[%get3A] {strides = array<i32>} : memref<64xf32, #tpu.memory_space<vmem>>, vector<16xf32>,
        %swap3A_227 = arith.index_cast %add3A_225 : i32 to index
        %swap3A_228 = arith.constant 0 : index
        %swap3A_229 = tpu.vector_load %arg13[%swap3A_227, %swap3A_228] {strides = array<i32>} : memref<512x64xf32, #tpu.memory_space<vmem>>, vector<16xf32>,
        tpu.vector_store %arg13[%swap3A_227, %swap3A_228], %get3A_226 {strides = array<i32>} : memref<512x64xf32, #tpu.memory_space<vmem>>, vector<16xf32>,
        %get3A_230 = arith.constant 16 : index
        %get3A_231 = tpu.vector_load %arg14[%get3A_230] {strides = array<i32>} : memref<64xf32, #tpu.memory_space<vmem>>, vector<16xf32>,
        %swap3A_232 = arith.index_cast %add3A_225 : i32 to index
        %swap3A_233 = arith.constant 16 : index
        %swap3A_234 = tpu.vector_load %arg13[%swap3A_232, %swap3A_233] {strides = array<i32>} : memref<512x64xf32, #tpu.memory_space<vmem>>, vector<16xf32>,
        tpu.vector_store %arg13[%swap3A_232, %swap3A_233], %get3A_231 {strides = array<i32>} : memref<512x64xf32, #tpu.memory_space<vmem>>, vector<16xf32>,
        %get3A_235 = arith.constant 32 : index
        %get3A_236 = tpu.vector_load %arg14[%get3A_235] {strides = array<i32>} : memref<64xf32, #tpu.memory_space<vmem>>, vector<16xf32>,
        %swap3A_237 = arith.index_cast %add3A_225 : i32 to index
        %swap3A_238 = arith.constant 32 : index
        %swap3A_239 = tpu.vector_load %arg13[%swap3A_237, %swap3A_238] {strides = array<i32>} : memref<512x64xf32, #tpu.memory_space<vmem>>, vector<16xf32>,
        tpu.vector_store %arg13[%swap3A_237, %swap3A_238], %get3A_236 {strides = array<i32>} : memref<512x64xf32, #tpu.memory_space<vmem>>, vector<16xf32>,
        %get3A_240 = arith.constant 48 : index
        %get3A_241 = tpu.vector_load %arg14[%get3A_240] {strides = array<i32>} : memref<64xf32, #tpu.memory_space<vmem>>, vector<16xf32>,
        %swap3A_242 = arith.index_cast %add3A_225 : i32 to index
        %swap3A_243 = arith.constant 48 : index
        %swap3A_244 = tpu.vector_load %arg13[%swap3A_242, %swap3A_243] {strides = array<i32>} : memref<512x64xf32, #tpu.memory_space<vmem>>, vector<16xf32>,
        tpu.vector_store %arg13[%swap3A_242, %swap3A_243], %get3A_241 {strides = array<i32>} : memref<512x64xf32, #tpu.memory_space<vmem>>, vector<16xf32>,
      }
      %scan3A_137 = arith.constant 2 : i32
      %add3A_138 = arith.constant 2 : i32
      %add3A_139 = arith.addi %mul3A_67, %add3A_138 : i32
      %dma_wait3A_140 = arith.constant 0 : i32
      %dma_wait3A_141 = arith.constant 0 : i32
      %dma_wait3A_142 = tpu.memref_slice %arg3[%dma_wait3A_140, %dma_wait3A_141] : memref<100000x64xbf16, #tpu.memory_space<hbm>> -> memref<100000x64xbf16, #tpu.memory_space<hbm>>
      tpu.wait_indirect_dma semaphore(%arg17 : memref<!tpu.dma_semaphore, #tpu.memory_space<semaphore_mem>>) src(%dma_wait3A_142 : memref<100000x64xbf16, #tpu.memory_space<hbm>>) dst(%arg11 : memref<400x64xbf16, #tpu.memory_space<vmem>>)
      %add3A_143 = arith.constant 3 : i32
      %add3A_144 = arith.addi %add3A_139, %add3A_143 : i32
      %mul3A_145 = arith.constant 2 : i32
      %mul3A_146 = arith.muli %add3A_144, %mul3A_145 : i32
      %add3A_147 = arith.addi %mul3A_2, %mul3A_146 : i32
      %mul3A_148 = arith.constant 200 : i32
      %mul3A_149 = arith.muli %add3A_147, %mul3A_148 : i32
      %min3A_150 = arith.constant 3276400 : i32
      %min3A_151 = arith.minsi %mul3A_149, %min3A_150 : i32
      %dma_start3A_152 = tpu.memref_slice %arg2[%min3A_151] : memref<3276800xi32, #tpu.memory_space<hbm>> -> memref<400xi32, #tpu.memory_space<hbm>>
      %dma_start3A_153 = tpu.memref_slice %arg2[%min3A_151] : memref<3276800xi32, #tpu.memory_space<hbm>> -> memref<400xi32, #tpu.memory_space<hbm>>
      tpu.enqueue_dma source(%dma_start3A_153 : memref<400xi32, #tpu.memory_space<hbm>>) target(%arg6 : memref<400xi32, #tpu.memory_space<vmem>>) target_semaphore(%arg20 : memref<!tpu.dma_semaphore, #tpu.memory_space<semaphore_mem>>)
      %add3A_154 = arith.constant 2 : i32
      %add3A_155 = arith.addi %add3A_139, %add3A_154 : i32
      %mul3A_156 = arith.constant 2 : i32
      %mul3A_157 = arith.muli %add3A_155, %mul3A_156 : i32
      %add3A_158 = arith.addi %mul3A_2, %mul3A_157 : i32
      %mul3A_159 = arith.constant 200 : i32
      %mul3A_160 = arith.muli %add3A_158, %mul3A_159 : i32
      %min3A_161 = arith.constant 3276400 : i32
      %min3A_162 = arith.minsi %mul3A_160, %min3A_161 : i32
      %dma_wait3A_163 = tpu.memref_slice %arg2[%min3A_162] : memref<3276800xi32, #tpu.memory_space<hbm>> -> memref<400xi32, #tpu.memory_space<hbm>>
      %dma_wait3A_164 = tpu.memref_slice %arg2[%min3A_162] : memref<3276800xi32, #tpu.memory_space<hbm>> -> memref<400xi32, #tpu.memory_space<hbm>>
      tpu.wait_dma2 semaphore(%arg19 : memref<!tpu.dma_semaphore, #tpu.memory_space<semaphore_mem>>) src(%dma_wait3A_164 : memref<400xi32, #tpu.memory_space<hbm>>) dst(%arg5 : memref<400xi32, #tpu.memory_space<vmem>>)
      %dma_start3A_165 = arith.constant 0 : i32
      %dma_start3A_166 = arith.constant 0 : i32
      %dma_start3A_167 = tpu.memref_slice %arg3[%dma_start3A_165, %dma_start3A_166] : memref<100000x64xbf16, #tpu.memory_space<hbm>> -> memref<100000x64xbf16, #tpu.memory_space<hbm>>
      tpu.enqueue_indirect_dma source(%dma_start3A_167 : memref<100000x64xbf16, #tpu.memory_space<hbm>>) target(%arg9 : memref<400x64xbf16, #tpu.memory_space<vmem>>) offsets(%arg5 : memref<400xi32, #tpu.memory_space<vmem>>) semaphore(%arg15 : memref<!tpu.dma_semaphore, #tpu.memory_space<semaphore_mem>>)
      %scan3A_168 = arith.constant 0 : i32
      %scan3A_169 = arith.constant 2 : i32
      %scan3A_170 = arith.addi %scan3A_168, %scan3A_169 : i32
      %scan3A_171 = arith.constant 1 : i32
      scf.for %scan3A_208 = %scan3A_168 to %scan3A_170 step %scan3A_171  : i32 {
        %mul3A_209 = arith.constant 200 : i32
        %mul3A_210 = arith.muli %scan3A_208, %mul3A_209 : i32
        %swap3A = arith.constant 0 : index
        %swap3A_211 = tpu.vector_load %arg14[%swap3A] {strides = array<i32>} : memref<64xf32, #tpu.memory_space<vmem>>, vector<16xf32>,
        tpu.vector_store %arg14[%swap3A], %broadcast_in_dim3A_46 {strides = array<i32>} : memref<64xf32, #tpu.memory_space<vmem>>, vector<16xf32>,
        %swap3A_212 = arith.constant 16 : index
        %swap3A_213 = tpu.vector_load %arg14[%swap3A_212] {strides = array<i32>} : memref<64xf32, #tpu.memory_space<vmem>>, vector<16xf32>,
        tpu.vector_store %arg14[%swap3A_212], %broadcast_in_dim3A_46 {strides = array<i32>} : memref<64xf32, #tpu.memory_space<vmem>>, vector<16xf32>,
        %swap3A_214 = arith.constant 32 : index
        %swap3A_215 = tpu.vector_load %arg14[%swap3A_214] {strides = array<i32>} : memref<64xf32, #tpu.memory_space<vmem>>, vector<16xf32>,
        tpu.vector_store %arg14[%swap3A_214], %broadcast_in_dim3A_46 {strides = array<i32>} : memref<64xf32, #tpu.memory_space<vmem>>, vector<16xf32>,
        %swap3A_216 = arith.constant 48 : index
        %swap3A_217 = tpu.vector_load %arg14[%swap3A_216] {strides = array<i32>} : memref<64xf32, #tpu.memory_space<vmem>>, vector<16xf32>,
        tpu.vector_store %arg14[%swap3A_216], %broadcast_in_dim3A_46 {strides = array<i32>} : memref<64xf32, #tpu.memory_space<vmem>>, vector<16xf32>,
        %scan3A_218 = arith.constant 0 : i32
        %scan3A_219 = arith.constant 5 : i32
        %scan3A_220 = arith.addi %scan3A_218, %scan3A_219 : i32
        %scan3A_221 = arith.constant 1 : i32
        scf.for %scan3A_245 = %scan3A_218 to %scan3A_220 step %scan3A_221  : i32 {
          %mul3A_246 = arith.constant 40 : i32
          %mul3A_247 = arith.muli %scan3A_245, %mul3A_246 : i32
          %add3A_248 = arith.addi %mul3A_210, %mul3A_247 : i32
          %get3A_249 = arith.constant 0 : index
          %get3A_250 = tpu.vector_load %arg14[%get3A_249] {strides = array<i32>} : memref<64xf32, #tpu.memory_space<vmem>>, vector<16xf32>,
          %get3A_251 = arith.constant 16 : index
          %get3A_252 = tpu.vector_load %arg14[%get3A_251] {strides = array<i32>} : memref<64xf32, #tpu.memory_space<vmem>>, vector<16xf32>,
          %get3A_253 = arith.constant 32 : index
          %get3A_254 = tpu.vector_load %arg14[%get3A_253] {strides = array<i32>} : memref<64xf32, #tpu.memory_space<vmem>>, vector<16xf32>,
          %get3A_255 = arith.constant 48 : index
          %get3A_256 = tpu.vector_load %arg14[%get3A_255] {strides = array<i32>} : memref<64xf32, #tpu.memory_space<vmem>>, vector<16xf32>,
          %add3A_257 = arith.constant 0 : i32
          %add3A_258 = arith.addi %add3A_248, %add3A_257 : i32
          %get3A_259 = arith.index_cast %add3A_258 : i32 to index
          %get3A_260 = arith.constant 0 : index
          %get3A_261 = tpu.vector_load %arg11[%get3A_259, %get3A_260] {strides = array<i32>} : memref<400x64xbf16, #tpu.memory_space<vmem>>, vector<32xbf16>,
          %bitcast3A = vector.bitcast %get3A_261 : vector<32xbf16> to vector<16xi32>
          %add3A_262 = arith.constant 0 : i32
          %add3A_263 = arith.addi %add3A_248, %add3A_262 : i32
          %get3A_264 = arith.index_cast %add3A_263 : i32 to index
          %get3A_265 = arith.constant 32 : index
          %get3A_266 = tpu.vector_load %arg11[%get3A_264, %get3A_265] {strides = array<i32>} : memref<400x64xbf16, #tpu.memory_space<vmem>>, vector<32xbf16>,
          %bitcast3A_267 = vector.bitcast %get3A_266 : vector<32xbf16> to vector<16xi32>
          %shift_left3A = arith.constant 16 : i32
          %shift_left3A_268 = vector.broadcast %shift_left3A : i32 to vector<16xi32>
          %shift_left3A_269 = arith.shli %bitcast3A, %shift_left3A_268 : vector<16xi32>
          %bitcast3A_270 = vector.bitcast %shift_left3A_269 : vector<16xi32> to vector<16xf32>
          %add3A_271 = arith.addf %get3A_250, %bitcast3A_270 : vector<16xf32>
          %bitcast3A_272 = vector.bitcast %bitcast3A : vector<16xi32> to vector<16xf32>
          %add3A_273 = arith.addf %get3A_252, %bitcast3A_272 : vector<16xf32>
          %shift_left3A_274 = arith.constant 16 : i32
          %shift_left3A_275 = vector.broadcast %shift_left3A_274 : i32 to vector<16xi32>
          %shift_left3A_276 = arith.shli %bitcast3A_267, %shift_left3A_275 : vector<16xi32>
          %bitcast3A_277 = vector.bitcast %shift_left3A_276 : vector<16xi32> to vector<16xf32>
          %add3A_278 = arith.addf %get3A_254, %bitcast3A_277 : vector<16xf32>
          %bitcast3A_279 = vector.bitcast %bitcast3A_267 : vector<16xi32> to vector<16xf32>
          %add3A_280 = arith.addf %get3A_256, %bitcast3A_279 : vector<16xf32>
          %add3A_281 = arith.constant 1 : i32
          %add3A_282 = arith.addi %add3A_248, %add3A_281 : i32
          %get3A_283 = arith.index_cast %add3A_282 : i32 to index
          %get3A_284 = arith.constant 0 : index
          %get3A_285 = tpu.vector_load %arg11[%get3A_283, %get3A_284] {strides = array<i32>} : memref<400x64xbf16, #tpu.memory_space<vmem>>, vector<32xbf16>,
          %bitcast3A_286 = vector.bitcast %get3A_285 : vector<32xbf16> to vector<16xi32>
          %add3A_287 = arith.constant 1 : i32
          %add3A_288 = arith.addi %add3A_248, %add3A_287 : i32
          %get3A_289 = arith.index_cast %add3A_288 : i32 to index
          %get3A_290 = arith.constant 32 : index
          %get3A_291 = tpu.vector_load %arg11[%get3A_289, %get3A_290] {strides = array<i32>} : memref<400x64xbf16, #tpu.memory_space<vmem>>, vector<32xbf16>,
          %bitcast3A_292 = vector.bitcast %get3A_291 : vector<32xbf16> to vector<16xi32>
          %shift_left3A_293 = arith.constant 16 : i32
          %shift_left3A_294 = vector.broadcast %shift_left3A_293 : i32 to vector<16xi32>
          %shift_left3A_295 = arith.shli %bitcast3A_286, %shift_left3A_294 : vector<16xi32>
          %bitcast3A_296 = vector.bitcast %shift_left3A_295 : vector<16xi32> to vector<16xf32>
          %add3A_297 = arith.addf %add3A_271, %bitcast3A_296 : vector<16xf32>
          %bitcast3A_298 = vector.bitcast %bitcast3A_286 : vector<16xi32> to vector<16xf32>
          %add3A_299 = arith.addf %add3A_273, %bitcast3A_298 : vector<16xf32>
          %shift_left3A_300 = arith.constant 16 : i32
          %shift_left3A_301 = vector.broadcast %shift_left3A_300 : i32 to vector<16xi32>
          %shift_left3A_302 = arith.shli %bitcast3A_292, %shift_left3A_301 : vector<16xi32>
          %bitcast3A_303 = vector.bitcast %shift_left3A_302 : vector<16xi32> to vector<16xf32>
          %add3A_304 = arith.addf %add3A_278, %bitcast3A_303 : vector<16xf32>
          %bitcast3A_305 = vector.bitcast %bitcast3A_292 : vector<16xi32> to vector<16xf32>
          %add3A_306 = arith.addf %add3A_280, %bitcast3A_305 : vector<16xf32>
          %add3A_307 = arith.constant 2 : i32
          %add3A_308 = arith.addi %add3A_248, %add3A_307 : i32
          %get3A_309 = arith.index_cast %add3A_308 : i32 to index
          %get3A_310 = arith.constant 0 : index
          %get3A_311 = tpu.vector_load %arg11[%get3A_309, %get3A_310] {strides = array<i32>} : memref<400x64xbf16, #tpu.memory_space<vmem>>, vector<32xbf16>,
          %bitcast3A_312 = vector.bitcast %get3A_311 : vector<32xbf16> to vector<16xi32>
          %add3A_313 = arith.constant 2 : i32
          %add3A_314 = arith.addi %add3A_248, %add3A_313 : i32
          %get3A_315 = arith.index_cast %add3A_314 : i32 to index
          %get3A_316 = arith.constant 32 : index
          %get3A_317 = tpu.vector_load %arg11[%get3A_315, %get3A_316] {strides = array<i32>} : memref<400x64xbf16, #tpu.memory_space<vmem>>, vector<32xbf16>,
          %bitcast3A_318 = vector.bitcast %get3A_317 : vector<32xbf16> to vector<16xi32>
          %shift_left3A_319 = arith.constant 16 : i32
          %shift_left3A_320 = vector.broadcast %shift_left3A_319 : i32 to vector<16xi32>
          %shift_left3A_321 = arith.shli %bitcast3A_312, %shift_left3A_320 : vector<16xi32>
          %bitcast3A_322 = vector.bitcast %shift_left3A_321 : vector<16xi32> to vector<16xf32>
          %add3A_323 = arith.addf %add3A_297, %bitcast3A_322 : vector<16xf32>
          %bitcast3A_324 = vector.bitcast %bitcast3A_312 : vector<16xi32> to vector<16xf32>
          %add3A_325 = arith.addf %add3A_299, %bitcast3A_324 : vector<16xf32>
          %shift_left3A_326 = arith.constant 16 : i32
          %shift_left3A_327 = vector.broadcast %shift_left3A_326 : i32 to vector<16xi32>
          %shift_left3A_328 = arith.shli %bitcast3A_318, %shift_left3A_327 : vector<16xi32>
          %bitcast3A_329 = vector.bitcast %shift_left3A_328 : vector<16xi32> to vector<16xf32>
          %add3A_330 = arith.addf %add3A_304, %bitcast3A_329 : vector<16xf32>
          %bitcast3A_331 = vector.bitcast %bitcast3A_318 : vector<16xi32> to vector<16xf32>
          %add3A_332 = arith.addf %add3A_306, %bitcast3A_331 : vector<16xf32>
          %add3A_333 = arith.constant 3 : i32
          %add3A_334 = arith.addi %add3A_248, %add3A_333 : i32
          %get3A_335 = arith.index_cast %add3A_334 : i32 to index
          %get3A_336 = arith.constant 0 : index
          %get3A_337 = tpu.vector_load %arg11[%get3A_335, %get3A_336] {strides = array<i32>} : memref<400x64xbf16, #tpu.memory_space<vmem>>, vector<32xbf16>,
          %bitcast3A_338 = vector.bitcast %get3A_337 : vector<32xbf16> to vector<16xi32>
          %add3A_339 = arith.constant 3 : i32
          %add3A_340 = arith.addi %add3A_248, %add3A_339 : i32
          %get3A_341 = arith.index_cast %add3A_340 : i32 to index
          %get3A_342 = arith.constant 32 : index
          %get3A_343 = tpu.vector_load %arg11[%get3A_341, %get3A_342] {strides = array<i32>} : memref<400x64xbf16, #tpu.memory_space<vmem>>, vector<32xbf16>,
          %bitcast3A_344 = vector.bitcast %get3A_343 : vector<32xbf16> to vector<16xi32>
          %shift_left3A_345 = arith.constant 16 : i32
          %shift_left3A_346 = vector.broadcast %shift_left3A_345 : i32 to vector<16xi32>
          %shift_left3A_347 = arith.shli %bitcast3A_338, %shift_left3A_346 : vector<16xi32>
          %bitcast3A_348 = vector.bitcast %shift_left3A_347 : vector<16xi32> to vector<16xf32>
          %add3A_349 = arith.addf %add3A_323, %bitcast3A_348 : vector<16xf32>
          %bitcast3A_350 = vector.bitcast %bitcast3A_338 : vector<16xi32> to vector<16xf32>
          %add3A_351 = arith.addf %add3A_325, %bitcast3A_350 : vector<16xf32>
          %shift_left3A_352 = arith.constant 16 : i32
          %shift_left3A_353 = vector.broadcast %shift_left3A_352 : i32 to vector<16xi32>
          %shift_left3A_354 = arith.shli %bitcast3A_344, %shift_left3A_353 : vector<16xi32>
          %bitcast3A_355 = vector.bitcast %shift_left3A_354 : vector<16xi32> to vector<16xf32>
          %add3A_356 = arith.addf %add3A_330, %bitcast3A_355 : vector<16xf32>
          %bitcast3A_357 = vector.bitcast %bitcast3A_344 : vector<16xi32> to vector<16xf32>
          %add3A_358 = arith.addf %add3A_332, %bitcast3A_357 : vector<16xf32>
          %add3A_359 = arith.constant 4 : i32
          %add3A_360 = arith.addi %add3A_248, %add3A_359 : i32
          %get3A_361 = arith.index_cast %add3A_360 : i32 to index
          %get3A_362 = arith.constant 0 : index
          %get3A_363 = tpu.vector_load %arg11[%get3A_361, %get3A_362] {strides = array<i32>} : memref<400x64xbf16, #tpu.memory_space<vmem>>, vector<32xbf16>,
          %bitcast3A_364 = vector.bitcast %get3A_363 : vector<32xbf16> to vector<16xi32>
          %add3A_365 = arith.constant 4 : i32
          %add3A_366 = arith.addi %add3A_248, %add3A_365 : i32
          %get3A_367 = arith.index_cast %add3A_366 : i32 to index
          %get3A_368 = arith.constant 32 : index
          %get3A_369 = tpu.vector_load %arg11[%get3A_367, %get3A_368] {strides = array<i32>} : memref<400x64xbf16, #tpu.memory_space<vmem>>, vector<32xbf16>,
          %bitcast3A_370 = vector.bitcast %get3A_369 : vector<32xbf16> to vector<16xi32>
          %shift_left3A_371 = arith.constant 16 : i32
          %shift_left3A_372 = vector.broadcast %shift_left3A_371 : i32 to vector<16xi32>
          %shift_left3A_373 = arith.shli %bitcast3A_364, %shift_left3A_372 : vector<16xi32>
          %bitcast3A_374 = vector.bitcast %shift_left3A_373 : vector<16xi32> to vector<16xf32>
          %add3A_375 = arith.addf %add3A_349, %bitcast3A_374 : vector<16xf32>
          %bitcast3A_376 = vector.bitcast %bitcast3A_364 : vector<16xi32> to vector<16xf32>
          %add3A_377 = arith.addf %add3A_351, %bitcast3A_376 : vector<16xf32>
          %shift_left3A_378 = arith.constant 16 : i32
          %shift_left3A_379 = vector.broadcast %shift_left3A_378 : i32 to vector<16xi32>
          %shift_left3A_380 = arith.shli %bitcast3A_370, %shift_left3A_379 : vector<16xi32>
          %bitcast3A_381 = vector.bitcast %shift_left3A_380 : vector<16xi32> to vector<16xf32>
          %add3A_382 = arith.addf %add3A_356, %bitcast3A_381 : vector<16xf32>
          %bitcast3A_383 = vector.bitcast %bitcast3A_370 : vector<16xi32> to vector<16xf32>
          %add3A_384 = arith.addf %add3A_358, %bitcast3A_383 : vector<16xf32>
          %add3A_385 = arith.constant 5 : i32
          %add3A_386 = arith.addi %add3A_248, %add3A_385 : i32
          %get3A_387 = arith.index_cast %add3A_386 : i32 to index
          %get3A_388 = arith.constant 0 : index
          %get3A_389 = tpu.vector_load %arg11[%get3A_387, %get3A_388] {strides = array<i32>} : memref<400x64xbf16, #tpu.memory_space<vmem>>, vector<32xbf16>,
          %bitcast3A_390 = vector.bitcast %get3A_389 : vector<32xbf16> to vector<16xi32>
          %add3A_391 = arith.constant 5 : i32
          %add3A_392 = arith.addi %add3A_248, %add3A_391 : i32
          %get3A_393 = arith.index_cast %add3A_392 : i32 to index
          %get3A_394 = arith.constant 32 : index
          %get3A_395 = tpu.vector_load %arg11[%get3A_393, %get3A_394] {strides = array<i32>} : memref<400x64xbf16, #tpu.memory_space<vmem>>, vector<32xbf16>,
          %bitcast3A_396 = vector.bitcast %get3A_395 : vector<32xbf16> to vector<16xi32>
          %shift_left3A_397 = arith.constant 16 : i32
          %shift_left3A_398 = vector.broadcast %shift_left3A_397 : i32 to vector<16xi32>
          %shift_left3A_399 = arith.shli %bitcast3A_390, %shift_left3A_398 : vector<16xi32>
          %bitcast3A_400 = vector.bitcast %shift_left3A_399 : vector<16xi32> to vector<16xf32>
          %add3A_401 = arith.addf %add3A_375, %bitcast3A_400 : vector<16xf32>
          %bitcast3A_402 = vector.bitcast %bitcast3A_390 : vector<16xi32> to vector<16xf32>
          %add3A_403 = arith.addf %add3A_377, %bitcast3A_402 : vector<16xf32>
          %shift_left3A_404 = arith.constant 16 : i32
          %shift_left3A_405 = vector.broadcast %shift_left3A_404 : i32 to vector<16xi32>
          %shift_left3A_406 = arith.shli %bitcast3A_396, %shift_left3A_405 : vector<16xi32>
          %bitcast3A_407 = vector.bitcast %shift_left3A_406 : vector<16xi32> to vector<16xf32>
          %add3A_408 = arith.addf %add3A_382, %bitcast3A_407 : vector<16xf32>
          %bitcast3A_409 = vector.bitcast %bitcast3A_396 : vector<16xi32> to vector<16xf32>
          %add3A_410 = arith.addf %add3A_384, %bitcast3A_409 : vector<16xf32>
          %add3A_411 = arith.constant 6 : i32
          %add3A_412 = arith.addi %add3A_248, %add3A_411 : i32
          %get3A_413 = arith.index_cast %add3A_412 : i32 to index
          %get3A_414 = arith.constant 0 : index
          %get3A_415 = tpu.vector_load %arg11[%get3A_413, %get3A_414] {strides = array<i32>} : memref<400x64xbf16, #tpu.memory_space<vmem>>, vector<32xbf16>,
          %bitcast3A_416 = vector.bitcast %get3A_415 : vector<32xbf16> to vector<16xi32>
          %add3A_417 = arith.constant 6 : i32
          %add3A_418 = arith.addi %add3A_248, %add3A_417 : i32
          %get3A_419 = arith.index_cast %add3A_418 : i32 to index
          %get3A_420 = arith.constant 32 : index
          %get3A_421 = tpu.vector_load %arg11[%get3A_419, %get3A_420] {strides = array<i32>} : memref<400x64xbf16, #tpu.memory_space<vmem>>, vector<32xbf16>,
          %bitcast3A_422 = vector.bitcast %get3A_421 : vector<32xbf16> to vector<16xi32>
          %shift_left3A_423 = arith.constant 16 : i32
          %shift_left3A_424 = vector.broadcast %shift_left3A_423 : i32 to vector<16xi32>
          %shift_left3A_425 = arith.shli %bitcast3A_416, %shift_left3A_424 : vector<16xi32>
          %bitcast3A_426 = vector.bitcast %shift_left3A_425 : vector<16xi32> to vector<16xf32>
          %add3A_427 = arith.addf %add3A_401, %bitcast3A_426 : vector<16xf32>
          %bitcast3A_428 = vector.bitcast %bitcast3A_416 : vector<16xi32> to vector<16xf32>
          %add3A_429 = arith.addf %add3A_403, %bitcast3A_428 : vector<16xf32>
          %shift_left3A_430 = arith.constant 16 : i32
          %shift_left3A_431 = vector.broadcast %shift_left3A_430 : i32 to vector<16xi32>
          %shift_left3A_432 = arith.shli %bitcast3A_422, %shift_left3A_431 : vector<16xi32>
          %bitcast3A_433 = vector.bitcast %shift_left3A_432 : vector<16xi32> to vector<16xf32>
          %add3A_434 = arith.addf %add3A_408, %bitcast3A_433 : vector<16xf32>
          %bitcast3A_435 = vector.bitcast %bitcast3A_422 : vector<16xi32> to vector<16xf32>
          %add3A_436 = arith.addf %add3A_410, %bitcast3A_435 : vector<16xf32>
          %add3A_437 = arith.constant 7 : i32
          %add3A_438 = arith.addi %add3A_248, %add3A_437 : i32
          %get3A_439 = arith.index_cast %add3A_438 : i32 to index
          %get3A_440 = arith.constant 0 : index
          %get3A_441 = tpu.vector_load %arg11[%get3A_439, %get3A_440] {strides = array<i32>} : memref<400x64xbf16, #tpu.memory_space<vmem>>, vector<32xbf16>,
          %bitcast3A_442 = vector.bitcast %get3A_441 : vector<32xbf16> to vector<16xi32>
          %add3A_443 = arith.constant 7 : i32
          %add3A_444 = arith.addi %add3A_248, %add3A_443 : i32
          %get3A_445 = arith.index_cast %add3A_444 : i32 to index
          %get3A_446 = arith.constant 32 : index
          %get3A_447 = tpu.vector_load %arg11[%get3A_445, %get3A_446] {strides = array<i32>} : memref<400x64xbf16, #tpu.memory_space<vmem>>, vector<32xbf16>,
          %bitcast3A_448 = vector.bitcast %get3A_447 : vector<32xbf16> to vector<16xi32>
          %shift_left3A_449 = arith.constant 16 : i32
          %shift_left3A_450 = vector.broadcast %shift_left3A_449 : i32 to vector<16xi32>
          %shift_left3A_451 = arith.shli %bitcast3A_442, %shift_left3A_450 : vector<16xi32>
          %bitcast3A_452 = vector.bitcast %shift_left3A_451 : vector<16xi32> to vector<16xf32>
          %add3A_453 = arith.addf %add3A_427, %bitcast3A_452 : vector<16xf32>
          %bitcast3A_454 = vector.bitcast %bitcast3A_442 : vector<16xi32> to vector<16xf32>
          %add3A_455 = arith.addf %add3A_429, %bitcast3A_454 : vector<16xf32>
          %shift_left3A_456 = arith.constant 16 : i32
          %shift_left3A_457 = vector.broadcast %shift_left3A_456 : i32 to vector<16xi32>
          %shift_left3A_458 = arith.shli %bitcast3A_448, %shift_left3A_457 : vector<16xi32>
          %bitcast3A_459 = vector.bitcast %shift_left3A_458 : vector<16xi32> to vector<16xf32>
          %add3A_460 = arith.addf %add3A_434, %bitcast3A_459 : vector<16xf32>
          %bitcast3A_461 = vector.bitcast %bitcast3A_448 : vector<16xi32> to vector<16xf32>
          %add3A_462 = arith.addf %add3A_436, %bitcast3A_461 : vector<16xf32>
          %add3A_463 = arith.constant 8 : i32
          %add3A_464 = arith.addi %add3A_248, %add3A_463 : i32
          %get3A_465 = arith.index_cast %add3A_464 : i32 to index
          %get3A_466 = arith.constant 0 : index
          %get3A_467 = tpu.vector_load %arg11[%get3A_465, %get3A_466] {strides = array<i32>} : memref<400x64xbf16, #tpu.memory_space<vmem>>, vector<32xbf16>,
          %bitcast3A_468 = vector.bitcast %get3A_467 : vector<32xbf16> to vector<16xi32>
          %add3A_469 = arith.constant 8 : i32
          %add3A_470 = arith.addi %add3A_248, %add3A_469 : i32
          %get3A_471 = arith.index_cast %add3A_470 : i32 to index
          %get3A_472 = arith.constant 32 : index
          %get3A_473 = tpu.vector_load %arg11[%get3A_471, %get3A_472] {strides = array<i32>} : memref<400x64xbf16, #tpu.memory_space<vmem>>, vector<32xbf16>,
          %bitcast3A_474 = vector.bitcast %get3A_473 : vector<32xbf16> to vector<16xi32>
          %shift_left3A_475 = arith.constant 16 : i32
          %shift_left3A_476 = vector.broadcast %shift_left3A_475 : i32 to vector<16xi32>
          %shift_left3A_477 = arith.shli %bitcast3A_468, %shift_left3A_476 : vector<16xi32>
          %bitcast3A_478 = vector.bitcast %shift_left3A_477 : vector<16xi32> to vector<16xf32>
          %add3A_479 = arith.addf %add3A_453, %bitcast3A_478 : vector<16xf32>
          %bitcast3A_480 = vector.bitcast %bitcast3A_468 : vector<16xi32> to vector<16xf32>
          %add3A_481 = arith.addf %add3A_455, %bitcast3A_480 : vector<16xf32>
          %shift_left3A_482 = arith.constant 16 : i32
          %shift_left3A_483 = vector.broadcast %shift_left3A_482 : i32 to vector<16xi32>
          %shift_left3A_484 = arith.shli %bitcast3A_474, %shift_left3A_483 : vector<16xi32>
          %bitcast3A_485 = vector.bitcast %shift_left3A_484 : vector<16xi32> to vector<16xf32>
          %add3A_486 = arith.addf %add3A_460, %bitcast3A_485 : vector<16xf32>
          %bitcast3A_487 = vector.bitcast %bitcast3A_474 : vector<16xi32> to vector<16xf32>
          %add3A_488 = arith.addf %add3A_462, %bitcast3A_487 : vector<16xf32>
          %add3A_489 = arith.constant 9 : i32
          %add3A_490 = arith.addi %add3A_248, %add3A_489 : i32
          %get3A_491 = arith.index_cast %add3A_490 : i32 to index
          %get3A_492 = arith.constant 0 : index
          %get3A_493 = tpu.vector_load %arg11[%get3A_491, %get3A_492] {strides = array<i32>} : memref<400x64xbf16, #tpu.memory_space<vmem>>, vector<32xbf16>,
          %bitcast3A_494 = vector.bitcast %get3A_493 : vector<32xbf16> to vector<16xi32>
          %add3A_495 = arith.constant 9 : i32
          %add3A_496 = arith.addi %add3A_248, %add3A_495 : i32
          %get3A_497 = arith.index_cast %add3A_496 : i32 to index
          %get3A_498 = arith.constant 32 : index
          %get3A_499 = tpu.vector_load %arg11[%get3A_497, %get3A_498] {strides = array<i32>} : memref<400x64xbf16, #tpu.memory_space<vmem>>, vector<32xbf16>,
          %bitcast3A_500 = vector.bitcast %get3A_499 : vector<32xbf16> to vector<16xi32>
          %shift_left3A_501 = arith.constant 16 : i32
          %shift_left3A_502 = vector.broadcast %shift_left3A_501 : i32 to vector<16xi32>
          %shift_left3A_503 = arith.shli %bitcast3A_494, %shift_left3A_502 : vector<16xi32>
          %bitcast3A_504 = vector.bitcast %shift_left3A_503 : vector<16xi32> to vector<16xf32>
          %add3A_505 = arith.addf %add3A_479, %bitcast3A_504 : vector<16xf32>
          %bitcast3A_506 = vector.bitcast %bitcast3A_494 : vector<16xi32> to vector<16xf32>
          %add3A_507 = arith.addf %add3A_481, %bitcast3A_506 : vector<16xf32>
          %shift_left3A_508 = arith.constant 16 : i32
          %shift_left3A_509 = vector.broadcast %shift_left3A_508 : i32 to vector<16xi32>
          %shift_left3A_510 = arith.shli %bitcast3A_500, %shift_left3A_509 : vector<16xi32>
          %bitcast3A_511 = vector.bitcast %shift_left3A_510 : vector<16xi32> to vector<16xf32>
          %add3A_512 = arith.addf %add3A_486, %bitcast3A_511 : vector<16xf32>
          %bitcast3A_513 = vector.bitcast %bitcast3A_500 : vector<16xi32> to vector<16xf32>
          %add3A_514 = arith.addf %add3A_488, %bitcast3A_513 : vector<16xf32>
          %add3A_515 = arith.constant 10 : i32
          %add3A_516 = arith.addi %add3A_248, %add3A_515 : i32
          %get3A_517 = arith.index_cast %add3A_516 : i32 to index
          %get3A_518 = arith.constant 0 : index
          %get3A_519 = tpu.vector_load %arg11[%get3A_517, %get3A_518] {strides = array<i32>} : memref<400x64xbf16, #tpu.memory_space<vmem>>, vector<32xbf16>,
          %bitcast3A_520 = vector.bitcast %get3A_519 : vector<32xbf16> to vector<16xi32>
          %add3A_521 = arith.constant 10 : i32
          %add3A_522 = arith.addi %add3A_248, %add3A_521 : i32
          %get3A_523 = arith.index_cast %add3A_522 : i32 to index
          %get3A_524 = arith.constant 32 : index
          %get3A_525 = tpu.vector_load %arg11[%get3A_523, %get3A_524] {strides = array<i32>} : memref<400x64xbf16, #tpu.memory_space<vmem>>, vector<32xbf16>,
          %bitcast3A_526 = vector.bitcast %get3A_525 : vector<32xbf16> to vector<16xi32>
          %shift_left3A_527 = arith.constant 16 : i32
          %shift_left3A_528 = vector.broadcast %shift_left3A_527 : i32 to vector<16xi32>
          %shift_left3A_529 = arith.shli %bitcast3A_520, %shift_left3A_528 : vector<16xi32>
          %bitcast3A_530 = vector.bitcast %shift_left3A_529 : vector<16xi32> to vector<16xf32>
          %add3A_531 = arith.addf %add3A_505, %bitcast3A_530 : vector<16xf32>
          %bitcast3A_532 = vector.bitcast %bitcast3A_520 : vector<16xi32> to vector<16xf32>
          %add3A_533 = arith.addf %add3A_507, %bitcast3A_532 : vector<16xf32>
          %shift_left3A_534 = arith.constant 16 : i32
          %shift_left3A_535 = vector.broadcast %shift_left3A_534 : i32 to vector<16xi32>
          %shift_left3A_536 = arith.shli %bitcast3A_526, %shift_left3A_535 : vector<16xi32>
          %bitcast3A_537 = vector.bitcast %shift_left3A_536 : vector<16xi32> to vector<16xf32>
          %add3A_538 = arith.addf %add3A_512, %bitcast3A_537 : vector<16xf32>
          %bitcast3A_539 = vector.bitcast %bitcast3A_526 : vector<16xi32> to vector<16xf32>
          %add3A_540 = arith.addf %add3A_514, %bitcast3A_539 : vector<16xf32>
          %add3A_541 = arith.constant 11 : i32
          %add3A_542 = arith.addi %add3A_248, %add3A_541 : i32
          %get3A_543 = arith.index_cast %add3A_542 : i32 to index
          %get3A_544 = arith.constant 0 : index
          %get3A_545 = tpu.vector_load %arg11[%get3A_543, %get3A_544] {strides = array<i32>} : memref<400x64xbf16, #tpu.memory_space<vmem>>, vector<32xbf16>,
          %bitcast3A_546 = vector.bitcast %get3A_545 : vector<32xbf16> to vector<16xi32>
          %add3A_547 = arith.constant 11 : i32
          %add3A_548 = arith.addi %add3A_248, %add3A_547 : i32
          %get3A_549 = arith.index_cast %add3A_548 : i32 to index
          %get3A_550 = arith.constant 32 : index
          %get3A_551 = tpu.vector_load %arg11[%get3A_549, %get3A_550] {strides = array<i32>} : memref<400x64xbf16, #tpu.memory_space<vmem>>, vector<32xbf16>,
          %bitcast3A_552 = vector.bitcast %get3A_551 : vector<32xbf16> to vector<16xi32>
          %shift_left3A_553 = arith.constant 16 : i32
          %shift_left3A_554 = vector.broadcast %shift_left3A_553 : i32 to vector<16xi32>
          %shift_left3A_555 = arith.shli %bitcast3A_546, %shift_left3A_554 : vector<16xi32>
          %bitcast3A_556 = vector.bitcast %shift_left3A_555 : vector<16xi32> to vector<16xf32>
          %add3A_557 = arith.addf %add3A_531, %bitcast3A_556 : vector<16xf32>
          %bitcast3A_558 = vector.bitcast %bitcast3A_546 : vector<16xi32> to vector<16xf32>
          %add3A_559 = arith.addf %add3A_533, %bitcast3A_558 : vector<16xf32>
          %shift_left3A_560 = arith.constant 16 : i32
          %shift_left3A_561 = vector.broadcast %shift_left3A_560 : i32 to vector<16xi32>
          %shift_left3A_562 = arith.shli %bitcast3A_552, %shift_left3A_561 : vector<16xi32>
          %bitcast3A_563 = vector.bitcast %shift_left3A_562 : vector<16xi32> to vector<16xf32>
          %add3A_564 = arith.addf %add3A_538, %bitcast3A_563 : vector<16xf32>
          %bitcast3A_565 = vector.bitcast %bitcast3A_552 : vector<16xi32> to vector<16xf32>
          %add3A_566 = arith.addf %add3A_540, %bitcast3A_565 : vector<16xf32>
          %add3A_567 = arith.constant 12 : i32
          %add3A_568 = arith.addi %add3A_248, %add3A_567 : i32
          %get3A_569 = arith.index_cast %add3A_568 : i32 to index
          %get3A_570 = arith.constant 0 : index
          %get3A_571 = tpu.vector_load %arg11[%get3A_569, %get3A_570] {strides = array<i32>} : memref<400x64xbf16, #tpu.memory_space<vmem>>, vector<32xbf16>,
          %bitcast3A_572 = vector.bitcast %get3A_571 : vector<32xbf16> to vector<16xi32>
          %add3A_573 = arith.constant 12 : i32
          %add3A_574 = arith.addi %add3A_248, %add3A_573 : i32
          %get3A_575 = arith.index_cast %add3A_574 : i32 to index
          %get3A_576 = arith.constant 32 : index
          %get3A_577 = tpu.vector_load %arg11[%get3A_575, %get3A_576] {strides = array<i32>} : memref<400x64xbf16, #tpu.memory_space<vmem>>, vector<32xbf16>,
          %bitcast3A_578 = vector.bitcast %get3A_577 : vector<32xbf16> to vector<16xi32>
          %shift_left3A_579 = arith.constant 16 : i32
          %shift_left3A_580 = vector.broadcast %shift_left3A_579 : i32 to vector<16xi32>
          %shift_left3A_581 = arith.shli %bitcast3A_572, %shift_left3A_580 : vector<16xi32>
          %bitcast3A_582 = vector.bitcast %shift_left3A_581 : vector<16xi32> to vector<16xf32>
          %add3A_583 = arith.addf %add3A_557, %bitcast3A_582 : vector<16xf32>
          %bitcast3A_584 = vector.bitcast %bitcast3A_572 : vector<16xi32> to vector<16xf32>
          %add3A_585 = arith.addf %add3A_559, %bitcast3A_584 : vector<16xf32>
          %shift_left3A_586 = arith.constant 16 : i32
          %shift_left3A_587 = vector.broadcast %shift_left3A_586 : i32 to vector<16xi32>
          %shift_left3A_588 = arith.shli %bitcast3A_578, %shift_left3A_587 : vector<16xi32>
          %bitcast3A_589 = vector.bitcast %shift_left3A_588 : vector<16xi32> to vector<16xf32>
          %add3A_590 = arith.addf %add3A_564, %bitcast3A_589 : vector<16xf32>
          %bitcast3A_591 = vector.bitcast %bitcast3A_578 : vector<16xi32> to vector<16xf32>
          %add3A_592 = arith.addf %add3A_566, %bitcast3A_591 : vector<16xf32>
          %add3A_593 = arith.constant 13 : i32
          %add3A_594 = arith.addi %add3A_248, %add3A_593 : i32
          %get3A_595 = arith.index_cast %add3A_594 : i32 to index
          %get3A_596 = arith.constant 0 : index
          %get3A_597 = tpu.vector_load %arg11[%get3A_595, %get3A_596] {strides = array<i32>} : memref<400x64xbf16, #tpu.memory_space<vmem>>, vector<32xbf16>,
          %bitcast3A_598 = vector.bitcast %get3A_597 : vector<32xbf16> to vector<16xi32>
          %add3A_599 = arith.constant 13 : i32
          %add3A_600 = arith.addi %add3A_248, %add3A_599 : i32
          %get3A_601 = arith.index_cast %add3A_600 : i32 to index
          %get3A_602 = arith.constant 32 : index
          %get3A_603 = tpu.vector_load %arg11[%get3A_601, %get3A_602] {strides = array<i32>} : memref<400x64xbf16, #tpu.memory_space<vmem>>, vector<32xbf16>,
          %bitcast3A_604 = vector.bitcast %get3A_603 : vector<32xbf16> to vector<16xi32>
          %shift_left3A_605 = arith.constant 16 : i32
          %shift_left3A_606 = vector.broadcast %shift_left3A_605 : i32 to vector<16xi32>
          %shift_left3A_607 = arith.shli %bitcast3A_598, %shift_left3A_606 : vector<16xi32>
          %bitcast3A_608 = vector.bitcast %shift_left3A_607 : vector<16xi32> to vector<16xf32>
          %add3A_609 = arith.addf %add3A_583, %bitcast3A_608 : vector<16xf32>
          %bitcast3A_610 = vector.bitcast %bitcast3A_598 : vector<16xi32> to vector<16xf32>
          %add3A_611 = arith.addf %add3A_585, %bitcast3A_610 : vector<16xf32>
          %shift_left3A_612 = arith.constant 16 : i32
          %shift_left3A_613 = vector.broadcast %shift_left3A_612 : i32 to vector<16xi32>
          %shift_left3A_614 = arith.shli %bitcast3A_604, %shift_left3A_613 : vector<16xi32>
          %bitcast3A_615 = vector.bitcast %shift_left3A_614 : vector<16xi32> to vector<16xf32>
          %add3A_616 = arith.addf %add3A_590, %bitcast3A_615 : vector<16xf32>
          %bitcast3A_617 = vector.bitcast %bitcast3A_604 : vector<16xi32> to vector<16xf32>
          %add3A_618 = arith.addf %add3A_592, %bitcast3A_617 : vector<16xf32>
          %add3A_619 = arith.constant 14 : i32
          %add3A_620 = arith.addi %add3A_248, %add3A_619 : i32
          %get3A_621 = arith.index_cast %add3A_620 : i32 to index
          %get3A_622 = arith.constant 0 : index
          %get3A_623 = tpu.vector_load %arg11[%get3A_621, %get3A_622] {strides = array<i32>} : memref<400x64xbf16, #tpu.memory_space<vmem>>, vector<32xbf16>,
          %bitcast3A_624 = vector.bitcast %get3A_623 : vector<32xbf16> to vector<16xi32>
          %add3A_625 = arith.constant 14 : i32
          %add3A_626 = arith.addi %add3A_248, %add3A_625 : i32
          %get3A_627 = arith.index_cast %add3A_626 : i32 to index
          %get3A_628 = arith.constant 32 : index
          %get3A_629 = tpu.vector_load %arg11[%get3A_627, %get3A_628] {strides = array<i32>} : memref<400x64xbf16, #tpu.memory_space<vmem>>, vector<32xbf16>,
          %bitcast3A_630 = vector.bitcast %get3A_629 : vector<32xbf16> to vector<16xi32>
          %shift_left3A_631 = arith.constant 16 : i32
          %shift_left3A_632 = vector.broadcast %shift_left3A_631 : i32 to vector<16xi32>
          %shift_left3A_633 = arith.shli %bitcast3A_624, %shift_left3A_632 : vector<16xi32>
          %bitcast3A_634 = vector.bitcast %shift_left3A_633 : vector<16xi32> to vector<16xf32>
          %add3A_635 = arith.addf %add3A_609, %bitcast3A_634 : vector<16xf32>
          %bitcast3A_636 = vector.bitcast %bitcast3A_624 : vector<16xi32> to vector<16xf32>
          %add3A_637 = arith.addf %add3A_611, %bitcast3A_636 : vector<16xf32>
          %shift_left3A_638 = arith.constant 16 : i32
          %shift_left3A_639 = vector.broadcast %shift_left3A_638 : i32 to vector<16xi32>
          %shift_left3A_640 = arith.shli %bitcast3A_630, %shift_left3A_639 : vector<16xi32>
          %bitcast3A_641 = vector.bitcast %shift_left3A_640 : vector<16xi32> to vector<16xf32>
          %add3A_642 = arith.addf %add3A_616, %bitcast3A_641 : vector<16xf32>
          %bitcast3A_643 = vector.bitcast %bitcast3A_630 : vector<16xi32> to vector<16xf32>
          %add3A_644 = arith.addf %add3A_618, %bitcast3A_643 : vector<16xf32>
          %add3A_645 = arith.constant 15 : i32
          %add3A_646 = arith.addi %add3A_248, %add3A_645 : i32
          %get3A_647 = arith.index_cast %add3A_646 : i32 to index
          %get3A_648 = arith.constant 0 : index
          %get3A_649 = tpu.vector_load %arg11[%get3A_647, %get3A_648] {strides = array<i32>} : memref<400x64xbf16, #tpu.memory_space<vmem>>, vector<32xbf16>,
          %bitcast3A_650 = vector.bitcast %get3A_649 : vector<32xbf16> to vector<16xi32>
          %add3A_651 = arith.constant 15 : i32
          %add3A_652 = arith.addi %add3A_248, %add3A_651 : i32
          %get3A_653 = arith.index_cast %add3A_652 : i32 to index
          %get3A_654 = arith.constant 32 : index
          %get3A_655 = tpu.vector_load %arg11[%get3A_653, %get3A_654] {strides = array<i32>} : memref<400x64xbf16, #tpu.memory_space<vmem>>, vector<32xbf16>,
          %bitcast3A_656 = vector.bitcast %get3A_655 : vector<32xbf16> to vector<16xi32>
          %shift_left3A_657 = arith.constant 16 : i32
          %shift_left3A_658 = vector.broadcast %shift_left3A_657 : i32 to vector<16xi32>
          %shift_left3A_659 = arith.shli %bitcast3A_650, %shift_left3A_658 : vector<16xi32>
          %bitcast3A_660 = vector.bitcast %shift_left3A_659 : vector<16xi32> to vector<16xf32>
          %add3A_661 = arith.addf %add3A_635, %bitcast3A_660 : vector<16xf32>
          %bitcast3A_662 = vector.bitcast %bitcast3A_650 : vector<16xi32> to vector<16xf32>
          %add3A_663 = arith.addf %add3A_637, %bitcast3A_662 : vector<16xf32>
          %shift_left3A_664 = arith.constant 16 : i32
          %shift_left3A_665 = vector.broadcast %shift_left3A_664 : i32 to vector<16xi32>
          %shift_left3A_666 = arith.shli %bitcast3A_656, %shift_left3A_665 : vector<16xi32>
          %bitcast3A_667 = vector.bitcast %shift_left3A_666 : vector<16xi32> to vector<16xf32>
          %add3A_668 = arith.addf %add3A_642, %bitcast3A_667 : vector<16xf32>
          %bitcast3A_669 = vector.bitcast %bitcast3A_656 : vector<16xi32> to vector<16xf32>
          %add3A_670 = arith.addf %add3A_644, %bitcast3A_669 : vector<16xf32>
          %add3A_671 = arith.constant 16 : i32
          %add3A_672 = arith.addi %add3A_248, %add3A_671 : i32
          %get3A_673 = arith.index_cast %add3A_672 : i32 to index
          %get3A_674 = arith.constant 0 : index
          %get3A_675 = tpu.vector_load %arg11[%get3A_673, %get3A_674] {strides = array<i32>} : memref<400x64xbf16, #tpu.memory_space<vmem>>, vector<32xbf16>,
          %bitcast3A_676 = vector.bitcast %get3A_675 : vector<32xbf16> to vector<16xi32>
          %add3A_677 = arith.constant 16 : i32
          %add3A_678 = arith.addi %add3A_248, %add3A_677 : i32
          %get3A_679 = arith.index_cast %add3A_678 : i32 to index
          %get3A_680 = arith.constant 32 : index
          %get3A_681 = tpu.vector_load %arg11[%get3A_679, %get3A_680] {strides = array<i32>} : memref<400x64xbf16, #tpu.memory_space<vmem>>, vector<32xbf16>,
          %bitcast3A_682 = vector.bitcast %get3A_681 : vector<32xbf16> to vector<16xi32>
          %shift_left3A_683 = arith.constant 16 : i32
          %shift_left3A_684 = vector.broadcast %shift_left3A_683 : i32 to vector<16xi32>
          %shift_left3A_685 = arith.shli %bitcast3A_676, %shift_left3A_684 : vector<16xi32>
          %bitcast3A_686 = vector.bitcast %shift_left3A_685 : vector<16xi32> to vector<16xf32>
          %add3A_687 = arith.addf %add3A_661, %bitcast3A_686 : vector<16xf32>
          %bitcast3A_688 = vector.bitcast %bitcast3A_676 : vector<16xi32> to vector<16xf32>
          %add3A_689 = arith.addf %add3A_663, %bitcast3A_688 : vector<16xf32>
          %shift_left3A_690 = arith.constant 16 : i32
          %shift_left3A_691 = vector.broadcast %shift_left3A_690 : i32 to vector<16xi32>
          %shift_left3A_692 = arith.shli %bitcast3A_682, %shift_left3A_691 : vector<16xi32>
          %bitcast3A_693 = vector.bitcast %shift_left3A_692 : vector<16xi32> to vector<16xf32>
          %add3A_694 = arith.addf %add3A_668, %bitcast3A_693 : vector<16xf32>
          %bitcast3A_695 = vector.bitcast %bitcast3A_682 : vector<16xi32> to vector<16xf32>
          %add3A_696 = arith.addf %add3A_670, %bitcast3A_695 : vector<16xf32>
          %add3A_697 = arith.constant 17 : i32
          %add3A_698 = arith.addi %add3A_248, %add3A_697 : i32
          %get3A_699 = arith.index_cast %add3A_698 : i32 to index
          %get3A_700 = arith.constant 0 : index
          %get3A_701 = tpu.vector_load %arg11[%get3A_699, %get3A_700] {strides = array<i32>} : memref<400x64xbf16, #tpu.memory_space<vmem>>, vector<32xbf16>,
          %bitcast3A_702 = vector.bitcast %get3A_701 : vector<32xbf16> to vector<16xi32>
          %add3A_703 = arith.constant 17 : i32
          %add3A_704 = arith.addi %add3A_248, %add3A_703 : i32
          %get3A_705 = arith.index_cast %add3A_704 : i32 to index
          %get3A_706 = arith.constant 32 : index
          %get3A_707 = tpu.vector_load %arg11[%get3A_705, %get3A_706] {strides = array<i32>} : memref<400x64xbf16, #tpu.memory_space<vmem>>, vector<32xbf16>,
          %bitcast3A_708 = vector.bitcast %get3A_707 : vector<32xbf16> to vector<16xi32>
          %shift_left3A_709 = arith.constant 16 : i32
          %shift_left3A_710 = vector.broadcast %shift_left3A_709 : i32 to vector<16xi32>
          %shift_left3A_711 = arith.shli %bitcast3A_702, %shift_left3A_710 : vector<16xi32>
          %bitcast3A_712 = vector.bitcast %shift_left3A_711 : vector<16xi32> to vector<16xf32>
          %add3A_713 = arith.addf %add3A_687, %bitcast3A_712 : vector<16xf32>
          %bitcast3A_714 = vector.bitcast %bitcast3A_702 : vector<16xi32> to vector<16xf32>
          %add3A_715 = arith.addf %add3A_689, %bitcast3A_714 : vector<16xf32>
          %shift_left3A_716 = arith.constant 16 : i32
          %shift_left3A_717 = vector.broadcast %shift_left3A_716 : i32 to vector<16xi32>
          %shift_left3A_718 = arith.shli %bitcast3A_708, %shift_left3A_717 : vector<16xi32>
          %bitcast3A_719 = vector.bitcast %shift_left3A_718 : vector<16xi32> to vector<16xf32>
          %add3A_720 = arith.addf %add3A_694, %bitcast3A_719 : vector<16xf32>
          %bitcast3A_721 = vector.bitcast %bitcast3A_708 : vector<16xi32> to vector<16xf32>
          %add3A_722 = arith.addf %add3A_696, %bitcast3A_721 : vector<16xf32>
          %add3A_723 = arith.constant 18 : i32
          %add3A_724 = arith.addi %add3A_248, %add3A_723 : i32
          %get3A_725 = arith.index_cast %add3A_724 : i32 to index
          %get3A_726 = arith.constant 0 : index
          %get3A_727 = tpu.vector_load %arg11[%get3A_725, %get3A_726] {strides = array<i32>} : memref<400x64xbf16, #tpu.memory_space<vmem>>, vector<32xbf16>,
          %bitcast3A_728 = vector.bitcast %get3A_727 : vector<32xbf16> to vector<16xi32>
          %add3A_729 = arith.constant 18 : i32
          %add3A_730 = arith.addi %add3A_248, %add3A_729 : i32
          %get3A_731 = arith.index_cast %add3A_730 : i32 to index
          %get3A_732 = arith.constant 32 : index
          %get3A_733 = tpu.vector_load %arg11[%get3A_731, %get3A_732] {strides = array<i32>} : memref<400x64xbf16, #tpu.memory_space<vmem>>, vector<32xbf16>,
          %bitcast3A_734 = vector.bitcast %get3A_733 : vector<32xbf16> to vector<16xi32>
          %shift_left3A_735 = arith.constant 16 : i32
          %shift_left3A_736 = vector.broadcast %shift_left3A_735 : i32 to vector<16xi32>
          %shift_left3A_737 = arith.shli %bitcast3A_728, %shift_left3A_736 : vector<16xi32>
          %bitcast3A_738 = vector.bitcast %shift_left3A_737 : vector<16xi32> to vector<16xf32>
          %add3A_739 = arith.addf %add3A_713, %bitcast3A_738 : vector<16xf32>
          %bitcast3A_740 = vector.bitcast %bitcast3A_728 : vector<16xi32> to vector<16xf32>
          %add3A_741 = arith.addf %add3A_715, %bitcast3A_740 : vector<16xf32>
          %shift_left3A_742 = arith.constant 16 : i32
          %shift_left3A_743 = vector.broadcast %shift_left3A_742 : i32 to vector<16xi32>
          %shift_left3A_744 = arith.shli %bitcast3A_734, %shift_left3A_743 : vector<16xi32>
          %bitcast3A_745 = vector.bitcast %shift_left3A_744 : vector<16xi32> to vector<16xf32>
          %add3A_746 = arith.addf %add3A_720, %bitcast3A_745 : vector<16xf32>
          %bitcast3A_747 = vector.bitcast %bitcast3A_734 : vector<16xi32> to vector<16xf32>
          %add3A_748 = arith.addf %add3A_722, %bitcast3A_747 : vector<16xf32>
          %add3A_749 = arith.constant 19 : i32
          %add3A_750 = arith.addi %add3A_248, %add3A_749 : i32
          %get3A_751 = arith.index_cast %add3A_750 : i32 to index
          %get3A_752 = arith.constant 0 : index
          %get3A_753 = tpu.vector_load %arg11[%get3A_751, %get3A_752] {strides = array<i32>} : memref<400x64xbf16, #tpu.memory_space<vmem>>, vector<32xbf16>,
          %bitcast3A_754 = vector.bitcast %get3A_753 : vector<32xbf16> to vector<16xi32>
          %add3A_755 = arith.constant 19 : i32
          %add3A_756 = arith.addi %add3A_248, %add3A_755 : i32
          %get3A_757 = arith.index_cast %add3A_756 : i32 to index
          %get3A_758 = arith.constant 32 : index
          %get3A_759 = tpu.vector_load %arg11[%get3A_757, %get3A_758] {strides = array<i32>} : memref<400x64xbf16, #tpu.memory_space<vmem>>, vector<32xbf16>,
          %bitcast3A_760 = vector.bitcast %get3A_759 : vector<32xbf16> to vector<16xi32>
          %shift_left3A_761 = arith.constant 16 : i32
          %shift_left3A_762 = vector.broadcast %shift_left3A_761 : i32 to vector<16xi32>
          %shift_left3A_763 = arith.shli %bitcast3A_754, %shift_left3A_762 : vector<16xi32>
          %bitcast3A_764 = vector.bitcast %shift_left3A_763 : vector<16xi32> to vector<16xf32>
          %add3A_765 = arith.addf %add3A_739, %bitcast3A_764 : vector<16xf32>
          %bitcast3A_766 = vector.bitcast %bitcast3A_754 : vector<16xi32> to vector<16xf32>
          %add3A_767 = arith.addf %add3A_741, %bitcast3A_766 : vector<16xf32>
          %shift_left3A_768 = arith.constant 16 : i32
          %shift_left3A_769 = vector.broadcast %shift_left3A_768 : i32 to vector<16xi32>
          %shift_left3A_770 = arith.shli %bitcast3A_760, %shift_left3A_769 : vector<16xi32>
          %bitcast3A_771 = vector.bitcast %shift_left3A_770 : vector<16xi32> to vector<16xf32>
          %add3A_772 = arith.addf %add3A_746, %bitcast3A_771 : vector<16xf32>
          %bitcast3A_773 = vector.bitcast %bitcast3A_760 : vector<16xi32> to vector<16xf32>
          %add3A_774 = arith.addf %add3A_748, %bitcast3A_773 : vector<16xf32>
          %add3A_775 = arith.constant 20 : i32
          %add3A_776 = arith.addi %add3A_248, %add3A_775 : i32
          %get3A_777 = arith.index_cast %add3A_776 : i32 to index
          %get3A_778 = arith.constant 0 : index
          %get3A_779 = tpu.vector_load %arg11[%get3A_777, %get3A_778] {strides = array<i32>} : memref<400x64xbf16, #tpu.memory_space<vmem>>, vector<32xbf16>,
          %bitcast3A_780 = vector.bitcast %get3A_779 : vector<32xbf16> to vector<16xi32>
          %add3A_781 = arith.constant 20 : i32
          %add3A_782 = arith.addi %add3A_248, %add3A_781 : i32
          %get3A_783 = arith.index_cast %add3A_782 : i32 to index
          %get3A_784 = arith.constant 32 : index
          %get3A_785 = tpu.vector_load %arg11[%get3A_783, %get3A_784] {strides = array<i32>} : memref<400x64xbf16, #tpu.memory_space<vmem>>, vector<32xbf16>,
          %bitcast3A_786 = vector.bitcast %get3A_785 : vector<32xbf16> to vector<16xi32>
          %shift_left3A_787 = arith.constant 16 : i32
          %shift_left3A_788 = vector.broadcast %shift_left3A_787 : i32 to vector<16xi32>
          %shift_left3A_789 = arith.shli %bitcast3A_780, %shift_left3A_788 : vector<16xi32>
          %bitcast3A_790 = vector.bitcast %shift_left3A_789 : vector<16xi32> to vector<16xf32>
          %add3A_791 = arith.addf %add3A_765, %bitcast3A_790 : vector<16xf32>
          %bitcast3A_792 = vector.bitcast %bitcast3A_780 : vector<16xi32> to vector<16xf32>
          %add3A_793 = arith.addf %add3A_767, %bitcast3A_792 : vector<16xf32>
          %shift_left3A_794 = arith.constant 16 : i32
          %shift_left3A_795 = vector.broadcast %shift_left3A_794 : i32 to vector<16xi32>
          %shift_left3A_796 = arith.shli %bitcast3A_786, %shift_left3A_795 : vector<16xi32>
          %bitcast3A_797 = vector.bitcast %shift_left3A_796 : vector<16xi32> to vector<16xf32>
          %add3A_798 = arith.addf %add3A_772, %bitcast3A_797 : vector<16xf32>
          %bitcast3A_799 = vector.bitcast %bitcast3A_786 : vector<16xi32> to vector<16xf32>
          %add3A_800 = arith.addf %add3A_774, %bitcast3A_799 : vector<16xf32>
          %add3A_801 = arith.constant 21 : i32
          %add3A_802 = arith.addi %add3A_248, %add3A_801 : i32
          %get3A_803 = arith.index_cast %add3A_802 : i32 to index
          %get3A_804 = arith.constant 0 : index
          %get3A_805 = tpu.vector_load %arg11[%get3A_803, %get3A_804] {strides = array<i32>} : memref<400x64xbf16, #tpu.memory_space<vmem>>, vector<32xbf16>,
          %bitcast3A_806 = vector.bitcast %get3A_805 : vector<32xbf16> to vector<16xi32>
          %add3A_807 = arith.constant 21 : i32
          %add3A_808 = arith.addi %add3A_248, %add3A_807 : i32
          %get3A_809 = arith.index_cast %add3A_808 : i32 to index
          %get3A_810 = arith.constant 32 : index
          %get3A_811 = tpu.vector_load %arg11[%get3A_809, %get3A_810] {strides = array<i32>} : memref<400x64xbf16, #tpu.memory_space<vmem>>, vector<32xbf16>,
          %bitcast3A_812 = vector.bitcast %get3A_811 : vector<32xbf16> to vector<16xi32>
          %shift_left3A_813 = arith.constant 16 : i32
          %shift_left3A_814 = vector.broadcast %shift_left3A_813 : i32 to vector<16xi32>
          %shift_left3A_815 = arith.shli %bitcast3A_806, %shift_left3A_814 : vector<16xi32>
          %bitcast3A_816 = vector.bitcast %shift_left3A_815 : vector<16xi32> to vector<16xf32>
          %add3A_817 = arith.addf %add3A_791, %bitcast3A_816 : vector<16xf32>
          %bitcast3A_818 = vector.bitcast %bitcast3A_806 : vector<16xi32> to vector<16xf32>
          %add3A_819 = arith.addf %add3A_793, %bitcast3A_818 : vector<16xf32>
          %shift_left3A_820 = arith.constant 16 : i32
          %shift_left3A_821 = vector.broadcast %shift_left3A_820 : i32 to vector<16xi32>
          %shift_left3A_822 = arith.shli %bitcast3A_812, %shift_left3A_821 : vector<16xi32>
          %bitcast3A_823 = vector.bitcast %shift_left3A_822 : vector<16xi32> to vector<16xf32>
          %add3A_824 = arith.addf %add3A_798, %bitcast3A_823 : vector<16xf32>
          %bitcast3A_825 = vector.bitcast %bitcast3A_812 : vector<16xi32> to vector<16xf32>
          %add3A_826 = arith.addf %add3A_800, %bitcast3A_825 : vector<16xf32>
          %add3A_827 = arith.constant 22 : i32
          %add3A_828 = arith.addi %add3A_248, %add3A_827 : i32
          %get3A_829 = arith.index_cast %add3A_828 : i32 to index
          %get3A_830 = arith.constant 0 : index
          %get3A_831 = tpu.vector_load %arg11[%get3A_829, %get3A_830] {strides = array<i32>} : memref<400x64xbf16, #tpu.memory_space<vmem>>, vector<32xbf16>,
          %bitcast3A_832 = vector.bitcast %get3A_831 : vector<32xbf16> to vector<16xi32>
          %add3A_833 = arith.constant 22 : i32
          %add3A_834 = arith.addi %add3A_248, %add3A_833 : i32
          %get3A_835 = arith.index_cast %add3A_834 : i32 to index
          %get3A_836 = arith.constant 32 : index
          %get3A_837 = tpu.vector_load %arg11[%get3A_835, %get3A_836] {strides = array<i32>} : memref<400x64xbf16, #tpu.memory_space<vmem>>, vector<32xbf16>,
          %bitcast3A_838 = vector.bitcast %get3A_837 : vector<32xbf16> to vector<16xi32>
          %shift_left3A_839 = arith.constant 16 : i32
          %shift_left3A_840 = vector.broadcast %shift_left3A_839 : i32 to vector<16xi32>
          %shift_left3A_841 = arith.shli %bitcast3A_832, %shift_left3A_840 : vector<16xi32>
          %bitcast3A_842 = vector.bitcast %shift_left3A_841 : vector<16xi32> to vector<16xf32>
          %add3A_843 = arith.addf %add3A_817, %bitcast3A_842 : vector<16xf32>
          %bitcast3A_844 = vector.bitcast %bitcast3A_832 : vector<16xi32> to vector<16xf32>
          %add3A_845 = arith.addf %add3A_819, %bitcast3A_844 : vector<16xf32>
          %shift_left3A_846 = arith.constant 16 : i32
          %shift_left3A_847 = vector.broadcast %shift_left3A_846 : i32 to vector<16xi32>
          %shift_left3A_848 = arith.shli %bitcast3A_838, %shift_left3A_847 : vector<16xi32>
          %bitcast3A_849 = vector.bitcast %shift_left3A_848 : vector<16xi32> to vector<16xf32>
          %add3A_850 = arith.addf %add3A_824, %bitcast3A_849 : vector<16xf32>
          %bitcast3A_851 = vector.bitcast %bitcast3A_838 : vector<16xi32> to vector<16xf32>
          %add3A_852 = arith.addf %add3A_826, %bitcast3A_851 : vector<16xf32>
          %add3A_853 = arith.constant 23 : i32
          %add3A_854 = arith.addi %add3A_248, %add3A_853 : i32
          %get3A_855 = arith.index_cast %add3A_854 : i32 to index
          %get3A_856 = arith.constant 0 : index
          %get3A_857 = tpu.vector_load %arg11[%get3A_855, %get3A_856] {strides = array<i32>} : memref<400x64xbf16, #tpu.memory_space<vmem>>, vector<32xbf16>,
          %bitcast3A_858 = vector.bitcast %get3A_857 : vector<32xbf16> to vector<16xi32>
          %add3A_859 = arith.constant 23 : i32
          %add3A_860 = arith.addi %add3A_248, %add3A_859 : i32
          %get3A_861 = arith.index_cast %add3A_860 : i32 to index
          %get3A_862 = arith.constant 32 : index
          %get3A_863 = tpu.vector_load %arg11[%get3A_861, %get3A_862] {strides = array<i32>} : memref<400x64xbf16, #tpu.memory_space<vmem>>, vector<32xbf16>,
          %bitcast3A_864 = vector.bitcast %get3A_863 : vector<32xbf16> to vector<16xi32>
          %shift_left3A_865 = arith.constant 16 : i32
          %shift_left3A_866 = vector.broadcast %shift_left3A_865 : i32 to vector<16xi32>
          %shift_left3A_867 = arith.shli %bitcast3A_858, %shift_left3A_866 : vector<16xi32>
          %bitcast3A_868 = vector.bitcast %shift_left3A_867 : vector<16xi32> to vector<16xf32>
          %add3A_869 = arith.addf %add3A_843, %bitcast3A_868 : vector<16xf32>
          %bitcast3A_870 = vector.bitcast %bitcast3A_858 : vector<16xi32> to vector<16xf32>
          %add3A_871 = arith.addf %add3A_845, %bitcast3A_870 : vector<16xf32>
          %shift_left3A_872 = arith.constant 16 : i32
          %shift_left3A_873 = vector.broadcast %shift_left3A_872 : i32 to vector<16xi32>
          %shift_left3A_874 = arith.shli %bitcast3A_864, %shift_left3A_873 : vector<16xi32>
          %bitcast3A_875 = vector.bitcast %shift_left3A_874 : vector<16xi32> to vector<16xf32>
          %add3A_876 = arith.addf %add3A_850, %bitcast3A_875 : vector<16xf32>
          %bitcast3A_877 = vector.bitcast %bitcast3A_864 : vector<16xi32> to vector<16xf32>
          %add3A_878 = arith.addf %add3A_852, %bitcast3A_877 : vector<16xf32>
          %add3A_879 = arith.constant 24 : i32
          %add3A_880 = arith.addi %add3A_248, %add3A_879 : i32
          %get3A_881 = arith.index_cast %add3A_880 : i32 to index
          %get3A_882 = arith.constant 0 : index
          %get3A_883 = tpu.vector_load %arg11[%get3A_881, %get3A_882] {strides = array<i32>} : memref<400x64xbf16, #tpu.memory_space<vmem>>, vector<32xbf16>,
          %bitcast3A_884 = vector.bitcast %get3A_883 : vector<32xbf16> to vector<16xi32>
          %add3A_885 = arith.constant 24 : i32
          %add3A_886 = arith.addi %add3A_248, %add3A_885 : i32
          %get3A_887 = arith.index_cast %add3A_886 : i32 to index
          %get3A_888 = arith.constant 32 : index
          %get3A_889 = tpu.vector_load %arg11[%get3A_887, %get3A_888] {strides = array<i32>} : memref<400x64xbf16, #tpu.memory_space<vmem>>, vector<32xbf16>,
          %bitcast3A_890 = vector.bitcast %get3A_889 : vector<32xbf16> to vector<16xi32>
          %shift_left3A_891 = arith.constant 16 : i32
          %shift_left3A_892 = vector.broadcast %shift_left3A_891 : i32 to vector<16xi32>
          %shift_left3A_893 = arith.shli %bitcast3A_884, %shift_left3A_892 : vector<16xi32>
          %bitcast3A_894 = vector.bitcast %shift_left3A_893 : vector<16xi32> to vector<16xf32>
          %add3A_895 = arith.addf %add3A_869, %bitcast3A_894 : vector<16xf32>
          %bitcast3A_896 = vector.bitcast %bitcast3A_884 : vector<16xi32> to vector<16xf32>
          %add3A_897 = arith.addf %add3A_871, %bitcast3A_896 : vector<16xf32>
          %shift_left3A_898 = arith.constant 16 : i32
          %shift_left3A_899 = vector.broadcast %shift_left3A_898 : i32 to vector<16xi32>
          %shift_left3A_900 = arith.shli %bitcast3A_890, %shift_left3A_899 : vector<16xi32>
          %bitcast3A_901 = vector.bitcast %shift_left3A_900 : vector<16xi32> to vector<16xf32>
          %add3A_902 = arith.addf %add3A_876, %bitcast3A_901 : vector<16xf32>
          %bitcast3A_903 = vector.bitcast %bitcast3A_890 : vector<16xi32> to vector<16xf32>
          %add3A_904 = arith.addf %add3A_878, %bitcast3A_903 : vector<16xf32>
          %add3A_905 = arith.constant 25 : i32
          %add3A_906 = arith.addi %add3A_248, %add3A_905 : i32
          %get3A_907 = arith.index_cast %add3A_906 : i32 to index
          %get3A_908 = arith.constant 0 : index
          %get3A_909 = tpu.vector_load %arg11[%get3A_907, %get3A_908] {strides = array<i32>} : memref<400x64xbf16, #tpu.memory_space<vmem>>, vector<32xbf16>,
          %bitcast3A_910 = vector.bitcast %get3A_909 : vector<32xbf16> to vector<16xi32>
          %add3A_911 = arith.constant 25 : i32
          %add3A_912 = arith.addi %add3A_248, %add3A_911 : i32
          %get3A_913 = arith.index_cast %add3A_912 : i32 to index
          %get3A_914 = arith.constant 32 : index
          %get3A_915 = tpu.vector_load %arg11[%get3A_913, %get3A_914] {strides = array<i32>} : memref<400x64xbf16, #tpu.memory_space<vmem>>, vector<32xbf16>,
          %bitcast3A_916 = vector.bitcast %get3A_915 : vector<32xbf16> to vector<16xi32>
          %shift_left3A_917 = arith.constant 16 : i32
          %shift_left3A_918 = vector.broadcast %shift_left3A_917 : i32 to vector<16xi32>
          %shift_left3A_919 = arith.shli %bitcast3A_910, %shift_left3A_918 : vector<16xi32>
          %bitcast3A_920 = vector.bitcast %shift_left3A_919 : vector<16xi32> to vector<16xf32>
          %add3A_921 = arith.addf %add3A_895, %bitcast3A_920 : vector<16xf32>
          %bitcast3A_922 = vector.bitcast %bitcast3A_910 : vector<16xi32> to vector<16xf32>
          %add3A_923 = arith.addf %add3A_897, %bitcast3A_922 : vector<16xf32>
          %shift_left3A_924 = arith.constant 16 : i32
          %shift_left3A_925 = vector.broadcast %shift_left3A_924 : i32 to vector<16xi32>
          %shift_left3A_926 = arith.shli %bitcast3A_916, %shift_left3A_925 : vector<16xi32>
          %bitcast3A_927 = vector.bitcast %shift_left3A_926 : vector<16xi32> to vector<16xf32>
          %add3A_928 = arith.addf %add3A_902, %bitcast3A_927 : vector<16xf32>
          %bitcast3A_929 = vector.bitcast %bitcast3A_916 : vector<16xi32> to vector<16xf32>
          %add3A_930 = arith.addf %add3A_904, %bitcast3A_929 : vector<16xf32>
          %add3A_931 = arith.constant 26 : i32
          %add3A_932 = arith.addi %add3A_248, %add3A_931 : i32
          %get3A_933 = arith.index_cast %add3A_932 : i32 to index
          %get3A_934 = arith.constant 0 : index
          %get3A_935 = tpu.vector_load %arg11[%get3A_933, %get3A_934] {strides = array<i32>} : memref<400x64xbf16, #tpu.memory_space<vmem>>, vector<32xbf16>,
          %bitcast3A_936 = vector.bitcast %get3A_935 : vector<32xbf16> to vector<16xi32>
          %add3A_937 = arith.constant 26 : i32
          %add3A_938 = arith.addi %add3A_248, %add3A_937 : i32
          %get3A_939 = arith.index_cast %add3A_938 : i32 to index
          %get3A_940 = arith.constant 32 : index
          %get3A_941 = tpu.vector_load %arg11[%get3A_939, %get3A_940] {strides = array<i32>} : memref<400x64xbf16, #tpu.memory_space<vmem>>, vector<32xbf16>,
          %bitcast3A_942 = vector.bitcast %get3A_941 : vector<32xbf16> to vector<16xi32>
          %shift_left3A_943 = arith.constant 16 : i32
          %shift_left3A_944 = vector.broadcast %shift_left3A_943 : i32 to vector<16xi32>
          %shift_left3A_945 = arith.shli %bitcast3A_936, %shift_left3A_944 : vector<16xi32>
          %bitcast3A_946 = vector.bitcast %shift_left3A_945 : vector<16xi32> to vector<16xf32>
          %add3A_947 = arith.addf %add3A_921, %bitcast3A_946 : vector<16xf32>
          %bitcast3A_948 = vector.bitcast %bitcast3A_936 : vector<16xi32> to vector<16xf32>
          %add3A_949 = arith.addf %add3A_923, %bitcast3A_948 : vector<16xf32>
          %shift_left3A_950 = arith.constant 16 : i32
          %shift_left3A_951 = vector.broadcast %shift_left3A_950 : i32 to vector<16xi32>
          %shift_left3A_952 = arith.shli %bitcast3A_942, %shift_left3A_951 : vector<16xi32>
          %bitcast3A_953 = vector.bitcast %shift_left3A_952 : vector<16xi32> to vector<16xf32>
          %add3A_954 = arith.addf %add3A_928, %bitcast3A_953 : vector<16xf32>
          %bitcast3A_955 = vector.bitcast %bitcast3A_942 : vector<16xi32> to vector<16xf32>
          %add3A_956 = arith.addf %add3A_930, %bitcast3A_955 : vector<16xf32>
          %add3A_957 = arith.constant 27 : i32
          %add3A_958 = arith.addi %add3A_248, %add3A_957 : i32
          %get3A_959 = arith.index_cast %add3A_958 : i32 to index
          %get3A_960 = arith.constant 0 : index
          %get3A_961 = tpu.vector_load %arg11[%get3A_959, %get3A_960] {strides = array<i32>} : memref<400x64xbf16, #tpu.memory_space<vmem>>, vector<32xbf16>,
          %bitcast3A_962 = vector.bitcast %get3A_961 : vector<32xbf16> to vector<16xi32>
          %add3A_963 = arith.constant 27 : i32
          %add3A_964 = arith.addi %add3A_248, %add3A_963 : i32
          %get3A_965 = arith.index_cast %add3A_964 : i32 to index
          %get3A_966 = arith.constant 32 : index
          %get3A_967 = tpu.vector_load %arg11[%get3A_965, %get3A_966] {strides = array<i32>} : memref<400x64xbf16, #tpu.memory_space<vmem>>, vector<32xbf16>,
          %bitcast3A_968 = vector.bitcast %get3A_967 : vector<32xbf16> to vector<16xi32>
          %shift_left3A_969 = arith.constant 16 : i32
          %shift_left3A_970 = vector.broadcast %shift_left3A_969 : i32 to vector<16xi32>
          %shift_left3A_971 = arith.shli %bitcast3A_962, %shift_left3A_970 : vector<16xi32>
          %bitcast3A_972 = vector.bitcast %shift_left3A_971 : vector<16xi32> to vector<16xf32>
          %add3A_973 = arith.addf %add3A_947, %bitcast3A_972 : vector<16xf32>
          %bitcast3A_974 = vector.bitcast %bitcast3A_962 : vector<16xi32> to vector<16xf32>
          %add3A_975 = arith.addf %add3A_949, %bitcast3A_974 : vector<16xf32>
          %shift_left3A_976 = arith.constant 16 : i32
          %shift_left3A_977 = vector.broadcast %shift_left3A_976 : i32 to vector<16xi32>
          %shift_left3A_978 = arith.shli %bitcast3A_968, %shift_left3A_977 : vector<16xi32>
          %bitcast3A_979 = vector.bitcast %shift_left3A_978 : vector<16xi32> to vector<16xf32>
          %add3A_980 = arith.addf %add3A_954, %bitcast3A_979 : vector<16xf32>
          %bitcast3A_981 = vector.bitcast %bitcast3A_968 : vector<16xi32> to vector<16xf32>
          %add3A_982 = arith.addf %add3A_956, %bitcast3A_981 : vector<16xf32>
          %add3A_983 = arith.constant 28 : i32
          %add3A_984 = arith.addi %add3A_248, %add3A_983 : i32
          %get3A_985 = arith.index_cast %add3A_984 : i32 to index
          %get3A_986 = arith.constant 0 : index
          %get3A_987 = tpu.vector_load %arg11[%get3A_985, %get3A_986] {strides = array<i32>} : memref<400x64xbf16, #tpu.memory_space<vmem>>, vector<32xbf16>,
          %bitcast3A_988 = vector.bitcast %get3A_987 : vector<32xbf16> to vector<16xi32>
          %add3A_989 = arith.constant 28 : i32
          %add3A_990 = arith.addi %add3A_248, %add3A_989 : i32
          %get3A_991 = arith.index_cast %add3A_990 : i32 to index
          %get3A_992 = arith.constant 32 : index
          %get3A_993 = tpu.vector_load %arg11[%get3A_991, %get3A_992] {strides = array<i32>} : memref<400x64xbf16, #tpu.memory_space<vmem>>, vector<32xbf16>,
          %bitcast3A_994 = vector.bitcast %get3A_993 : vector<32xbf16> to vector<16xi32>
          %shift_left3A_995 = arith.constant 16 : i32
          %shift_left3A_996 = vector.broadcast %shift_left3A_995 : i32 to vector<16xi32>
          %shift_left3A_997 = arith.shli %bitcast3A_988, %shift_left3A_996 : vector<16xi32>
          %bitcast3A_998 = vector.bitcast %shift_left3A_997 : vector<16xi32> to vector<16xf32>
          %add3A_999 = arith.addf %add3A_973, %bitcast3A_998 : vector<16xf32>
          %bitcast3A_1000 = vector.bitcast %bitcast3A_988 : vector<16xi32> to vector<16xf32>
          %add3A_1001 = arith.addf %add3A_975, %bitcast3A_1000 : vector<16xf32>
          %shift_left3A_1002 = arith.constant 16 : i32
          %shift_left3A_1003 = vector.broadcast %shift_left3A_1002 : i32 to vector<16xi32>
          %shift_left3A_1004 = arith.shli %bitcast3A_994, %shift_left3A_1003 : vector<16xi32>
          %bitcast3A_1005 = vector.bitcast %shift_left3A_1004 : vector<16xi32> to vector<16xf32>
          %add3A_1006 = arith.addf %add3A_980, %bitcast3A_1005 : vector<16xf32>
          %bitcast3A_1007 = vector.bitcast %bitcast3A_994 : vector<16xi32> to vector<16xf32>
          %add3A_1008 = arith.addf %add3A_982, %bitcast3A_1007 : vector<16xf32>
          %add3A_1009 = arith.constant 29 : i32
          %add3A_1010 = arith.addi %add3A_248, %add3A_1009 : i32
          %get3A_1011 = arith.index_cast %add3A_1010 : i32 to index
          %get3A_1012 = arith.constant 0 : index
          %get3A_1013 = tpu.vector_load %arg11[%get3A_1011, %get3A_1012] {strides = array<i32>} : memref<400x64xbf16, #tpu.memory_space<vmem>>, vector<32xbf16>,
          %bitcast3A_1014 = vector.bitcast %get3A_1013 : vector<32xbf16> to vector<16xi32>
          %add3A_1015 = arith.constant 29 : i32
          %add3A_1016 = arith.addi %add3A_248, %add3A_1015 : i32
          %get3A_1017 = arith.index_cast %add3A_1016 : i32 to index
          %get3A_1018 = arith.constant 32 : index
          %get3A_1019 = tpu.vector_load %arg11[%get3A_1017, %get3A_1018] {strides = array<i32>} : memref<400x64xbf16, #tpu.memory_space<vmem>>, vector<32xbf16>,
          %bitcast3A_1020 = vector.bitcast %get3A_1019 : vector<32xbf16> to vector<16xi32>
          %shift_left3A_1021 = arith.constant 16 : i32
          %shift_left3A_1022 = vector.broadcast %shift_left3A_1021 : i32 to vector<16xi32>
          %shift_left3A_1023 = arith.shli %bitcast3A_1014, %shift_left3A_1022 : vector<16xi32>
          %bitcast3A_1024 = vector.bitcast %shift_left3A_1023 : vector<16xi32> to vector<16xf32>
          %add3A_1025 = arith.addf %add3A_999, %bitcast3A_1024 : vector<16xf32>
          %bitcast3A_1026 = vector.bitcast %bitcast3A_1014 : vector<16xi32> to vector<16xf32>
          %add3A_1027 = arith.addf %add3A_1001, %bitcast3A_1026 : vector<16xf32>
          %shift_left3A_1028 = arith.constant 16 : i32
          %shift_left3A_1029 = vector.broadcast %shift_left3A_1028 : i32 to vector<16xi32>
          %shift_left3A_1030 = arith.shli %bitcast3A_1020, %shift_left3A_1029 : vector<16xi32>
          %bitcast3A_1031 = vector.bitcast %shift_left3A_1030 : vector<16xi32> to vector<16xf32>
          %add3A_1032 = arith.addf %add3A_1006, %bitcast3A_1031 : vector<16xf32>
          %bitcast3A_1033 = vector.bitcast %bitcast3A_1020 : vector<16xi32> to vector<16xf32>
          %add3A_1034 = arith.addf %add3A_1008, %bitcast3A_1033 : vector<16xf32>
          %add3A_1035 = arith.constant 30 : i32
          %add3A_1036 = arith.addi %add3A_248, %add3A_1035 : i32
          %get3A_1037 = arith.index_cast %add3A_1036 : i32 to index
          %get3A_1038 = arith.constant 0 : index
          %get3A_1039 = tpu.vector_load %arg11[%get3A_1037, %get3A_1038] {strides = array<i32>} : memref<400x64xbf16, #tpu.memory_space<vmem>>, vector<32xbf16>,
          %bitcast3A_1040 = vector.bitcast %get3A_1039 : vector<32xbf16> to vector<16xi32>
          %add3A_1041 = arith.constant 30 : i32
          %add3A_1042 = arith.addi %add3A_248, %add3A_1041 : i32
          %get3A_1043 = arith.index_cast %add3A_1042 : i32 to index
          %get3A_1044 = arith.constant 32 : index
          %get3A_1045 = tpu.vector_load %arg11[%get3A_1043, %get3A_1044] {strides = array<i32>} : memref<400x64xbf16, #tpu.memory_space<vmem>>, vector<32xbf16>,
          %bitcast3A_1046 = vector.bitcast %get3A_1045 : vector<32xbf16> to vector<16xi32>
          %shift_left3A_1047 = arith.constant 16 : i32
          %shift_left3A_1048 = vector.broadcast %shift_left3A_1047 : i32 to vector<16xi32>
          %shift_left3A_1049 = arith.shli %bitcast3A_1040, %shift_left3A_1048 : vector<16xi32>
          %bitcast3A_1050 = vector.bitcast %shift_left3A_1049 : vector<16xi32> to vector<16xf32>
          %add3A_1051 = arith.addf %add3A_1025, %bitcast3A_1050 : vector<16xf32>
          %bitcast3A_1052 = vector.bitcast %bitcast3A_1040 : vector<16xi32> to vector<16xf32>
          %add3A_1053 = arith.addf %add3A_1027, %bitcast3A_1052 : vector<16xf32>
          %shift_left3A_1054 = arith.constant 16 : i32
          %shift_left3A_1055 = vector.broadcast %shift_left3A_1054 : i32 to vector<16xi32>
          %shift_left3A_1056 = arith.shli %bitcast3A_1046, %shift_left3A_1055 : vector<16xi32>
          %bitcast3A_1057 = vector.bitcast %shift_left3A_1056 : vector<16xi32> to vector<16xf32>
          %add3A_1058 = arith.addf %add3A_1032, %bitcast3A_1057 : vector<16xf32>
          %bitcast3A_1059 = vector.bitcast %bitcast3A_1046 : vector<16xi32> to vector<16xf32>
          %add3A_1060 = arith.addf %add3A_1034, %bitcast3A_1059 : vector<16xf32>
          %add3A_1061 = arith.constant 31 : i32
          %add3A_1062 = arith.addi %add3A_248, %add3A_1061 : i32
          %get3A_1063 = arith.index_cast %add3A_1062 : i32 to index
          %get3A_1064 = arith.constant 0 : index
          %get3A_1065 = tpu.vector_load %arg11[%get3A_1063, %get3A_1064] {strides = array<i32>} : memref<400x64xbf16, #tpu.memory_space<vmem>>, vector<32xbf16>,
          %bitcast3A_1066 = vector.bitcast %get3A_1065 : vector<32xbf16> to vector<16xi32>
          %add3A_1067 = arith.constant 31 : i32
          %add3A_1068 = arith.addi %add3A_248, %add3A_1067 : i32
          %get3A_1069 = arith.index_cast %add3A_1068 : i32 to index
          %get3A_1070 = arith.constant 32 : index
          %get3A_1071 = tpu.vector_load %arg11[%get3A_1069, %get3A_1070] {strides = array<i32>} : memref<400x64xbf16, #tpu.memory_space<vmem>>, vector<32xbf16>,
          %bitcast3A_1072 = vector.bitcast %get3A_1071 : vector<32xbf16> to vector<16xi32>
          %shift_left3A_1073 = arith.constant 16 : i32
          %shift_left3A_1074 = vector.broadcast %shift_left3A_1073 : i32 to vector<16xi32>
          %shift_left3A_1075 = arith.shli %bitcast3A_1066, %shift_left3A_1074 : vector<16xi32>
          %bitcast3A_1076 = vector.bitcast %shift_left3A_1075 : vector<16xi32> to vector<16xf32>
          %add3A_1077 = arith.addf %add3A_1051, %bitcast3A_1076 : vector<16xf32>
          %bitcast3A_1078 = vector.bitcast %bitcast3A_1066 : vector<16xi32> to vector<16xf32>
          %add3A_1079 = arith.addf %add3A_1053, %bitcast3A_1078 : vector<16xf32>
          %shift_left3A_1080 = arith.constant 16 : i32
          %shift_left3A_1081 = vector.broadcast %shift_left3A_1080 : i32 to vector<16xi32>
          %shift_left3A_1082 = arith.shli %bitcast3A_1072, %shift_left3A_1081 : vector<16xi32>
          %bitcast3A_1083 = vector.bitcast %shift_left3A_1082 : vector<16xi32> to vector<16xf32>
          %add3A_1084 = arith.addf %add3A_1058, %bitcast3A_1083 : vector<16xf32>
          %bitcast3A_1085 = vector.bitcast %bitcast3A_1072 : vector<16xi32> to vector<16xf32>
          %add3A_1086 = arith.addf %add3A_1060, %bitcast3A_1085 : vector<16xf32>
          %add3A_1087 = arith.constant 32 : i32
          %add3A_1088 = arith.addi %add3A_248, %add3A_1087 : i32
          %get3A_1089 = arith.index_cast %add3A_1088 : i32 to index
          %get3A_1090 = arith.constant 0 : index
          %get3A_1091 = tpu.vector_load %arg11[%get3A_1089, %get3A_1090] {strides = array<i32>} : memref<400x64xbf16, #tpu.memory_space<vmem>>, vector<32xbf16>,
          %bitcast3A_1092 = vector.bitcast %get3A_1091 : vector<32xbf16> to vector<16xi32>
          %add3A_1093 = arith.constant 32 : i32
          %add3A_1094 = arith.addi %add3A_248, %add3A_1093 : i32
          %get3A_1095 = arith.index_cast %add3A_1094 : i32 to index
          %get3A_1096 = arith.constant 32 : index
          %get3A_1097 = tpu.vector_load %arg11[%get3A_1095, %get3A_1096] {strides = array<i32>} : memref<400x64xbf16, #tpu.memory_space<vmem>>, vector<32xbf16>,
          %bitcast3A_1098 = vector.bitcast %get3A_1097 : vector<32xbf16> to vector<16xi32>
          %shift_left3A_1099 = arith.constant 16 : i32
          %shift_left3A_1100 = vector.broadcast %shift_left3A_1099 : i32 to vector<16xi32>
          %shift_left3A_1101 = arith.shli %bitcast3A_1092, %shift_left3A_1100 : vector<16xi32>
          %bitcast3A_1102 = vector.bitcast %shift_left3A_1101 : vector<16xi32> to vector<16xf32>
          %add3A_1103 = arith.addf %add3A_1077, %bitcast3A_1102 : vector<16xf32>
          %bitcast3A_1104 = vector.bitcast %bitcast3A_1092 : vector<16xi32> to vector<16xf32>
          %add3A_1105 = arith.addf %add3A_1079, %bitcast3A_1104 : vector<16xf32>
          %shift_left3A_1106 = arith.constant 16 : i32
          %shift_left3A_1107 = vector.broadcast %shift_left3A_1106 : i32 to vector<16xi32>
          %shift_left3A_1108 = arith.shli %bitcast3A_1098, %shift_left3A_1107 : vector<16xi32>
          %bitcast3A_1109 = vector.bitcast %shift_left3A_1108 : vector<16xi32> to vector<16xf32>
          %add3A_1110 = arith.addf %add3A_1084, %bitcast3A_1109 : vector<16xf32>
          %bitcast3A_1111 = vector.bitcast %bitcast3A_1098 : vector<16xi32> to vector<16xf32>
          %add3A_1112 = arith.addf %add3A_1086, %bitcast3A_1111 : vector<16xf32>
          %add3A_1113 = arith.constant 33 : i32
          %add3A_1114 = arith.addi %add3A_248, %add3A_1113 : i32
          %get3A_1115 = arith.index_cast %add3A_1114 : i32 to index
          %get3A_1116 = arith.constant 0 : index
          %get3A_1117 = tpu.vector_load %arg11[%get3A_1115, %get3A_1116] {strides = array<i32>} : memref<400x64xbf16, #tpu.memory_space<vmem>>, vector<32xbf16>,
          %bitcast3A_1118 = vector.bitcast %get3A_1117 : vector<32xbf16> to vector<16xi32>
          %add3A_1119 = arith.constant 33 : i32
          %add3A_1120 = arith.addi %add3A_248, %add3A_1119 : i32
          %get3A_1121 = arith.index_cast %add3A_1120 : i32 to index
          %get3A_1122 = arith.constant 32 : index
          %get3A_1123 = tpu.vector_load %arg11[%get3A_1121, %get3A_1122] {strides = array<i32>} : memref<400x64xbf16, #tpu.memory_space<vmem>>, vector<32xbf16>,
          %bitcast3A_1124 = vector.bitcast %get3A_1123 : vector<32xbf16> to vector<16xi32>
          %shift_left3A_1125 = arith.constant 16 : i32
          %shift_left3A_1126 = vector.broadcast %shift_left3A_1125 : i32 to vector<16xi32>
          %shift_left3A_1127 = arith.shli %bitcast3A_1118, %shift_left3A_1126 : vector<16xi32>
          %bitcast3A_1128 = vector.bitcast %shift_left3A_1127 : vector<16xi32> to vector<16xf32>
          %add3A_1129 = arith.addf %add3A_1103, %bitcast3A_1128 : vector<16xf32>
          %bitcast3A_1130 = vector.bitcast %bitcast3A_1118 : vector<16xi32> to vector<16xf32>
          %add3A_1131 = arith.addf %add3A_1105, %bitcast3A_1130 : vector<16xf32>
          %shift_left3A_1132 = arith.constant 16 : i32
          %shift_left3A_1133 = vector.broadcast %shift_left3A_1132 : i32 to vector<16xi32>
          %shift_left3A_1134 = arith.shli %bitcast3A_1124, %shift_left3A_1133 : vector<16xi32>
          %bitcast3A_1135 = vector.bitcast %shift_left3A_1134 : vector<16xi32> to vector<16xf32>
          %add3A_1136 = arith.addf %add3A_1110, %bitcast3A_1135 : vector<16xf32>
          %bitcast3A_1137 = vector.bitcast %bitcast3A_1124 : vector<16xi32> to vector<16xf32>
          %add3A_1138 = arith.addf %add3A_1112, %bitcast3A_1137 : vector<16xf32>
          %add3A_1139 = arith.constant 34 : i32
          %add3A_1140 = arith.addi %add3A_248, %add3A_1139 : i32
          %get3A_1141 = arith.index_cast %add3A_1140 : i32 to index
          %get3A_1142 = arith.constant 0 : index
          %get3A_1143 = tpu.vector_load %arg11[%get3A_1141, %get3A_1142] {strides = array<i32>} : memref<400x64xbf16, #tpu.memory_space<vmem>>, vector<32xbf16>,
          %bitcast3A_1144 = vector.bitcast %get3A_1143 : vector<32xbf16> to vector<16xi32>
          %add3A_1145 = arith.constant 34 : i32
          %add3A_1146 = arith.addi %add3A_248, %add3A_1145 : i32
          %get3A_1147 = arith.index_cast %add3A_1146 : i32 to index
          %get3A_1148 = arith.constant 32 : index
          %get3A_1149 = tpu.vector_load %arg11[%get3A_1147, %get3A_1148] {strides = array<i32>} : memref<400x64xbf16, #tpu.memory_space<vmem>>, vector<32xbf16>,
          %bitcast3A_1150 = vector.bitcast %get3A_1149 : vector<32xbf16> to vector<16xi32>
          %shift_left3A_1151 = arith.constant 16 : i32
          %shift_left3A_1152 = vector.broadcast %shift_left3A_1151 : i32 to vector<16xi32>
          %shift_left3A_1153 = arith.shli %bitcast3A_1144, %shift_left3A_1152 : vector<16xi32>
          %bitcast3A_1154 = vector.bitcast %shift_left3A_1153 : vector<16xi32> to vector<16xf32>
          %add3A_1155 = arith.addf %add3A_1129, %bitcast3A_1154 : vector<16xf32>
          %bitcast3A_1156 = vector.bitcast %bitcast3A_1144 : vector<16xi32> to vector<16xf32>
          %add3A_1157 = arith.addf %add3A_1131, %bitcast3A_1156 : vector<16xf32>
          %shift_left3A_1158 = arith.constant 16 : i32
          %shift_left3A_1159 = vector.broadcast %shift_left3A_1158 : i32 to vector<16xi32>
          %shift_left3A_1160 = arith.shli %bitcast3A_1150, %shift_left3A_1159 : vector<16xi32>
          %bitcast3A_1161 = vector.bitcast %shift_left3A_1160 : vector<16xi32> to vector<16xf32>
          %add3A_1162 = arith.addf %add3A_1136, %bitcast3A_1161 : vector<16xf32>
          %bitcast3A_1163 = vector.bitcast %bitcast3A_1150 : vector<16xi32> to vector<16xf32>
          %add3A_1164 = arith.addf %add3A_1138, %bitcast3A_1163 : vector<16xf32>
          %add3A_1165 = arith.constant 35 : i32
          %add3A_1166 = arith.addi %add3A_248, %add3A_1165 : i32
          %get3A_1167 = arith.index_cast %add3A_1166 : i32 to index
          %get3A_1168 = arith.constant 0 : index
          %get3A_1169 = tpu.vector_load %arg11[%get3A_1167, %get3A_1168] {strides = array<i32>} : memref<400x64xbf16, #tpu.memory_space<vmem>>, vector<32xbf16>,
          %bitcast3A_1170 = vector.bitcast %get3A_1169 : vector<32xbf16> to vector<16xi32>
          %add3A_1171 = arith.constant 35 : i32
          %add3A_1172 = arith.addi %add3A_248, %add3A_1171 : i32
          %get3A_1173 = arith.index_cast %add3A_1172 : i32 to index
          %get3A_1174 = arith.constant 32 : index
          %get3A_1175 = tpu.vector_load %arg11[%get3A_1173, %get3A_1174] {strides = array<i32>} : memref<400x64xbf16, #tpu.memory_space<vmem>>, vector<32xbf16>,
          %bitcast3A_1176 = vector.bitcast %get3A_1175 : vector<32xbf16> to vector<16xi32>
          %shift_left3A_1177 = arith.constant 16 : i32
          %shift_left3A_1178 = vector.broadcast %shift_left3A_1177 : i32 to vector<16xi32>
          %shift_left3A_1179 = arith.shli %bitcast3A_1170, %shift_left3A_1178 : vector<16xi32>
          %bitcast3A_1180 = vector.bitcast %shift_left3A_1179 : vector<16xi32> to vector<16xf32>
          %add3A_1181 = arith.addf %add3A_1155, %bitcast3A_1180 : vector<16xf32>
          %bitcast3A_1182 = vector.bitcast %bitcast3A_1170 : vector<16xi32> to vector<16xf32>
          %add3A_1183 = arith.addf %add3A_1157, %bitcast3A_1182 : vector<16xf32>
          %shift_left3A_1184 = arith.constant 16 : i32
          %shift_left3A_1185 = vector.broadcast %shift_left3A_1184 : i32 to vector<16xi32>
          %shift_left3A_1186 = arith.shli %bitcast3A_1176, %shift_left3A_1185 : vector<16xi32>
          %bitcast3A_1187 = vector.bitcast %shift_left3A_1186 : vector<16xi32> to vector<16xf32>
          %add3A_1188 = arith.addf %add3A_1162, %bitcast3A_1187 : vector<16xf32>
          %bitcast3A_1189 = vector.bitcast %bitcast3A_1176 : vector<16xi32> to vector<16xf32>
          %add3A_1190 = arith.addf %add3A_1164, %bitcast3A_1189 : vector<16xf32>
          %add3A_1191 = arith.constant 36 : i32
          %add3A_1192 = arith.addi %add3A_248, %add3A_1191 : i32
          %get3A_1193 = arith.index_cast %add3A_1192 : i32 to index
          %get3A_1194 = arith.constant 0 : index
          %get3A_1195 = tpu.vector_load %arg11[%get3A_1193, %get3A_1194] {strides = array<i32>} : memref<400x64xbf16, #tpu.memory_space<vmem>>, vector<32xbf16>,
          %bitcast3A_1196 = vector.bitcast %get3A_1195 : vector<32xbf16> to vector<16xi32>
          %add3A_1197 = arith.constant 36 : i32
          %add3A_1198 = arith.addi %add3A_248, %add3A_1197 : i32
          %get3A_1199 = arith.index_cast %add3A_1198 : i32 to index
          %get3A_1200 = arith.constant 32 : index
          %get3A_1201 = tpu.vector_load %arg11[%get3A_1199, %get3A_1200] {strides = array<i32>} : memref<400x64xbf16, #tpu.memory_space<vmem>>, vector<32xbf16>,
          %bitcast3A_1202 = vector.bitcast %get3A_1201 : vector<32xbf16> to vector<16xi32>
          %shift_left3A_1203 = arith.constant 16 : i32
          %shift_left3A_1204 = vector.broadcast %shift_left3A_1203 : i32 to vector<16xi32>
          %shift_left3A_1205 = arith.shli %bitcast3A_1196, %shift_left3A_1204 : vector<16xi32>
          %bitcast3A_1206 = vector.bitcast %shift_left3A_1205 : vector<16xi32> to vector<16xf32>
          %add3A_1207 = arith.addf %add3A_1181, %bitcast3A_1206 : vector<16xf32>
          %bitcast3A_1208 = vector.bitcast %bitcast3A_1196 : vector<16xi32> to vector<16xf32>
          %add3A_1209 = arith.addf %add3A_1183, %bitcast3A_1208 : vector<16xf32>
          %shift_left3A_1210 = arith.constant 16 : i32
          %shift_left3A_1211 = vector.broadcast %shift_left3A_1210 : i32 to vector<16xi32>
          %shift_left3A_1212 = arith.shli %bitcast3A_1202, %shift_left3A_1211 : vector<16xi32>
          %bitcast3A_1213 = vector.bitcast %shift_left3A_1212 : vector<16xi32> to vector<16xf32>
          %add3A_1214 = arith.addf %add3A_1188, %bitcast3A_1213 : vector<16xf32>
          %bitcast3A_1215 = vector.bitcast %bitcast3A_1202 : vector<16xi32> to vector<16xf32>
          %add3A_1216 = arith.addf %add3A_1190, %bitcast3A_1215 : vector<16xf32>
          %add3A_1217 = arith.constant 37 : i32
          %add3A_1218 = arith.addi %add3A_248, %add3A_1217 : i32
          %get3A_1219 = arith.index_cast %add3A_1218 : i32 to index
          %get3A_1220 = arith.constant 0 : index
          %get3A_1221 = tpu.vector_load %arg11[%get3A_1219, %get3A_1220] {strides = array<i32>} : memref<400x64xbf16, #tpu.memory_space<vmem>>, vector<32xbf16>,
          %bitcast3A_1222 = vector.bitcast %get3A_1221 : vector<32xbf16> to vector<16xi32>
          %add3A_1223 = arith.constant 37 : i32
          %add3A_1224 = arith.addi %add3A_248, %add3A_1223 : i32
          %get3A_1225 = arith.index_cast %add3A_1224 : i32 to index
          %get3A_1226 = arith.constant 32 : index
          %get3A_1227 = tpu.vector_load %arg11[%get3A_1225, %get3A_1226] {strides = array<i32>} : memref<400x64xbf16, #tpu.memory_space<vmem>>, vector<32xbf16>,
          %bitcast3A_1228 = vector.bitcast %get3A_1227 : vector<32xbf16> to vector<16xi32>
          %shift_left3A_1229 = arith.constant 16 : i32
          %shift_left3A_1230 = vector.broadcast %shift_left3A_1229 : i32 to vector<16xi32>
          %shift_left3A_1231 = arith.shli %bitcast3A_1222, %shift_left3A_1230 : vector<16xi32>
          %bitcast3A_1232 = vector.bitcast %shift_left3A_1231 : vector<16xi32> to vector<16xf32>
          %add3A_1233 = arith.addf %add3A_1207, %bitcast3A_1232 : vector<16xf32>
          %bitcast3A_1234 = vector.bitcast %bitcast3A_1222 : vector<16xi32> to vector<16xf32>
          %add3A_1235 = arith.addf %add3A_1209, %bitcast3A_1234 : vector<16xf32>
          %shift_left3A_1236 = arith.constant 16 : i32
          %shift_left3A_1237 = vector.broadcast %shift_left3A_1236 : i32 to vector<16xi32>
          %shift_left3A_1238 = arith.shli %bitcast3A_1228, %shift_left3A_1237 : vector<16xi32>
          %bitcast3A_1239 = vector.bitcast %shift_left3A_1238 : vector<16xi32> to vector<16xf32>
          %add3A_1240 = arith.addf %add3A_1214, %bitcast3A_1239 : vector<16xf32>
          %bitcast3A_1241 = vector.bitcast %bitcast3A_1228 : vector<16xi32> to vector<16xf32>
          %add3A_1242 = arith.addf %add3A_1216, %bitcast3A_1241 : vector<16xf32>
          %add3A_1243 = arith.constant 38 : i32
          %add3A_1244 = arith.addi %add3A_248, %add3A_1243 : i32
          %get3A_1245 = arith.index_cast %add3A_1244 : i32 to index
          %get3A_1246 = arith.constant 0 : index
          %get3A_1247 = tpu.vector_load %arg11[%get3A_1245, %get3A_1246] {strides = array<i32>} : memref<400x64xbf16, #tpu.memory_space<vmem>>, vector<32xbf16>,
          %bitcast3A_1248 = vector.bitcast %get3A_1247 : vector<32xbf16> to vector<16xi32>
          %add3A_1249 = arith.constant 38 : i32
          %add3A_1250 = arith.addi %add3A_248, %add3A_1249 : i32
          %get3A_1251 = arith.index_cast %add3A_1250 : i32 to index
          %get3A_1252 = arith.constant 32 : index
          %get3A_1253 = tpu.vector_load %arg11[%get3A_1251, %get3A_1252] {strides = array<i32>} : memref<400x64xbf16, #tpu.memory_space<vmem>>, vector<32xbf16>,
          %bitcast3A_1254 = vector.bitcast %get3A_1253 : vector<32xbf16> to vector<16xi32>
          %shift_left3A_1255 = arith.constant 16 : i32
          %shift_left3A_1256 = vector.broadcast %shift_left3A_1255 : i32 to vector<16xi32>
          %shift_left3A_1257 = arith.shli %bitcast3A_1248, %shift_left3A_1256 : vector<16xi32>
          %bitcast3A_1258 = vector.bitcast %shift_left3A_1257 : vector<16xi32> to vector<16xf32>
          %add3A_1259 = arith.addf %add3A_1233, %bitcast3A_1258 : vector<16xf32>
          %bitcast3A_1260 = vector.bitcast %bitcast3A_1248 : vector<16xi32> to vector<16xf32>
          %add3A_1261 = arith.addf %add3A_1235, %bitcast3A_1260 : vector<16xf32>
          %shift_left3A_1262 = arith.constant 16 : i32
          %shift_left3A_1263 = vector.broadcast %shift_left3A_1262 : i32 to vector<16xi32>
          %shift_left3A_1264 = arith.shli %bitcast3A_1254, %shift_left3A_1263 : vector<16xi32>
          %bitcast3A_1265 = vector.bitcast %shift_left3A_1264 : vector<16xi32> to vector<16xf32>
          %add3A_1266 = arith.addf %add3A_1240, %bitcast3A_1265 : vector<16xf32>
          %bitcast3A_1267 = vector.bitcast %bitcast3A_1254 : vector<16xi32> to vector<16xf32>
          %add3A_1268 = arith.addf %add3A_1242, %bitcast3A_1267 : vector<16xf32>
          %add3A_1269 = arith.constant 39 : i32
          %add3A_1270 = arith.addi %add3A_248, %add3A_1269 : i32
          %get3A_1271 = arith.index_cast %add3A_1270 : i32 to index
          %get3A_1272 = arith.constant 0 : index
          %get3A_1273 = tpu.vector_load %arg11[%get3A_1271, %get3A_1272] {strides = array<i32>} : memref<400x64xbf16, #tpu.memory_space<vmem>>, vector<32xbf16>,
          %bitcast3A_1274 = vector.bitcast %get3A_1273 : vector<32xbf16> to vector<16xi32>
          %add3A_1275 = arith.constant 39 : i32
          %add3A_1276 = arith.addi %add3A_248, %add3A_1275 : i32
          %get3A_1277 = arith.index_cast %add3A_1276 : i32 to index
          %get3A_1278 = arith.constant 32 : index
          %get3A_1279 = tpu.vector_load %arg11[%get3A_1277, %get3A_1278] {strides = array<i32>} : memref<400x64xbf16, #tpu.memory_space<vmem>>, vector<32xbf16>,
          %bitcast3A_1280 = vector.bitcast %get3A_1279 : vector<32xbf16> to vector<16xi32>
          %shift_left3A_1281 = arith.constant 16 : i32
          %shift_left3A_1282 = vector.broadcast %shift_left3A_1281 : i32 to vector<16xi32>
          %shift_left3A_1283 = arith.shli %bitcast3A_1274, %shift_left3A_1282 : vector<16xi32>
          %bitcast3A_1284 = vector.bitcast %shift_left3A_1283 : vector<16xi32> to vector<16xf32>
          %add3A_1285 = arith.addf %add3A_1259, %bitcast3A_1284 : vector<16xf32>
          %bitcast3A_1286 = vector.bitcast %bitcast3A_1274 : vector<16xi32> to vector<16xf32>
          %add3A_1287 = arith.addf %add3A_1261, %bitcast3A_1286 : vector<16xf32>
          %shift_left3A_1288 = arith.constant 16 : i32
          %shift_left3A_1289 = vector.broadcast %shift_left3A_1288 : i32 to vector<16xi32>
          %shift_left3A_1290 = arith.shli %bitcast3A_1280, %shift_left3A_1289 : vector<16xi32>
          %bitcast3A_1291 = vector.bitcast %shift_left3A_1290 : vector<16xi32> to vector<16xf32>
          %add3A_1292 = arith.addf %add3A_1266, %bitcast3A_1291 : vector<16xf32>
          %bitcast3A_1293 = vector.bitcast %bitcast3A_1280 : vector<16xi32> to vector<16xf32>
          %add3A_1294 = arith.addf %add3A_1268, %bitcast3A_1293 : vector<16xf32>
          %swap3A_1295 = arith.constant 0 : index
          %swap3A_1296 = tpu.vector_load %arg14[%swap3A_1295] {strides = array<i32>} : memref<64xf32, #tpu.memory_space<vmem>>, vector<16xf32>,
          tpu.vector_store %arg14[%swap3A_1295], %add3A_1285 {strides = array<i32>} : memref<64xf32, #tpu.memory_space<vmem>>, vector<16xf32>,
          %swap3A_1297 = arith.constant 16 : index
          %swap3A_1298 = tpu.vector_load %arg14[%swap3A_1297] {strides = array<i32>} : memref<64xf32, #tpu.memory_space<vmem>>, vector<16xf32>,
          tpu.vector_store %arg14[%swap3A_1297], %add3A_1287 {strides = array<i32>} : memref<64xf32, #tpu.memory_space<vmem>>, vector<16xf32>,
          %swap3A_1299 = arith.constant 32 : index
          %swap3A_1300 = tpu.vector_load %arg14[%swap3A_1299] {strides = array<i32>} : memref<64xf32, #tpu.memory_space<vmem>>, vector<16xf32>,
          tpu.vector_store %arg14[%swap3A_1299], %add3A_1292 {strides = array<i32>} : memref<64xf32, #tpu.memory_space<vmem>>, vector<16xf32>,
          %swap3A_1301 = arith.constant 48 : index
          %swap3A_1302 = tpu.vector_load %arg14[%swap3A_1301] {strides = array<i32>} : memref<64xf32, #tpu.memory_space<vmem>>, vector<16xf32>,
          tpu.vector_store %arg14[%swap3A_1301], %add3A_1294 {strides = array<i32>} : memref<64xf32, #tpu.memory_space<vmem>>, vector<16xf32>,
        }
        %scan3A_222 = arith.constant 5 : i32
        %mul3A_223 = arith.constant 2 : i32
        %mul3A_224 = arith.muli %add3A_139, %mul3A_223 : i32
        %add3A_225 = arith.addi %mul3A_224, %scan3A_208 : i32
        %get3A = arith.constant 0 : index
        %get3A_226 = tpu.vector_load %arg14[%get3A] {strides = array<i32>} : memref<64xf32, #tpu.memory_space<vmem>>, vector<16xf32>,
        %swap3A_227 = arith.index_cast %add3A_225 : i32 to index
        %swap3A_228 = arith.constant 0 : index
        %swap3A_229 = tpu.vector_load %arg13[%swap3A_227, %swap3A_228] {strides = array<i32>} : memref<512x64xf32, #tpu.memory_space<vmem>>, vector<16xf32>,
        tpu.vector_store %arg13[%swap3A_227, %swap3A_228], %get3A_226 {strides = array<i32>} : memref<512x64xf32, #tpu.memory_space<vmem>>, vector<16xf32>,
        %get3A_230 = arith.constant 16 : index
        %get3A_231 = tpu.vector_load %arg14[%get3A_230] {strides = array<i32>} : memref<64xf32, #tpu.memory_space<vmem>>, vector<16xf32>,
        %swap3A_232 = arith.index_cast %add3A_225 : i32 to index
        %swap3A_233 = arith.constant 16 : index
        %swap3A_234 = tpu.vector_load %arg13[%swap3A_232, %swap3A_233] {strides = array<i32>} : memref<512x64xf32, #tpu.memory_space<vmem>>, vector<16xf32>,
        tpu.vector_store %arg13[%swap3A_232, %swap3A_233], %get3A_231 {strides = array<i32>} : memref<512x64xf32, #tpu.memory_space<vmem>>, vector<16xf32>,
        %get3A_235 = arith.constant 32 : index
        %get3A_236 = tpu.vector_load %arg14[%get3A_235] {strides = array<i32>} : memref<64xf32, #tpu.memory_space<vmem>>, vector<16xf32>,
        %swap3A_237 = arith.index_cast %add3A_225 : i32 to index
        %swap3A_238 = arith.constant 32 : index
        %swap3A_239 = tpu.vector_load %arg13[%swap3A_237, %swap3A_238] {strides = array<i32>} : memref<512x64xf32, #tpu.memory_space<vmem>>, vector<16xf32>,
        tpu.vector_store %arg13[%swap3A_237, %swap3A_238], %get3A_236 {strides = array<i32>} : memref<512x64xf32, #tpu.memory_space<vmem>>, vector<16xf32>,
        %get3A_240 = arith.constant 48 : index
        %get3A_241 = tpu.vector_load %arg14[%get3A_240] {strides = array<i32>} : memref<64xf32, #tpu.memory_space<vmem>>, vector<16xf32>,
        %swap3A_242 = arith.index_cast %add3A_225 : i32 to index
        %swap3A_243 = arith.constant 48 : index
        %swap3A_244 = tpu.vector_load %arg13[%swap3A_242, %swap3A_243] {strides = array<i32>} : memref<512x64xf32, #tpu.memory_space<vmem>>, vector<16xf32>,
        tpu.vector_store %arg13[%swap3A_242, %swap3A_243], %get3A_241 {strides = array<i32>} : memref<512x64xf32, #tpu.memory_space<vmem>>, vector<16xf32>,
      }
      %scan3A_172 = arith.constant 2 : i32
      %add3A_173 = arith.constant 3 : i32
      %add3A_174 = arith.addi %mul3A_67, %add3A_173 : i32
      %dma_wait3A_175 = arith.constant 0 : i32
      %dma_wait3A_176 = arith.constant 0 : i32
      %dma_wait3A_177 = tpu.memref_slice %arg3[%dma_wait3A_175, %dma_wait3A_176] : memref<100000x64xbf16, #tpu.memory_space<hbm>> -> memref<100000x64xbf16, #tpu.memory_space<hbm>>
      tpu.wait_indirect_dma semaphore(%arg18 : memref<!tpu.dma_semaphore, #tpu.memory_space<semaphore_mem>>) src(%dma_wait3A_177 : memref<100000x64xbf16, #tpu.memory_space<hbm>>) dst(%arg12 : memref<400x64xbf16, #tpu.memory_space<vmem>>)
      %add3A_178 = arith.constant 3 : i32
      %add3A_179 = arith.addi %add3A_174, %add3A_178 : i32
      %mul3A_180 = arith.constant 2 : i32
      %mul3A_181 = arith.muli %add3A_179, %mul3A_180 : i32
      %add3A_182 = arith.addi %mul3A_2, %mul3A_181 : i32
      %mul3A_183 = arith.constant 200 : i32
      %mul3A_184 = arith.muli %add3A_182, %mul3A_183 : i32
      %min3A_185 = arith.constant 3276400 : i32
      %min3A_186 = arith.minsi %mul3A_184, %min3A_185 : i32
      %dma_start3A_187 = tpu.memref_slice %arg2[%min3A_186] : memref<3276800xi32, #tpu.memory_space<hbm>> -> memref<400xi32, #tpu.memory_space<hbm>>
      %dma_start3A_188 = tpu.memref_slice %arg2[%min3A_186] : memref<3276800xi32, #tpu.memory_space<hbm>> -> memref<400xi32, #tpu.memory_space<hbm>>
      tpu.enqueue_dma source(%dma_start3A_188 : memref<400xi32, #tpu.memory_space<hbm>>) target(%arg7 : memref<400xi32, #tpu.memory_space<vmem>>) target_semaphore(%arg21 : memref<!tpu.dma_semaphore, #tpu.memory_space<semaphore_mem>>)
      %add3A_189 = arith.constant 2 : i32
      %add3A_190 = arith.addi %add3A_174, %add3A_189 : i32
      %mul3A_191 = arith.constant 2 : i32
      %mul3A_192 = arith.muli %add3A_190, %mul3A_191 : i32
      %add3A_193 = arith.addi %mul3A_2, %mul3A_192 : i32
      %mul3A_194 = arith.constant 200 : i32
      %mul3A_195 = arith.muli %add3A_193, %mul3A_194 : i32
      %min3A_196 = arith.constant 3276400 : i32
      %min3A_197 = arith.minsi %mul3A_195, %min3A_196 : i32
      %dma_wait3A_198 = tpu.memref_slice %arg2[%min3A_197] : memref<3276800xi32, #tpu.memory_space<hbm>> -> memref<400xi32, #tpu.memory_space<hbm>>
      %dma_wait3A_199 = tpu.memref_slice %arg2[%min3A_197] : memref<3276800xi32, #tpu.memory_space<hbm>> -> memref<400xi32, #tpu.memory_space<hbm>>
      tpu.wait_dma2 semaphore(%arg20 : memref<!tpu.dma_semaphore, #tpu.memory_space<semaphore_mem>>) src(%dma_wait3A_199 : memref<400xi32, #tpu.memory_space<hbm>>) dst(%arg6 : memref<400xi32, #tpu.memory_space<vmem>>)
      %dma_start3A_200 = arith.constant 0 : i32
      %dma_start3A_201 = arith.constant 0 : i32
      %dma_start3A_202 = tpu.memref_slice %arg3[%dma_start3A_200, %dma_start3A_201] : memref<100000x64xbf16, #tpu.memory_space<hbm>> -> memref<100000x64xbf16, #tpu.memory_space<hbm>>
      tpu.enqueue_indirect_dma source(%dma_start3A_202 : memref<100000x64xbf16, #tpu.memory_space<hbm>>) target(%arg10 : memref<400x64xbf16, #tpu.memory_space<vmem>>) offsets(%arg6 : memref<400xi32, #tpu.memory_space<vmem>>) semaphore(%arg16 : memref<!tpu.dma_semaphore, #tpu.memory_space<semaphore_mem>>)
      %scan3A_203 = arith.constant 0 : i32
      %scan3A_204 = arith.constant 2 : i32
      %scan3A_205 = arith.addi %scan3A_203, %scan3A_204 : i32
      %scan3A_206 = arith.constant 1 : i32
      scf.for %scan3A_208 = %scan3A_203 to %scan3A_205 step %scan3A_206  : i32 {
        %mul3A_209 = arith.constant 200 : i32
        %mul3A_210 = arith.muli %scan3A_208, %mul3A_209 : i32
        %swap3A = arith.constant 0 : index
        %swap3A_211 = tpu.vector_load %arg14[%swap3A] {strides = array<i32>} : memref<64xf32, #tpu.memory_space<vmem>>, vector<16xf32>,
        tpu.vector_store %arg14[%swap3A], %broadcast_in_dim3A_46 {strides = array<i32>} : memref<64xf32, #tpu.memory_space<vmem>>, vector<16xf32>,
        %swap3A_212 = arith.constant 16 : index
        %swap3A_213 = tpu.vector_load %arg14[%swap3A_212] {strides = array<i32>} : memref<64xf32, #tpu.memory_space<vmem>>, vector<16xf32>,
        tpu.vector_store %arg14[%swap3A_212], %broadcast_in_dim3A_46 {strides = array<i32>} : memref<64xf32, #tpu.memory_space<vmem>>, vector<16xf32>,
        %swap3A_214 = arith.constant 32 : index
        %swap3A_215 = tpu.vector_load %arg14[%swap3A_214] {strides = array<i32>} : memref<64xf32, #tpu.memory_space<vmem>>, vector<16xf32>,
        tpu.vector_store %arg14[%swap3A_214], %broadcast_in_dim3A_46 {strides = array<i32>} : memref<64xf32, #tpu.memory_space<vmem>>, vector<16xf32>,
        %swap3A_216 = arith.constant 48 : index
        %swap3A_217 = tpu.vector_load %arg14[%swap3A_216] {strides = array<i32>} : memref<64xf32, #tpu.memory_space<vmem>>, vector<16xf32>,
        tpu.vector_store %arg14[%swap3A_216], %broadcast_in_dim3A_46 {strides = array<i32>} : memref<64xf32, #tpu.memory_space<vmem>>, vector<16xf32>,
        %scan3A_218 = arith.constant 0 : i32
        %scan3A_219 = arith.constant 5 : i32
        %scan3A_220 = arith.addi %scan3A_218, %scan3A_219 : i32
        %scan3A_221 = arith.constant 1 : i32
        scf.for %scan3A_245 = %scan3A_218 to %scan3A_220 step %scan3A_221  : i32 {
          %mul3A_246 = arith.constant 40 : i32
          %mul3A_247 = arith.muli %scan3A_245, %mul3A_246 : i32
          %add3A_248 = arith.addi %mul3A_210, %mul3A_247 : i32
          %get3A_249 = arith.constant 0 : index
          %get3A_250 = tpu.vector_load %arg14[%get3A_249] {strides = array<i32>} : memref<64xf32, #tpu.memory_space<vmem>>, vector<16xf32>,
          %get3A_251 = arith.constant 16 : index
          %get3A_252 = tpu.vector_load %arg14[%get3A_251] {strides = array<i32>} : memref<64xf32, #tpu.memory_space<vmem>>, vector<16xf32>,
          %get3A_253 = arith.constant 32 : index
          %get3A_254 = tpu.vector_load %arg14[%get3A_253] {strides = array<i32>} : memref<64xf32, #tpu.memory_space<vmem>>, vector<16xf32>,
          %get3A_255 = arith.constant 48 : index
          %get3A_256 = tpu.vector_load %arg14[%get3A_255] {strides = array<i32>} : memref<64xf32, #tpu.memory_space<vmem>>, vector<16xf32>,
          %add3A_257 = arith.constant 0 : i32
          %add3A_258 = arith.addi %add3A_248, %add3A_257 : i32
          %get3A_259 = arith.index_cast %add3A_258 : i32 to index
          %get3A_260 = arith.constant 0 : index
          %get3A_261 = tpu.vector_load %arg12[%get3A_259, %get3A_260] {strides = array<i32>} : memref<400x64xbf16, #tpu.memory_space<vmem>>, vector<32xbf16>,
          %bitcast3A = vector.bitcast %get3A_261 : vector<32xbf16> to vector<16xi32>
          %add3A_262 = arith.constant 0 : i32
          %add3A_263 = arith.addi %add3A_248, %add3A_262 : i32
          %get3A_264 = arith.index_cast %add3A_263 : i32 to index
          %get3A_265 = arith.constant 32 : index
          %get3A_266 = tpu.vector_load %arg12[%get3A_264, %get3A_265] {strides = array<i32>} : memref<400x64xbf16, #tpu.memory_space<vmem>>, vector<32xbf16>,
          %bitcast3A_267 = vector.bitcast %get3A_266 : vector<32xbf16> to vector<16xi32>
          %shift_left3A = arith.constant 16 : i32
          %shift_left3A_268 = vector.broadcast %shift_left3A : i32 to vector<16xi32>
          %shift_left3A_269 = arith.shli %bitcast3A, %shift_left3A_268 : vector<16xi32>
          %bitcast3A_270 = vector.bitcast %shift_left3A_269 : vector<16xi32> to vector<16xf32>
          %add3A_271 = arith.addf %get3A_250, %bitcast3A_270 : vector<16xf32>
          %bitcast3A_272 = vector.bitcast %bitcast3A : vector<16xi32> to vector<16xf32>
          %add3A_273 = arith.addf %get3A_252, %bitcast3A_272 : vector<16xf32>
          %shift_left3A_274 = arith.constant 16 : i32
          %shift_left3A_275 = vector.broadcast %shift_left3A_274 : i32 to vector<16xi32>
          %shift_left3A_276 = arith.shli %bitcast3A_267, %shift_left3A_275 : vector<16xi32>
          %bitcast3A_277 = vector.bitcast %shift_left3A_276 : vector<16xi32> to vector<16xf32>
          %add3A_278 = arith.addf %get3A_254, %bitcast3A_277 : vector<16xf32>
          %bitcast3A_279 = vector.bitcast %bitcast3A_267 : vector<16xi32> to vector<16xf32>
          %add3A_280 = arith.addf %get3A_256, %bitcast3A_279 : vector<16xf32>
          %add3A_281 = arith.constant 1 : i32
          %add3A_282 = arith.addi %add3A_248, %add3A_281 : i32
          %get3A_283 = arith.index_cast %add3A_282 : i32 to index
          %get3A_284 = arith.constant 0 : index
          %get3A_285 = tpu.vector_load %arg12[%get3A_283, %get3A_284] {strides = array<i32>} : memref<400x64xbf16, #tpu.memory_space<vmem>>, vector<32xbf16>,
          %bitcast3A_286 = vector.bitcast %get3A_285 : vector<32xbf16> to vector<16xi32>
          %add3A_287 = arith.constant 1 : i32
          %add3A_288 = arith.addi %add3A_248, %add3A_287 : i32
          %get3A_289 = arith.index_cast %add3A_288 : i32 to index
          %get3A_290 = arith.constant 32 : index
          %get3A_291 = tpu.vector_load %arg12[%get3A_289, %get3A_290] {strides = array<i32>} : memref<400x64xbf16, #tpu.memory_space<vmem>>, vector<32xbf16>,
          %bitcast3A_292 = vector.bitcast %get3A_291 : vector<32xbf16> to vector<16xi32>
          %shift_left3A_293 = arith.constant 16 : i32
          %shift_left3A_294 = vector.broadcast %shift_left3A_293 : i32 to vector<16xi32>
          %shift_left3A_295 = arith.shli %bitcast3A_286, %shift_left3A_294 : vector<16xi32>
          %bitcast3A_296 = vector.bitcast %shift_left3A_295 : vector<16xi32> to vector<16xf32>
          %add3A_297 = arith.addf %add3A_271, %bitcast3A_296 : vector<16xf32>
          %bitcast3A_298 = vector.bitcast %bitcast3A_286 : vector<16xi32> to vector<16xf32>
          %add3A_299 = arith.addf %add3A_273, %bitcast3A_298 : vector<16xf32>
          %shift_left3A_300 = arith.constant 16 : i32
          %shift_left3A_301 = vector.broadcast %shift_left3A_300 : i32 to vector<16xi32>
          %shift_left3A_302 = arith.shli %bitcast3A_292, %shift_left3A_301 : vector<16xi32>
          %bitcast3A_303 = vector.bitcast %shift_left3A_302 : vector<16xi32> to vector<16xf32>
          %add3A_304 = arith.addf %add3A_278, %bitcast3A_303 : vector<16xf32>
          %bitcast3A_305 = vector.bitcast %bitcast3A_292 : vector<16xi32> to vector<16xf32>
          %add3A_306 = arith.addf %add3A_280, %bitcast3A_305 : vector<16xf32>
          %add3A_307 = arith.constant 2 : i32
          %add3A_308 = arith.addi %add3A_248, %add3A_307 : i32
          %get3A_309 = arith.index_cast %add3A_308 : i32 to index
          %get3A_310 = arith.constant 0 : index
          %get3A_311 = tpu.vector_load %arg12[%get3A_309, %get3A_310] {strides = array<i32>} : memref<400x64xbf16, #tpu.memory_space<vmem>>, vector<32xbf16>,
          %bitcast3A_312 = vector.bitcast %get3A_311 : vector<32xbf16> to vector<16xi32>
          %add3A_313 = arith.constant 2 : i32
          %add3A_314 = arith.addi %add3A_248, %add3A_313 : i32
          %get3A_315 = arith.index_cast %add3A_314 : i32 to index
          %get3A_316 = arith.constant 32 : index
          %get3A_317 = tpu.vector_load %arg12[%get3A_315, %get3A_316] {strides = array<i32>} : memref<400x64xbf16, #tpu.memory_space<vmem>>, vector<32xbf16>,
          %bitcast3A_318 = vector.bitcast %get3A_317 : vector<32xbf16> to vector<16xi32>
          %shift_left3A_319 = arith.constant 16 : i32
          %shift_left3A_320 = vector.broadcast %shift_left3A_319 : i32 to vector<16xi32>
          %shift_left3A_321 = arith.shli %bitcast3A_312, %shift_left3A_320 : vector<16xi32>
          %bitcast3A_322 = vector.bitcast %shift_left3A_321 : vector<16xi32> to vector<16xf32>
          %add3A_323 = arith.addf %add3A_297, %bitcast3A_322 : vector<16xf32>
          %bitcast3A_324 = vector.bitcast %bitcast3A_312 : vector<16xi32> to vector<16xf32>
          %add3A_325 = arith.addf %add3A_299, %bitcast3A_324 : vector<16xf32>
          %shift_left3A_326 = arith.constant 16 : i32
          %shift_left3A_327 = vector.broadcast %shift_left3A_326 : i32 to vector<16xi32>
          %shift_left3A_328 = arith.shli %bitcast3A_318, %shift_left3A_327 : vector<16xi32>
          %bitcast3A_329 = vector.bitcast %shift_left3A_328 : vector<16xi32> to vector<16xf32>
          %add3A_330 = arith.addf %add3A_304, %bitcast3A_329 : vector<16xf32>
          %bitcast3A_331 = vector.bitcast %bitcast3A_318 : vector<16xi32> to vector<16xf32>
          %add3A_332 = arith.addf %add3A_306, %bitcast3A_331 : vector<16xf32>
          %add3A_333 = arith.constant 3 : i32
          %add3A_334 = arith.addi %add3A_248, %add3A_333 : i32
          %get3A_335 = arith.index_cast %add3A_334 : i32 to index
          %get3A_336 = arith.constant 0 : index
          %get3A_337 = tpu.vector_load %arg12[%get3A_335, %get3A_336] {strides = array<i32>} : memref<400x64xbf16, #tpu.memory_space<vmem>>, vector<32xbf16>,
          %bitcast3A_338 = vector.bitcast %get3A_337 : vector<32xbf16> to vector<16xi32>
          %add3A_339 = arith.constant 3 : i32
          %add3A_340 = arith.addi %add3A_248, %add3A_339 : i32
          %get3A_341 = arith.index_cast %add3A_340 : i32 to index
          %get3A_342 = arith.constant 32 : index
          %get3A_343 = tpu.vector_load %arg12[%get3A_341, %get3A_342] {strides = array<i32>} : memref<400x64xbf16, #tpu.memory_space<vmem>>, vector<32xbf16>,
          %bitcast3A_344 = vector.bitcast %get3A_343 : vector<32xbf16> to vector<16xi32>
          %shift_left3A_345 = arith.constant 16 : i32
          %shift_left3A_346 = vector.broadcast %shift_left3A_345 : i32 to vector<16xi32>
          %shift_left3A_347 = arith.shli %bitcast3A_338, %shift_left3A_346 : vector<16xi32>
          %bitcast3A_348 = vector.bitcast %shift_left3A_347 : vector<16xi32> to vector<16xf32>
          %add3A_349 = arith.addf %add3A_323, %bitcast3A_348 : vector<16xf32>
          %bitcast3A_350 = vector.bitcast %bitcast3A_338 : vector<16xi32> to vector<16xf32>
          %add3A_351 = arith.addf %add3A_325, %bitcast3A_350 : vector<16xf32>
          %shift_left3A_352 = arith.constant 16 : i32
          %shift_left3A_353 = vector.broadcast %shift_left3A_352 : i32 to vector<16xi32>
          %shift_left3A_354 = arith.shli %bitcast3A_344, %shift_left3A_353 : vector<16xi32>
          %bitcast3A_355 = vector.bitcast %shift_left3A_354 : vector<16xi32> to vector<16xf32>
          %add3A_356 = arith.addf %add3A_330, %bitcast3A_355 : vector<16xf32>
          %bitcast3A_357 = vector.bitcast %bitcast3A_344 : vector<16xi32> to vector<16xf32>
          %add3A_358 = arith.addf %add3A_332, %bitcast3A_357 : vector<16xf32>
          %add3A_359 = arith.constant 4 : i32
          %add3A_360 = arith.addi %add3A_248, %add3A_359 : i32
          %get3A_361 = arith.index_cast %add3A_360 : i32 to index
          %get3A_362 = arith.constant 0 : index
          %get3A_363 = tpu.vector_load %arg12[%get3A_361, %get3A_362] {strides = array<i32>} : memref<400x64xbf16, #tpu.memory_space<vmem>>, vector<32xbf16>,
          %bitcast3A_364 = vector.bitcast %get3A_363 : vector<32xbf16> to vector<16xi32>
          %add3A_365 = arith.constant 4 : i32
          %add3A_366 = arith.addi %add3A_248, %add3A_365 : i32
          %get3A_367 = arith.index_cast %add3A_366 : i32 to index
          %get3A_368 = arith.constant 32 : index
          %get3A_369 = tpu.vector_load %arg12[%get3A_367, %get3A_368] {strides = array<i32>} : memref<400x64xbf16, #tpu.memory_space<vmem>>, vector<32xbf16>,
          %bitcast3A_370 = vector.bitcast %get3A_369 : vector<32xbf16> to vector<16xi32>
          %shift_left3A_371 = arith.constant 16 : i32
          %shift_left3A_372 = vector.broadcast %shift_left3A_371 : i32 to vector<16xi32>
          %shift_left3A_373 = arith.shli %bitcast3A_364, %shift_left3A_372 : vector<16xi32>
          %bitcast3A_374 = vector.bitcast %shift_left3A_373 : vector<16xi32> to vector<16xf32>
          %add3A_375 = arith.addf %add3A_349, %bitcast3A_374 : vector<16xf32>
          %bitcast3A_376 = vector.bitcast %bitcast3A_364 : vector<16xi32> to vector<16xf32>
          %add3A_377 = arith.addf %add3A_351, %bitcast3A_376 : vector<16xf32>
          %shift_left3A_378 = arith.constant 16 : i32
          %shift_left3A_379 = vector.broadcast %shift_left3A_378 : i32 to vector<16xi32>
          %shift_left3A_380 = arith.shli %bitcast3A_370, %shift_left3A_379 : vector<16xi32>
          %bitcast3A_381 = vector.bitcast %shift_left3A_380 : vector<16xi32> to vector<16xf32>
          %add3A_382 = arith.addf %add3A_356, %bitcast3A_381 : vector<16xf32>
          %bitcast3A_383 = vector.bitcast %bitcast3A_370 : vector<16xi32> to vector<16xf32>
          %add3A_384 = arith.addf %add3A_358, %bitcast3A_383 : vector<16xf32>
          %add3A_385 = arith.constant 5 : i32
          %add3A_386 = arith.addi %add3A_248, %add3A_385 : i32
          %get3A_387 = arith.index_cast %add3A_386 : i32 to index
          %get3A_388 = arith.constant 0 : index
          %get3A_389 = tpu.vector_load %arg12[%get3A_387, %get3A_388] {strides = array<i32>} : memref<400x64xbf16, #tpu.memory_space<vmem>>, vector<32xbf16>,
          %bitcast3A_390 = vector.bitcast %get3A_389 : vector<32xbf16> to vector<16xi32>
          %add3A_391 = arith.constant 5 : i32
          %add3A_392 = arith.addi %add3A_248, %add3A_391 : i32
          %get3A_393 = arith.index_cast %add3A_392 : i32 to index
          %get3A_394 = arith.constant 32 : index
          %get3A_395 = tpu.vector_load %arg12[%get3A_393, %get3A_394] {strides = array<i32>} : memref<400x64xbf16, #tpu.memory_space<vmem>>, vector<32xbf16>,
          %bitcast3A_396 = vector.bitcast %get3A_395 : vector<32xbf16> to vector<16xi32>
          %shift_left3A_397 = arith.constant 16 : i32
          %shift_left3A_398 = vector.broadcast %shift_left3A_397 : i32 to vector<16xi32>
          %shift_left3A_399 = arith.shli %bitcast3A_390, %shift_left3A_398 : vector<16xi32>
          %bitcast3A_400 = vector.bitcast %shift_left3A_399 : vector<16xi32> to vector<16xf32>
          %add3A_401 = arith.addf %add3A_375, %bitcast3A_400 : vector<16xf32>
          %bitcast3A_402 = vector.bitcast %bitcast3A_390 : vector<16xi32> to vector<16xf32>
          %add3A_403 = arith.addf %add3A_377, %bitcast3A_402 : vector<16xf32>
          %shift_left3A_404 = arith.constant 16 : i32
          %shift_left3A_405 = vector.broadcast %shift_left3A_404 : i32 to vector<16xi32>
          %shift_left3A_406 = arith.shli %bitcast3A_396, %shift_left3A_405 : vector<16xi32>
          %bitcast3A_407 = vector.bitcast %shift_left3A_406 : vector<16xi32> to vector<16xf32>
          %add3A_408 = arith.addf %add3A_382, %bitcast3A_407 : vector<16xf32>
          %bitcast3A_409 = vector.bitcast %bitcast3A_396 : vector<16xi32> to vector<16xf32>
          %add3A_410 = arith.addf %add3A_384, %bitcast3A_409 : vector<16xf32>
          %add3A_411 = arith.constant 6 : i32
          %add3A_412 = arith.addi %add3A_248, %add3A_411 : i32
          %get3A_413 = arith.index_cast %add3A_412 : i32 to index
          %get3A_414 = arith.constant 0 : index
          %get3A_415 = tpu.vector_load %arg12[%get3A_413, %get3A_414] {strides = array<i32>} : memref<400x64xbf16, #tpu.memory_space<vmem>>, vector<32xbf16>,
          %bitcast3A_416 = vector.bitcast %get3A_415 : vector<32xbf16> to vector<16xi32>
          %add3A_417 = arith.constant 6 : i32
          %add3A_418 = arith.addi %add3A_248, %add3A_417 : i32
          %get3A_419 = arith.index_cast %add3A_418 : i32 to index
          %get3A_420 = arith.constant 32 : index
          %get3A_421 = tpu.vector_load %arg12[%get3A_419, %get3A_420] {strides = array<i32>} : memref<400x64xbf16, #tpu.memory_space<vmem>>, vector<32xbf16>,
          %bitcast3A_422 = vector.bitcast %get3A_421 : vector<32xbf16> to vector<16xi32>
          %shift_left3A_423 = arith.constant 16 : i32
          %shift_left3A_424 = vector.broadcast %shift_left3A_423 : i32 to vector<16xi32>
          %shift_left3A_425 = arith.shli %bitcast3A_416, %shift_left3A_424 : vector<16xi32>
          %bitcast3A_426 = vector.bitcast %shift_left3A_425 : vector<16xi32> to vector<16xf32>
          %add3A_427 = arith.addf %add3A_401, %bitcast3A_426 : vector<16xf32>
          %bitcast3A_428 = vector.bitcast %bitcast3A_416 : vector<16xi32> to vector<16xf32>
          %add3A_429 = arith.addf %add3A_403, %bitcast3A_428 : vector<16xf32>
          %shift_left3A_430 = arith.constant 16 : i32
          %shift_left3A_431 = vector.broadcast %shift_left3A_430 : i32 to vector<16xi32>
          %shift_left3A_432 = arith.shli %bitcast3A_422, %shift_left3A_431 : vector<16xi32>
          %bitcast3A_433 = vector.bitcast %shift_left3A_432 : vector<16xi32> to vector<16xf32>
          %add3A_434 = arith.addf %add3A_408, %bitcast3A_433 : vector<16xf32>
          %bitcast3A_435 = vector.bitcast %bitcast3A_422 : vector<16xi32> to vector<16xf32>
          %add3A_436 = arith.addf %add3A_410, %bitcast3A_435 : vector<16xf32>
          %add3A_437 = arith.constant 7 : i32
          %add3A_438 = arith.addi %add3A_248, %add3A_437 : i32
          %get3A_439 = arith.index_cast %add3A_438 : i32 to index
          %get3A_440 = arith.constant 0 : index
          %get3A_441 = tpu.vector_load %arg12[%get3A_439, %get3A_440] {strides = array<i32>} : memref<400x64xbf16, #tpu.memory_space<vmem>>, vector<32xbf16>,
          %bitcast3A_442 = vector.bitcast %get3A_441 : vector<32xbf16> to vector<16xi32>
          %add3A_443 = arith.constant 7 : i32
          %add3A_444 = arith.addi %add3A_248, %add3A_443 : i32
          %get3A_445 = arith.index_cast %add3A_444 : i32 to index
          %get3A_446 = arith.constant 32 : index
          %get3A_447 = tpu.vector_load %arg12[%get3A_445, %get3A_446] {strides = array<i32>} : memref<400x64xbf16, #tpu.memory_space<vmem>>, vector<32xbf16>,
          %bitcast3A_448 = vector.bitcast %get3A_447 : vector<32xbf16> to vector<16xi32>
          %shift_left3A_449 = arith.constant 16 : i32
          %shift_left3A_450 = vector.broadcast %shift_left3A_449 : i32 to vector<16xi32>
          %shift_left3A_451 = arith.shli %bitcast3A_442, %shift_left3A_450 : vector<16xi32>
          %bitcast3A_452 = vector.bitcast %shift_left3A_451 : vector<16xi32> to vector<16xf32>
          %add3A_453 = arith.addf %add3A_427, %bitcast3A_452 : vector<16xf32>
          %bitcast3A_454 = vector.bitcast %bitcast3A_442 : vector<16xi32> to vector<16xf32>
          %add3A_455 = arith.addf %add3A_429, %bitcast3A_454 : vector<16xf32>
          %shift_left3A_456 = arith.constant 16 : i32
          %shift_left3A_457 = vector.broadcast %shift_left3A_456 : i32 to vector<16xi32>
          %shift_left3A_458 = arith.shli %bitcast3A_448, %shift_left3A_457 : vector<16xi32>
          %bitcast3A_459 = vector.bitcast %shift_left3A_458 : vector<16xi32> to vector<16xf32>
          %add3A_460 = arith.addf %add3A_434, %bitcast3A_459 : vector<16xf32>
          %bitcast3A_461 = vector.bitcast %bitcast3A_448 : vector<16xi32> to vector<16xf32>
          %add3A_462 = arith.addf %add3A_436, %bitcast3A_461 : vector<16xf32>
          %add3A_463 = arith.constant 8 : i32
          %add3A_464 = arith.addi %add3A_248, %add3A_463 : i32
          %get3A_465 = arith.index_cast %add3A_464 : i32 to index
          %get3A_466 = arith.constant 0 : index
          %get3A_467 = tpu.vector_load %arg12[%get3A_465, %get3A_466] {strides = array<i32>} : memref<400x64xbf16, #tpu.memory_space<vmem>>, vector<32xbf16>,
          %bitcast3A_468 = vector.bitcast %get3A_467 : vector<32xbf16> to vector<16xi32>
          %add3A_469 = arith.constant 8 : i32
          %add3A_470 = arith.addi %add3A_248, %add3A_469 : i32
          %get3A_471 = arith.index_cast %add3A_470 : i32 to index
          %get3A_472 = arith.constant 32 : index
          %get3A_473 = tpu.vector_load %arg12[%get3A_471, %get3A_472] {strides = array<i32>} : memref<400x64xbf16, #tpu.memory_space<vmem>>, vector<32xbf16>,
          %bitcast3A_474 = vector.bitcast %get3A_473 : vector<32xbf16> to vector<16xi32>
          %shift_left3A_475 = arith.constant 16 : i32
          %shift_left3A_476 = vector.broadcast %shift_left3A_475 : i32 to vector<16xi32>
          %shift_left3A_477 = arith.shli %bitcast3A_468, %shift_left3A_476 : vector<16xi32>
          %bitcast3A_478 = vector.bitcast %shift_left3A_477 : vector<16xi32> to vector<16xf32>
          %add3A_479 = arith.addf %add3A_453, %bitcast3A_478 : vector<16xf32>
          %bitcast3A_480 = vector.bitcast %bitcast3A_468 : vector<16xi32> to vector<16xf32>
          %add3A_481 = arith.addf %add3A_455, %bitcast3A_480 : vector<16xf32>
          %shift_left3A_482 = arith.constant 16 : i32
          %shift_left3A_483 = vector.broadcast %shift_left3A_482 : i32 to vector<16xi32>
          %shift_left3A_484 = arith.shli %bitcast3A_474, %shift_left3A_483 : vector<16xi32>
          %bitcast3A_485 = vector.bitcast %shift_left3A_484 : vector<16xi32> to vector<16xf32>
          %add3A_486 = arith.addf %add3A_460, %bitcast3A_485 : vector<16xf32>
          %bitcast3A_487 = vector.bitcast %bitcast3A_474 : vector<16xi32> to vector<16xf32>
          %add3A_488 = arith.addf %add3A_462, %bitcast3A_487 : vector<16xf32>
          %add3A_489 = arith.constant 9 : i32
          %add3A_490 = arith.addi %add3A_248, %add3A_489 : i32
          %get3A_491 = arith.index_cast %add3A_490 : i32 to index
          %get3A_492 = arith.constant 0 : index
          %get3A_493 = tpu.vector_load %arg12[%get3A_491, %get3A_492] {strides = array<i32>} : memref<400x64xbf16, #tpu.memory_space<vmem>>, vector<32xbf16>,
          %bitcast3A_494 = vector.bitcast %get3A_493 : vector<32xbf16> to vector<16xi32>
          %add3A_495 = arith.constant 9 : i32
          %add3A_496 = arith.addi %add3A_248, %add3A_495 : i32
          %get3A_497 = arith.index_cast %add3A_496 : i32 to index
          %get3A_498 = arith.constant 32 : index
          %get3A_499 = tpu.vector_load %arg12[%get3A_497, %get3A_498] {strides = array<i32>} : memref<400x64xbf16, #tpu.memory_space<vmem>>, vector<32xbf16>,
          %bitcast3A_500 = vector.bitcast %get3A_499 : vector<32xbf16> to vector<16xi32>
          %shift_left3A_501 = arith.constant 16 : i32
          %shift_left3A_502 = vector.broadcast %shift_left3A_501 : i32 to vector<16xi32>
          %shift_left3A_503 = arith.shli %bitcast3A_494, %shift_left3A_502 : vector<16xi32>
          %bitcast3A_504 = vector.bitcast %shift_left3A_503 : vector<16xi32> to vector<16xf32>
          %add3A_505 = arith.addf %add3A_479, %bitcast3A_504 : vector<16xf32>
          %bitcast3A_506 = vector.bitcast %bitcast3A_494 : vector<16xi32> to vector<16xf32>
          %add3A_507 = arith.addf %add3A_481, %bitcast3A_506 : vector<16xf32>
          %shift_left3A_508 = arith.constant 16 : i32
          %shift_left3A_509 = vector.broadcast %shift_left3A_508 : i32 to vector<16xi32>
          %shift_left3A_510 = arith.shli %bitcast3A_500, %shift_left3A_509 : vector<16xi32>
          %bitcast3A_511 = vector.bitcast %shift_left3A_510 : vector<16xi32> to vector<16xf32>
          %add3A_512 = arith.addf %add3A_486, %bitcast3A_511 : vector<16xf32>
          %bitcast3A_513 = vector.bitcast %bitcast3A_500 : vector<16xi32> to vector<16xf32>
          %add3A_514 = arith.addf %add3A_488, %bitcast3A_513 : vector<16xf32>
          %add3A_515 = arith.constant 10 : i32
          %add3A_516 = arith.addi %add3A_248, %add3A_515 : i32
          %get3A_517 = arith.index_cast %add3A_516 : i32 to index
          %get3A_518 = arith.constant 0 : index
          %get3A_519 = tpu.vector_load %arg12[%get3A_517, %get3A_518] {strides = array<i32>} : memref<400x64xbf16, #tpu.memory_space<vmem>>, vector<32xbf16>,
          %bitcast3A_520 = vector.bitcast %get3A_519 : vector<32xbf16> to vector<16xi32>
          %add3A_521 = arith.constant 10 : i32
          %add3A_522 = arith.addi %add3A_248, %add3A_521 : i32
          %get3A_523 = arith.index_cast %add3A_522 : i32 to index
          %get3A_524 = arith.constant 32 : index
          %get3A_525 = tpu.vector_load %arg12[%get3A_523, %get3A_524] {strides = array<i32>} : memref<400x64xbf16, #tpu.memory_space<vmem>>, vector<32xbf16>,
          %bitcast3A_526 = vector.bitcast %get3A_525 : vector<32xbf16> to vector<16xi32>
          %shift_left3A_527 = arith.constant 16 : i32
          %shift_left3A_528 = vector.broadcast %shift_left3A_527 : i32 to vector<16xi32>
          %shift_left3A_529 = arith.shli %bitcast3A_520, %shift_left3A_528 : vector<16xi32>
          %bitcast3A_530 = vector.bitcast %shift_left3A_529 : vector<16xi32> to vector<16xf32>
          %add3A_531 = arith.addf %add3A_505, %bitcast3A_530 : vector<16xf32>
          %bitcast3A_532 = vector.bitcast %bitcast3A_520 : vector<16xi32> to vector<16xf32>
          %add3A_533 = arith.addf %add3A_507, %bitcast3A_532 : vector<16xf32>
          %shift_left3A_534 = arith.constant 16 : i32
          %shift_left3A_535 = vector.broadcast %shift_left3A_534 : i32 to vector<16xi32>
          %shift_left3A_536 = arith.shli %bitcast3A_526, %shift_left3A_535 : vector<16xi32>
          %bitcast3A_537 = vector.bitcast %shift_left3A_536 : vector<16xi32> to vector<16xf32>
          %add3A_538 = arith.addf %add3A_512, %bitcast3A_537 : vector<16xf32>
          %bitcast3A_539 = vector.bitcast %bitcast3A_526 : vector<16xi32> to vector<16xf32>
          %add3A_540 = arith.addf %add3A_514, %bitcast3A_539 : vector<16xf32>
          %add3A_541 = arith.constant 11 : i32
          %add3A_542 = arith.addi %add3A_248, %add3A_541 : i32
          %get3A_543 = arith.index_cast %add3A_542 : i32 to index
          %get3A_544 = arith.constant 0 : index
          %get3A_545 = tpu.vector_load %arg12[%get3A_543, %get3A_544] {strides = array<i32>} : memref<400x64xbf16, #tpu.memory_space<vmem>>, vector<32xbf16>,
          %bitcast3A_546 = vector.bitcast %get3A_545 : vector<32xbf16> to vector<16xi32>
          %add3A_547 = arith.constant 11 : i32
          %add3A_548 = arith.addi %add3A_248, %add3A_547 : i32
          %get3A_549 = arith.index_cast %add3A_548 : i32 to index
          %get3A_550 = arith.constant 32 : index
          %get3A_551 = tpu.vector_load %arg12[%get3A_549, %get3A_550] {strides = array<i32>} : memref<400x64xbf16, #tpu.memory_space<vmem>>, vector<32xbf16>,
          %bitcast3A_552 = vector.bitcast %get3A_551 : vector<32xbf16> to vector<16xi32>
          %shift_left3A_553 = arith.constant 16 : i32
          %shift_left3A_554 = vector.broadcast %shift_left3A_553 : i32 to vector<16xi32>
          %shift_left3A_555 = arith.shli %bitcast3A_546, %shift_left3A_554 : vector<16xi32>
          %bitcast3A_556 = vector.bitcast %shift_left3A_555 : vector<16xi32> to vector<16xf32>
          %add3A_557 = arith.addf %add3A_531, %bitcast3A_556 : vector<16xf32>
          %bitcast3A_558 = vector.bitcast %bitcast3A_546 : vector<16xi32> to vector<16xf32>
          %add3A_559 = arith.addf %add3A_533, %bitcast3A_558 : vector<16xf32>
          %shift_left3A_560 = arith.constant 16 : i32
          %shift_left3A_561 = vector.broadcast %shift_left3A_560 : i32 to vector<16xi32>
          %shift_left3A_562 = arith.shli %bitcast3A_552, %shift_left3A_561 : vector<16xi32>
          %bitcast3A_563 = vector.bitcast %shift_left3A_562 : vector<16xi32> to vector<16xf32>
          %add3A_564 = arith.addf %add3A_538, %bitcast3A_563 : vector<16xf32>
          %bitcast3A_565 = vector.bitcast %bitcast3A_552 : vector<16xi32> to vector<16xf32>
          %add3A_566 = arith.addf %add3A_540, %bitcast3A_565 : vector<16xf32>
          %add3A_567 = arith.constant 12 : i32
          %add3A_568 = arith.addi %add3A_248, %add3A_567 : i32
          %get3A_569 = arith.index_cast %add3A_568 : i32 to index
          %get3A_570 = arith.constant 0 : index
          %get3A_571 = tpu.vector_load %arg12[%get3A_569, %get3A_570] {strides = array<i32>} : memref<400x64xbf16, #tpu.memory_space<vmem>>, vector<32xbf16>,
          %bitcast3A_572 = vector.bitcast %get3A_571 : vector<32xbf16> to vector<16xi32>
          %add3A_573 = arith.constant 12 : i32
          %add3A_574 = arith.addi %add3A_248, %add3A_573 : i32
          %get3A_575 = arith.index_cast %add3A_574 : i32 to index
          %get3A_576 = arith.constant 32 : index
          %get3A_577 = tpu.vector_load %arg12[%get3A_575, %get3A_576] {strides = array<i32>} : memref<400x64xbf16, #tpu.memory_space<vmem>>, vector<32xbf16>,
          %bitcast3A_578 = vector.bitcast %get3A_577 : vector<32xbf16> to vector<16xi32>
          %shift_left3A_579 = arith.constant 16 : i32
          %shift_left3A_580 = vector.broadcast %shift_left3A_579 : i32 to vector<16xi32>
          %shift_left3A_581 = arith.shli %bitcast3A_572, %shift_left3A_580 : vector<16xi32>
          %bitcast3A_582 = vector.bitcast %shift_left3A_581 : vector<16xi32> to vector<16xf32>
          %add3A_583 = arith.addf %add3A_557, %bitcast3A_582 : vector<16xf32>
          %bitcast3A_584 = vector.bitcast %bitcast3A_572 : vector<16xi32> to vector<16xf32>
          %add3A_585 = arith.addf %add3A_559, %bitcast3A_584 : vector<16xf32>
          %shift_left3A_586 = arith.constant 16 : i32
          %shift_left3A_587 = vector.broadcast %shift_left3A_586 : i32 to vector<16xi32>
          %shift_left3A_588 = arith.shli %bitcast3A_578, %shift_left3A_587 : vector<16xi32>
          %bitcast3A_589 = vector.bitcast %shift_left3A_588 : vector<16xi32> to vector<16xf32>
          %add3A_590 = arith.addf %add3A_564, %bitcast3A_589 : vector<16xf32>
          %bitcast3A_591 = vector.bitcast %bitcast3A_578 : vector<16xi32> to vector<16xf32>
          %add3A_592 = arith.addf %add3A_566, %bitcast3A_591 : vector<16xf32>
          %add3A_593 = arith.constant 13 : i32
          %add3A_594 = arith.addi %add3A_248, %add3A_593 : i32
          %get3A_595 = arith.index_cast %add3A_594 : i32 to index
          %get3A_596 = arith.constant 0 : index
          %get3A_597 = tpu.vector_load %arg12[%get3A_595, %get3A_596] {strides = array<i32>} : memref<400x64xbf16, #tpu.memory_space<vmem>>, vector<32xbf16>,
          %bitcast3A_598 = vector.bitcast %get3A_597 : vector<32xbf16> to vector<16xi32>
          %add3A_599 = arith.constant 13 : i32
          %add3A_600 = arith.addi %add3A_248, %add3A_599 : i32
          %get3A_601 = arith.index_cast %add3A_600 : i32 to index
          %get3A_602 = arith.constant 32 : index
          %get3A_603 = tpu.vector_load %arg12[%get3A_601, %get3A_602] {strides = array<i32>} : memref<400x64xbf16, #tpu.memory_space<vmem>>, vector<32xbf16>,
          %bitcast3A_604 = vector.bitcast %get3A_603 : vector<32xbf16> to vector<16xi32>
          %shift_left3A_605 = arith.constant 16 : i32
          %shift_left3A_606 = vector.broadcast %shift_left3A_605 : i32 to vector<16xi32>
          %shift_left3A_607 = arith.shli %bitcast3A_598, %shift_left3A_606 : vector<16xi32>
          %bitcast3A_608 = vector.bitcast %shift_left3A_607 : vector<16xi32> to vector<16xf32>
          %add3A_609 = arith.addf %add3A_583, %bitcast3A_608 : vector<16xf32>
          %bitcast3A_610 = vector.bitcast %bitcast3A_598 : vector<16xi32> to vector<16xf32>
          %add3A_611 = arith.addf %add3A_585, %bitcast3A_610 : vector<16xf32>
          %shift_left3A_612 = arith.constant 16 : i32
          %shift_left3A_613 = vector.broadcast %shift_left3A_612 : i32 to vector<16xi32>
          %shift_left3A_614 = arith.shli %bitcast3A_604, %shift_left3A_613 : vector<16xi32>
          %bitcast3A_615 = vector.bitcast %shift_left3A_614 : vector<16xi32> to vector<16xf32>
          %add3A_616 = arith.addf %add3A_590, %bitcast3A_615 : vector<16xf32>
          %bitcast3A_617 = vector.bitcast %bitcast3A_604 : vector<16xi32> to vector<16xf32>
          %add3A_618 = arith.addf %add3A_592, %bitcast3A_617 : vector<16xf32>
          %add3A_619 = arith.constant 14 : i32
          %add3A_620 = arith.addi %add3A_248, %add3A_619 : i32
          %get3A_621 = arith.index_cast %add3A_620 : i32 to index
          %get3A_622 = arith.constant 0 : index
          %get3A_623 = tpu.vector_load %arg12[%get3A_621, %get3A_622] {strides = array<i32>} : memref<400x64xbf16, #tpu.memory_space<vmem>>, vector<32xbf16>,
          %bitcast3A_624 = vector.bitcast %get3A_623 : vector<32xbf16> to vector<16xi32>
          %add3A_625 = arith.constant 14 : i32
          %add3A_626 = arith.addi %add3A_248, %add3A_625 : i32
          %get3A_627 = arith.index_cast %add3A_626 : i32 to index
          %get3A_628 = arith.constant 32 : index
          %get3A_629 = tpu.vector_load %arg12[%get3A_627, %get3A_628] {strides = array<i32>} : memref<400x64xbf16, #tpu.memory_space<vmem>>, vector<32xbf16>,
          %bitcast3A_630 = vector.bitcast %get3A_629 : vector<32xbf16> to vector<16xi32>
          %shift_left3A_631 = arith.constant 16 : i32
          %shift_left3A_632 = vector.broadcast %shift_left3A_631 : i32 to vector<16xi32>
          %shift_left3A_633 = arith.shli %bitcast3A_624, %shift_left3A_632 : vector<16xi32>
          %bitcast3A_634 = vector.bitcast %shift_left3A_633 : vector<16xi32> to vector<16xf32>
          %add3A_635 = arith.addf %add3A_609, %bitcast3A_634 : vector<16xf32>
          %bitcast3A_636 = vector.bitcast %bitcast3A_624 : vector<16xi32> to vector<16xf32>
          %add3A_637 = arith.addf %add3A_611, %bitcast3A_636 : vector<16xf32>
          %shift_left3A_638 = arith.constant 16 : i32
          %shift_left3A_639 = vector.broadcast %shift_left3A_638 : i32 to vector<16xi32>
          %shift_left3A_640 = arith.shli %bitcast3A_630, %shift_left3A_639 : vector<16xi32>
          %bitcast3A_641 = vector.bitcast %shift_left3A_640 : vector<16xi32> to vector<16xf32>
          %add3A_642 = arith.addf %add3A_616, %bitcast3A_641 : vector<16xf32>
          %bitcast3A_643 = vector.bitcast %bitcast3A_630 : vector<16xi32> to vector<16xf32>
          %add3A_644 = arith.addf %add3A_618, %bitcast3A_643 : vector<16xf32>
          %add3A_645 = arith.constant 15 : i32
          %add3A_646 = arith.addi %add3A_248, %add3A_645 : i32
          %get3A_647 = arith.index_cast %add3A_646 : i32 to index
          %get3A_648 = arith.constant 0 : index
          %get3A_649 = tpu.vector_load %arg12[%get3A_647, %get3A_648] {strides = array<i32>} : memref<400x64xbf16, #tpu.memory_space<vmem>>, vector<32xbf16>,
          %bitcast3A_650 = vector.bitcast %get3A_649 : vector<32xbf16> to vector<16xi32>
          %add3A_651 = arith.constant 15 : i32
          %add3A_652 = arith.addi %add3A_248, %add3A_651 : i32
          %get3A_653 = arith.index_cast %add3A_652 : i32 to index
          %get3A_654 = arith.constant 32 : index
          %get3A_655 = tpu.vector_load %arg12[%get3A_653, %get3A_654] {strides = array<i32>} : memref<400x64xbf16, #tpu.memory_space<vmem>>, vector<32xbf16>,
          %bitcast3A_656 = vector.bitcast %get3A_655 : vector<32xbf16> to vector<16xi32>
          %shift_left3A_657 = arith.constant 16 : i32
          %shift_left3A_658 = vector.broadcast %shift_left3A_657 : i32 to vector<16xi32>
          %shift_left3A_659 = arith.shli %bitcast3A_650, %shift_left3A_658 : vector<16xi32>
          %bitcast3A_660 = vector.bitcast %shift_left3A_659 : vector<16xi32> to vector<16xf32>
          %add3A_661 = arith.addf %add3A_635, %bitcast3A_660 : vector<16xf32>
          %bitcast3A_662 = vector.bitcast %bitcast3A_650 : vector<16xi32> to vector<16xf32>
          %add3A_663 = arith.addf %add3A_637, %bitcast3A_662 : vector<16xf32>
          %shift_left3A_664 = arith.constant 16 : i32
          %shift_left3A_665 = vector.broadcast %shift_left3A_664 : i32 to vector<16xi32>
          %shift_left3A_666 = arith.shli %bitcast3A_656, %shift_left3A_665 : vector<16xi32>
          %bitcast3A_667 = vector.bitcast %shift_left3A_666 : vector<16xi32> to vector<16xf32>
          %add3A_668 = arith.addf %add3A_642, %bitcast3A_667 : vector<16xf32>
          %bitcast3A_669 = vector.bitcast %bitcast3A_656 : vector<16xi32> to vector<16xf32>
          %add3A_670 = arith.addf %add3A_644, %bitcast3A_669 : vector<16xf32>
          %add3A_671 = arith.constant 16 : i32
          %add3A_672 = arith.addi %add3A_248, %add3A_671 : i32
          %get3A_673 = arith.index_cast %add3A_672 : i32 to index
          %get3A_674 = arith.constant 0 : index
          %get3A_675 = tpu.vector_load %arg12[%get3A_673, %get3A_674] {strides = array<i32>} : memref<400x64xbf16, #tpu.memory_space<vmem>>, vector<32xbf16>,
          %bitcast3A_676 = vector.bitcast %get3A_675 : vector<32xbf16> to vector<16xi32>
          %add3A_677 = arith.constant 16 : i32
          %add3A_678 = arith.addi %add3A_248, %add3A_677 : i32
          %get3A_679 = arith.index_cast %add3A_678 : i32 to index
          %get3A_680 = arith.constant 32 : index
          %get3A_681 = tpu.vector_load %arg12[%get3A_679, %get3A_680] {strides = array<i32>} : memref<400x64xbf16, #tpu.memory_space<vmem>>, vector<32xbf16>,
          %bitcast3A_682 = vector.bitcast %get3A_681 : vector<32xbf16> to vector<16xi32>
          %shift_left3A_683 = arith.constant 16 : i32
          %shift_left3A_684 = vector.broadcast %shift_left3A_683 : i32 to vector<16xi32>
          %shift_left3A_685 = arith.shli %bitcast3A_676, %shift_left3A_684 : vector<16xi32>
          %bitcast3A_686 = vector.bitcast %shift_left3A_685 : vector<16xi32> to vector<16xf32>
          %add3A_687 = arith.addf %add3A_661, %bitcast3A_686 : vector<16xf32>
          %bitcast3A_688 = vector.bitcast %bitcast3A_676 : vector<16xi32> to vector<16xf32>
          %add3A_689 = arith.addf %add3A_663, %bitcast3A_688 : vector<16xf32>
          %shift_left3A_690 = arith.constant 16 : i32
          %shift_left3A_691 = vector.broadcast %shift_left3A_690 : i32 to vector<16xi32>
          %shift_left3A_692 = arith.shli %bitcast3A_682, %shift_left3A_691 : vector<16xi32>
          %bitcast3A_693 = vector.bitcast %shift_left3A_692 : vector<16xi32> to vector<16xf32>
          %add3A_694 = arith.addf %add3A_668, %bitcast3A_693 : vector<16xf32>
          %bitcast3A_695 = vector.bitcast %bitcast3A_682 : vector<16xi32> to vector<16xf32>
          %add3A_696 = arith.addf %add3A_670, %bitcast3A_695 : vector<16xf32>
          %add3A_697 = arith.constant 17 : i32
          %add3A_698 = arith.addi %add3A_248, %add3A_697 : i32
          %get3A_699 = arith.index_cast %add3A_698 : i32 to index
          %get3A_700 = arith.constant 0 : index
          %get3A_701 = tpu.vector_load %arg12[%get3A_699, %get3A_700] {strides = array<i32>} : memref<400x64xbf16, #tpu.memory_space<vmem>>, vector<32xbf16>,
          %bitcast3A_702 = vector.bitcast %get3A_701 : vector<32xbf16> to vector<16xi32>
          %add3A_703 = arith.constant 17 : i32
          %add3A_704 = arith.addi %add3A_248, %add3A_703 : i32
          %get3A_705 = arith.index_cast %add3A_704 : i32 to index
          %get3A_706 = arith.constant 32 : index
          %get3A_707 = tpu.vector_load %arg12[%get3A_705, %get3A_706] {strides = array<i32>} : memref<400x64xbf16, #tpu.memory_space<vmem>>, vector<32xbf16>,
          %bitcast3A_708 = vector.bitcast %get3A_707 : vector<32xbf16> to vector<16xi32>
          %shift_left3A_709 = arith.constant 16 : i32
          %shift_left3A_710 = vector.broadcast %shift_left3A_709 : i32 to vector<16xi32>
          %shift_left3A_711 = arith.shli %bitcast3A_702, %shift_left3A_710 : vector<16xi32>
          %bitcast3A_712 = vector.bitcast %shift_left3A_711 : vector<16xi32> to vector<16xf32>
          %add3A_713 = arith.addf %add3A_687, %bitcast3A_712 : vector<16xf32>
          %bitcast3A_714 = vector.bitcast %bitcast3A_702 : vector<16xi32> to vector<16xf32>
          %add3A_715 = arith.addf %add3A_689, %bitcast3A_714 : vector<16xf32>
          %shift_left3A_716 = arith.constant 16 : i32
          %shift_left3A_717 = vector.broadcast %shift_left3A_716 : i32 to vector<16xi32>
          %shift_left3A_718 = arith.shli %bitcast3A_708, %shift_left3A_717 : vector<16xi32>
          %bitcast3A_719 = vector.bitcast %shift_left3A_718 : vector<16xi32> to vector<16xf32>
          %add3A_720 = arith.addf %add3A_694, %bitcast3A_719 : vector<16xf32>
          %bitcast3A_721 = vector.bitcast %bitcast3A_708 : vector<16xi32> to vector<16xf32>
          %add3A_722 = arith.addf %add3A_696, %bitcast3A_721 : vector<16xf32>
          %add3A_723 = arith.constant 18 : i32
          %add3A_724 = arith.addi %add3A_248, %add3A_723 : i32
          %get3A_725 = arith.index_cast %add3A_724 : i32 to index
          %get3A_726 = arith.constant 0 : index
          %get3A_727 = tpu.vector_load %arg12[%get3A_725, %get3A_726] {strides = array<i32>} : memref<400x64xbf16, #tpu.memory_space<vmem>>, vector<32xbf16>,
          %bitcast3A_728 = vector.bitcast %get3A_727 : vector<32xbf16> to vector<16xi32>
          %add3A_729 = arith.constant 18 : i32
          %add3A_730 = arith.addi %add3A_248, %add3A_729 : i32
          %get3A_731 = arith.index_cast %add3A_730 : i32 to index
          %get3A_732 = arith.constant 32 : index
          %get3A_733 = tpu.vector_load %arg12[%get3A_731, %get3A_732] {strides = array<i32>} : memref<400x64xbf16, #tpu.memory_space<vmem>>, vector<32xbf16>,
          %bitcast3A_734 = vector.bitcast %get3A_733 : vector<32xbf16> to vector<16xi32>
          %shift_left3A_735 = arith.constant 16 : i32
          %shift_left3A_736 = vector.broadcast %shift_left3A_735 : i32 to vector<16xi32>
          %shift_left3A_737 = arith.shli %bitcast3A_728, %shift_left3A_736 : vector<16xi32>
          %bitcast3A_738 = vector.bitcast %shift_left3A_737 : vector<16xi32> to vector<16xf32>
          %add3A_739 = arith.addf %add3A_713, %bitcast3A_738 : vector<16xf32>
          %bitcast3A_740 = vector.bitcast %bitcast3A_728 : vector<16xi32> to vector<16xf32>
          %add3A_741 = arith.addf %add3A_715, %bitcast3A_740 : vector<16xf32>
          %shift_left3A_742 = arith.constant 16 : i32
          %shift_left3A_743 = vector.broadcast %shift_left3A_742 : i32 to vector<16xi32>
          %shift_left3A_744 = arith.shli %bitcast3A_734, %shift_left3A_743 : vector<16xi32>
          %bitcast3A_745 = vector.bitcast %shift_left3A_744 : vector<16xi32> to vector<16xf32>
          %add3A_746 = arith.addf %add3A_720, %bitcast3A_745 : vector<16xf32>
          %bitcast3A_747 = vector.bitcast %bitcast3A_734 : vector<16xi32> to vector<16xf32>
          %add3A_748 = arith.addf %add3A_722, %bitcast3A_747 : vector<16xf32>
          %add3A_749 = arith.constant 19 : i32
          %add3A_750 = arith.addi %add3A_248, %add3A_749 : i32
          %get3A_751 = arith.index_cast %add3A_750 : i32 to index
          %get3A_752 = arith.constant 0 : index
          %get3A_753 = tpu.vector_load %arg12[%get3A_751, %get3A_752] {strides = array<i32>} : memref<400x64xbf16, #tpu.memory_space<vmem>>, vector<32xbf16>,
          %bitcast3A_754 = vector.bitcast %get3A_753 : vector<32xbf16> to vector<16xi32>
          %add3A_755 = arith.constant 19 : i32
          %add3A_756 = arith.addi %add3A_248, %add3A_755 : i32
          %get3A_757 = arith.index_cast %add3A_756 : i32 to index
          %get3A_758 = arith.constant 32 : index
          %get3A_759 = tpu.vector_load %arg12[%get3A_757, %get3A_758] {strides = array<i32>} : memref<400x64xbf16, #tpu.memory_space<vmem>>, vector<32xbf16>,
          %bitcast3A_760 = vector.bitcast %get3A_759 : vector<32xbf16> to vector<16xi32>
          %shift_left3A_761 = arith.constant 16 : i32
          %shift_left3A_762 = vector.broadcast %shift_left3A_761 : i32 to vector<16xi32>
          %shift_left3A_763 = arith.shli %bitcast3A_754, %shift_left3A_762 : vector<16xi32>
          %bitcast3A_764 = vector.bitcast %shift_left3A_763 : vector<16xi32> to vector<16xf32>
          %add3A_765 = arith.addf %add3A_739, %bitcast3A_764 : vector<16xf32>
          %bitcast3A_766 = vector.bitcast %bitcast3A_754 : vector<16xi32> to vector<16xf32>
          %add3A_767 = arith.addf %add3A_741, %bitcast3A_766 : vector<16xf32>
          %shift_left3A_768 = arith.constant 16 : i32
          %shift_left3A_769 = vector.broadcast %shift_left3A_768 : i32 to vector<16xi32>
          %shift_left3A_770 = arith.shli %bitcast3A_760, %shift_left3A_769 : vector<16xi32>
          %bitcast3A_771 = vector.bitcast %shift_left3A_770 : vector<16xi32> to vector<16xf32>
          %add3A_772 = arith.addf %add3A_746, %bitcast3A_771 : vector<16xf32>
          %bitcast3A_773 = vector.bitcast %bitcast3A_760 : vector<16xi32> to vector<16xf32>
          %add3A_774 = arith.addf %add3A_748, %bitcast3A_773 : vector<16xf32>
          %add3A_775 = arith.constant 20 : i32
          %add3A_776 = arith.addi %add3A_248, %add3A_775 : i32
          %get3A_777 = arith.index_cast %add3A_776 : i32 to index
          %get3A_778 = arith.constant 0 : index
          %get3A_779 = tpu.vector_load %arg12[%get3A_777, %get3A_778] {strides = array<i32>} : memref<400x64xbf16, #tpu.memory_space<vmem>>, vector<32xbf16>,
          %bitcast3A_780 = vector.bitcast %get3A_779 : vector<32xbf16> to vector<16xi32>
          %add3A_781 = arith.constant 20 : i32
          %add3A_782 = arith.addi %add3A_248, %add3A_781 : i32
          %get3A_783 = arith.index_cast %add3A_782 : i32 to index
          %get3A_784 = arith.constant 32 : index
          %get3A_785 = tpu.vector_load %arg12[%get3A_783, %get3A_784] {strides = array<i32>} : memref<400x64xbf16, #tpu.memory_space<vmem>>, vector<32xbf16>,
          %bitcast3A_786 = vector.bitcast %get3A_785 : vector<32xbf16> to vector<16xi32>
          %shift_left3A_787 = arith.constant 16 : i32
          %shift_left3A_788 = vector.broadcast %shift_left3A_787 : i32 to vector<16xi32>
          %shift_left3A_789 = arith.shli %bitcast3A_780, %shift_left3A_788 : vector<16xi32>
          %bitcast3A_790 = vector.bitcast %shift_left3A_789 : vector<16xi32> to vector<16xf32>
          %add3A_791 = arith.addf %add3A_765, %bitcast3A_790 : vector<16xf32>
          %bitcast3A_792 = vector.bitcast %bitcast3A_780 : vector<16xi32> to vector<16xf32>
          %add3A_793 = arith.addf %add3A_767, %bitcast3A_792 : vector<16xf32>
          %shift_left3A_794 = arith.constant 16 : i32
          %shift_left3A_795 = vector.broadcast %shift_left3A_794 : i32 to vector<16xi32>
          %shift_left3A_796 = arith.shli %bitcast3A_786, %shift_left3A_795 : vector<16xi32>
          %bitcast3A_797 = vector.bitcast %shift_left3A_796 : vector<16xi32> to vector<16xf32>
          %add3A_798 = arith.addf %add3A_772, %bitcast3A_797 : vector<16xf32>
          %bitcast3A_799 = vector.bitcast %bitcast3A_786 : vector<16xi32> to vector<16xf32>
          %add3A_800 = arith.addf %add3A_774, %bitcast3A_799 : vector<16xf32>
          %add3A_801 = arith.constant 21 : i32
          %add3A_802 = arith.addi %add3A_248, %add3A_801 : i32
          %get3A_803 = arith.index_cast %add3A_802 : i32 to index
          %get3A_804 = arith.constant 0 : index
          %get3A_805 = tpu.vector_load %arg12[%get3A_803, %get3A_804] {strides = array<i32>} : memref<400x64xbf16, #tpu.memory_space<vmem>>, vector<32xbf16>,
          %bitcast3A_806 = vector.bitcast %get3A_805 : vector<32xbf16> to vector<16xi32>
          %add3A_807 = arith.constant 21 : i32
          %add3A_808 = arith.addi %add3A_248, %add3A_807 : i32
          %get3A_809 = arith.index_cast %add3A_808 : i32 to index
          %get3A_810 = arith.constant 32 : index
          %get3A_811 = tpu.vector_load %arg12[%get3A_809, %get3A_810] {strides = array<i32>} : memref<400x64xbf16, #tpu.memory_space<vmem>>, vector<32xbf16>,
          %bitcast3A_812 = vector.bitcast %get3A_811 : vector<32xbf16> to vector<16xi32>
          %shift_left3A_813 = arith.constant 16 : i32
          %shift_left3A_814 = vector.broadcast %shift_left3A_813 : i32 to vector<16xi32>
          %shift_left3A_815 = arith.shli %bitcast3A_806, %shift_left3A_814 : vector<16xi32>
          %bitcast3A_816 = vector.bitcast %shift_left3A_815 : vector<16xi32> to vector<16xf32>
          %add3A_817 = arith.addf %add3A_791, %bitcast3A_816 : vector<16xf32>
          %bitcast3A_818 = vector.bitcast %bitcast3A_806 : vector<16xi32> to vector<16xf32>
          %add3A_819 = arith.addf %add3A_793, %bitcast3A_818 : vector<16xf32>
          %shift_left3A_820 = arith.constant 16 : i32
          %shift_left3A_821 = vector.broadcast %shift_left3A_820 : i32 to vector<16xi32>
          %shift_left3A_822 = arith.shli %bitcast3A_812, %shift_left3A_821 : vector<16xi32>
          %bitcast3A_823 = vector.bitcast %shift_left3A_822 : vector<16xi32> to vector<16xf32>
          %add3A_824 = arith.addf %add3A_798, %bitcast3A_823 : vector<16xf32>
          %bitcast3A_825 = vector.bitcast %bitcast3A_812 : vector<16xi32> to vector<16xf32>
          %add3A_826 = arith.addf %add3A_800, %bitcast3A_825 : vector<16xf32>
          %add3A_827 = arith.constant 22 : i32
          %add3A_828 = arith.addi %add3A_248, %add3A_827 : i32
          %get3A_829 = arith.index_cast %add3A_828 : i32 to index
          %get3A_830 = arith.constant 0 : index
          %get3A_831 = tpu.vector_load %arg12[%get3A_829, %get3A_830] {strides = array<i32>} : memref<400x64xbf16, #tpu.memory_space<vmem>>, vector<32xbf16>,
          %bitcast3A_832 = vector.bitcast %get3A_831 : vector<32xbf16> to vector<16xi32>
          %add3A_833 = arith.constant 22 : i32
          %add3A_834 = arith.addi %add3A_248, %add3A_833 : i32
          %get3A_835 = arith.index_cast %add3A_834 : i32 to index
          %get3A_836 = arith.constant 32 : index
          %get3A_837 = tpu.vector_load %arg12[%get3A_835, %get3A_836] {strides = array<i32>} : memref<400x64xbf16, #tpu.memory_space<vmem>>, vector<32xbf16>,
          %bitcast3A_838 = vector.bitcast %get3A_837 : vector<32xbf16> to vector<16xi32>
          %shift_left3A_839 = arith.constant 16 : i32
          %shift_left3A_840 = vector.broadcast %shift_left3A_839 : i32 to vector<16xi32>
          %shift_left3A_841 = arith.shli %bitcast3A_832, %shift_left3A_840 : vector<16xi32>
          %bitcast3A_842 = vector.bitcast %shift_left3A_841 : vector<16xi32> to vector<16xf32>
          %add3A_843 = arith.addf %add3A_817, %bitcast3A_842 : vector<16xf32>
          %bitcast3A_844 = vector.bitcast %bitcast3A_832 : vector<16xi32> to vector<16xf32>
          %add3A_845 = arith.addf %add3A_819, %bitcast3A_844 : vector<16xf32>
          %shift_left3A_846 = arith.constant 16 : i32
          %shift_left3A_847 = vector.broadcast %shift_left3A_846 : i32 to vector<16xi32>
          %shift_left3A_848 = arith.shli %bitcast3A_838, %shift_left3A_847 : vector<16xi32>
          %bitcast3A_849 = vector.bitcast %shift_left3A_848 : vector<16xi32> to vector<16xf32>
          %add3A_850 = arith.addf %add3A_824, %bitcast3A_849 : vector<16xf32>
          %bitcast3A_851 = vector.bitcast %bitcast3A_838 : vector<16xi32> to vector<16xf32>
          %add3A_852 = arith.addf %add3A_826, %bitcast3A_851 : vector<16xf32>
          %add3A_853 = arith.constant 23 : i32
          %add3A_854 = arith.addi %add3A_248, %add3A_853 : i32
          %get3A_855 = arith.index_cast %add3A_854 : i32 to index
          %get3A_856 = arith.constant 0 : index
          %get3A_857 = tpu.vector_load %arg12[%get3A_855, %get3A_856] {strides = array<i32>} : memref<400x64xbf16, #tpu.memory_space<vmem>>, vector<32xbf16>,
          %bitcast3A_858 = vector.bitcast %get3A_857 : vector<32xbf16> to vector<16xi32>
          %add3A_859 = arith.constant 23 : i32
          %add3A_860 = arith.addi %add3A_248, %add3A_859 : i32
          %get3A_861 = arith.index_cast %add3A_860 : i32 to index
          %get3A_862 = arith.constant 32 : index
          %get3A_863 = tpu.vector_load %arg12[%get3A_861, %get3A_862] {strides = array<i32>} : memref<400x64xbf16, #tpu.memory_space<vmem>>, vector<32xbf16>,
          %bitcast3A_864 = vector.bitcast %get3A_863 : vector<32xbf16> to vector<16xi32>
          %shift_left3A_865 = arith.constant 16 : i32
          %shift_left3A_866 = vector.broadcast %shift_left3A_865 : i32 to vector<16xi32>
          %shift_left3A_867 = arith.shli %bitcast3A_858, %shift_left3A_866 : vector<16xi32>
          %bitcast3A_868 = vector.bitcast %shift_left3A_867 : vector<16xi32> to vector<16xf32>
          %add3A_869 = arith.addf %add3A_843, %bitcast3A_868 : vector<16xf32>
          %bitcast3A_870 = vector.bitcast %bitcast3A_858 : vector<16xi32> to vector<16xf32>
          %add3A_871 = arith.addf %add3A_845, %bitcast3A_870 : vector<16xf32>
          %shift_left3A_872 = arith.constant 16 : i32
          %shift_left3A_873 = vector.broadcast %shift_left3A_872 : i32 to vector<16xi32>
          %shift_left3A_874 = arith.shli %bitcast3A_864, %shift_left3A_873 : vector<16xi32>
          %bitcast3A_875 = vector.bitcast %shift_left3A_874 : vector<16xi32> to vector<16xf32>
          %add3A_876 = arith.addf %add3A_850, %bitcast3A_875 : vector<16xf32>
          %bitcast3A_877 = vector.bitcast %bitcast3A_864 : vector<16xi32> to vector<16xf32>
          %add3A_878 = arith.addf %add3A_852, %bitcast3A_877 : vector<16xf32>
          %add3A_879 = arith.constant 24 : i32
          %add3A_880 = arith.addi %add3A_248, %add3A_879 : i32
          %get3A_881 = arith.index_cast %add3A_880 : i32 to index
          %get3A_882 = arith.constant 0 : index
          %get3A_883 = tpu.vector_load %arg12[%get3A_881, %get3A_882] {strides = array<i32>} : memref<400x64xbf16, #tpu.memory_space<vmem>>, vector<32xbf16>,
          %bitcast3A_884 = vector.bitcast %get3A_883 : vector<32xbf16> to vector<16xi32>
          %add3A_885 = arith.constant 24 : i32
          %add3A_886 = arith.addi %add3A_248, %add3A_885 : i32
          %get3A_887 = arith.index_cast %add3A_886 : i32 to index
          %get3A_888 = arith.constant 32 : index
          %get3A_889 = tpu.vector_load %arg12[%get3A_887, %get3A_888] {strides = array<i32>} : memref<400x64xbf16, #tpu.memory_space<vmem>>, vector<32xbf16>,
          %bitcast3A_890 = vector.bitcast %get3A_889 : vector<32xbf16> to vector<16xi32>
          %shift_left3A_891 = arith.constant 16 : i32
          %shift_left3A_892 = vector.broadcast %shift_left3A_891 : i32 to vector<16xi32>
          %shift_left3A_893 = arith.shli %bitcast3A_884, %shift_left3A_892 : vector<16xi32>
          %bitcast3A_894 = vector.bitcast %shift_left3A_893 : vector<16xi32> to vector<16xf32>
          %add3A_895 = arith.addf %add3A_869, %bitcast3A_894 : vector<16xf32>
          %bitcast3A_896 = vector.bitcast %bitcast3A_884 : vector<16xi32> to vector<16xf32>
          %add3A_897 = arith.addf %add3A_871, %bitcast3A_896 : vector<16xf32>
          %shift_left3A_898 = arith.constant 16 : i32
          %shift_left3A_899 = vector.broadcast %shift_left3A_898 : i32 to vector<16xi32>
          %shift_left3A_900 = arith.shli %bitcast3A_890, %shift_left3A_899 : vector<16xi32>
          %bitcast3A_901 = vector.bitcast %shift_left3A_900 : vector<16xi32> to vector<16xf32>
          %add3A_902 = arith.addf %add3A_876, %bitcast3A_901 : vector<16xf32>
          %bitcast3A_903 = vector.bitcast %bitcast3A_890 : vector<16xi32> to vector<16xf32>
          %add3A_904 = arith.addf %add3A_878, %bitcast3A_903 : vector<16xf32>
          %add3A_905 = arith.constant 25 : i32
          %add3A_906 = arith.addi %add3A_248, %add3A_905 : i32
          %get3A_907 = arith.index_cast %add3A_906 : i32 to index
          %get3A_908 = arith.constant 0 : index
          %get3A_909 = tpu.vector_load %arg12[%get3A_907, %get3A_908] {strides = array<i32>} : memref<400x64xbf16, #tpu.memory_space<vmem>>, vector<32xbf16>,
          %bitcast3A_910 = vector.bitcast %get3A_909 : vector<32xbf16> to vector<16xi32>
          %add3A_911 = arith.constant 25 : i32
          %add3A_912 = arith.addi %add3A_248, %add3A_911 : i32
          %get3A_913 = arith.index_cast %add3A_912 : i32 to index
          %get3A_914 = arith.constant 32 : index
          %get3A_915 = tpu.vector_load %arg12[%get3A_913, %get3A_914] {strides = array<i32>} : memref<400x64xbf16, #tpu.memory_space<vmem>>, vector<32xbf16>,
          %bitcast3A_916 = vector.bitcast %get3A_915 : vector<32xbf16> to vector<16xi32>
          %shift_left3A_917 = arith.constant 16 : i32
          %shift_left3A_918 = vector.broadcast %shift_left3A_917 : i32 to vector<16xi32>
          %shift_left3A_919 = arith.shli %bitcast3A_910, %shift_left3A_918 : vector<16xi32>
          %bitcast3A_920 = vector.bitcast %shift_left3A_919 : vector<16xi32> to vector<16xf32>
          %add3A_921 = arith.addf %add3A_895, %bitcast3A_920 : vector<16xf32>
          %bitcast3A_922 = vector.bitcast %bitcast3A_910 : vector<16xi32> to vector<16xf32>
          %add3A_923 = arith.addf %add3A_897, %bitcast3A_922 : vector<16xf32>
          %shift_left3A_924 = arith.constant 16 : i32
          %shift_left3A_925 = vector.broadcast %shift_left3A_924 : i32 to vector<16xi32>
          %shift_left3A_926 = arith.shli %bitcast3A_916, %shift_left3A_925 : vector<16xi32>
          %bitcast3A_927 = vector.bitcast %shift_left3A_926 : vector<16xi32> to vector<16xf32>
          %add3A_928 = arith.addf %add3A_902, %bitcast3A_927 : vector<16xf32>
          %bitcast3A_929 = vector.bitcast %bitcast3A_916 : vector<16xi32> to vector<16xf32>
          %add3A_930 = arith.addf %add3A_904, %bitcast3A_929 : vector<16xf32>
          %add3A_931 = arith.constant 26 : i32
          %add3A_932 = arith.addi %add3A_248, %add3A_931 : i32
          %get3A_933 = arith.index_cast %add3A_932 : i32 to index
          %get3A_934 = arith.constant 0 : index
          %get3A_935 = tpu.vector_load %arg12[%get3A_933, %get3A_934] {strides = array<i32>} : memref<400x64xbf16, #tpu.memory_space<vmem>>, vector<32xbf16>,
          %bitcast3A_936 = vector.bitcast %get3A_935 : vector<32xbf16> to vector<16xi32>
          %add3A_937 = arith.constant 26 : i32
          %add3A_938 = arith.addi %add3A_248, %add3A_937 : i32
          %get3A_939 = arith.index_cast %add3A_938 : i32 to index
          %get3A_940 = arith.constant 32 : index
          %get3A_941 = tpu.vector_load %arg12[%get3A_939, %get3A_940] {strides = array<i32>} : memref<400x64xbf16, #tpu.memory_space<vmem>>, vector<32xbf16>,
          %bitcast3A_942 = vector.bitcast %get3A_941 : vector<32xbf16> to vector<16xi32>
          %shift_left3A_943 = arith.constant 16 : i32
          %shift_left3A_944 = vector.broadcast %shift_left3A_943 : i32 to vector<16xi32>
          %shift_left3A_945 = arith.shli %bitcast3A_936, %shift_left3A_944 : vector<16xi32>
          %bitcast3A_946 = vector.bitcast %shift_left3A_945 : vector<16xi32> to vector<16xf32>
          %add3A_947 = arith.addf %add3A_921, %bitcast3A_946 : vector<16xf32>
          %bitcast3A_948 = vector.bitcast %bitcast3A_936 : vector<16xi32> to vector<16xf32>
          %add3A_949 = arith.addf %add3A_923, %bitcast3A_948 : vector<16xf32>
          %shift_left3A_950 = arith.constant 16 : i32
          %shift_left3A_951 = vector.broadcast %shift_left3A_950 : i32 to vector<16xi32>
          %shift_left3A_952 = arith.shli %bitcast3A_942, %shift_left3A_951 : vector<16xi32>
          %bitcast3A_953 = vector.bitcast %shift_left3A_952 : vector<16xi32> to vector<16xf32>
          %add3A_954 = arith.addf %add3A_928, %bitcast3A_953 : vector<16xf32>
          %bitcast3A_955 = vector.bitcast %bitcast3A_942 : vector<16xi32> to vector<16xf32>
          %add3A_956 = arith.addf %add3A_930, %bitcast3A_955 : vector<16xf32>
          %add3A_957 = arith.constant 27 : i32
          %add3A_958 = arith.addi %add3A_248, %add3A_957 : i32
          %get3A_959 = arith.index_cast %add3A_958 : i32 to index
          %get3A_960 = arith.constant 0 : index
          %get3A_961 = tpu.vector_load %arg12[%get3A_959, %get3A_960] {strides = array<i32>} : memref<400x64xbf16, #tpu.memory_space<vmem>>, vector<32xbf16>,
          %bitcast3A_962 = vector.bitcast %get3A_961 : vector<32xbf16> to vector<16xi32>
          %add3A_963 = arith.constant 27 : i32
          %add3A_964 = arith.addi %add3A_248, %add3A_963 : i32
          %get3A_965 = arith.index_cast %add3A_964 : i32 to index
          %get3A_966 = arith.constant 32 : index
          %get3A_967 = tpu.vector_load %arg12[%get3A_965, %get3A_966] {strides = array<i32>} : memref<400x64xbf16, #tpu.memory_space<vmem>>, vector<32xbf16>,
          %bitcast3A_968 = vector.bitcast %get3A_967 : vector<32xbf16> to vector<16xi32>
          %shift_left3A_969 = arith.constant 16 : i32
          %shift_left3A_970 = vector.broadcast %shift_left3A_969 : i32 to vector<16xi32>
          %shift_left3A_971 = arith.shli %bitcast3A_962, %shift_left3A_970 : vector<16xi32>
          %bitcast3A_972 = vector.bitcast %shift_left3A_971 : vector<16xi32> to vector<16xf32>
          %add3A_973 = arith.addf %add3A_947, %bitcast3A_972 : vector<16xf32>
          %bitcast3A_974 = vector.bitcast %bitcast3A_962 : vector<16xi32> to vector<16xf32>
          %add3A_975 = arith.addf %add3A_949, %bitcast3A_974 : vector<16xf32>
          %shift_left3A_976 = arith.constant 16 : i32
          %shift_left3A_977 = vector.broadcast %shift_left3A_976 : i32 to vector<16xi32>
          %shift_left3A_978 = arith.shli %bitcast3A_968, %shift_left3A_977 : vector<16xi32>
          %bitcast3A_979 = vector.bitcast %shift_left3A_978 : vector<16xi32> to vector<16xf32>
          %add3A_980 = arith.addf %add3A_954, %bitcast3A_979 : vector<16xf32>
          %bitcast3A_981 = vector.bitcast %bitcast3A_968 : vector<16xi32> to vector<16xf32>
          %add3A_982 = arith.addf %add3A_956, %bitcast3A_981 : vector<16xf32>
          %add3A_983 = arith.constant 28 : i32
          %add3A_984 = arith.addi %add3A_248, %add3A_983 : i32
          %get3A_985 = arith.index_cast %add3A_984 : i32 to index
          %get3A_986 = arith.constant 0 : index
          %get3A_987 = tpu.vector_load %arg12[%get3A_985, %get3A_986] {strides = array<i32>} : memref<400x64xbf16, #tpu.memory_space<vmem>>, vector<32xbf16>,
          %bitcast3A_988 = vector.bitcast %get3A_987 : vector<32xbf16> to vector<16xi32>
          %add3A_989 = arith.constant 28 : i32
          %add3A_990 = arith.addi %add3A_248, %add3A_989 : i32
          %get3A_991 = arith.index_cast %add3A_990 : i32 to index
          %get3A_992 = arith.constant 32 : index
          %get3A_993 = tpu.vector_load %arg12[%get3A_991, %get3A_992] {strides = array<i32>} : memref<400x64xbf16, #tpu.memory_space<vmem>>, vector<32xbf16>,
          %bitcast3A_994 = vector.bitcast %get3A_993 : vector<32xbf16> to vector<16xi32>
          %shift_left3A_995 = arith.constant 16 : i32
          %shift_left3A_996 = vector.broadcast %shift_left3A_995 : i32 to vector<16xi32>
          %shift_left3A_997 = arith.shli %bitcast3A_988, %shift_left3A_996 : vector<16xi32>
          %bitcast3A_998 = vector.bitcast %shift_left3A_997 : vector<16xi32> to vector<16xf32>
          %add3A_999 = arith.addf %add3A_973, %bitcast3A_998 : vector<16xf32>
          %bitcast3A_1000 = vector.bitcast %bitcast3A_988 : vector<16xi32> to vector<16xf32>
          %add3A_1001 = arith.addf %add3A_975, %bitcast3A_1000 : vector<16xf32>
          %shift_left3A_1002 = arith.constant 16 : i32
          %shift_left3A_1003 = vector.broadcast %shift_left3A_1002 : i32 to vector<16xi32>
          %shift_left3A_1004 = arith.shli %bitcast3A_994, %shift_left3A_1003 : vector<16xi32>
          %bitcast3A_1005 = vector.bitcast %shift_left3A_1004 : vector<16xi32> to vector<16xf32>
          %add3A_1006 = arith.addf %add3A_980, %bitcast3A_1005 : vector<16xf32>
          %bitcast3A_1007 = vector.bitcast %bitcast3A_994 : vector<16xi32> to vector<16xf32>
          %add3A_1008 = arith.addf %add3A_982, %bitcast3A_1007 : vector<16xf32>
          %add3A_1009 = arith.constant 29 : i32
          %add3A_1010 = arith.addi %add3A_248, %add3A_1009 : i32
          %get3A_1011 = arith.index_cast %add3A_1010 : i32 to index
          %get3A_1012 = arith.constant 0 : index
          %get3A_1013 = tpu.vector_load %arg12[%get3A_1011, %get3A_1012] {strides = array<i32>} : memref<400x64xbf16, #tpu.memory_space<vmem>>, vector<32xbf16>,
          %bitcast3A_1014 = vector.bitcast %get3A_1013 : vector<32xbf16> to vector<16xi32>
          %add3A_1015 = arith.constant 29 : i32
          %add3A_1016 = arith.addi %add3A_248, %add3A_1015 : i32
          %get3A_1017 = arith.index_cast %add3A_1016 : i32 to index
          %get3A_1018 = arith.constant 32 : index
          %get3A_1019 = tpu.vector_load %arg12[%get3A_1017, %get3A_1018] {strides = array<i32>} : memref<400x64xbf16, #tpu.memory_space<vmem>>, vector<32xbf16>,
          %bitcast3A_1020 = vector.bitcast %get3A_1019 : vector<32xbf16> to vector<16xi32>
          %shift_left3A_1021 = arith.constant 16 : i32
          %shift_left3A_1022 = vector.broadcast %shift_left3A_1021 : i32 to vector<16xi32>
          %shift_left3A_1023 = arith.shli %bitcast3A_1014, %shift_left3A_1022 : vector<16xi32>
          %bitcast3A_1024 = vector.bitcast %shift_left3A_1023 : vector<16xi32> to vector<16xf32>
          %add3A_1025 = arith.addf %add3A_999, %bitcast3A_1024 : vector<16xf32>
          %bitcast3A_1026 = vector.bitcast %bitcast3A_1014 : vector<16xi32> to vector<16xf32>
          %add3A_1027 = arith.addf %add3A_1001, %bitcast3A_1026 : vector<16xf32>
          %shift_left3A_1028 = arith.constant 16 : i32
          %shift_left3A_1029 = vector.broadcast %shift_left3A_1028 : i32 to vector<16xi32>
          %shift_left3A_1030 = arith.shli %bitcast3A_1020, %shift_left3A_1029 : vector<16xi32>
          %bitcast3A_1031 = vector.bitcast %shift_left3A_1030 : vector<16xi32> to vector<16xf32>
          %add3A_1032 = arith.addf %add3A_1006, %bitcast3A_1031 : vector<16xf32>
          %bitcast3A_1033 = vector.bitcast %bitcast3A_1020 : vector<16xi32> to vector<16xf32>
          %add3A_1034 = arith.addf %add3A_1008, %bitcast3A_1033 : vector<16xf32>
          %add3A_1035 = arith.constant 30 : i32
          %add3A_1036 = arith.addi %add3A_248, %add3A_1035 : i32
          %get3A_1037 = arith.index_cast %add3A_1036 : i32 to index
          %get3A_1038 = arith.constant 0 : index
          %get3A_1039 = tpu.vector_load %arg12[%get3A_1037, %get3A_1038] {strides = array<i32>} : memref<400x64xbf16, #tpu.memory_space<vmem>>, vector<32xbf16>,
          %bitcast3A_1040 = vector.bitcast %get3A_1039 : vector<32xbf16> to vector<16xi32>
          %add3A_1041 = arith.constant 30 : i32
          %add3A_1042 = arith.addi %add3A_248, %add3A_1041 : i32
          %get3A_1043 = arith.index_cast %add3A_1042 : i32 to index
          %get3A_1044 = arith.constant 32 : index
          %get3A_1045 = tpu.vector_load %arg12[%get3A_1043, %get3A_1044] {strides = array<i32>} : memref<400x64xbf16, #tpu.memory_space<vmem>>, vector<32xbf16>,
          %bitcast3A_1046 = vector.bitcast %get3A_1045 : vector<32xbf16> to vector<16xi32>
          %shift_left3A_1047 = arith.constant 16 : i32
          %shift_left3A_1048 = vector.broadcast %shift_left3A_1047 : i32 to vector<16xi32>
          %shift_left3A_1049 = arith.shli %bitcast3A_1040, %shift_left3A_1048 : vector<16xi32>
          %bitcast3A_1050 = vector.bitcast %shift_left3A_1049 : vector<16xi32> to vector<16xf32>
          %add3A_1051 = arith.addf %add3A_1025, %bitcast3A_1050 : vector<16xf32>
          %bitcast3A_1052 = vector.bitcast %bitcast3A_1040 : vector<16xi32> to vector<16xf32>
          %add3A_1053 = arith.addf %add3A_1027, %bitcast3A_1052 : vector<16xf32>
          %shift_left3A_1054 = arith.constant 16 : i32
          %shift_left3A_1055 = vector.broadcast %shift_left3A_1054 : i32 to vector<16xi32>
          %shift_left3A_1056 = arith.shli %bitcast3A_1046, %shift_left3A_1055 : vector<16xi32>
          %bitcast3A_1057 = vector.bitcast %shift_left3A_1056 : vector<16xi32> to vector<16xf32>
          %add3A_1058 = arith.addf %add3A_1032, %bitcast3A_1057 : vector<16xf32>
          %bitcast3A_1059 = vector.bitcast %bitcast3A_1046 : vector<16xi32> to vector<16xf32>
          %add3A_1060 = arith.addf %add3A_1034, %bitcast3A_1059 : vector<16xf32>
          %add3A_1061 = arith.constant 31 : i32
          %add3A_1062 = arith.addi %add3A_248, %add3A_1061 : i32
          %get3A_1063 = arith.index_cast %add3A_1062 : i32 to index
          %get3A_1064 = arith.constant 0 : index
          %get3A_1065 = tpu.vector_load %arg12[%get3A_1063, %get3A_1064] {strides = array<i32>} : memref<400x64xbf16, #tpu.memory_space<vmem>>, vector<32xbf16>,
          %bitcast3A_1066 = vector.bitcast %get3A_1065 : vector<32xbf16> to vector<16xi32>
          %add3A_1067 = arith.constant 31 : i32
          %add3A_1068 = arith.addi %add3A_248, %add3A_1067 : i32
          %get3A_1069 = arith.index_cast %add3A_1068 : i32 to index
          %get3A_1070 = arith.constant 32 : index
          %get3A_1071 = tpu.vector_load %arg12[%get3A_1069, %get3A_1070] {strides = array<i32>} : memref<400x64xbf16, #tpu.memory_space<vmem>>, vector<32xbf16>,
          %bitcast3A_1072 = vector.bitcast %get3A_1071 : vector<32xbf16> to vector<16xi32>
          %shift_left3A_1073 = arith.constant 16 : i32
          %shift_left3A_1074 = vector.broadcast %shift_left3A_1073 : i32 to vector<16xi32>
          %shift_left3A_1075 = arith.shli %bitcast3A_1066, %shift_left3A_1074 : vector<16xi32>
          %bitcast3A_1076 = vector.bitcast %shift_left3A_1075 : vector<16xi32> to vector<16xf32>
          %add3A_1077 = arith.addf %add3A_1051, %bitcast3A_1076 : vector<16xf32>
          %bitcast3A_1078 = vector.bitcast %bitcast3A_1066 : vector<16xi32> to vector<16xf32>
          %add3A_1079 = arith.addf %add3A_1053, %bitcast3A_1078 : vector<16xf32>
          %shift_left3A_1080 = arith.constant 16 : i32
          %shift_left3A_1081 = vector.broadcast %shift_left3A_1080 : i32 to vector<16xi32>
          %shift_left3A_1082 = arith.shli %bitcast3A_1072, %shift_left3A_1081 : vector<16xi32>
          %bitcast3A_1083 = vector.bitcast %shift_left3A_1082 : vector<16xi32> to vector<16xf32>
          %add3A_1084 = arith.addf %add3A_1058, %bitcast3A_1083 : vector<16xf32>
          %bitcast3A_1085 = vector.bitcast %bitcast3A_1072 : vector<16xi32> to vector<16xf32>
          %add3A_1086 = arith.addf %add3A_1060, %bitcast3A_1085 : vector<16xf32>
          %add3A_1087 = arith.constant 32 : i32
          %add3A_1088 = arith.addi %add3A_248, %add3A_1087 : i32
          %get3A_1089 = arith.index_cast %add3A_1088 : i32 to index
          %get3A_1090 = arith.constant 0 : index
          %get3A_1091 = tpu.vector_load %arg12[%get3A_1089, %get3A_1090] {strides = array<i32>} : memref<400x64xbf16, #tpu.memory_space<vmem>>, vector<32xbf16>,
          %bitcast3A_1092 = vector.bitcast %get3A_1091 : vector<32xbf16> to vector<16xi32>
          %add3A_1093 = arith.constant 32 : i32
          %add3A_1094 = arith.addi %add3A_248, %add3A_1093 : i32
          %get3A_1095 = arith.index_cast %add3A_1094 : i32 to index
          %get3A_1096 = arith.constant 32 : index
          %get3A_1097 = tpu.vector_load %arg12[%get3A_1095, %get3A_1096] {strides = array<i32>} : memref<400x64xbf16, #tpu.memory_space<vmem>>, vector<32xbf16>,
          %bitcast3A_1098 = vector.bitcast %get3A_1097 : vector<32xbf16> to vector<16xi32>
          %shift_left3A_1099 = arith.constant 16 : i32
          %shift_left3A_1100 = vector.broadcast %shift_left3A_1099 : i32 to vector<16xi32>
          %shift_left3A_1101 = arith.shli %bitcast3A_1092, %shift_left3A_1100 : vector<16xi32>
          %bitcast3A_1102 = vector.bitcast %shift_left3A_1101 : vector<16xi32> to vector<16xf32>
          %add3A_1103 = arith.addf %add3A_1077, %bitcast3A_1102 : vector<16xf32>
          %bitcast3A_1104 = vector.bitcast %bitcast3A_1092 : vector<16xi32> to vector<16xf32>
          %add3A_1105 = arith.addf %add3A_1079, %bitcast3A_1104 : vector<16xf32>
          %shift_left3A_1106 = arith.constant 16 : i32
          %shift_left3A_1107 = vector.broadcast %shift_left3A_1106 : i32 to vector<16xi32>
          %shift_left3A_1108 = arith.shli %bitcast3A_1098, %shift_left3A_1107 : vector<16xi32>
          %bitcast3A_1109 = vector.bitcast %shift_left3A_1108 : vector<16xi32> to vector<16xf32>
          %add3A_1110 = arith.addf %add3A_1084, %bitcast3A_1109 : vector<16xf32>
          %bitcast3A_1111 = vector.bitcast %bitcast3A_1098 : vector<16xi32> to vector<16xf32>
          %add3A_1112 = arith.addf %add3A_1086, %bitcast3A_1111 : vector<16xf32>
          %add3A_1113 = arith.constant 33 : i32
          %add3A_1114 = arith.addi %add3A_248, %add3A_1113 : i32
          %get3A_1115 = arith.index_cast %add3A_1114 : i32 to index
          %get3A_1116 = arith.constant 0 : index
          %get3A_1117 = tpu.vector_load %arg12[%get3A_1115, %get3A_1116] {strides = array<i32>} : memref<400x64xbf16, #tpu.memory_space<vmem>>, vector<32xbf16>,
          %bitcast3A_1118 = vector.bitcast %get3A_1117 : vector<32xbf16> to vector<16xi32>
          %add3A_1119 = arith.constant 33 : i32
          %add3A_1120 = arith.addi %add3A_248, %add3A_1119 : i32
          %get3A_1121 = arith.index_cast %add3A_1120 : i32 to index
          %get3A_1122 = arith.constant 32 : index
          %get3A_1123 = tpu.vector_load %arg12[%get3A_1121, %get3A_1122] {strides = array<i32>} : memref<400x64xbf16, #tpu.memory_space<vmem>>, vector<32xbf16>,
          %bitcast3A_1124 = vector.bitcast %get3A_1123 : vector<32xbf16> to vector<16xi32>
          %shift_left3A_1125 = arith.constant 16 : i32
          %shift_left3A_1126 = vector.broadcast %shift_left3A_1125 : i32 to vector<16xi32>
          %shift_left3A_1127 = arith.shli %bitcast3A_1118, %shift_left3A_1126 : vector<16xi32>
          %bitcast3A_1128 = vector.bitcast %shift_left3A_1127 : vector<16xi32> to vector<16xf32>
          %add3A_1129 = arith.addf %add3A_1103, %bitcast3A_1128 : vector<16xf32>
          %bitcast3A_1130 = vector.bitcast %bitcast3A_1118 : vector<16xi32> to vector<16xf32>
          %add3A_1131 = arith.addf %add3A_1105, %bitcast3A_1130 : vector<16xf32>
          %shift_left3A_1132 = arith.constant 16 : i32
          %shift_left3A_1133 = vector.broadcast %shift_left3A_1132 : i32 to vector<16xi32>
          %shift_left3A_1134 = arith.shli %bitcast3A_1124, %shift_left3A_1133 : vector<16xi32>
          %bitcast3A_1135 = vector.bitcast %shift_left3A_1134 : vector<16xi32> to vector<16xf32>
          %add3A_1136 = arith.addf %add3A_1110, %bitcast3A_1135 : vector<16xf32>
          %bitcast3A_1137 = vector.bitcast %bitcast3A_1124 : vector<16xi32> to vector<16xf32>
          %add3A_1138 = arith.addf %add3A_1112, %bitcast3A_1137 : vector<16xf32>
          %add3A_1139 = arith.constant 34 : i32
          %add3A_1140 = arith.addi %add3A_248, %add3A_1139 : i32
          %get3A_1141 = arith.index_cast %add3A_1140 : i32 to index
          %get3A_1142 = arith.constant 0 : index
          %get3A_1143 = tpu.vector_load %arg12[%get3A_1141, %get3A_1142] {strides = array<i32>} : memref<400x64xbf16, #tpu.memory_space<vmem>>, vector<32xbf16>,
          %bitcast3A_1144 = vector.bitcast %get3A_1143 : vector<32xbf16> to vector<16xi32>
          %add3A_1145 = arith.constant 34 : i32
          %add3A_1146 = arith.addi %add3A_248, %add3A_1145 : i32
          %get3A_1147 = arith.index_cast %add3A_1146 : i32 to index
          %get3A_1148 = arith.constant 32 : index
          %get3A_1149 = tpu.vector_load %arg12[%get3A_1147, %get3A_1148] {strides = array<i32>} : memref<400x64xbf16, #tpu.memory_space<vmem>>, vector<32xbf16>,
          %bitcast3A_1150 = vector.bitcast %get3A_1149 : vector<32xbf16> to vector<16xi32>
          %shift_left3A_1151 = arith.constant 16 : i32
          %shift_left3A_1152 = vector.broadcast %shift_left3A_1151 : i32 to vector<16xi32>
          %shift_left3A_1153 = arith.shli %bitcast3A_1144, %shift_left3A_1152 : vector<16xi32>
          %bitcast3A_1154 = vector.bitcast %shift_left3A_1153 : vector<16xi32> to vector<16xf32>
          %add3A_1155 = arith.addf %add3A_1129, %bitcast3A_1154 : vector<16xf32>
          %bitcast3A_1156 = vector.bitcast %bitcast3A_1144 : vector<16xi32> to vector<16xf32>
          %add3A_1157 = arith.addf %add3A_1131, %bitcast3A_1156 : vector<16xf32>
          %shift_left3A_1158 = arith.constant 16 : i32
          %shift_left3A_1159 = vector.broadcast %shift_left3A_1158 : i32 to vector<16xi32>
          %shift_left3A_1160 = arith.shli %bitcast3A_1150, %shift_left3A_1159 : vector<16xi32>
          %bitcast3A_1161 = vector.bitcast %shift_left3A_1160 : vector<16xi32> to vector<16xf32>
          %add3A_1162 = arith.addf %add3A_1136, %bitcast3A_1161 : vector<16xf32>
          %bitcast3A_1163 = vector.bitcast %bitcast3A_1150 : vector<16xi32> to vector<16xf32>
          %add3A_1164 = arith.addf %add3A_1138, %bitcast3A_1163 : vector<16xf32>
          %add3A_1165 = arith.constant 35 : i32
          %add3A_1166 = arith.addi %add3A_248, %add3A_1165 : i32
          %get3A_1167 = arith.index_cast %add3A_1166 : i32 to index
          %get3A_1168 = arith.constant 0 : index
          %get3A_1169 = tpu.vector_load %arg12[%get3A_1167, %get3A_1168] {strides = array<i32>} : memref<400x64xbf16, #tpu.memory_space<vmem>>, vector<32xbf16>,
          %bitcast3A_1170 = vector.bitcast %get3A_1169 : vector<32xbf16> to vector<16xi32>
          %add3A_1171 = arith.constant 35 : i32
          %add3A_1172 = arith.addi %add3A_248, %add3A_1171 : i32
          %get3A_1173 = arith.index_cast %add3A_1172 : i32 to index
          %get3A_1174 = arith.constant 32 : index
          %get3A_1175 = tpu.vector_load %arg12[%get3A_1173, %get3A_1174] {strides = array<i32>} : memref<400x64xbf16, #tpu.memory_space<vmem>>, vector<32xbf16>,
          %bitcast3A_1176 = vector.bitcast %get3A_1175 : vector<32xbf16> to vector<16xi32>
          %shift_left3A_1177 = arith.constant 16 : i32
          %shift_left3A_1178 = vector.broadcast %shift_left3A_1177 : i32 to vector<16xi32>
          %shift_left3A_1179 = arith.shli %bitcast3A_1170, %shift_left3A_1178 : vector<16xi32>
          %bitcast3A_1180 = vector.bitcast %shift_left3A_1179 : vector<16xi32> to vector<16xf32>
          %add3A_1181 = arith.addf %add3A_1155, %bitcast3A_1180 : vector<16xf32>
          %bitcast3A_1182 = vector.bitcast %bitcast3A_1170 : vector<16xi32> to vector<16xf32>
          %add3A_1183 = arith.addf %add3A_1157, %bitcast3A_1182 : vector<16xf32>
          %shift_left3A_1184 = arith.constant 16 : i32
          %shift_left3A_1185 = vector.broadcast %shift_left3A_1184 : i32 to vector<16xi32>
          %shift_left3A_1186 = arith.shli %bitcast3A_1176, %shift_left3A_1185 : vector<16xi32>
          %bitcast3A_1187 = vector.bitcast %shift_left3A_1186 : vector<16xi32> to vector<16xf32>
          %add3A_1188 = arith.addf %add3A_1162, %bitcast3A_1187 : vector<16xf32>
          %bitcast3A_1189 = vector.bitcast %bitcast3A_1176 : vector<16xi32> to vector<16xf32>
          %add3A_1190 = arith.addf %add3A_1164, %bitcast3A_1189 : vector<16xf32>
          %add3A_1191 = arith.constant 36 : i32
          %add3A_1192 = arith.addi %add3A_248, %add3A_1191 : i32
          %get3A_1193 = arith.index_cast %add3A_1192 : i32 to index
          %get3A_1194 = arith.constant 0 : index
          %get3A_1195 = tpu.vector_load %arg12[%get3A_1193, %get3A_1194] {strides = array<i32>} : memref<400x64xbf16, #tpu.memory_space<vmem>>, vector<32xbf16>,
          %bitcast3A_1196 = vector.bitcast %get3A_1195 : vector<32xbf16> to vector<16xi32>
          %add3A_1197 = arith.constant 36 : i32
          %add3A_1198 = arith.addi %add3A_248, %add3A_1197 : i32
          %get3A_1199 = arith.index_cast %add3A_1198 : i32 to index
          %get3A_1200 = arith.constant 32 : index
          %get3A_1201 = tpu.vector_load %arg12[%get3A_1199, %get3A_1200] {strides = array<i32>} : memref<400x64xbf16, #tpu.memory_space<vmem>>, vector<32xbf16>,
          %bitcast3A_1202 = vector.bitcast %get3A_1201 : vector<32xbf16> to vector<16xi32>
          %shift_left3A_1203 = arith.constant 16 : i32
          %shift_left3A_1204 = vector.broadcast %shift_left3A_1203 : i32 to vector<16xi32>
          %shift_left3A_1205 = arith.shli %bitcast3A_1196, %shift_left3A_1204 : vector<16xi32>
          %bitcast3A_1206 = vector.bitcast %shift_left3A_1205 : vector<16xi32> to vector<16xf32>
          %add3A_1207 = arith.addf %add3A_1181, %bitcast3A_1206 : vector<16xf32>
          %bitcast3A_1208 = vector.bitcast %bitcast3A_1196 : vector<16xi32> to vector<16xf32>
          %add3A_1209 = arith.addf %add3A_1183, %bitcast3A_1208 : vector<16xf32>
          %shift_left3A_1210 = arith.constant 16 : i32
          %shift_left3A_1211 = vector.broadcast %shift_left3A_1210 : i32 to vector<16xi32>
          %shift_left3A_1212 = arith.shli %bitcast3A_1202, %shift_left3A_1211 : vector<16xi32>
          %bitcast3A_1213 = vector.bitcast %shift_left3A_1212 : vector<16xi32> to vector<16xf32>
          %add3A_1214 = arith.addf %add3A_1188, %bitcast3A_1213 : vector<16xf32>
          %bitcast3A_1215 = vector.bitcast %bitcast3A_1202 : vector<16xi32> to vector<16xf32>
          %add3A_1216 = arith.addf %add3A_1190, %bitcast3A_1215 : vector<16xf32>
          %add3A_1217 = arith.constant 37 : i32
          %add3A_1218 = arith.addi %add3A_248, %add3A_1217 : i32
          %get3A_1219 = arith.index_cast %add3A_1218 : i32 to index
          %get3A_1220 = arith.constant 0 : index
          %get3A_1221 = tpu.vector_load %arg12[%get3A_1219, %get3A_1220] {strides = array<i32>} : memref<400x64xbf16, #tpu.memory_space<vmem>>, vector<32xbf16>,
          %bitcast3A_1222 = vector.bitcast %get3A_1221 : vector<32xbf16> to vector<16xi32>
          %add3A_1223 = arith.constant 37 : i32
          %add3A_1224 = arith.addi %add3A_248, %add3A_1223 : i32
          %get3A_1225 = arith.index_cast %add3A_1224 : i32 to index
          %get3A_1226 = arith.constant 32 : index
          %get3A_1227 = tpu.vector_load %arg12[%get3A_1225, %get3A_1226] {strides = array<i32>} : memref<400x64xbf16, #tpu.memory_space<vmem>>, vector<32xbf16>,
          %bitcast3A_1228 = vector.bitcast %get3A_1227 : vector<32xbf16> to vector<16xi32>
          %shift_left3A_1229 = arith.constant 16 : i32
          %shift_left3A_1230 = vector.broadcast %shift_left3A_1229 : i32 to vector<16xi32>
          %shift_left3A_1231 = arith.shli %bitcast3A_1222, %shift_left3A_1230 : vector<16xi32>
          %bitcast3A_1232 = vector.bitcast %shift_left3A_1231 : vector<16xi32> to vector<16xf32>
          %add3A_1233 = arith.addf %add3A_1207, %bitcast3A_1232 : vector<16xf32>
          %bitcast3A_1234 = vector.bitcast %bitcast3A_1222 : vector<16xi32> to vector<16xf32>
          %add3A_1235 = arith.addf %add3A_1209, %bitcast3A_1234 : vector<16xf32>
          %shift_left3A_1236 = arith.constant 16 : i32
          %shift_left3A_1237 = vector.broadcast %shift_left3A_1236 : i32 to vector<16xi32>
          %shift_left3A_1238 = arith.shli %bitcast3A_1228, %shift_left3A_1237 : vector<16xi32>
          %bitcast3A_1239 = vector.bitcast %shift_left3A_1238 : vector<16xi32> to vector<16xf32>
          %add3A_1240 = arith.addf %add3A_1214, %bitcast3A_1239 : vector<16xf32>
          %bitcast3A_1241 = vector.bitcast %bitcast3A_1228 : vector<16xi32> to vector<16xf32>
          %add3A_1242 = arith.addf %add3A_1216, %bitcast3A_1241 : vector<16xf32>
          %add3A_1243 = arith.constant 38 : i32
          %add3A_1244 = arith.addi %add3A_248, %add3A_1243 : i32
          %get3A_1245 = arith.index_cast %add3A_1244 : i32 to index
          %get3A_1246 = arith.constant 0 : index
          %get3A_1247 = tpu.vector_load %arg12[%get3A_1245, %get3A_1246] {strides = array<i32>} : memref<400x64xbf16, #tpu.memory_space<vmem>>, vector<32xbf16>,
          %bitcast3A_1248 = vector.bitcast %get3A_1247 : vector<32xbf16> to vector<16xi32>
          %add3A_1249 = arith.constant 38 : i32
          %add3A_1250 = arith.addi %add3A_248, %add3A_1249 : i32
          %get3A_1251 = arith.index_cast %add3A_1250 : i32 to index
          %get3A_1252 = arith.constant 32 : index
          %get3A_1253 = tpu.vector_load %arg12[%get3A_1251, %get3A_1252] {strides = array<i32>} : memref<400x64xbf16, #tpu.memory_space<vmem>>, vector<32xbf16>,
          %bitcast3A_1254 = vector.bitcast %get3A_1253 : vector<32xbf16> to vector<16xi32>
          %shift_left3A_1255 = arith.constant 16 : i32
          %shift_left3A_1256 = vector.broadcast %shift_left3A_1255 : i32 to vector<16xi32>
          %shift_left3A_1257 = arith.shli %bitcast3A_1248, %shift_left3A_1256 : vector<16xi32>
          %bitcast3A_1258 = vector.bitcast %shift_left3A_1257 : vector<16xi32> to vector<16xf32>
          %add3A_1259 = arith.addf %add3A_1233, %bitcast3A_1258 : vector<16xf32>
          %bitcast3A_1260 = vector.bitcast %bitcast3A_1248 : vector<16xi32> to vector<16xf32>
          %add3A_1261 = arith.addf %add3A_1235, %bitcast3A_1260 : vector<16xf32>
          %shift_left3A_1262 = arith.constant 16 : i32
          %shift_left3A_1263 = vector.broadcast %shift_left3A_1262 : i32 to vector<16xi32>
          %shift_left3A_1264 = arith.shli %bitcast3A_1254, %shift_left3A_1263 : vector<16xi32>
          %bitcast3A_1265 = vector.bitcast %shift_left3A_1264 : vector<16xi32> to vector<16xf32>
          %add3A_1266 = arith.addf %add3A_1240, %bitcast3A_1265 : vector<16xf32>
          %bitcast3A_1267 = vector.bitcast %bitcast3A_1254 : vector<16xi32> to vector<16xf32>
          %add3A_1268 = arith.addf %add3A_1242, %bitcast3A_1267 : vector<16xf32>
          %add3A_1269 = arith.constant 39 : i32
          %add3A_1270 = arith.addi %add3A_248, %add3A_1269 : i32
          %get3A_1271 = arith.index_cast %add3A_1270 : i32 to index
          %get3A_1272 = arith.constant 0 : index
          %get3A_1273 = tpu.vector_load %arg12[%get3A_1271, %get3A_1272] {strides = array<i32>} : memref<400x64xbf16, #tpu.memory_space<vmem>>, vector<32xbf16>,
          %bitcast3A_1274 = vector.bitcast %get3A_1273 : vector<32xbf16> to vector<16xi32>
          %add3A_1275 = arith.constant 39 : i32
          %add3A_1276 = arith.addi %add3A_248, %add3A_1275 : i32
          %get3A_1277 = arith.index_cast %add3A_1276 : i32 to index
          %get3A_1278 = arith.constant 32 : index
          %get3A_1279 = tpu.vector_load %arg12[%get3A_1277, %get3A_1278] {strides = array<i32>} : memref<400x64xbf16, #tpu.memory_space<vmem>>, vector<32xbf16>,
          %bitcast3A_1280 = vector.bitcast %get3A_1279 : vector<32xbf16> to vector<16xi32>
          %shift_left3A_1281 = arith.constant 16 : i32
          %shift_left3A_1282 = vector.broadcast %shift_left3A_1281 : i32 to vector<16xi32>
          %shift_left3A_1283 = arith.shli %bitcast3A_1274, %shift_left3A_1282 : vector<16xi32>
          %bitcast3A_1284 = vector.bitcast %shift_left3A_1283 : vector<16xi32> to vector<16xf32>
          %add3A_1285 = arith.addf %add3A_1259, %bitcast3A_1284 : vector<16xf32>
          %bitcast3A_1286 = vector.bitcast %bitcast3A_1274 : vector<16xi32> to vector<16xf32>
          %add3A_1287 = arith.addf %add3A_1261, %bitcast3A_1286 : vector<16xf32>
          %shift_left3A_1288 = arith.constant 16 : i32
          %shift_left3A_1289 = vector.broadcast %shift_left3A_1288 : i32 to vector<16xi32>
          %shift_left3A_1290 = arith.shli %bitcast3A_1280, %shift_left3A_1289 : vector<16xi32>
          %bitcast3A_1291 = vector.bitcast %shift_left3A_1290 : vector<16xi32> to vector<16xf32>
          %add3A_1292 = arith.addf %add3A_1266, %bitcast3A_1291 : vector<16xf32>
          %bitcast3A_1293 = vector.bitcast %bitcast3A_1280 : vector<16xi32> to vector<16xf32>
          %add3A_1294 = arith.addf %add3A_1268, %bitcast3A_1293 : vector<16xf32>
          %swap3A_1295 = arith.constant 0 : index
          %swap3A_1296 = tpu.vector_load %arg14[%swap3A_1295] {strides = array<i32>} : memref<64xf32, #tpu.memory_space<vmem>>, vector<16xf32>,
          tpu.vector_store %arg14[%swap3A_1295], %add3A_1285 {strides = array<i32>} : memref<64xf32, #tpu.memory_space<vmem>>, vector<16xf32>,
          %swap3A_1297 = arith.constant 16 : index
          %swap3A_1298 = tpu.vector_load %arg14[%swap3A_1297] {strides = array<i32>} : memref<64xf32, #tpu.memory_space<vmem>>, vector<16xf32>,
          tpu.vector_store %arg14[%swap3A_1297], %add3A_1287 {strides = array<i32>} : memref<64xf32, #tpu.memory_space<vmem>>, vector<16xf32>,
          %swap3A_1299 = arith.constant 32 : index
          %swap3A_1300 = tpu.vector_load %arg14[%swap3A_1299] {strides = array<i32>} : memref<64xf32, #tpu.memory_space<vmem>>, vector<16xf32>,
          tpu.vector_store %arg14[%swap3A_1299], %add3A_1292 {strides = array<i32>} : memref<64xf32, #tpu.memory_space<vmem>>, vector<16xf32>,
          %swap3A_1301 = arith.constant 48 : index
          %swap3A_1302 = tpu.vector_load %arg14[%swap3A_1301] {strides = array<i32>} : memref<64xf32, #tpu.memory_space<vmem>>, vector<16xf32>,
          tpu.vector_store %arg14[%swap3A_1301], %add3A_1294 {strides = array<i32>} : memref<64xf32, #tpu.memory_space<vmem>>, vector<16xf32>,
        }
        %scan3A_222 = arith.constant 5 : i32
        %mul3A_223 = arith.constant 2 : i32
        %mul3A_224 = arith.muli %add3A_174, %mul3A_223 : i32
        %add3A_225 = arith.addi %mul3A_224, %scan3A_208 : i32
        %get3A = arith.constant 0 : index
        %get3A_226 = tpu.vector_load %arg14[%get3A] {strides = array<i32>} : memref<64xf32, #tpu.memory_space<vmem>>, vector<16xf32>,
        %swap3A_227 = arith.index_cast %add3A_225 : i32 to index
        %swap3A_228 = arith.constant 0 : index
        %swap3A_229 = tpu.vector_load %arg13[%swap3A_227, %swap3A_228] {strides = array<i32>} : memref<512x64xf32, #tpu.memory_space<vmem>>, vector<16xf32>,
        tpu.vector_store %arg13[%swap3A_227, %swap3A_228], %get3A_226 {strides = array<i32>} : memref<512x64xf32, #tpu.memory_space<vmem>>, vector<16xf32>,
        %get3A_230 = arith.constant 16 : index
        %get3A_231 = tpu.vector_load %arg14[%get3A_230] {strides = array<i32>} : memref<64xf32, #tpu.memory_space<vmem>>, vector<16xf32>,
        %swap3A_232 = arith.index_cast %add3A_225 : i32 to index
        %swap3A_233 = arith.constant 16 : index
        %swap3A_234 = tpu.vector_load %arg13[%swap3A_232, %swap3A_233] {strides = array<i32>} : memref<512x64xf32, #tpu.memory_space<vmem>>, vector<16xf32>,
        tpu.vector_store %arg13[%swap3A_232, %swap3A_233], %get3A_231 {strides = array<i32>} : memref<512x64xf32, #tpu.memory_space<vmem>>, vector<16xf32>,
        %get3A_235 = arith.constant 32 : index
        %get3A_236 = tpu.vector_load %arg14[%get3A_235] {strides = array<i32>} : memref<64xf32, #tpu.memory_space<vmem>>, vector<16xf32>,
        %swap3A_237 = arith.index_cast %add3A_225 : i32 to index
        %swap3A_238 = arith.constant 32 : index
        %swap3A_239 = tpu.vector_load %arg13[%swap3A_237, %swap3A_238] {strides = array<i32>} : memref<512x64xf32, #tpu.memory_space<vmem>>, vector<16xf32>,
        tpu.vector_store %arg13[%swap3A_237, %swap3A_238], %get3A_236 {strides = array<i32>} : memref<512x64xf32, #tpu.memory_space<vmem>>, vector<16xf32>,
        %get3A_240 = arith.constant 48 : index
        %get3A_241 = tpu.vector_load %arg14[%get3A_240] {strides = array<i32>} : memref<64xf32, #tpu.memory_space<vmem>>, vector<16xf32>,
        %swap3A_242 = arith.index_cast %add3A_225 : i32 to index
        %swap3A_243 = arith.constant 48 : index
        %swap3A_244 = tpu.vector_load %arg13[%swap3A_242, %swap3A_243] {strides = array<i32>} : memref<512x64xf32, #tpu.memory_space<vmem>>, vector<16xf32>,
        tpu.vector_store %arg13[%swap3A_242, %swap3A_243], %get3A_241 {strides = array<i32>} : memref<512x64xf32, #tpu.memory_space<vmem>>, vector<16xf32>,
      }
      %scan3A_207 = arith.constant 2 : i32
    }
    %scan3A_50 = arith.constant 64 : i32
    %dma_wait3A_51 = arith.constant 0 : i32
    %dma_wait3A_52 = arith.constant 0 : i32
    %dma_wait3A_53 = tpu.memref_slice %arg3[%dma_wait3A_51, %dma_wait3A_52] : memref<100000x64xbf16, #tpu.memory_space<hbm>> -> memref<100000x64xbf16, #tpu.memory_space<hbm>>
    tpu.wait_indirect_dma semaphore(%arg15 : memref<!tpu.dma_semaphore, #tpu.memory_space<semaphore_mem>>) src(%dma_wait3A_53 : memref<100000x64xbf16, #tpu.memory_space<hbm>>) dst(%arg9 : memref<400x64xbf16, #tpu.memory_space<vmem>>)
    %dma_wait3A_54 = arith.constant 0 : i32
    %dma_wait3A_55 = arith.constant 0 : i32
    %dma_wait3A_56 = tpu.memref_slice %arg3[%dma_wait3A_54, %dma_wait3A_55] : memref<100000x64xbf16, #tpu.memory_space<hbm>> -> memref<100000x64xbf16, #tpu.memory_space<hbm>>
    tpu.wait_indirect_dma semaphore(%arg16 : memref<!tpu.dma_semaphore, #tpu.memory_space<semaphore_mem>>) src(%dma_wait3A_56 : memref<100000x64xbf16, #tpu.memory_space<hbm>>) dst(%arg10 : memref<400x64xbf16, #tpu.memory_space<vmem>>)
    %add3A_57 = arith.constant 516 : i32
    %add3A_58 = arith.addi %mul3A_2, %add3A_57 : i32
    %mul3A_59 = arith.constant 200 : i32
    %mul3A_60 = arith.muli %add3A_58, %mul3A_59 : i32
    %min3A_61 = arith.constant 3276400 : i32
    %min3A_62 = arith.minsi %mul3A_60, %min3A_61 : i32
    %dma_wait3A_63 = tpu.memref_slice %arg2[%min3A_62] : memref<3276800xi32, #tpu.memory_space<hbm>> -> memref<400xi32, #tpu.memory_space<hbm>>
    %dma_wait3A_64 = tpu.memref_slice %arg2[%min3A_62] : memref<3276800xi32, #tpu.memory_space<hbm>> -> memref<400xi32, #tpu.memory_space<hbm>>
    tpu.wait_dma2 semaphore(%arg21 : memref<!tpu.dma_semaphore, #tpu.memory_space<semaphore_mem>>) src(%dma_wait3A_64 : memref<400xi32, #tpu.memory_space<hbm>>) dst(%arg7 : memref<400xi32, #tpu.memory_space<vmem>>)
    "tpu.region"() ({
      %run_scoped3A = tpu.sem_alloc : memref<!tpu.dma_semaphore, #tpu.memory_space<semaphore_mem>>
      %dma_start3A_65 = arith.constant 0 : i32
      %dma_start3A_66 = tpu.memref_slice %arg4[%mul3A_2, %dma_start3A_65] : memref<16384x64xf32, #tpu.memory_space<hbm>> -> memref<512x64xf32, #tpu.memory_space<hbm>>
      %dma_start3A_67 = arith.constant 0 : i32
      %dma_start3A_68 = tpu.memref_slice %arg4[%mul3A_2, %dma_start3A_67] : memref<16384x64xf32, #tpu.memory_space<hbm>> -> memref<512x64xf32, #tpu.memory_space<hbm>>
      tpu.enqueue_dma source(%arg13 : memref<512x64xf32, #tpu.memory_space<vmem>>) target(%dma_start3A_68 : memref<512x64xf32, #tpu.memory_space<hbm>>) target_semaphore(%run_scoped3A : memref<!tpu.dma_semaphore, #tpu.memory_space<semaphore_mem>>)
      %dma_wait3A_69 = arith.constant 0 : i32
      %dma_wait3A_70 = tpu.memref_slice %arg4[%mul3A_2, %dma_wait3A_69] : memref<16384x64xf32, #tpu.memory_space<hbm>> -> memref<512x64xf32, #tpu.memory_space<hbm>>
      %dma_wait3A_71 = arith.constant 0 : i32
      %dma_wait3A_72 = tpu.memref_slice %arg4[%mul3A_2, %dma_wait3A_71] : memref<16384x64xf32, #tpu.memory_space<hbm>> -> memref<512x64xf32, #tpu.memory_space<hbm>>
      tpu.wait_dma2 semaphore(%run_scoped3A : memref<!tpu.dma_semaphore, #tpu.memory_space<semaphore_mem>>) src(%arg13 : memref<512x64xf32, #tpu.memory_space<vmem>>) dst(%dma_wait3A_72 : memref<512x64xf32, #tpu.memory_space<hbm>>)
      tpu.yield
    }) : () -> ()
    return
  }
}

module attributes {stable_mosaic.version = 14 : i64} {
  func.func @_mlp_body(%arg0: i32, %arg1: memref<8192x64xf32, #tpu.memory_space<vmem>>, %arg2: memref<64x128xf32, #tpu.memory_space<vmem>>, %arg3: memref<1x128xf32, #tpu.memory_space<vmem>>, %arg4: memref<128x128xf32, #tpu.memory_space<vmem>>, %arg5: memref<1x128xf32, #tpu.memory_space<vmem>>, %arg6: memref<128x4xf32, #tpu.memory_space<vmem>>, %arg7: memref<1x4xf32, #tpu.memory_space<vmem>>, %arg8: memref<8192x4xf32, #tpu.memory_space<vmem>>) attributes {dimension_semantics = [#tpu.dimension_semantics<arbitrary>], iteration_bounds = array<i64: 2>, scalar_prefetch = 0 : i64, scratch_operands = 0 : i64, tpu.core_type = #tpu.core_type<tc>, window_params = [{transform_indices = @transform_0, window_bounds = array<i64: 8192, 64>}, {pipeline_mode = #tpu.pipeline_mode<synchronous>, transform_indices = @transform_1, window_bounds = array<i64: 64, 128>}, {pipeline_mode = #tpu.pipeline_mode<synchronous>, transform_indices = @transform_2, window_bounds = array<i64: 1, 128>}, {pipeline_mode = #tpu.pipeline_mode<synchronous>, transform_indices = @transform_3, window_bounds = array<i64: 128, 128>}, {pipeline_mode = #tpu.pipeline_mode<synchronous>, transform_indices = @transform_4, window_bounds = array<i64: 1, 128>}, {pipeline_mode = #tpu.pipeline_mode<synchronous>, transform_indices = @transform_5, window_bounds = array<i64: 128, 4>}, {pipeline_mode = #tpu.pipeline_mode<synchronous>, transform_indices = @transform_6, window_bounds = array<i64: 1, 4>}, {transform_indices = @transform_7, window_bounds = array<i64: 8192, 4>}]} {
    %get3A = arith.constant 0 : index
    %get3A_0 = arith.constant 0 : index
    %get3A_1 = vector.load %arg1[%get3A, %get3A_0] : memref<8192x64xf32, #tpu.memory_space<vmem>>, vector<8192x64xf32>
    %mul3A = arith.constant 5.000000e-03 : f32
    %mul3A_2 = vector.broadcast %mul3A : f32 to vector<8192x64xf32>
    %mul3A_3 = arith.mulf %get3A_1, %mul3A_2 : vector<8192x64xf32>
    %get3A_4 = arith.constant 0 : index
    %get3A_5 = arith.constant 0 : index
    %get3A_6 = vector.load %arg2[%get3A_4, %get3A_5] : memref<64x128xf32, #tpu.memory_space<vmem>>, vector<64x128xf32>
    %dot_general3A = arith.constant dense<0.000000e+00> : vector<8192x128xf32>
    %dot_general3A_7 = tpu.matmul %mul3A_3, %get3A_6, %dot_general3A {dimension_numbers = #tpu.dot_dimension_numbers<[1], [0], [0], [1], [0, 0, 1, 1], [], []>, transpose_lhs_hint = false} : vector<8192x64xf32>, vector<64x128xf32>, vector<8192x128xf32> -> vector<8192x128xf32>
    %get3A_8 = arith.constant 0 : index
    %get3A_9 = arith.constant 0 : index
    %get3A_10 = vector.load %arg3[%get3A_8, %get3A_9] : memref<1x128xf32, #tpu.memory_space<vmem>>, vector<1x128xf32>
    %add3A = vector.broadcast %get3A_10 : vector<1x128xf32> to vector<8192x128xf32>
    %add3A_11 = arith.addf %dot_general3A_7, %add3A : vector<8192x128xf32>
    %max3A = arith.constant 0.000000e+00 : f32
    %max3A_12 = vector.broadcast %max3A : f32 to vector<8192x128xf32>
    %max3A_13 = arith.maximumf %add3A_11, %max3A_12 : vector<8192x128xf32>
    %get3A_14 = arith.constant 0 : index
    %get3A_15 = arith.constant 0 : index
    %get3A_16 = vector.load %arg4[%get3A_14, %get3A_15] : memref<128x128xf32, #tpu.memory_space<vmem>>, vector<128x128xf32>
    %dot_general3A_17 = arith.constant dense<0.000000e+00> : vector<8192x128xf32>
    %dot_general3A_18 = tpu.matmul %max3A_13, %get3A_16, %dot_general3A_17 {dimension_numbers = #tpu.dot_dimension_numbers<[1], [0], [0], [1], [0, 0, 1, 1], [], []>, transpose_lhs_hint = false} : vector<8192x128xf32>, vector<128x128xf32>, vector<8192x128xf32> -> vector<8192x128xf32>
    %get3A_19 = arith.constant 0 : index
    %get3A_20 = arith.constant 0 : index
    %get3A_21 = vector.load %arg5[%get3A_19, %get3A_20] : memref<1x128xf32, #tpu.memory_space<vmem>>, vector<1x128xf32>
    %add3A_22 = vector.broadcast %get3A_21 : vector<1x128xf32> to vector<8192x128xf32>
    %add3A_23 = arith.addf %dot_general3A_18, %add3A_22 : vector<8192x128xf32>
    %max3A_24 = arith.constant 0.000000e+00 : f32
    %max3A_25 = vector.broadcast %max3A_24 : f32 to vector<8192x128xf32>
    %max3A_26 = arith.maximumf %add3A_23, %max3A_25 : vector<8192x128xf32>
    %get3A_27 = arith.constant 0 : index
    %get3A_28 = arith.constant 0 : index
    %get3A_29 = vector.load %arg6[%get3A_27, %get3A_28] : memref<128x4xf32, #tpu.memory_space<vmem>>, vector<128x4xf32>
    %dot_general3A_30 = arith.constant dense<0.000000e+00> : vector<8192x4xf32>
    %dot_general3A_31 = tpu.matmul %max3A_26, %get3A_29, %dot_general3A_30 {dimension_numbers = #tpu.dot_dimension_numbers<[1], [0], [0], [1], [0, 0, 1, 1], [], []>, transpose_lhs_hint = false} : vector<8192x128xf32>, vector<128x4xf32>, vector<8192x4xf32> -> vector<8192x4xf32>
    %get3A_32 = arith.constant 0 : index
    %get3A_33 = arith.constant 0 : index
    %get3A_34 = vector.load %arg7[%get3A_32, %get3A_33] : memref<1x4xf32, #tpu.memory_space<vmem>>, vector<1x4xf32>
    %add3A_35 = vector.broadcast %get3A_34 : vector<1x4xf32> to vector<8192x4xf32>
    %add3A_36 = arith.addf %dot_general3A_31, %add3A_35 : vector<8192x4xf32>
    %swap3A = arith.constant 0 : index
    %swap3A_37 = arith.constant 0 : index
    %swap3A_38 = vector.load %arg8[%swap3A, %swap3A_37] : memref<8192x4xf32, #tpu.memory_space<vmem>>, vector<8192x4xf32>
    tpu.vector_store %arg8[%swap3A, %swap3A_37], %add3A_36 {strides = array<i32>} : memref<8192x4xf32, #tpu.memory_space<vmem>>, vector<8192x4xf32>,
    return
  }
  func.func @transform_0(%arg0: i32) -> (i32, i32) {
    %c0_i32 = arith.constant 0 : i32
    %c0_i32_0 = arith.constant 0 : i32
    return %arg0, %c0_i32 : i32, i32
  }
  func.func @transform_1(%arg0: i32) -> (i32, i32) {
    %c0_i32 = arith.constant 0 : i32
    %c0_i32_0 = arith.constant 0 : i32
    %c0_i32_1 = arith.constant 0 : i32
    return %c0_i32, %c0_i32_0 : i32, i32
  }
  func.func @transform_2(%arg0: i32) -> (i32, i32) {
    %c0_i32 = arith.constant 0 : i32
    %c0_i32_0 = arith.constant 0 : i32
    %c0_i32_1 = arith.constant 0 : i32
    return %c0_i32, %c0_i32_0 : i32, i32
  }
  func.func @transform_3(%arg0: i32) -> (i32, i32) {
    %c0_i32 = arith.constant 0 : i32
    %c0_i32_0 = arith.constant 0 : i32
    %c0_i32_1 = arith.constant 0 : i32
    return %c0_i32, %c0_i32_0 : i32, i32
  }
  func.func @transform_4(%arg0: i32) -> (i32, i32) {
    %c0_i32 = arith.constant 0 : i32
    %c0_i32_0 = arith.constant 0 : i32
    %c0_i32_1 = arith.constant 0 : i32
    return %c0_i32, %c0_i32_0 : i32, i32
  }
  func.func @transform_5(%arg0: i32) -> (i32, i32) {
    %c0_i32 = arith.constant 0 : i32
    %c0_i32_0 = arith.constant 0 : i32
    %c0_i32_1 = arith.constant 0 : i32
    return %c0_i32, %c0_i32_0 : i32, i32
  }
  func.func @transform_6(%arg0: i32) -> (i32, i32) {
    %c0_i32 = arith.constant 0 : i32
    %c0_i32_0 = arith.constant 0 : i32
    %c0_i32_1 = arith.constant 0 : i32
    return %c0_i32, %c0_i32_0 : i32, i32
  }
  func.func @transform_7(%arg0: i32) -> (i32, i32) {
    %c0_i32 = arith.constant 0 : i32
    %c0_i32_0 = arith.constant 0 : i32
    return %arg0, %c0_i32 : i32, i32
  }
}

</mosaic_0001>

<sc_bundles>
// kernel: kernel.4.cloned.1.call-start
scs
__scs_entry_jumppad:
0x0: {  	(pc) =	sbr.rel $0x88, $3  }
0x1: {  	(tag) =	ssettag $0x0;
	lr =	simm.s32 $0x1  }
0x2: {  	[smem:$0x3F99] =	sst lr;
	_ =	strace $0xD0000000  }
0x3: {  	_ = 	snop  }
0x4: {  	_ = 	snop  }
0x5: {  	_ = 	snop  }
0x6: {  	_ = 	snop  }
0x7: {  	_ = 	snop  }
__scs_overlays_trampoline_lowered:
0x8: {  	[smem:$0x3FA8] =	sst s0  }
0x9: {  	[smem:$0x3FA9] =	sst s1  }
0xa: {  	[smem:$0x3FAA] =	sst s2  }
0xb: {  	[smem:$0x3FAB] =	sst s3  }
0xc: {  	[smem:$0x3FAC] =	sst s4  }
0xd: {  	[smem:$0x3FAD] =	sst s5  }
0xe: {  	[smem:$0x3FAE] =	sst s6  }
0xf: {  	[smem:$0x3FAF] =	sst s7  }
0x10: {  	[smem:$0x3FB0] =	sst s8  }
0x11: {  	[smem:$0x3FB1] =	sst s9;
	s0 =	simm.s32 @!p0 $0x0  }
0x12: {  	s1 =	sld [smem:$0x3F97];
	s0 =	simm.s32 @p0 $0x1  }
0x13: {  	[smem:$0x3FB2] =	sst s0;
	s0 =	simm.s32 @!p1 $0x0  }
0x14: {  	s2 =	sld [smem:$0x3F96];
	s0 =	simm.s32 @p1 $0x1  }
0x15: {  	[smem:$0x3FB3] =	sst s0;
	s0 =	simm.s32 @!p2 $0x0  }
0x16: {  	s3 =	sld [smem:$0x3FDB];
	s0 =	simm.s32 @p2 $0x1  }
0x17: {  	s4 =	simm.s32 $0x1BF5;
	[smem:$0x3FB5] =	sst s0  }
0x18: {  	s0 =	sld [smem:$0x3F98];
	_ =	swait.ge [sflag:s4], $0x0  }
0x19: {  	s7 =	sld [smem:$0x3F99]  }
0x1a: {  	s8 =	sadd.s32 $0xFFFFE003, lr  }
0x1b: {  	s9 =	sadd.s32 $0xFFFFFEF7, lr;
	s5 =	simm.s32 $0xFFFFFFFF;
	p2 =	slt.u32 s8, $0xFFFFF086  }
0x1c: {  	p1 =	slt.u32 s9, $0xF7A;
	s5 =	simm.s32 @!p2 $0x0  }
0x1d: {  	s5 =	simm.s32 @p1 $0x1;
	p0 =	seq.s32 s7, s2  }
0x1e: {  	s7 =	smul.u32 @!p0 $0xF7A, s2;
	p2 =	seq.s32 @!p0 s5, $0x0  }
0x1f: {  	s9 =	smul.u32 $0xF7A, s1;
	s8 =	simm.s32 @!p0 $0x1BF5;
	p2 =	por !p2, p0  }
0x20: {  	[sflag:s8] =	ssyncset.s32 @!p0 $0xFFFFF086;
	s6 =	sadd.s32 @!p0 s3, s7;
	s7 =	simm.s32 @!p0 $0x108  }
0x21: {  	s3 =	sadd.s32 s3, s9;
	s6 =	sadd.s32 @!p0 $0x88, s6;
	s7 =	simm.s32 @p2 $0x1082  }
0x22: {  	[simem:s7], [sflag:s8] =	dma.local @!p0 [hbm:s6], $0xF7A  }
0x23: {  	s9 =	sor.u32 $0xD0000000, s2;
	s6 =	simm.s32 $0x108;
	_ =	swait.ge @!p0 [sflag:s8], $0x0  }
0x24: {  	s3 =	sadd.s32 $0x88, s3;
	s6 =	simm.s32 @!p1 $0x1082;
	[sflag:s4] =	ssyncset.s32 $0xFFFFF086  }
0x25: {  	[simem:s6], [sflag:s4] =	dma.local [hbm:s3], $0xF7A  }
0x26: {  	[smem:$0x3F99] =	sst s1;
	(tag) =	ssettag s2;
	_ =	strace s9  }
0x27: {  	s1 =	sld [smem:$0x3FA9]  }
0x28: {  	s2 =	sld [smem:$0x3FAA]  }
0x29: {  	s4 =	sld [smem:$0x3FAC]  }
0x2a: {  	p0 =	seq.s32 s5, $0x0;
	s5 =	sld [smem:$0x3FAD]  }
0x2b: {  	s6 =	sld [smem:$0x3FAE]  }
0x2c: {  	s7 =	sld [smem:$0x3FAF]  }
0x2d: {  	s3 =	simm.s32 $0x108;
	s8 =	sld [smem:$0x3FB0]  }
0x2e: {  	s3 =	simm.s32 @!p0 $0x1082;
	s9 =	sld [smem:$0x3FB1]  }
0x2f: {  	lr =	sadd.s32 s0, s3;
	s0 =	sld [smem:$0x3FA8]  }
0x30: {  	s3 =	sld [smem:$0x3FAB]  }
0x31: {  	[smem:$0x3FB4] =	sst s10  }
0x32: {  	s10 =	sld [smem:$0x3FB2];
	_ =	sdelay $0x3  }
0x33: {  	p0 =	seq.s32 s10, $0x1;
	s10 =	sld [smem:$0x3FB4];
	_ =	sdelay $0x3  }
0x34: {  	[smem:$0x3FB4] =	sst s10  }
0x35: {  	s10 =	sld [smem:$0x3FB3];
	_ =	sdelay $0x3  }
0x36: {  	p1 =	seq.s32 s10, $0x1;
	s10 =	sld [smem:$0x3FB4];
	_ =	sdelay $0x3  }
0x37: {  	[smem:$0x3FB4] =	sst s10  }
0x38: {  	s10 =	sld [smem:$0x3FB5]  }
0x39: {  	_ = 	snop;
	(pc) =	sbr.ind lr, $3  }
0x3a: {  	_ = 	snop  }
0x3b: {  	_ = 	snop  }
0x3c: {  	p2 =	seq.s32 s10, $0x1;
	s10 =	sld [smem:$0x3FB4]  }
0x3d: {  	_ =	shalt  }
0x3e: {  	_ =	shalt  }
0x3f: {  	_ =	shalt  }
0x40: {  	_ =	shalt  }
0x41: {  	_ =	shalt  }
0x42: {  	_ =	shalt  }
0x43: {  	_ =	shalt  }
0x44: {  	_ =	shalt  }
0x45: {  	_ =	shalt  }
0x46: {  	_ =	shalt  }
0x47: {  	_ =	shalt  }
0x48: {  	_ =	shalt  }
0x49: {  	_ =	shalt  }
0x4a: {  	_ =	shalt  }
0x4b: {  	_ =	shalt  }
0x4c: {  	_ =	shalt  }
0x4d: {  	_ =	shalt  }
0x4e: {  	_ =	shalt  }
0x4f: {  	_ =	shalt  }
0x50: {  	_ =	shalt  }
0x51: {  	_ =	shalt  }
0x52: {  	_ =	shalt  }
0x53: {  	_ =	shalt  }
0x54: {  	_ =	shalt  }
0x55: {  	_ =	shalt  }
0x56: {  	_ =	shalt  }
0x57: {  	_ =	shalt  }
0x58: {  	_ =	shalt  }
0x59: {  	_ =	shalt  }
0x5a: {  	_ =	shalt  }
0x5b: {  	_ =	shalt  }
0x5c: {  	_ =	shalt  }
0x5d: {  	_ =	shalt  }
0x5e: {  	_ =	shalt  }
0x5f: {  	_ =	shalt  }
0x60: {  	_ =	shalt  }
0x61: {  	_ =	shalt  }
0x62: {  	_ =	shalt  }
0x63: {  	_ =	shalt  }
0x64: {  	_ =	shalt  }
0x65: {  	_ =	shalt  }
0x66: {  	_ =	shalt  }
0x67: {  	_ =	shalt  }
0x68: {  	_ =	shalt  }
0x69: {  	_ =	shalt  }
0x6a: {  	_ =	shalt  }
0x6b: {  	_ =	shalt  }
0x6c: {  	_ =	shalt  }
0x6d: {  	_ =	shalt  }
0x6e: {  	_ =	shalt  }
0x6f: {  	_ =	shalt  }
0x70: {  	_ =	shalt  }
0x71: {  	_ =	shalt  }
0x72: {  	_ =	shalt  }
0x73: {  	_ =	shalt  }
0x74: {  	_ =	shalt  }
0x75: {  	_ =	shalt  }
0x76: {  	_ =	shalt  }
0x77: {  	_ =	shalt  }
0x78: {  	_ =	shalt  }
0x79: {  	_ =	shalt  }
0x7a: {  	_ =	shalt  }
0x7b: {  	_ =	shalt  }
0x7c: {  	_ =	shalt  }
0x7d: {  	_ =	shalt  }
0x7e: {  	_ =	shalt  }
0x7f: {  	_ =	shalt  }
0x80: {  	_ =	shalt  }
0x81: {  	_ =	shalt  }
0x82: {  	_ =	shalt  }
0x83: {  	_ =	shalt  }
0x84: {  	_ =	shalt  }
0x85: {  	_ =	shalt  }
0x86: {  	_ =	shalt  }
0x87: {  	_ =	shalt  }
.Lfunc_end0:
.L_simem_size_0:
called_computation_lowered:
.L_overlay_start_0:
0x88: {  	s2 =	sld [smem:$0x3FD9]  }
0x89: {  	s3 =	sld [smem:$0x3FFE];
	_ =	sdelay $0x1  }
0x8a: {  	s1 =	srdreg.scid  }
0x8b: {  	s0 =	sand.u32 $0x1, s1  }
0x8c: {  	s16 =	sshll.u32 s0, $0xA;
	s2 =	sadd.s32 s3, s2  }
0x8d: {  	s2 =	sadd.s32 s2, s16  }
0x8e: {  	[smem:$0x3FC0] =	sst s2  }
0x8f: {  	_ = 	snop  }
0x90: {  	(tm) =	ssettm $0x1  }
0x91: {  	s17 =	sld [smem:$0x3FFB];
	_ =	sdelay $0x3  }
0x92: {  	_ =	strace s17  }
0x93: {  	s2 =	sld [smem:$0x3FFC];
	_ =	sdelay $0x3  }
0x94: {  	_ =	strace s2  }
0x95: {  	s2 =	sld [smem:$0x3FFD];
	_ =	sdelay $0x3  }
0x96: {  	_ =	strace s2  }
0x97: {  	_ =	strace $0x8FFFFFFF  }
0x98: {  	s18 =	sld [smem:$0x3FDB];
	_ =	sdelay $0x1  }
0x99: {  	s19 =	simm.s32 $_scs_section_size  }
0x9a: {  	s4 =	simm.s32 $_size__tile_overlayer_lowered;
	s5 =	simm.s32 $_tile_overlayer_lowered  }
0x9b: {  	s22 =	simm.s32 $0x1BFF;
	s21 =	sshll.u32 s5, $0x1;
	s2 =	sadd.s32 s19, s18  }
0x9c: {  	s6 =	simm.s32 $0x0;
	s20 =	sshll.u32 s4, $0x1;
	s4 =	sadd.s32 s21, s2  }
0x9d: {  	[timem:s6], [sflag:s22] =	dma.local [hbm:s4], s20  }
0x9e: {  	_ =	swait.ge [sflag:s22], s20  }
0x9f: {  	s3 =	ssub.s32 $0x0, s20;
	[sflag:s22] =	ssyncset.done $0x0  }
0xa0: {  	[sflag:s22] =	ssyncadd.s32 s3;
	_ =	sdelay $0x1  }
0xa1: {  	s23 =	simm.s32 $0x1B8B  }
0xa2: {  	_ =	swait.ge [sflag:s23], $0x1  }
0xa3: {  	[sflag:s23] =	ssyncset.done $0x0  }
0xa4: {  	s25 =	simm.s32 $0x1B8E;
	s24 =	sld [smem:$0x3FFE];
	[sflag:s23] =	ssyncadd.s32 $0xFFFFFFFF  }
0xa5: {  	s26 =	simm.s32 $execute0_lowered;
	[smem:$0x3FD2] =	sst s25  }
0xa6: {  	s4 =	sshll.u32 s26, $0x1;
	_ =	strace $0x80000046;
	[dreg:$0x1] =	wrdreg $0xFFFFFFFF  }
0xa7: {  	s28 =	simm.s32 $_size_execute0_lowered;
	s2 =	sadd.s32 s2, s4;
	[dreg:$0x0] =	wrdreg $0x0  }
0xa8: {  	s4 =	sshll.u32 s28, $0x1;
	[dreg:$0x2] =	wrdreg s2  }
0xa9: {  	[dreg:$0x3] =	wrdreg s4  }
0xaa: {  	[dreg:$0x4] =	wrdreg $0xC0  }
0xab: {  	_ =	task [dreg:s6], $0x5FFFF  }
0xac: {  	[dreg:$0x1] =	wrdreg $0xFFFFFFFF  }
0xad: {  	[dreg:$0x0] =	wrdreg $0x60  }
0xae: {  	[dreg:$0x2] =	wrdreg s24  }
0xaf: {  	[dreg:$0x3] =	wrdreg $0x9  }
0xb0: {  	_ =	task.clear_ibuf [dreg:s6], $0x4FFFF;
	_ =	strace $0x90000046  }
0xb1: {  	s29 =	simm.s32 $0x9;
	_ =	strace $0x80000048  }
0xb2: {  	_ =	swait.ge [sflag:s29], $0x1  }
0xb3: {  	[sflag:s29] =	ssyncadd.s32 $0xFFFFFFFF  }
0xb4: {  	_ =	strace $0x90000048  }
0xb5: {  	_ =	sfence  }
0xb6: {  	s30 =	sld [smem:$0x0];
	_ =	sdelay $0x2  }
0xb7: {  	s31 =	sshll.u32 s1, $0xD;
	s1 =	sshrl.u32 s1, $0x2  }
0xb8: {  	s3 =	sand.u32 $0x4000, s31;
	s1 =	sadd.s32 s1, s30  }
0xb9: {  	s0 =	sor.u32 s3, s0;
	s1 =	sshll.u32 s1, $0x11  }
0xba: {  	s0 =	sor.u32 s1, s0  }
0xbb: {  	s0 =	sadd.s32 $0x8F2B, s0  }
0xbc: {  	[sflag:s0] =	ssyncadd.remote.s32 $0x1  }
0xbd: {  	_ =	sfence.sel $0xFFFF  }
0xbe: {  	[dreg:$0x0] =	wrdreg $0xFFFFFFFF;
	(pc) =	sbr.abs _section_cstart, $3  }
0xbf: {  	[dreg:$0x1] =	wrdreg $0xFFFFFFFF  }
0xc0: {  	_ =	task.clear_ibuf [dreg:s6], $0x2FFFF;
	_ =	strace $0x9FFFFFFF  }
0xc1: {  	(tm) =	ssettm $0x7FFFFFFF  }
tec
execute0_lowered:
.L_overlay_start_1:
0x0: {  	(tag) =	ssettag $0x1  }
0x1: {  	s0 =	rddreg [dreg:$0x0];
	s1 =	srdreg.scid  }
0x2: {  	s2 =	simm.s32 $0x0;
	s4 =	stileid.u32;
	s14 =	simm.s32 $0x190  }
0x3: {  	s15 =	simm.s32 $0x320;
	s16 =	simm.s32 $0x5;
	s17 =	simm.s32 $0x640  }
0x4: {  	s18 =	simm.s32 $0x6;
	s19 =	simm.s32 $0x3840;
	s20 =	simm.s32 $0x1  }
0x5: {  	s21 =	simm.s32 $0x4B0;
	s22 =	simm.s32 $0x7;
	s23 =	simm.s32 $0x6A40  }
0x6: {  	s28 =	simm.s32 $0x3;
	s29 =	simm.s32 $0x4;
	s1 =	sand.u32 $0x1, s1  }
0x7: {  	s31 =	simm.s32 $0x9;
	[smem:$0x7FF] =	sst s2;
	s3 =	sshll.u32 s1, $0x4  }
0x8: {  	_ =	strace $0x80000047;
	s1 =	ssub.s32 $0x2, s1;
	s6 =	sor.u32 s4, s3  }
0x9: {  	s3 =	sadd.s32 $0x63E00, s0;
	s4 =	sadd.s32 $0x2200, s0;
	s24 =	sshrl.u32 s1, $0x1  }
0xa: {  	s5 =	smul.u32 $0x3200, s6;
	s7 =	sshll.u32 s6, $0xC;
	s1 =	ssub.s32 s1, s24  }
0xb: {  	s6 =	sshll.u32 s6, $0x9;
	s24 =	simm.s32 $0x2;
	s0 =	sadd.s32 s7, s0  }
0xc: {  	s9 =	sor.u32 $0x8, s6;
	s10 =	sor.u32 $0xA, s6;
	s30 =	smax.u32 s1, $0x1  }
0xd: {  	s5 =	sadd.s32 s3, s5;
	s0 =	sadd.s32 $0xC7E00, s0;
	[dreg:$0x5] =	wrdreg s30  }
0xe: {  	s11 =	sor.u32 $0xC, s6;
	s25 =	sadd.s32 $0x32, s5;
	[dreg:$0x4] =	wrdreg s0  }
0xf: {  	s26 =	sadd.s32 $0x64, s5;
	s0 =	simm.s32 $0x0;
	[dreg:$0x2] =	wrdreg s25  }
0x10: {  	[dreg:$0x3] =	wrdreg s26;
	s25 =	simm.s32 $0x8;
	s26 =	simm.s32 $0x9C40  }
.LBB2_1:
0x11: {  	[tilespmem:s2], [sflag:$0x5] =	stream.linear.gather [hbm4b:s5+s2], $0x190, $0x38;
	[tilespmem:$0x14E80] =	vst v63  }
0x12: {  	s1 =	rddreg [dreg:$0x2]  }
0x13: {  	[tilespmem:s14], [sflag:$0x6] =	stream.linear.gather [hbm4b:s1+s2], $0x190, $0x38;
	[tilespmem:$0x14E80] =	vst v63  }
0x14: {  	s30 =	rddreg [dreg:$0x3]  }
0x15: {  	[tilespmem:s15], [sflag:$0x7] =	stream.linear.gather [hbm4b:s30+s2], $0x190, $0x38;
	[tilespmem:$0x14E80] =	vst v63  }
0x16: {  	_ =	swait.ge [sflag:s16], $0x190  }
0x17: {  	[sflag:s16] =	ssyncset.done $0x0  }
0x18: {  	[sflag:s16] =	ssyncadd.s32 $0xFFFFFE70  }
0x19: {  	[tilespmem:s17], [sflag:$0x1] =	stream.indirect.gather [hbm4b:s4+s14], $0x20, s2, s14, $0xb8;
	[tilespmem:$0x14E80] =	vst v63  }
0x1a: {  	_ =	swait.ge [sflag:s18], $0x190  }
0x1b: {  	[sflag:s18] =	ssyncset.done $0x0  }
0x1c: {  	s1 =	simm.s32 $0x0;
	[sflag:s18] =	ssyncadd.s32 $0xFFFFFE70  }
0x1d: {  	[tilespmem:s19], [sflag:$0x2] =	stream.indirect.gather [hbm4b:s4+s14], $0x20, s14, s14, $0xb8;
	[tilespmem:$0x14E80] =	vst v63  }
.LBB2_2:
0x1e: {  	s7 =	sshll.u32 s1, $0x3  }
0x1f: {  	s30 =	sor.u32 $0x6, s7  }
0x20: {  	s8 =	sadd.s32 s6, s30  }
0x21: {  	_ =	swait.ge [sflag:s20], $0x3200;
	s8 =	smul.u32 $0x19, s8  }
0x22: {  	[sflag:s20] =	ssyncset.done $0x0  }
0x23: {  	[sflag:s20] =	ssyncadd.s32 $0xFFFFCE00;
	s12 =	sadd.s32 s3, s8;
	s8 =	simm.s32 $0x0  }
0x24: {  	[tilespmem:s21], [sflag:$0x8] =	stream.linear.gather [hbm4b:s12+s8], $0x190, $0x38;
	[tilespmem:$0x14E80] =	vst v63  }
0x25: {  	s13 =	sshll.u32 s1, $0x9;
	_ =	swait.ge [sflag:s22], $0x190  }
0x26: {  	s12 =	sand.u32 $0x3FFFFE00, s13;
	[sflag:s22] =	ssyncset.done $0x0  }
0x27: {  	p1 =	por $0x1, $0x1;
	s12 =	sadd.s32 $0xCE40, s12;
	[sflag:s22] =	ssyncadd.s32 $0xFFFFFE70  }
0x28: {  	v0 =	vmov s12;
	[tilespmem:s23], [sflag:$0x3] =	stream.indirect.gather [hbm4b:s4+s14], $0x20, s15, s14, $0xb8;
	[tilespmem:$0x14E80] =	vst v63  }
.LBB2_3:
0x29: {  	s12 =	smul.u32 $0x6400, s8;
	_ =	sdelay $0x1  }
0x2a: {  	s12 =	sshra.s32 s12, $0x2  }
0x2b: {  	s12 =	sadd.s32 $0x8C0, s12  }
0x2c: {  	v2 =	vimm.f32 $0.0e+00;
	v1 =	vmov s12  }
0x2d: {  	[tilespmem:$0x14E40] =	vst v2  }
0x2e: {  	[tilespmem:$0x14E50] =	vst v2  }
0x2f: {  	[tilespmem:$0x14E60] =	vst v2  }
0x30: {  	s13 =	simm.s32 $0x0;
	[tilespmem:$0x14E70] =	vst v2  }
0x31: {  	v3 =	vld.idx.msk [tilespmem:v1+s13+$0xFFFFFD80 ss:$0x1], $0xffff  }
0x32: {  	v4 =	vld.idx.msk [tilespmem:v1+s13+$0xFFFFFD90 ss:$0x1], $0xffff  }
0x33: {  	v5 =	vld.idx.msk [tilespmem:v1+s13+$0xFFFFFDA0 ss:$0x1], $0xffff  }
0x34: {  	v6 =	vld.idx.msk [tilespmem:v1+s13+$0xFFFFFDB0 ss:$0x1], $0xffff  }
0x35: {  	v7 =	vld.idx.msk [tilespmem:v1+s13+$0xFFFFFDC0 ss:$0x1], $0xffff  }
0x36: {  	v8 =	vld.idx.msk [tilespmem:v1+s13+$0xFFFFFDD0 ss:$0x1], $0xffff;
	v9 =	vshll.u32 v3, $0x10;
	v3 =	vadd.f32 v3, v2  }
0x37: {  	v10 =	vld.idx.msk [tilespmem:v1+s13+$0xFFFFFDE0 ss:$0x1], $0xffff;
	v11 =	vshll.u32 v4, $0x10;
	v4 =	vadd.f32 v4, v2;
	v9 =	vadd.f32 v9, v2  }
0x38: {  	v12 =	vld.idx.msk [tilespmem:v1+s13+$0xFFFFFDF0 ss:$0x1], $0xffff;
	v16 =	vshll.u32 v5, $0x10;
	v2 =	vadd.f32 v11, v2;
	v3 =	vadd.f32 v5, v3  }
0x39: {  	v17 =	vshll.u32 v6, $0x10;
	v5 =	vld.idx.msk [tilespmem:v1+s13+$0xFFFFFE00 ss:$0x1], $0xffff;
	v4 =	vadd.f32 v6, v4;
	v9 =	vadd.f32 v16, v9  }
0x3a: {  	v18 =	vshll.u32 v7, $0x10;
	v6 =	vld.idx.msk [tilespmem:v1+s13+$0xFFFFFE10 ss:$0x1], $0xffff;
	v2 =	vadd.f32 v17, v2;
	v3 =	vadd.f32 v7, v3  }
0x3b: {  	v19 =	vshll.u32 v8, $0x10;
	v7 =	vld.idx.msk [tilespmem:v1+s13+$0xFFFFFE20 ss:$0x1], $0xffff;
	v4 =	vadd.f32 v8, v4;
	v9 =	vadd.f32 v18, v9  }
0x3c: {  	v20 =	vshll.u32 v10, $0x10;
	v8 =	vld.idx.msk [tilespmem:v1+s13+$0xFFFFFE30 ss:$0x1], $0xffff;
	v2 =	vadd.f32 v19, v2;
	v3 =	vadd.f32 v10, v3  }
0x3d: {  	v21 =	vld.idx.msk [tilespmem:v1+s13+$0xFFFFFE40 ss:$0x1], $0xffff;
	v22 =	vshll.u32 v12, $0x10;
	v4 =	vadd.f32 v12, v4;
	v9 =	vadd.f32 v20, v9  }
0x3e: {  	v23 =	vld.idx.msk [tilespmem:v1+s13+$0xFFFFFE50 ss:$0x1], $0xffff;
	v2 =	vadd.f32 v22, v2;
	v24 =	vshll.u32 v5, $0x10;
	v3 =	vadd.f32 v5, v3  }
0x3f: {  	v25 =	vshll.u32 v6, $0x10;
	v5 =	vld.idx.msk [tilespmem:v1+s13+$0xFFFFFE60 ss:$0x1], $0xffff;
	v4 =	vadd.f32 v6, v4;
	v9 =	vadd.f32 v24, v9  }
0x40: {  	v6 =	vld.idx.msk [tilespmem:v1+s13+$0xFFFFFE70 ss:$0x1], $0xffff;
	v2 =	vadd.f32 v25, v2;
	v26 =	vshll.u32 v7, $0x10;
	v3 =	vadd.f32 v7, v3  }
0x41: {  	v27 =	vshll.u32 v8, $0x10;
	v7 =	vld.idx.msk [tilespmem:v1+s13+$0xFFFFFE80 ss:$0x1], $0xffff;
	v4 =	vadd.f32 v8, v4;
	v9 =	vadd.f32 v26, v9  }
0x42: {  	v28 =	vshll.u32 v21, $0x10;
	v8 =	vld.idx.msk [tilespmem:v1+s13+$0xFFFFFE90 ss:$0x1], $0xffff;
	v2 =	vadd.f32 v27, v2;
	v3 =	vadd.f32 v21, v3  }
0x43: {  	v29 =	vld.idx.msk [tilespmem:v1+s13+$0xFFFFFEA0 ss:$0x1], $0xffff;
	v30 =	vshll.u32 v23, $0x10;
	v4 =	vadd.f32 v23, v4;
	v9 =	vadd.f32 v28, v9  }
0x44: {  	v31 =	vld.idx.msk [tilespmem:v1+s13+$0xFFFFFEB0 ss:$0x1], $0xffff;
	v2 =	vadd.f32 v30, v2;
	v32 =	vshll.u32 v5, $0x10;
	v3 =	vadd.f32 v5, v3  }
0x45: {  	v33 =	vshll.u32 v6, $0x10;
	v5 =	vld.idx.msk [tilespmem:v1+s13+$0xFFFFFEC0 ss:$0x1], $0xffff;
	v4 =	vadd.f32 v6, v4;
	v9 =	vadd.f32 v32, v9  }
0x46: {  	v6 =	vld.idx.msk [tilespmem:v1+s13+$0xFFFFFED0 ss:$0x1], $0xffff;
	v2 =	vadd.f32 v33, v2;
	v34 =	vshll.u32 v7, $0x10;
	v3 =	vadd.f32 v7, v3  }
0x47: {  	v35 =	vshll.u32 v8, $0x10;
	v7 =	vld.idx.msk [tilespmem:v1+s13+$0xFFFFFEE0 ss:$0x1], $0xffff;
	v4 =	vadd.f32 v8, v4;
	v9 =	vadd.f32 v34, v9  }
0x48: {  	v36 =	vshll.u32 v29, $0x10;
	v8 =	vld.idx.msk [tilespmem:v1+s13+$0xFFFFFEF0 ss:$0x1], $0xffff;
	v2 =	vadd.f32 v35, v2;
	v3 =	vadd.f32 v29, v3  }
0x49: {  	v37 =	vld.idx.msk [tilespmem:v1+s13+$0xFFFFFF00 ss:$0x1], $0xffff;
	v38 =	vshll.u32 v31, $0x10;
	v4 =	vadd.f32 v31, v4;
	v9 =	vadd.f32 v36, v9  }
0x4a: {  	v39 =	vld.idx.msk [tilespmem:v1+s13+$0xFFFFFF10 ss:$0x1], $0xffff;
	v2 =	vadd.f32 v38, v2;
	v40 =	vshll.u32 v5, $0x10;
	v3 =	vadd.f32 v5, v3  }
0x4b: {  	v41 =	vshll.u32 v6, $0x10;
	v5 =	vld.idx.msk [tilespmem:v1+s13+$0xFFFFFF20 ss:$0x1], $0xffff;
	v4 =	vadd.f32 v6, v4;
	v9 =	vadd.f32 v40, v9  }
0x4c: {  	v6 =	vld.idx.msk [tilespmem:v1+s13+$0xFFFFFF30 ss:$0x1], $0xffff;
	v2 =	vadd.f32 v41, v2;
	v42 =	vshll.u32 v7, $0x10;
	v3 =	vadd.f32 v7, v3  }
0x4d: {  	v43 =	vshll.u32 v8, $0x10;
	v7 =	vld.idx.msk [tilespmem:v1+s13+$0xFFFFFF40 ss:$0x1], $0xffff;
	v4 =	vadd.f32 v8, v4;
	v9 =	vadd.f32 v42, v9  }
0x4e: {  	v44 =	vshll.u32 v37, $0x10;
	v8 =	vld.idx.msk [tilespmem:v1+s13+$0xFFFFFF50 ss:$0x1], $0xffff;
	v2 =	vadd.f32 v43, v2;
	v3 =	vadd.f32 v37, v3  }
0x4f: {  	v45 =	vld.idx.msk [tilespmem:v1+s13+$0xFFFFFF60 ss:$0x1], $0xffff;
	v46 =	vshll.u32 v39, $0x10;
	v4 =	vadd.f32 v39, v4;
	v9 =	vadd.f32 v44, v9  }
0x50: {  	v47 =	vld.idx.msk [tilespmem:v1+s13+$0xFFFFFF70 ss:$0x1], $0xffff;
	v2 =	vadd.f32 v46, v2;
	v48 =	vshll.u32 v5, $0x10;
	v3 =	vadd.f32 v5, v3  }
0x51: {  	v49 =	vshll.u32 v6, $0x10;
	v5 =	vld.idx.msk [tilespmem:v1+s13+$0xFFFFFF80 ss:$0x1], $0xffff;
	v4 =	vadd.f32 v6, v4;
	v9 =	vadd.f32 v48, v9  }
0x52: {  	v6 =	vld.idx.msk [tilespmem:v1+s13+$0xFFFFFF90 ss:$0x1], $0xffff;
	v2 =	vadd.f32 v49, v2;
	v50 =	vshll.u32 v7, $0x10;
	v3 =	vadd.f32 v7, v3  }
0x53: {  	v51 =	vshll.u32 v8, $0x10;
	v7 =	vld.idx.msk [tilespmem:v1+s13+$0xFFFFFFA0 ss:$0x1], $0xffff;
	v4 =	vadd.f32 v8, v4;
	v9 =	vadd.f32 v50, v9  }
0x54: {  	v52 =	vshll.u32 v45, $0x10;
	v8 =	vld.idx.msk [tilespmem:v1+s13+$0xFFFFFFB0 ss:$0x1], $0xffff;
	v2 =	vadd.f32 v51, v2;
	v3 =	vadd.f32 v45, v3  }
0x55: {  	v53 =	vld.idx.msk [tilespmem:v1+s13+$0xFFFFFFC0 ss:$0x1], $0xffff;
	v54 =	vshll.u32 v47, $0x10;
	v4 =	vadd.f32 v47, v4;
	v9 =	vadd.f32 v52, v9  }
0x56: {  	v55 =	vld.idx.msk [tilespmem:v1+s13+$0xFFFFFFD0 ss:$0x1], $0xffff;
	v2 =	vadd.f32 v54, v2;
	v56 =	vshll.u32 v5, $0x10;
	v3 =	vadd.f32 v5, v3  }
0x57: {  	v57 =	vshll.u32 v6, $0x10;
	v5 =	vld.idx.msk [tilespmem:v1+s13+$0xFFFFFFE0 ss:$0x1], $0xffff;
	v4 =	vadd.f32 v6, v4;
	v9 =	vadd.f32 v56, v9  }
0x58: {  	v6 =	vld.idx.msk [tilespmem:v1+s13+$0xFFFFFFF0 ss:$0x1], $0xffff;
	v2 =	vadd.f32 v57, v2;
	v58 =	vshll.u32 v7, $0x10;
	v3 =	vadd.f32 v7, v3  }
0x59: {  	v59 =	vshll.u32 v8, $0x10;
	v7 =	vld.idx.msk [tilespmem:v1+s13+$0x0 ss:$0x1], $0xffff;
	v4 =	vadd.f32 v8, v4;
	v9 =	vadd.f32 v58, v9  }
0x5a: {  	v60 =	vshll.u32 v53, $0x10;
	v8 =	vld.idx.msk [tilespmem:v1+s13+$0x10 ss:$0x1], $0xffff;
	v2 =	vadd.f32 v59, v2;
	v3 =	vadd.f32 v53, v3  }
0x5b: {  	v61 =	vld.idx.msk [tilespmem:v1+s13+$0x20 ss:$0x1], $0xffff;
	v62 =	vshll.u32 v55, $0x10;
	v4 =	vadd.f32 v55, v4;
	v9 =	vadd.f32 v60, v9  }
0x5c: {  	v63 =	vld.idx.msk [tilespmem:v1+s13+$0x30 ss:$0x1], $0xffff;
	v2 =	vadd.f32 v62, v2;
	v14 =	vshll.u32 v5, $0x10;
	v3 =	vadd.f32 v5, v3  }
0x5d: {  	v15 =	vshll.u32 v6, $0x10;
	v5 =	vld.idx.msk [tilespmem:v1+s13+$0x40 ss:$0x1], $0xffff;
	v4 =	vadd.f32 v6, v4;
	v9 =	vadd.f32 v14, v9  }
0x5e: {  	v6 =	vld.idx.msk [tilespmem:v1+s13+$0x50 ss:$0x1], $0xffff;
	v2 =	vadd.f32 v15, v2;
	v16 =	vshll.u32 v7, $0x10;
	v3 =	vadd.f32 v7, v3  }
0x5f: {  	v17 =	vshll.u32 v8, $0x10;
	v7 =	vld.idx.msk [tilespmem:v1+s13+$0x60 ss:$0x1], $0xffff;
	v4 =	vadd.f32 v8, v4;
	v9 =	vadd.f32 v16, v9  }
0x60: {  	v18 =	vshll.u32 v61, $0x10;
	v8 =	vld.idx.msk [tilespmem:v1+s13+$0x70 ss:$0x1], $0xffff;
	v2 =	vadd.f32 v17, v2;
	v3 =	vadd.f32 v61, v3  }
0x61: {  	v19 =	vld.idx.msk [tilespmem:v1+s13+$0x80 ss:$0x1], $0xffff;
	v20 =	vshll.u32 v63, $0x10;
	v4 =	vadd.f32 v63, v4;
	v9 =	vadd.f32 v18, v9  }
0x62: {  	v21 =	vld.idx.msk [tilespmem:v1+s13+$0x90 ss:$0x1], $0xffff;
	v2 =	vadd.f32 v20, v2;
	v22 =	vshll.u32 v5, $0x10;
	v3 =	vadd.f32 v5, v3  }
0x63: {  	v23 =	vshll.u32 v6, $0x10;
	v5 =	vld.idx.msk [tilespmem:v1+s13+$0xA0 ss:$0x1], $0xffff;
	v4 =	vadd.f32 v6, v4;
	v9 =	vadd.f32 v22, v9  }
0x64: {  	v6 =	vld.idx.msk [tilespmem:v1+s13+$0xB0 ss:$0x1], $0xffff;
	v2 =	vadd.f32 v23, v2;
	v24 =	vshll.u32 v7, $0x10;
	v3 =	vadd.f32 v7, v3  }
0x65: {  	v25 =	vshll.u32 v8, $0x10;
	v7 =	vld.idx.msk [tilespmem:v1+s13+$0xC0 ss:$0x1], $0xffff;
	v4 =	vadd.f32 v8, v4;
	v9 =	vadd.f32 v24, v9  }
0x66: {  	v26 =	vshll.u32 v19, $0x10;
	v8 =	vld.idx.msk [tilespmem:v1+s13+$0xD0 ss:$0x1], $0xffff;
	v2 =	vadd.f32 v25, v2;
	v3 =	vadd.f32 v19, v3  }
0x67: {  	v27 =	vld.idx.msk [tilespmem:v1+s13+$0xE0 ss:$0x1], $0xffff;
	v28 =	vshll.u32 v21, $0x10;
	v4 =	vadd.f32 v21, v4;
	v9 =	vadd.f32 v26, v9  }
0x68: {  	v29 =	vld.idx.msk [tilespmem:v1+s13+$0xF0 ss:$0x1], $0xffff;
	v2 =	vadd.f32 v28, v2;
	v30 =	vshll.u32 v5, $0x10;
	v3 =	vadd.f32 v5, v3  }
0x69: {  	v31 =	vshll.u32 v6, $0x10;
	v5 =	vld.idx.msk [tilespmem:v1+s13+$0x100 ss:$0x1], $0xffff;
	v4 =	vadd.f32 v6, v4;
	v9 =	vadd.f32 v30, v9  }
0x6a: {  	v6 =	vld.idx.msk [tilespmem:v1+s13+$0x110 ss:$0x1], $0xffff;
	v2 =	vadd.f32 v31, v2;
	v32 =	vshll.u32 v7, $0x10;
	v3 =	vadd.f32 v7, v3  }
0x6b: {  	v33 =	vshll.u32 v8, $0x10;
	v7 =	vld.idx.msk [tilespmem:v1+s13+$0x120 ss:$0x1], $0xffff;
	v4 =	vadd.f32 v8, v4;
	v9 =	vadd.f32 v32, v9  }
0x6c: {  	v34 =	vshll.u32 v27, $0x10;
	v8 =	vld.idx.msk [tilespmem:v1+s13+$0x130 ss:$0x1], $0xffff;
	v2 =	vadd.f32 v33, v2;
	v3 =	vadd.f32 v27, v3  }
0x6d: {  	v35 =	vld.idx.msk [tilespmem:v1+s13+$0x140 ss:$0x1], $0xffff;
	v36 =	vshll.u32 v29, $0x10;
	v4 =	vadd.f32 v29, v4;
	v9 =	vadd.f32 v34, v9  }
0x6e: {  	v37 =	vld.idx.msk [tilespmem:v1+s13+$0x150 ss:$0x1], $0xffff;
	v2 =	vadd.f32 v36, v2;
	v38 =	vshll.u32 v5, $0x10;
	v3 =	vadd.f32 v5, v3  }
0x6f: {  	v39 =	vshll.u32 v6, $0x10;
	v5 =	vld.idx.msk [tilespmem:v1+s13+$0x160 ss:$0x1], $0xffff;
	v4 =	vadd.f32 v6, v4;
	v9 =	vadd.f32 v38, v9  }
0x70: {  	v6 =	vld.idx.msk [tilespmem:v1+s13+$0x170 ss:$0x1], $0xffff;
	v2 =	vadd.f32 v39, v2;
	v40 =	vshll.u32 v7, $0x10;
	v3 =	vadd.f32 v7, v3  }
0x71: {  	v41 =	vshll.u32 v8, $0x10;
	v7 =	vld.idx.msk [tilespmem:v1+s13+$0x180 ss:$0x1], $0xffff;
	v4 =	vadd.f32 v8, v4;
	v9 =	vadd.f32 v40, v9  }
0x72: {  	v42 =	vshll.u32 v35, $0x10;
	v8 =	vld.idx.msk [tilespmem:v1+s13+$0x190 ss:$0x1], $0xffff;
	v2 =	vadd.f32 v41, v2;
	v3 =	vadd.f32 v35, v3  }
0x73: {  	v43 =	vld.idx.msk [tilespmem:v1+s13+$0x1A0 ss:$0x1], $0xffff;
	v44 =	vshll.u32 v37, $0x10;
	v4 =	vadd.f32 v37, v4;
	v9 =	vadd.f32 v42, v9  }
0x74: {  	v45 =	vld.idx.msk [tilespmem:v1+s13+$0x1B0 ss:$0x1], $0xffff;
	v2 =	vadd.f32 v44, v2;
	v46 =	vshll.u32 v5, $0x10;
	v3 =	vadd.f32 v5, v3  }
0x75: {  	v47 =	vshll.u32 v6, $0x10;
	v5 =	vld.idx.msk [tilespmem:v1+s13+$0x1C0 ss:$0x1], $0xffff;
	v4 =	vadd.f32 v6, v4;
	v9 =	vadd.f32 v46, v9  }
0x76: {  	v6 =	vld.idx.msk [tilespmem:v1+s13+$0x1D0 ss:$0x1], $0xffff;
	v2 =	vadd.f32 v47, v2;
	v48 =	vshll.u32 v7, $0x10;
	v3 =	vadd.f32 v7, v3  }
0x77: {  	v49 =	vshll.u32 v8, $0x10;
	v7 =	vld.idx.msk [tilespmem:v1+s13+$0x1E0 ss:$0x1], $0xffff;
	v4 =	vadd.f32 v8, v4;
	v9 =	vadd.f32 v48, v9  }
0x78: {  	v50 =	vshll.u32 v43, $0x10;
	v8 =	vld.idx.msk [tilespmem:v1+s13+$0x1F0 ss:$0x1], $0xffff;
	v2 =	vadd.f32 v49, v2;
	v3 =	vadd.f32 v43, v3  }
0x79: {  	v51 =	vld.idx.msk [tilespmem:v1+s13+$0x200 ss:$0x1], $0xffff;
	v52 =	vshll.u32 v45, $0x10;
	v4 =	vadd.f32 v45, v4;
	v9 =	vadd.f32 v50, v9  }
0x7a: {  	v53 =	vld.idx.msk [tilespmem:v1+s13+$0x210 ss:$0x1], $0xffff;
	v2 =	vadd.f32 v52, v2;
	v54 =	vshll.u32 v5, $0x10;
	v3 =	vadd.f32 v5, v3  }
0x7b: {  	v55 =	vshll.u32 v6, $0x10;
	v5 =	vld.idx.msk [tilespmem:v1+s13+$0x220 ss:$0x1], $0xffff;
	v4 =	vadd.f32 v6, v4;
	v9 =	vadd.f32 v54, v9  }
0x7c: {  	v6 =	vld.idx.msk [tilespmem:v1+s13+$0x230 ss:$0x1], $0xffff;
	v2 =	vadd.f32 v55, v2;
	v56 =	vshll.u32 v7, $0x10;
	v3 =	vadd.f32 v7, v3  }
0x7d: {  	v57 =	vshll.u32 v8, $0x10;
	v7 =	vld.idx.msk [tilespmem:v1+s13+$0x240 ss:$0x1], $0xffff;
	v4 =	vadd.f32 v8, v4;
	v9 =	vadd.f32 v56, v9  }
0x7e: {  	v58 =	vshll.u32 v51, $0x10;
	v8 =	vld.idx.msk [tilespmem:v1+s13+$0x250 ss:$0x1], $0xffff;
	v2 =	vadd.f32 v57, v2;
	v3 =	vadd.f32 v51, v3  }
0x7f: {  	v59 =	vld.idx.msk [tilespmem:v1+s13+$0x260 ss:$0x1], $0xffff;
	v60 =	vshll.u32 v53, $0x10;
	v4 =	vadd.f32 v53, v4;
	v9 =	vadd.f32 v58, v9  }
0x80: {  	v61 =	vld.idx.msk [tilespmem:v1+s13+$0x270 ss:$0x1], $0xffff;
	v2 =	vadd.f32 v60, v2;
	v62 =	vshll.u32 v5, $0x10;
	v3 =	vadd.f32 v5, v3  }
0x81: {  	v63 =	vshll.u32 v6, $0x10;
	v4 =	vadd.f32 v6, v4;
	v5 =	vadd.f32 v62, v9  }
0x82: {  	v2 =	vadd.f32 v63, v2;
	v6 =	vshll.u32 v7, $0x10;
	v3 =	vadd.f32 v7, v3  }
0x83: {  	v4 =	vadd.f32 v8, v4;
	v6 =	vadd.f32 v6, v5;
	v5 =	vshll.u32 v8, $0x10  }
0x84: {  	v5 =	vadd.f32 v5, v2;
	v2 =	vshll.u32 v59, $0x10;
	v3 =	vadd.f32 v59, v3  }
0x85: {  	p0 =	por p1, p1;
	s12 =	simm.s32 $0x1400;
	v4 =	vadd.f32 v61, v4;
	v2 =	vadd.f32 v2, v6;
	v6 =	vshll.u32 v61, $0x10  }
.LBB2_4:
0x86: {  	p1 =	sne.s32 s12, $0x5000;
	v5 =	vadd.f32 v6, v5;
	[tilespmem:$0x14E50] =	vst v3;
	s13 =	smov.u32 s12;
	s12 =	sadd.s32 $0x1400, s12  }
0x87: {  	[tilespmem:$0x14E40] =	vst v2  }
0x88: {  	s13 =	sshra.s32 s13, $0x2;
	[tilespmem:$0x14E60] =	vst v5  }
0x89: {  	[tilespmem:$0x14E70] =	vst v4  }
0x8a: {  	v6 =	vld.idx.msk [tilespmem:v1+s13+$0xFFFFFD80 ss:$0x1], $0xffff  }
0x8b: {  	v7 =	vld.idx.msk [tilespmem:v1+s13+$0xFFFFFD90 ss:$0x1], $0xffff  }
0x8c: {  	v8 =	vld.idx.msk [tilespmem:v1+s13+$0xFFFFFDA0 ss:$0x1], $0xffff  }
0x8d: {  	v9 =	vld.idx.msk [tilespmem:v1+s13+$0xFFFFFDB0 ss:$0x1], $0xffff  }
0x8e: {  	v10 =	vld.idx.msk [tilespmem:v1+s13+$0xFFFFFDC0 ss:$0x1], $0xffff  }
0x8f: {  	v11 =	vld.idx.msk [tilespmem:v1+s13+$0xFFFFFDD0 ss:$0x1], $0xffff  }
0x90: {  	v12 =	vshll.u32 v6, $0x10;
	v3 =	vadd.f32 v6, v3;
	v6 =	vld.idx.msk [tilespmem:v1+s13+$0xFFFFFDE0 ss:$0x1], $0xffff  }
0x91: {  	v2 =	vadd.f32 v12, v2;
	v12 =	vshll.u32 v7, $0x10;
	v4 =	vadd.f32 v7, v4;
	v7 =	vld.idx.msk [tilespmem:v1+s13+$0xFFFFFDF0 ss:$0x1], $0xffff  }
0x92: {  	v5 =	vadd.f32 v12, v5;
	v12 =	vshll.u32 v8, $0x10;
	v3 =	vadd.f32 v8, v3;
	v8 =	vld.idx.msk [tilespmem:v1+s13+$0xFFFFFE00 ss:$0x1], $0xffff  }
0x93: {  	v2 =	vadd.f32 v12, v2;
	v12 =	vshll.u32 v9, $0x10;
	v4 =	vadd.f32 v9, v4;
	v9 =	vld.idx.msk [tilespmem:v1+s13+$0xFFFFFE10 ss:$0x1], $0xffff  }
0x94: {  	v5 =	vadd.f32 v12, v5;
	v12 =	vshll.u32 v10, $0x10;
	v3 =	vadd.f32 v10, v3;
	v10 =	vld.idx.msk [tilespmem:v1+s13+$0xFFFFFE20 ss:$0x1], $0xffff  }
0x95: {  	v2 =	vadd.f32 v12, v2;
	v12 =	vshll.u32 v11, $0x10;
	v4 =	vadd.f32 v11, v4;
	v11 =	vld.idx.msk [tilespmem:v1+s13+$0xFFFFFE30 ss:$0x1], $0xffff  }
0x96: {  	v5 =	vadd.f32 v12, v5;
	v12 =	vshll.u32 v6, $0x10;
	v3 =	vadd.f32 v6, v3;
	v6 =	vld.idx.msk [tilespmem:v1+s13+$0xFFFFFE40 ss:$0x1], $0xffff  }
0x97: {  	v2 =	vadd.f32 v12, v2;
	v12 =	vshll.u32 v7, $0x10;
	v4 =	vadd.f32 v7, v4;
	v7 =	vld.idx.msk [tilespmem:v1+s13+$0xFFFFFE50 ss:$0x1], $0xffff  }
0x98: {  	v5 =	vadd.f32 v12, v5;
	v12 =	vshll.u32 v8, $0x10;
	v3 =	vadd.f32 v8, v3;
	v8 =	vld.idx.msk [tilespmem:v1+s13+$0xFFFFFE60 ss:$0x1], $0xffff  }
0x99: {  	v2 =	vadd.f32 v12, v2;
	v12 =	vshll.u32 v9, $0x10;
	v4 =	vadd.f32 v9, v4;
	v9 =	vld.idx.msk [tilespmem:v1+s13+$0xFFFFFE70 ss:$0x1], $0xffff  }
0x9a: {  	v5 =	vadd.f32 v12, v5;
	v12 =	vshll.u32 v10, $0x10;
	v3 =	vadd.f32 v10, v3;
	v10 =	vld.idx.msk [tilespmem:v1+s13+$0xFFFFFE80 ss:$0x1], $0xffff  }
0x9b: {  	v2 =	vadd.f32 v12, v2;
	v12 =	vshll.u32 v11, $0x10;
	v4 =	vadd.f32 v11, v4;
	v11 =	vld.idx.msk [tilespmem:v1+s13+$0xFFFFFE90 ss:$0x1], $0xffff  }
0x9c: {  	v5 =	vadd.f32 v12, v5;
	v12 =	vshll.u32 v6, $0x10;
	v3 =	vadd.f32 v6, v3;
	v6 =	vld.idx.msk [tilespmem:v1+s13+$0xFFFFFEA0 ss:$0x1], $0xffff  }
0x9d: {  	v2 =	vadd.f32 v12, v2;
	v12 =	vshll.u32 v7, $0x10;
	v4 =	vadd.f32 v7, v4;
	v7 =	vld.idx.msk [tilespmem:v1+s13+$0xFFFFFEB0 ss:$0x1], $0xffff  }
0x9e: {  	v5 =	vadd.f32 v12, v5;
	v12 =	vshll.u32 v8, $0x10;
	v3 =	vadd.f32 v8, v3;
	v8 =	vld.idx.msk [tilespmem:v1+s13+$0xFFFFFEC0 ss:$0x1], $0xffff  }
0x9f: {  	v2 =	vadd.f32 v12, v2;
	v12 =	vshll.u32 v9, $0x10;
	v4 =	vadd.f32 v9, v4;
	v9 =	vld.idx.msk [tilespmem:v1+s13+$0xFFFFFED0 ss:$0x1], $0xffff  }
0xa0: {  	v5 =	vadd.f32 v12, v5;
	v12 =	vshll.u32 v10, $0x10;
	v3 =	vadd.f32 v10, v3;
	v10 =	vld.idx.msk [tilespmem:v1+s13+$0xFFFFFEE0 ss:$0x1], $0xffff  }
0xa1: {  	v2 =	vadd.f32 v12, v2;
	v12 =	vshll.u32 v11, $0x10;
	v4 =	vadd.f32 v11, v4;
	v11 =	vld.idx.msk [tilespmem:v1+s13+$0xFFFFFEF0 ss:$0x1], $0xffff  }
0xa2: {  	v5 =	vadd.f32 v12, v5;
	v12 =	vshll.u32 v6, $0x10;
	v3 =	vadd.f32 v6, v3;
	v6 =	vld.idx.msk [tilespmem:v1+s13+$0xFFFFFF00 ss:$0x1], $0xffff  }
0xa3: {  	v2 =	vadd.f32 v12, v2;
	v12 =	vshll.u32 v7, $0x10;
	v4 =	vadd.f32 v7, v4;
	v7 =	vld.idx.msk [tilespmem:v1+s13+$0xFFFFFF10 ss:$0x1], $0xffff  }
0xa4: {  	v5 =	vadd.f32 v12, v5;
	v12 =	vshll.u32 v8, $0x10;
	v3 =	vadd.f32 v8, v3;
	v8 =	vld.idx.msk [tilespmem:v1+s13+$0xFFFFFF20 ss:$0x1], $0xffff  }
0xa5: {  	v2 =	vadd.f32 v12, v2;
	v12 =	vshll.u32 v9, $0x10;
	v4 =	vadd.f32 v9, v4;
	v9 =	vld.idx.msk [tilespmem:v1+s13+$0xFFFFFF30 ss:$0x1], $0xffff  }
0xa6: {  	v5 =	vadd.f32 v12, v5;
	v12 =	vshll.u32 v10, $0x10;
	v3 =	vadd.f32 v10, v3;
	v10 =	vld.idx.msk [tilespmem:v1+s13+$0xFFFFFF40 ss:$0x1], $0xffff  }
0xa7: {  	v2 =	vadd.f32 v12, v2;
	v12 =	vshll.u32 v11, $0x10;
	v4 =	vadd.f32 v11, v4;
	v11 =	vld.idx.msk [tilespmem:v1+s13+$0xFFFFFF50 ss:$0x1], $0xffff  }
0xa8: {  	v5 =	vadd.f32 v12, v5;
	v12 =	vshll.u32 v6, $0x10;
	v3 =	vadd.f32 v6, v3;
	v6 =	vld.idx.msk [tilespmem:v1+s13+$0xFFFFFF60 ss:$0x1], $0xffff  }
0xa9: {  	v2 =	vadd.f32 v12, v2;
	v12 =	vshll.u32 v7, $0x10;
	v4 =	vadd.f32 v7, v4;
	v7 =	vld.idx.msk [tilespmem:v1+s13+$0xFFFFFF70 ss:$0x1], $0xffff  }
0xaa: {  	v5 =	vadd.f32 v12, v5;
	v12 =	vshll.u32 v8, $0x10;
	v3 =	vadd.f32 v8, v3;
	v8 =	vld.idx.msk [tilespmem:v1+s13+$0xFFFFFF80 ss:$0x1], $0xffff  }
0xab: {  	v2 =	vadd.f32 v12, v2;
	v12 =	vshll.u32 v9, $0x10;
	v4 =	vadd.f32 v9, v4;
	v9 =	vld.idx.msk [tilespmem:v1+s13+$0xFFFFFF90 ss:$0x1], $0xffff  }
0xac: {  	v5 =	vadd.f32 v12, v5;
	v12 =	vshll.u32 v10, $0x10;
	v3 =	vadd.f32 v10, v3;
	v10 =	vld.idx.msk [tilespmem:v1+s13+$0xFFFFFFA0 ss:$0x1], $0xffff  }
0xad: {  	v2 =	vadd.f32 v12, v2;
	v12 =	vshll.u32 v11, $0x10;
	v4 =	vadd.f32 v11, v4;
	v11 =	vld.idx.msk [tilespmem:v1+s13+$0xFFFFFFB0 ss:$0x1], $0xffff  }
0xae: {  	v5 =	vadd.f32 v12, v5;
	v12 =	vshll.u32 v6, $0x10;
	v3 =	vadd.f32 v6, v3;
	v6 =	vld.idx.msk [tilespmem:v1+s13+$0xFFFFFFC0 ss:$0x1], $0xffff  }
0xaf: {  	v2 =	vadd.f32 v12, v2;
	v12 =	vshll.u32 v7, $0x10;
	v4 =	vadd.f32 v7, v4;
	v7 =	vld.idx.msk [tilespmem:v1+s13+$0xFFFFFFD0 ss:$0x1], $0xffff  }
0xb0: {  	v5 =	vadd.f32 v12, v5;
	v12 =	vshll.u32 v8, $0x10;
	v3 =	vadd.f32 v8, v3;
	v8 =	vld.idx.msk [tilespmem:v1+s13+$0xFFFFFFE0 ss:$0x1], $0xffff  }
0xb1: {  	v2 =	vadd.f32 v12, v2;
	v12 =	vshll.u32 v9, $0x10;
	v4 =	vadd.f32 v9, v4;
	v9 =	vld.idx.msk [tilespmem:v1+s13+$0xFFFFFFF0 ss:$0x1], $0xffff  }
0xb2: {  	v5 =	vadd.f32 v12, v5;
	v12 =	vshll.u32 v10, $0x10;
	v3 =	vadd.f32 v10, v3;
	v10 =	vld.idx.msk [tilespmem:v1+s13+$0x0 ss:$0x1], $0xffff  }
0xb3: {  	v2 =	vadd.f32 v12, v2;
	v12 =	vshll.u32 v11, $0x10;
	v4 =	vadd.f32 v11, v4;
	v11 =	vld.idx.msk [tilespmem:v1+s13+$0x10 ss:$0x1], $0xffff  }
0xb4: {  	v5 =	vadd.f32 v12, v5;
	v12 =	vshll.u32 v6, $0x10;
	v3 =	vadd.f32 v6, v3;
	v6 =	vld.idx.msk [tilespmem:v1+s13+$0x20 ss:$0x1], $0xffff  }
0xb5: {  	v2 =	vadd.f32 v12, v2;
	v12 =	vshll.u32 v7, $0x10;
	v4 =	vadd.f32 v7, v4;
	v7 =	vld.idx.msk [tilespmem:v1+s13+$0x30 ss:$0x1], $0xffff  }
0xb6: {  	v5 =	vadd.f32 v12, v5;
	v12 =	vshll.u32 v8, $0x10;
	v3 =	vadd.f32 v8, v3;
	v8 =	vld.idx.msk [tilespmem:v1+s13+$0x40 ss:$0x1], $0xffff  }
0xb7: {  	v2 =	vadd.f32 v12, v2;
	v12 =	vshll.u32 v9, $0x10;
	v4 =	vadd.f32 v9, v4;
	v9 =	vld.idx.msk [tilespmem:v1+s13+$0x50 ss:$0x1], $0xffff  }
0xb8: {  	v5 =	vadd.f32 v12, v5;
	v12 =	vshll.u32 v10, $0x10;
	v3 =	vadd.f32 v10, v3;
	v10 =	vld.idx.msk [tilespmem:v1+s13+$0x60 ss:$0x1], $0xffff  }
0xb9: {  	v2 =	vadd.f32 v12, v2;
	v12 =	vshll.u32 v11, $0x10;
	v4 =	vadd.f32 v11, v4;
	v11 =	vld.idx.msk [tilespmem:v1+s13+$0x70 ss:$0x1], $0xffff  }
0xba: {  	v5 =	vadd.f32 v12, v5;
	v12 =	vshll.u32 v6, $0x10;
	v3 =	vadd.f32 v6, v3;
	v6 =	vld.idx.msk [tilespmem:v1+s13+$0x80 ss:$0x1], $0xffff  }
0xbb: {  	v2 =	vadd.f32 v12, v2;
	v12 =	vshll.u32 v7, $0x10;
	v4 =	vadd.f32 v7, v4;
	v7 =	vld.idx.msk [tilespmem:v1+s13+$0x90 ss:$0x1], $0xffff  }
0xbc: {  	v5 =	vadd.f32 v12, v5;
	v12 =	vshll.u32 v8, $0x10;
	v3 =	vadd.f32 v8, v3;
	v8 =	vld.idx.msk [tilespmem:v1+s13+$0xA0 ss:$0x1], $0xffff  }
0xbd: {  	v2 =	vadd.f32 v12, v2;
	v12 =	vshll.u32 v9, $0x10;
	v4 =	vadd.f32 v9, v4;
	v9 =	vld.idx.msk [tilespmem:v1+s13+$0xB0 ss:$0x1], $0xffff  }
0xbe: {  	v5 =	vadd.f32 v12, v5;
	v12 =	vshll.u32 v10, $0x10;
	v3 =	vadd.f32 v10, v3;
	v10 =	vld.idx.msk [tilespmem:v1+s13+$0xC0 ss:$0x1], $0xffff  }
0xbf: {  	v2 =	vadd.f32 v12, v2;
	v12 =	vshll.u32 v11, $0x10;
	v4 =	vadd.f32 v11, v4;
	v11 =	vld.idx.msk [tilespmem:v1+s13+$0xD0 ss:$0x1], $0xffff  }
0xc0: {  	v5 =	vadd.f32 v12, v5;
	v12 =	vshll.u32 v6, $0x10;
	v3 =	vadd.f32 v6, v3;
	v6 =	vld.idx.msk [tilespmem:v1+s13+$0xE0 ss:$0x1], $0xffff  }
0xc1: {  	v2 =	vadd.f32 v12, v2;
	v12 =	vshll.u32 v7, $0x10;
	v4 =	vadd.f32 v7, v4;
	v7 =	vld.idx.msk [tilespmem:v1+s13+$0xF0 ss:$0x1], $0xffff  }
0xc2: {  	v5 =	vadd.f32 v12, v5;
	v12 =	vshll.u32 v8, $0x10;
	v3 =	vadd.f32 v8, v3;
	v8 =	vld.idx.msk [tilespmem:v1+s13+$0x100 ss:$0x1], $0xffff  }
0xc3: {  	v2 =	vadd.f32 v12, v2;
	v12 =	vshll.u32 v9, $0x10;
	v4 =	vadd.f32 v9, v4;
	v9 =	vld.idx.msk [tilespmem:v1+s13+$0x110 ss:$0x1], $0xffff  }
0xc4: {  	v5 =	vadd.f32 v12, v5;
	v12 =	vshll.u32 v10, $0x10;
	v3 =	vadd.f32 v10, v3;
	v10 =	vld.idx.msk [tilespmem:v1+s13+$0x120 ss:$0x1], $0xffff  }
0xc5: {  	v2 =	vadd.f32 v12, v2;
	v12 =	vshll.u32 v11, $0x10;
	v4 =	vadd.f32 v11, v4;
	v11 =	vld.idx.msk [tilespmem:v1+s13+$0x130 ss:$0x1], $0xffff  }
0xc6: {  	v5 =	vadd.f32 v12, v5;
	v12 =	vshll.u32 v6, $0x10;
	v3 =	vadd.f32 v6, v3;
	v6 =	vld.idx.msk [tilespmem:v1+s13+$0x140 ss:$0x1], $0xffff  }
0xc7: {  	v2 =	vadd.f32 v12, v2;
	v12 =	vshll.u32 v7, $0x10;
	v4 =	vadd.f32 v7, v4;
	v7 =	vld.idx.msk [tilespmem:v1+s13+$0x150 ss:$0x1], $0xffff  }
0xc8: {  	v5 =	vadd.f32 v12, v5;
	v12 =	vshll.u32 v8, $0x10;
	v3 =	vadd.f32 v8, v3;
	v8 =	vld.idx.msk [tilespmem:v1+s13+$0x160 ss:$0x1], $0xffff  }
0xc9: {  	v2 =	vadd.f32 v12, v2;
	v12 =	vshll.u32 v9, $0x10;
	v4 =	vadd.f32 v9, v4;
	v9 =	vld.idx.msk [tilespmem:v1+s13+$0x170 ss:$0x1], $0xffff  }
0xca: {  	v5 =	vadd.f32 v12, v5;
	v12 =	vshll.u32 v10, $0x10;
	v3 =	vadd.f32 v10, v3;
	v10 =	vld.idx.msk [tilespmem:v1+s13+$0x180 ss:$0x1], $0xffff  }
0xcb: {  	v2 =	vadd.f32 v12, v2;
	v12 =	vshll.u32 v11, $0x10;
	v4 =	vadd.f32 v11, v4;
	v11 =	vld.idx.msk [tilespmem:v1+s13+$0x190 ss:$0x1], $0xffff  }
0xcc: {  	v5 =	vadd.f32 v12, v5;
	v12 =	vshll.u32 v6, $0x10;
	v3 =	vadd.f32 v6, v3;
	v6 =	vld.idx.msk [tilespmem:v1+s13+$0x1A0 ss:$0x1], $0xffff  }
0xcd: {  	v2 =	vadd.f32 v12, v2;
	v12 =	vshll.u32 v7, $0x10;
	v4 =	vadd.f32 v7, v4;
	v7 =	vld.idx.msk [tilespmem:v1+s13+$0x1B0 ss:$0x1], $0xffff  }
0xce: {  	v5 =	vadd.f32 v12, v5;
	v12 =	vshll.u32 v8, $0x10;
	v3 =	vadd.f32 v8, v3;
	v8 =	vld.idx.msk [tilespmem:v1+s13+$0x1C0 ss:$0x1], $0xffff  }
0xcf: {  	v2 =	vadd.f32 v12, v2;
	v12 =	vshll.u32 v9, $0x10;
	v4 =	vadd.f32 v9, v4;
	v9 =	vld.idx.msk [tilespmem:v1+s13+$0x1D0 ss:$0x1], $0xffff  }
0xd0: {  	v5 =	vadd.f32 v12, v5;
	v12 =	vshll.u32 v10, $0x10;
	v3 =	vadd.f32 v10, v3;
	v10 =	vld.idx.msk [tilespmem:v1+s13+$0x1E0 ss:$0x1], $0xffff  }
0xd1: {  	v2 =	vadd.f32 v12, v2;
	v12 =	vshll.u32 v11, $0x10;
	v4 =	vadd.f32 v11, v4;
	v11 =	vld.idx.msk [tilespmem:v1+s13+$0x1F0 ss:$0x1], $0xffff  }
0xd2: {  	v5 =	vadd.f32 v12, v5;
	v12 =	vshll.u32 v6, $0x10;
	v3 =	vadd.f32 v6, v3;
	v6 =	vld.idx.msk [tilespmem:v1+s13+$0x200 ss:$0x1], $0xffff  }
0xd3: {  	v2 =	vadd.f32 v12, v2;
	v12 =	vshll.u32 v7, $0x10;
	v4 =	vadd.f32 v7, v4;
	v7 =	vld.idx.msk [tilespmem:v1+s13+$0x210 ss:$0x1], $0xffff  }
0xd4: {  	v5 =	vadd.f32 v12, v5;
	v12 =	vshll.u32 v8, $0x10;
	v3 =	vadd.f32 v8, v3;
	v8 =	vld.idx.msk [tilespmem:v1+s13+$0x220 ss:$0x1], $0xffff  }
0xd5: {  	v2 =	vadd.f32 v12, v2;
	v12 =	vshll.u32 v9, $0x10;
	v4 =	vadd.f32 v9, v4;
	v9 =	vld.idx.msk [tilespmem:v1+s13+$0x230 ss:$0x1], $0xffff  }
0xd6: {  	v5 =	vadd.f32 v12, v5;
	v12 =	vshll.u32 v10, $0x10;
	v3 =	vadd.f32 v10, v3;
	v10 =	vld.idx.msk [tilespmem:v1+s13+$0x240 ss:$0x1], $0xffff  }
0xd7: {  	v2 =	vadd.f32 v12, v2;
	v12 =	vshll.u32 v11, $0x10;
	v4 =	vadd.f32 v11, v4;
	v11 =	vld.idx.msk [tilespmem:v1+s13+$0x250 ss:$0x1], $0xffff  }
0xd8: {  	v5 =	vadd.f32 v12, v5;
	v12 =	vshll.u32 v6, $0x10;
	v3 =	vadd.f32 v6, v3;
	v6 =	vld.idx.msk [tilespmem:v1+s13+$0x260 ss:$0x1], $0xffff  }
0xd9: {  	v2 =	vadd.f32 v12, v2;
	v12 =	vshll.u32 v7, $0x10;
	v4 =	vadd.f32 v7, v4;
	v7 =	vld.idx.msk [tilespmem:v1+s13+$0x270 ss:$0x1], $0xffff  }
0xda: {  	v5 =	vadd.f32 v12, v5;
	v12 =	vshll.u32 v8, $0x10;
	v3 =	vadd.f32 v8, v3  }
.Ltmp0:
0xdb: {  	v2 =	vadd.f32 v12, v2;
	v8 =	vshll.u32 v9, $0x10;
	v4 =	vadd.f32 v9, v4;
	(pc) =	sbr.rel @p1 .LBB2_4-.Ltmp0, $4  }
0xdc: {  	v5 =	vadd.f32 v8, v5;
	v8 =	vshll.u32 v10, $0x10;
	v3 =	vadd.f32 v10, v3  }
0xdd: {  	v2 =	vadd.f32 v8, v2;
	v8 =	vshll.u32 v11, $0x10;
	v4 =	vadd.f32 v11, v4  }
0xde: {  	v5 =	vadd.f32 v8, v5;
	v8 =	vshll.u32 v6, $0x10;
	v3 =	vadd.f32 v6, v3  }
0xdf: {  	v2 =	vadd.f32 v8, v2;
	v6 =	vshll.u32 v7, $0x10;
	v4 =	vadd.f32 v7, v4  }
0xe0: {  	[tilespmem:$0x14E50] =	vst v3  }
0xe1: {  	v1 =	vadd.f32 v6, v5;
	[tilespmem:$0x14E40] =	vst v2  }
0xe2: {  	s8 =	sshll.u32 s8, $0x6;
	[tilespmem:$0x14E70] =	vst v4  }
0xe3: {  	s8 =	sand.u32 $0x3FFFFFC0, s8;
	[tilespmem:$0x14E60] =	vst v1  }
0xe4: {  	[tilespmem:v0+s8+$0x0 ss:$0x1] =	vst.idx.msk $0xffff, v2  }
0xe5: {  	v1 =	vld [tilespmem:$0x14E50];
	_ =	sdelay $0x4  }
0xe6: {  	[tilespmem:v0+s8+$0x10 ss:$0x1] =	vst.idx.msk $0xffff, v1  }
0xe7: {  	v1 =	vld [tilespmem:$0x14E60];
	_ =	sdelay $0x4  }
0xe8: {  	[tilespmem:v0+s8+$0x20 ss:$0x1] =	vst.idx.msk $0xffff, v1  }
0xe9: {  	v1 =	vld [tilespmem:$0x14E70]  }
.Ltmp1:
0xea: {  	_ = 	snop;
	(pc) =	sbr.rel @p0 .LBB2_3-.Ltmp1, $2  }
0xeb: {  	_ =	sdelay $0x2  }
0xec: {  	p1 =	por $0x0, $0x0;
	[tilespmem:v0+s8+$0x30 ss:$0x1] =	vst.idx.msk $0xffff, v1;
	s8 =	simm.s32 $0x1  }
0xed: {  	s8 =	sadd.s32 s7, s9  }
0xee: {  	s8 =	smul.u32 $0xC8, s8;
	_ =	sdelay $0x1  }
0xef: {  	_ =	swait.ge [sflag:s24], $0x3200;
	s8 =	smin.u32 s8, $0x31FE70  }
0xf0: {  	[sflag:s24] =	ssyncset.done $0x0;
	s8 =	sshrl.u32 s8, $0x3  }
0xf1: {  	[sflag:s24] =	ssyncadd.s32 $0xFFFFCE00;
	s12 =	sadd.s32 s3, s8;
	s8 =	simm.s32 $0x0  }
0xf2: {  	[tilespmem:s8], [sflag:$0x5] =	stream.linear.gather [hbm4b:s12+s8], $0x190, $0x38;
	[tilespmem:$0x14E80] =	vst v63  }
0xf3: {  	_ =	swait.ge [sflag:s25], $0x190  }
0xf4: {  	[sflag:s25] =	ssyncset.done $0x0  }
0xf5: {  	p1 =	por $0x1, $0x1;
	[sflag:s25] =	ssyncadd.s32 $0xFFFFFE70  }
0xf6: {  	[tilespmem:s26], [sflag:$0x4] =	stream.indirect.gather [hbm4b:s4+s14], $0x20, s21, s14, $0xb8;
	[tilespmem:$0x14E80] =	vst v63  }
.LBB2_7:
0xf7: {  	s12 =	smul.u32 $0x6400, s8;
	_ =	sdelay $0x1  }
0xf8: {  	s12 =	sshra.s32 s12, $0x2  }
0xf9: {  	s12 =	sadd.s32 $0x3AC0, s12  }
0xfa: {  	v2 =	vimm.f32 $0.0e+00;
	v1 =	vmov s12  }
0xfb: {  	[tilespmem:$0x14E40] =	vst v2  }
0xfc: {  	[tilespmem:$0x14E50] =	vst v2  }
0xfd: {  	[tilespmem:$0x14E60] =	vst v2  }
0xfe: {  	s13 =	simm.s32 $0x0;
	[tilespmem:$0x14E70] =	vst v2  }
0xff: {  	v3 =	vld.idx.msk [tilespmem:v1+s13+$0xFFFFFD80 ss:$0x1], $0xffff  }
0x100: {  	v4 =	vld.idx.msk [tilespmem:v1+s13+$0xFFFFFD90 ss:$0x1], $0xffff  }
0x101: {  	v5 =	vld.idx.msk [tilespmem:v1+s13+$0xFFFFFDA0 ss:$0x1], $0xffff  }
0x102: {  	v6 =	vld.idx.msk [tilespmem:v1+s13+$0xFFFFFDB0 ss:$0x1], $0xffff  }
0x103: {  	v7 =	vld.idx.msk [tilespmem:v1+s13+$0xFFFFFDC0 ss:$0x1], $0xffff  }
0x104: {  	v8 =	vld.idx.msk [tilespmem:v1+s13+$0xFFFFFDD0 ss:$0x1], $0xffff;
	v9 =	vshll.u32 v3, $0x10;
	v3 =	vadd.f32 v3, v2  }
0x105: {  	v10 =	vld.idx.msk [tilespmem:v1+s13+$0xFFFFFDE0 ss:$0x1], $0xffff;
	v11 =	vshll.u32 v4, $0x10;
	v4 =	vadd.f32 v4, v2;
	v9 =	vadd.f32 v9, v2  }
0x106: {  	v12 =	vld.idx.msk [tilespmem:v1+s13+$0xFFFFFDF0 ss:$0x1], $0xffff;
	v16 =	vshll.u32 v5, $0x10;
	v2 =	vadd.f32 v11, v2;
	v3 =	vadd.f32 v5, v3  }
0x107: {  	v17 =	vshll.u32 v6, $0x10;
	v5 =	vld.idx.msk [tilespmem:v1+s13+$0xFFFFFE00 ss:$0x1], $0xffff;
	v4 =	vadd.f32 v6, v4;
	v9 =	vadd.f32 v16, v9  }
0x108: {  	v18 =	vshll.u32 v7, $0x10;
	v6 =	vld.idx.msk [tilespmem:v1+s13+$0xFFFFFE10 ss:$0x1], $0xffff;
	v2 =	vadd.f32 v17, v2;
	v3 =	vadd.f32 v7, v3  }
0x109: {  	v19 =	vshll.u32 v8, $0x10;
	v7 =	vld.idx.msk [tilespmem:v1+s13+$0xFFFFFE20 ss:$0x1], $0xffff;
	v4 =	vadd.f32 v8, v4;
	v9 =	vadd.f32 v18, v9  }
0x10a: {  	v20 =	vshll.u32 v10, $0x10;
	v8 =	vld.idx.msk [tilespmem:v1+s13+$0xFFFFFE30 ss:$0x1], $0xffff;
	v2 =	vadd.f32 v19, v2;
	v3 =	vadd.f32 v10, v3  }
0x10b: {  	v21 =	vld.idx.msk [tilespmem:v1+s13+$0xFFFFFE40 ss:$0x1], $0xffff;
	v22 =	vshll.u32 v12, $0x10;
	v4 =	vadd.f32 v12, v4;
	v9 =	vadd.f32 v20, v9  }
0x10c: {  	v23 =	vld.idx.msk [tilespmem:v1+s13+$0xFFFFFE50 ss:$0x1], $0xffff;
	v2 =	vadd.f32 v22, v2;
	v24 =	vshll.u32 v5, $0x10;
	v3 =	vadd.f32 v5, v3  }
0x10d: {  	v25 =	vshll.u32 v6, $0x10;
	v5 =	vld.idx.msk [tilespmem:v1+s13+$0xFFFFFE60 ss:$0x1], $0xffff;
	v4 =	vadd.f32 v6, v4;
	v9 =	vadd.f32 v24, v9  }
0x10e: {  	v6 =	vld.idx.msk [tilespmem:v1+s13+$0xFFFFFE70 ss:$0x1], $0xffff;
	v2 =	vadd.f32 v25, v2;
	v26 =	vshll.u32 v7, $0x10;
	v3 =	vadd.f32 v7, v3  }
0x10f: {  	v27 =	vshll.u32 v8, $0x10;
	v7 =	vld.idx.msk [tilespmem:v1+s13+$0xFFFFFE80 ss:$0x1], $0xffff;
	v4 =	vadd.f32 v8, v4;
	v9 =	vadd.f32 v26, v9  }
0x110: {  	v28 =	vshll.u32 v21, $0x10;
	v8 =	vld.idx.msk [tilespmem:v1+s13+$0xFFFFFE90 ss:$0x1], $0xffff;
	v2 =	vadd.f32 v27, v2;
	v3 =	vadd.f32 v21, v3  }
0x111: {  	v29 =	vld.idx.msk [tilespmem:v1+s13+$0xFFFFFEA0 ss:$0x1], $0xffff;
	v30 =	vshll.u32 v23, $0x10;
	v4 =	vadd.f32 v23, v4;
	v9 =	vadd.f32 v28, v9  }
0x112: {  	v31 =	vld.idx.msk [tilespmem:v1+s13+$0xFFFFFEB0 ss:$0x1], $0xffff;
	v2 =	vadd.f32 v30, v2;
	v32 =	vshll.u32 v5, $0x10;
	v3 =	vadd.f32 v5, v3  }
0x113: {  	v33 =	vshll.u32 v6, $0x10;
	v5 =	vld.idx.msk [tilespmem:v1+s13+$0xFFFFFEC0 ss:$0x1], $0xffff;
	v4 =	vadd.f32 v6, v4;
	v9 =	vadd.f32 v32, v9  }
0x114: {  	v6 =	vld.idx.msk [tilespmem:v1+s13+$0xFFFFFED0 ss:$0x1], $0xffff;
	v2 =	vadd.f32 v33, v2;
	v34 =	vshll.u32 v7, $0x10;
	v3 =	vadd.f32 v7, v3  }
0x115: {  	v35 =	vshll.u32 v8, $0x10;
	v7 =	vld.idx.msk [tilespmem:v1+s13+$0xFFFFFEE0 ss:$0x1], $0xffff;
	v4 =	vadd.f32 v8, v4;
	v9 =	vadd.f32 v34, v9  }
0x116: {  	v36 =	vshll.u32 v29, $0x10;
	v8 =	vld.idx.msk [tilespmem:v1+s13+$0xFFFFFEF0 ss:$0x1], $0xffff;
	v2 =	vadd.f32 v35, v2;
	v3 =	vadd.f32 v29, v3  }
0x117: {  	v37 =	vld.idx.msk [tilespmem:v1+s13+$0xFFFFFF00 ss:$0x1], $0xffff;
	v38 =	vshll.u32 v31, $0x10;
	v4 =	vadd.f32 v31, v4;
	v9 =	vadd.f32 v36, v9  }
0x118: {  	v39 =	vld.idx.msk [tilespmem:v1+s13+$0xFFFFFF10 ss:$0x1], $0xffff;
	v2 =	vadd.f32 v38, v2;
	v40 =	vshll.u32 v5, $0x10;
	v3 =	vadd.f32 v5, v3  }
0x119: {  	v41 =	vshll.u32 v6, $0x10;
	v5 =	vld.idx.msk [tilespmem:v1+s13+$0xFFFFFF20 ss:$0x1], $0xffff;
	v4 =	vadd.f32 v6, v4;
	v9 =	vadd.f32 v40, v9  }
0x11a: {  	v6 =	vld.idx.msk [tilespmem:v1+s13+$0xFFFFFF30 ss:$0x1], $0xffff;
	v2 =	vadd.f32 v41, v2;
	v42 =	vshll.u32 v7, $0x10;
	v3 =	vadd.f32 v7, v3  }
0x11b: {  	v43 =	vshll.u32 v8, $0x10;
	v7 =	vld.idx.msk [tilespmem:v1+s13+$0xFFFFFF40 ss:$0x1], $0xffff;
	v4 =	vadd.f32 v8, v4;
	v9 =	vadd.f32 v42, v9  }
0x11c: {  	v44 =	vshll.u32 v37, $0x10;
	v8 =	vld.idx.msk [tilespmem:v1+s13+$0xFFFFFF50 ss:$0x1], $0xffff;
	v2 =	vadd.f32 v43, v2;
	v3 =	vadd.f32 v37, v3  }
0x11d: {  	v45 =	vld.idx.msk [tilespmem:v1+s13+$0xFFFFFF60 ss:$0x1], $0xffff;
	v46 =	vshll.u32 v39, $0x10;
	v4 =	vadd.f32 v39, v4;
	v9 =	vadd.f32 v44, v9  }
0x11e: {  	v47 =	vld.idx.msk [tilespmem:v1+s13+$0xFFFFFF70 ss:$0x1], $0xffff;
	v2 =	vadd.f32 v46, v2;
	v48 =	vshll.u32 v5, $0x10;
	v3 =	vadd.f32 v5, v3  }
0x11f: {  	v49 =	vshll.u32 v6, $0x10;
	v5 =	vld.idx.msk [tilespmem:v1+s13+$0xFFFFFF80 ss:$0x1], $0xffff;
	v4 =	vadd.f32 v6, v4;
	v9 =	vadd.f32 v48, v9  }
0x120: {  	v6 =	vld.idx.msk [tilespmem:v1+s13+$0xFFFFFF90 ss:$0x1], $0xffff;
	v2 =	vadd.f32 v49, v2;
	v50 =	vshll.u32 v7, $0x10;
	v3 =	vadd.f32 v7, v3  }
0x121: {  	v51 =	vshll.u32 v8, $0x10;
	v7 =	vld.idx.msk [tilespmem:v1+s13+$0xFFFFFFA0 ss:$0x1], $0xffff;
	v4 =	vadd.f32 v8, v4;
	v9 =	vadd.f32 v50, v9  }
0x122: {  	v52 =	vshll.u32 v45, $0x10;
	v8 =	vld.idx.msk [tilespmem:v1+s13+$0xFFFFFFB0 ss:$0x1], $0xffff;
	v2 =	vadd.f32 v51, v2;
	v3 =	vadd.f32 v45, v3  }
0x123: {  	v53 =	vld.idx.msk [tilespmem:v1+s13+$0xFFFFFFC0 ss:$0x1], $0xffff;
	v54 =	vshll.u32 v47, $0x10;
	v4 =	vadd.f32 v47, v4;
	v9 =	vadd.f32 v52, v9  }
0x124: {  	v55 =	vld.idx.msk [tilespmem:v1+s13+$0xFFFFFFD0 ss:$0x1], $0xffff;
	v2 =	vadd.f32 v54, v2;
	v56 =	vshll.u32 v5, $0x10;
	v3 =	vadd.f32 v5, v3  }
0x125: {  	v57 =	vshll.u32 v6, $0x10;
	v5 =	vld.idx.msk [tilespmem:v1+s13+$0xFFFFFFE0 ss:$0x1], $0xffff;
	v4 =	vadd.f32 v6, v4;
	v9 =	vadd.f32 v56, v9  }
0x126: {  	v6 =	vld.idx.msk [tilespmem:v1+s13+$0xFFFFFFF0 ss:$0x1], $0xffff;
	v2 =	vadd.f32 v57, v2;
	v58 =	vshll.u32 v7, $0x10;
	v3 =	vadd.f32 v7, v3  }
0x127: {  	v59 =	vshll.u32 v8, $0x10;
	v7 =	vld.idx.msk [tilespmem:v1+s13+$0x0 ss:$0x1], $0xffff;
	v4 =	vadd.f32 v8, v4;
	v9 =	vadd.f32 v58, v9  }
0x128: {  	v60 =	vshll.u32 v53, $0x10;
	v8 =	vld.idx.msk [tilespmem:v1+s13+$0x10 ss:$0x1], $0xffff;
	v2 =	vadd.f32 v59, v2;
	v3 =	vadd.f32 v53, v3  }
0x129: {  	v61 =	vld.idx.msk [tilespmem:v1+s13+$0x20 ss:$0x1], $0xffff;
	v62 =	vshll.u32 v55, $0x10;
	v4 =	vadd.f32 v55, v4;
	v9 =	vadd.f32 v60, v9  }
0x12a: {  	v63 =	vld.idx.msk [tilespmem:v1+s13+$0x30 ss:$0x1], $0xffff;
	v2 =	vadd.f32 v62, v2;
	v14 =	vshll.u32 v5, $0x10;
	v3 =	vadd.f32 v5, v3  }
0x12b: {  	v15 =	vshll.u32 v6, $0x10;
	v5 =	vld.idx.msk [tilespmem:v1+s13+$0x40 ss:$0x1], $0xffff;
	v4 =	vadd.f32 v6, v4;
	v9 =	vadd.f32 v14, v9  }
0x12c: {  	v6 =	vld.idx.msk [tilespmem:v1+s13+$0x50 ss:$0x1], $0xffff;
	v2 =	vadd.f32 v15, v2;
	v16 =	vshll.u32 v7, $0x10;
	v3 =	vadd.f32 v7, v3  }
0x12d: {  	v17 =	vshll.u32 v8, $0x10;
	v7 =	vld.idx.msk [tilespmem:v1+s13+$0x60 ss:$0x1], $0xffff;
	v4 =	vadd.f32 v8, v4;
	v9 =	vadd.f32 v16, v9  }
0x12e: {  	v18 =	vshll.u32 v61, $0x10;
	v8 =	vld.idx.msk [tilespmem:v1+s13+$0x70 ss:$0x1], $0xffff;
	v2 =	vadd.f32 v17, v2;
	v3 =	vadd.f32 v61, v3  }
0x12f: {  	v19 =	vld.idx.msk [tilespmem:v1+s13+$0x80 ss:$0x1], $0xffff;
	v20 =	vshll.u32 v63, $0x10;
	v4 =	vadd.f32 v63, v4;
	v9 =	vadd.f32 v18, v9  }
0x130: {  	v21 =	vld.idx.msk [tilespmem:v1+s13+$0x90 ss:$0x1], $0xffff;
	v2 =	vadd.f32 v20, v2;
	v22 =	vshll.u32 v5, $0x10;
	v3 =	vadd.f32 v5, v3  }
0x131: {  	v23 =	vshll.u32 v6, $0x10;
	v5 =	vld.idx.msk [tilespmem:v1+s13+$0xA0 ss:$0x1], $0xffff;
	v4 =	vadd.f32 v6, v4;
	v9 =	vadd.f32 v22, v9  }
0x132: {  	v6 =	vld.idx.msk [tilespmem:v1+s13+$0xB0 ss:$0x1], $0xffff;
	v2 =	vadd.f32 v23, v2;
	v24 =	vshll.u32 v7, $0x10;
	v3 =	vadd.f32 v7, v3  }
0x133: {  	v25 =	vshll.u32 v8, $0x10;
	v7 =	vld.idx.msk [tilespmem:v1+s13+$0xC0 ss:$0x1], $0xffff;
	v4 =	vadd.f32 v8, v4;
	v9 =	vadd.f32 v24, v9  }
0x134: {  	v26 =	vshll.u32 v19, $0x10;
	v8 =	vld.idx.msk [tilespmem:v1+s13+$0xD0 ss:$0x1], $0xffff;
	v2 =	vadd.f32 v25, v2;
	v3 =	vadd.f32 v19, v3  }
0x135: {  	v27 =	vld.idx.msk [tilespmem:v1+s13+$0xE0 ss:$0x1], $0xffff;
	v28 =	vshll.u32 v21, $0x10;
	v4 =	vadd.f32 v21, v4;
	v9 =	vadd.f32 v26, v9  }
0x136: {  	v29 =	vld.idx.msk [tilespmem:v1+s13+$0xF0 ss:$0x1], $0xffff;
	v2 =	vadd.f32 v28, v2;
	v30 =	vshll.u32 v5, $0x10;
	v3 =	vadd.f32 v5, v3  }
0x137: {  	v31 =	vshll.u32 v6, $0x10;
	v5 =	vld.idx.msk [tilespmem:v1+s13+$0x100 ss:$0x1], $0xffff;
	v4 =	vadd.f32 v6, v4;
	v9 =	vadd.f32 v30, v9  }
0x138: {  	v6 =	vld.idx.msk [tilespmem:v1+s13+$0x110 ss:$0x1], $0xffff;
	v2 =	vadd.f32 v31, v2;
	v32 =	vshll.u32 v7, $0x10;
	v3 =	vadd.f32 v7, v3  }
0x139: {  	v33 =	vshll.u32 v8, $0x10;
	v7 =	vld.idx.msk [tilespmem:v1+s13+$0x120 ss:$0x1], $0xffff;
	v4 =	vadd.f32 v8, v4;
	v9 =	vadd.f32 v32, v9  }
0x13a: {  	v34 =	vshll.u32 v27, $0x10;
	v8 =	vld.idx.msk [tilespmem:v1+s13+$0x130 ss:$0x1], $0xffff;
	v2 =	vadd.f32 v33, v2;
	v3 =	vadd.f32 v27, v3  }
0x13b: {  	v35 =	vld.idx.msk [tilespmem:v1+s13+$0x140 ss:$0x1], $0xffff;
	v36 =	vshll.u32 v29, $0x10;
	v4 =	vadd.f32 v29, v4;
	v9 =	vadd.f32 v34, v9  }
0x13c: {  	v37 =	vld.idx.msk [tilespmem:v1+s13+$0x150 ss:$0x1], $0xffff;
	v2 =	vadd.f32 v36, v2;
	v38 =	vshll.u32 v5, $0x10;
	v3 =	vadd.f32 v5, v3  }
0x13d: {  	v39 =	vshll.u32 v6, $0x10;
	v5 =	vld.idx.msk [tilespmem:v1+s13+$0x160 ss:$0x1], $0xffff;
	v4 =	vadd.f32 v6, v4;
	v9 =	vadd.f32 v38, v9  }
0x13e: {  	v6 =	vld.idx.msk [tilespmem:v1+s13+$0x170 ss:$0x1], $0xffff;
	v2 =	vadd.f32 v39, v2;
	v40 =	vshll.u32 v7, $0x10;
	v3 =	vadd.f32 v7, v3  }
0x13f: {  	v41 =	vshll.u32 v8, $0x10;
	v7 =	vld.idx.msk [tilespmem:v1+s13+$0x180 ss:$0x1], $0xffff;
	v4 =	vadd.f32 v8, v4;
	v9 =	vadd.f32 v40, v9  }
0x140: {  	v42 =	vshll.u32 v35, $0x10;
	v8 =	vld.idx.msk [tilespmem:v1+s13+$0x190 ss:$0x1], $0xffff;
	v2 =	vadd.f32 v41, v2;
	v3 =	vadd.f32 v35, v3  }
0x141: {  	v43 =	vld.idx.msk [tilespmem:v1+s13+$0x1A0 ss:$0x1], $0xffff;
	v44 =	vshll.u32 v37, $0x10;
	v4 =	vadd.f32 v37, v4;
	v9 =	vadd.f32 v42, v9  }
0x142: {  	v45 =	vld.idx.msk [tilespmem:v1+s13+$0x1B0 ss:$0x1], $0xffff;
	v2 =	vadd.f32 v44, v2;
	v46 =	vshll.u32 v5, $0x10;
	v3 =	vadd.f32 v5, v3  }
0x143: {  	v47 =	vshll.u32 v6, $0x10;
	v5 =	vld.idx.msk [tilespmem:v1+s13+$0x1C0 ss:$0x1], $0xffff;
	v4 =	vadd.f32 v6, v4;
	v9 =	vadd.f32 v46, v9  }
0x144: {  	v6 =	vld.idx.msk [tilespmem:v1+s13+$0x1D0 ss:$0x1], $0xffff;
	v2 =	vadd.f32 v47, v2;
	v48 =	vshll.u32 v7, $0x10;
	v3 =	vadd.f32 v7, v3  }
0x145: {  	v49 =	vshll.u32 v8, $0x10;
	v7 =	vld.idx.msk [tilespmem:v1+s13+$0x1E0 ss:$0x1], $0xffff;
	v4 =	vadd.f32 v8, v4;
	v9 =	vadd.f32 v48, v9  }
0x146: {  	v50 =	vshll.u32 v43, $0x10;
	v8 =	vld.idx.msk [tilespmem:v1+s13+$0x1F0 ss:$0x1], $0xffff;
	v2 =	vadd.f32 v49, v2;
	v3 =	vadd.f32 v43, v3  }
0x147: {  	v51 =	vld.idx.msk [tilespmem:v1+s13+$0x200 ss:$0x1], $0xffff;
	v52 =	vshll.u32 v45, $0x10;
	v4 =	vadd.f32 v45, v4;
	v9 =	vadd.f32 v50, v9  }
0x148: {  	v53 =	vld.idx.msk [tilespmem:v1+s13+$0x210 ss:$0x1], $0xffff;
	v2 =	vadd.f32 v52, v2;
	v54 =	vshll.u32 v5, $0x10;
	v3 =	vadd.f32 v5, v3  }
0x149: {  	v55 =	vshll.u32 v6, $0x10;
	v5 =	vld.idx.msk [tilespmem:v1+s13+$0x220 ss:$0x1], $0xffff;
	v4 =	vadd.f32 v6, v4;
	v9 =	vadd.f32 v54, v9  }
0x14a: {  	v6 =	vld.idx.msk [tilespmem:v1+s13+$0x230 ss:$0x1], $0xffff;
	v2 =	vadd.f32 v55, v2;
	v56 =	vshll.u32 v7, $0x10;
	v3 =	vadd.f32 v7, v3  }
0x14b: {  	v57 =	vshll.u32 v8, $0x10;
	v7 =	vld.idx.msk [tilespmem:v1+s13+$0x240 ss:$0x1], $0xffff;
	v4 =	vadd.f32 v8, v4;
	v9 =	vadd.f32 v56, v9  }
0x14c: {  	v58 =	vshll.u32 v51, $0x10;
	v8 =	vld.idx.msk [tilespmem:v1+s13+$0x250 ss:$0x1], $0xffff;
	v2 =	vadd.f32 v57, v2;
	v3 =	vadd.f32 v51, v3  }
0x14d: {  	v59 =	vld.idx.msk [tilespmem:v1+s13+$0x260 ss:$0x1], $0xffff;
	v60 =	vshll.u32 v53, $0x10;
	v4 =	vadd.f32 v53, v4;
	v9 =	vadd.f32 v58, v9  }
0x14e: {  	v61 =	vld.idx.msk [tilespmem:v1+s13+$0x270 ss:$0x1], $0xffff;
	v2 =	vadd.f32 v60, v2;
	v62 =	vshll.u32 v5, $0x10;
	v3 =	vadd.f32 v5, v3  }
0x14f: {  	v63 =	vshll.u32 v6, $0x10;
	v4 =	vadd.f32 v6, v4;
	v5 =	vadd.f32 v62, v9  }
0x150: {  	v2 =	vadd.f32 v63, v2;
	v6 =	vshll.u32 v7, $0x10;
	v3 =	vadd.f32 v7, v3  }
0x151: {  	v4 =	vadd.f32 v8, v4;
	v6 =	vadd.f32 v6, v5;
	v5 =	vshll.u32 v8, $0x10  }
0x152: {  	v5 =	vadd.f32 v5, v2;
	v2 =	vshll.u32 v59, $0x10;
	v3 =	vadd.f32 v59, v3  }
0x153: {  	p0 =	por p1, p1;
	s12 =	simm.s32 $0x1400;
	v4 =	vadd.f32 v61, v4;
	v2 =	vadd.f32 v2, v6;
	v6 =	vshll.u32 v61, $0x10  }
.LBB2_8:
0x154: {  	p1 =	sne.s32 s12, $0x5000;
	v5 =	vadd.f32 v6, v5;
	[tilespmem:$0x14E50] =	vst v3;
	s13 =	smov.u32 s12;
	s12 =	sadd.s32 $0x1400, s12  }
0x155: {  	[tilespmem:$0x14E40] =	vst v2  }
0x156: {  	s13 =	sshra.s32 s13, $0x2;
	[tilespmem:$0x14E60] =	vst v5  }
0x157: {  	[tilespmem:$0x14E70] =	vst v4  }
0x158: {  	v6 =	vld.idx.msk [tilespmem:v1+s13+$0xFFFFFD80 ss:$0x1], $0xffff  }
0x159: {  	v7 =	vld.idx.msk [tilespmem:v1+s13+$0xFFFFFD90 ss:$0x1], $0xffff  }
0x15a: {  	v8 =	vld.idx.msk [tilespmem:v1+s13+$0xFFFFFDA0 ss:$0x1], $0xffff  }
0x15b: {  	v9 =	vld.idx.msk [tilespmem:v1+s13+$0xFFFFFDB0 ss:$0x1], $0xffff  }
0x15c: {  	v10 =	vld.idx.msk [tilespmem:v1+s13+$0xFFFFFDC0 ss:$0x1], $0xffff  }
0x15d: {  	v11 =	vld.idx.msk [tilespmem:v1+s13+$0xFFFFFDD0 ss:$0x1], $0xffff  }
0x15e: {  	v12 =	vshll.u32 v6, $0x10;
	v3 =	vadd.f32 v6, v3;
	v6 =	vld.idx.msk [tilespmem:v1+s13+$0xFFFFFDE0 ss:$0x1], $0xffff  }
0x15f: {  	v2 =	vadd.f32 v12, v2;
	v12 =	vshll.u32 v7, $0x10;
	v4 =	vadd.f32 v7, v4;
	v7 =	vld.idx.msk [tilespmem:v1+s13+$0xFFFFFDF0 ss:$0x1], $0xffff  }
0x160: {  	v5 =	vadd.f32 v12, v5;
	v12 =	vshll.u32 v8, $0x10;
	v3 =	vadd.f32 v8, v3;
	v8 =	vld.idx.msk [tilespmem:v1+s13+$0xFFFFFE00 ss:$0x1], $0xffff  }
0x161: {  	v2 =	vadd.f32 v12, v2;
	v12 =	vshll.u32 v9, $0x10;
	v4 =	vadd.f32 v9, v4;
	v9 =	vld.idx.msk [tilespmem:v1+s13+$0xFFFFFE10 ss:$0x1], $0xffff  }
0x162: {  	v5 =	vadd.f32 v12, v5;
	v12 =	vshll.u32 v10, $0x10;
	v3 =	vadd.f32 v10, v3;
	v10 =	vld.idx.msk [tilespmem:v1+s13+$0xFFFFFE20 ss:$0x1], $0xffff  }
0x163: {  	v2 =	vadd.f32 v12, v2;
	v12 =	vshll.u32 v11, $0x10;
	v4 =	vadd.f32 v11, v4;
	v11 =	vld.idx.msk [tilespmem:v1+s13+$0xFFFFFE30 ss:$0x1], $0xffff  }
0x164: {  	v5 =	vadd.f32 v12, v5;
	v12 =	vshll.u32 v6, $0x10;
	v3 =	vadd.f32 v6, v3;
	v6 =	vld.idx.msk [tilespmem:v1+s13+$0xFFFFFE40 ss:$0x1], $0xffff  }
0x165: {  	v2 =	vadd.f32 v12, v2;
	v12 =	vshll.u32 v7, $0x10;
	v4 =	vadd.f32 v7, v4;
	v7 =	vld.idx.msk [tilespmem:v1+s13+$0xFFFFFE50 ss:$0x1], $0xffff  }
0x166: {  	v5 =	vadd.f32 v12, v5;
	v12 =	vshll.u32 v8, $0x10;
	v3 =	vadd.f32 v8, v3;
	v8 =	vld.idx.msk [tilespmem:v1+s13+$0xFFFFFE60 ss:$0x1], $0xffff  }
0x167: {  	v2 =	vadd.f32 v12, v2;
	v12 =	vshll.u32 v9, $0x10;
	v4 =	vadd.f32 v9, v4;
	v9 =	vld.idx.msk [tilespmem:v1+s13+$0xFFFFFE70 ss:$0x1], $0xffff  }
0x168: {  	v5 =	vadd.f32 v12, v5;
	v12 =	vshll.u32 v10, $0x10;
	v3 =	vadd.f32 v10, v3;
	v10 =	vld.idx.msk [tilespmem:v1+s13+$0xFFFFFE80 ss:$0x1], $0xffff  }
0x169: {  	v2 =	vadd.f32 v12, v2;
	v12 =	vshll.u32 v11, $0x10;
	v4 =	vadd.f32 v11, v4;
	v11 =	vld.idx.msk [tilespmem:v1+s13+$0xFFFFFE90 ss:$0x1], $0xffff  }
0x16a: {  	v5 =	vadd.f32 v12, v5;
	v12 =	vshll.u32 v6, $0x10;
	v3 =	vadd.f32 v6, v3;
	v6 =	vld.idx.msk [tilespmem:v1+s13+$0xFFFFFEA0 ss:$0x1], $0xffff  }
0x16b: {  	v2 =	vadd.f32 v12, v2;
	v12 =	vshll.u32 v7, $0x10;
	v4 =	vadd.f32 v7, v4;
	v7 =	vld.idx.msk [tilespmem:v1+s13+$0xFFFFFEB0 ss:$0x1], $0xffff  }
0x16c: {  	v5 =	vadd.f32 v12, v5;
	v12 =	vshll.u32 v8, $0x10;
	v3 =	vadd.f32 v8, v3;
	v8 =	vld.idx.msk [tilespmem:v1+s13+$0xFFFFFEC0 ss:$0x1], $0xffff  }
0x16d: {  	v2 =	vadd.f32 v12, v2;
	v12 =	vshll.u32 v9, $0x10;
	v4 =	vadd.f32 v9, v4;
	v9 =	vld.idx.msk [tilespmem:v1+s13+$0xFFFFFED0 ss:$0x1], $0xffff  }
0x16e: {  	v5 =	vadd.f32 v12, v5;
	v12 =	vshll.u32 v10, $0x10;
	v3 =	vadd.f32 v10, v3;
	v10 =	vld.idx.msk [tilespmem:v1+s13+$0xFFFFFEE0 ss:$0x1], $0xffff  }
0x16f: {  	v2 =	vadd.f32 v12, v2;
	v12 =	vshll.u32 v11, $0x10;
	v4 =	vadd.f32 v11, v4;
	v11 =	vld.idx.msk [tilespmem:v1+s13+$0xFFFFFEF0 ss:$0x1], $0xffff  }
0x170: {  	v5 =	vadd.f32 v12, v5;
	v12 =	vshll.u32 v6, $0x10;
	v3 =	vadd.f32 v6, v3;
	v6 =	vld.idx.msk [tilespmem:v1+s13+$0xFFFFFF00 ss:$0x1], $0xffff  }
0x171: {  	v2 =	vadd.f32 v12, v2;
	v12 =	vshll.u32 v7, $0x10;
	v4 =	vadd.f32 v7, v4;
	v7 =	vld.idx.msk [tilespmem:v1+s13+$0xFFFFFF10 ss:$0x1], $0xffff  }
0x172: {  	v5 =	vadd.f32 v12, v5;
	v12 =	vshll.u32 v8, $0x10;
	v3 =	vadd.f32 v8, v3;
	v8 =	vld.idx.msk [tilespmem:v1+s13+$0xFFFFFF20 ss:$0x1], $0xffff  }
0x173: {  	v2 =	vadd.f32 v12, v2;
	v12 =	vshll.u32 v9, $0x10;
	v4 =	vadd.f32 v9, v4;
	v9 =	vld.idx.msk [tilespmem:v1+s13+$0xFFFFFF30 ss:$0x1], $0xffff  }
0x174: {  	v5 =	vadd.f32 v12, v5;
	v12 =	vshll.u32 v10, $0x10;
	v3 =	vadd.f32 v10, v3;
	v10 =	vld.idx.msk [tilespmem:v1+s13+$0xFFFFFF40 ss:$0x1], $0xffff  }
0x175: {  	v2 =	vadd.f32 v12, v2;
	v12 =	vshll.u32 v11, $0x10;
	v4 =	vadd.f32 v11, v4;
	v11 =	vld.idx.msk [tilespmem:v1+s13+$0xFFFFFF50 ss:$0x1], $0xffff  }
0x176: {  	v5 =	vadd.f32 v12, v5;
	v12 =	vshll.u32 v6, $0x10;
	v3 =	vadd.f32 v6, v3;
	v6 =	vld.idx.msk [tilespmem:v1+s13+$0xFFFFFF60 ss:$0x1], $0xffff  }
0x177: {  	v2 =	vadd.f32 v12, v2;
	v12 =	vshll.u32 v7, $0x10;
	v4 =	vadd.f32 v7, v4;
	v7 =	vld.idx.msk [tilespmem:v1+s13+$0xFFFFFF70 ss:$0x1], $0xffff  }
0x178: {  	v5 =	vadd.f32 v12, v5;
	v12 =	vshll.u32 v8, $0x10;
	v3 =	vadd.f32 v8, v3;
	v8 =	vld.idx.msk [tilespmem:v1+s13+$0xFFFFFF80 ss:$0x1], $0xffff  }
0x179: {  	v2 =	vadd.f32 v12, v2;
	v12 =	vshll.u32 v9, $0x10;
	v4 =	vadd.f32 v9, v4;
	v9 =	vld.idx.msk [tilespmem:v1+s13+$0xFFFFFF90 ss:$0x1], $0xffff  }
0x17a: {  	v5 =	vadd.f32 v12, v5;
	v12 =	vshll.u32 v10, $0x10;
	v3 =	vadd.f32 v10, v3;
	v10 =	vld.idx.msk [tilespmem:v1+s13+$0xFFFFFFA0 ss:$0x1], $0xffff  }
0x17b: {  	v2 =	vadd.f32 v12, v2;
	v12 =	vshll.u32 v11, $0x10;
	v4 =	vadd.f32 v11, v4;
	v11 =	vld.idx.msk [tilespmem:v1+s13+$0xFFFFFFB0 ss:$0x1], $0xffff  }
0x17c: {  	v5 =	vadd.f32 v12, v5;
	v12 =	vshll.u32 v6, $0x10;
	v3 =	vadd.f32 v6, v3;
	v6 =	vld.idx.msk [tilespmem:v1+s13+$0xFFFFFFC0 ss:$0x1], $0xffff  }
0x17d: {  	v2 =	vadd.f32 v12, v2;
	v12 =	vshll.u32 v7, $0x10;
	v4 =	vadd.f32 v7, v4;
	v7 =	vld.idx.msk [tilespmem:v1+s13+$0xFFFFFFD0 ss:$0x1], $0xffff  }
0x17e: {  	v5 =	vadd.f32 v12, v5;
	v12 =	vshll.u32 v8, $0x10;
	v3 =	vadd.f32 v8, v3;
	v8 =	vld.idx.msk [tilespmem:v1+s13+$0xFFFFFFE0 ss:$0x1], $0xffff  }
0x17f: {  	v2 =	vadd.f32 v12, v2;
	v12 =	vshll.u32 v9, $0x10;
	v4 =	vadd.f32 v9, v4;
	v9 =	vld.idx.msk [tilespmem:v1+s13+$0xFFFFFFF0 ss:$0x1], $0xffff  }
0x180: {  	v5 =	vadd.f32 v12, v5;
	v12 =	vshll.u32 v10, $0x10;
	v3 =	vadd.f32 v10, v3;
	v10 =	vld.idx.msk [tilespmem:v1+s13+$0x0 ss:$0x1], $0xffff  }
0x181: {  	v2 =	vadd.f32 v12, v2;
	v12 =	vshll.u32 v11, $0x10;
	v4 =	vadd.f32 v11, v4;
	v11 =	vld.idx.msk [tilespmem:v1+s13+$0x10 ss:$0x1], $0xffff  }
0x182: {  	v5 =	vadd.f32 v12, v5;
	v12 =	vshll.u32 v6, $0x10;
	v3 =	vadd.f32 v6, v3;
	v6 =	vld.idx.msk [tilespmem:v1+s13+$0x20 ss:$0x1], $0xffff  }
0x183: {  	v2 =	vadd.f32 v12, v2;
	v12 =	vshll.u32 v7, $0x10;
	v4 =	vadd.f32 v7, v4;
	v7 =	vld.idx.msk [tilespmem:v1+s13+$0x30 ss:$0x1], $0xffff  }
0x184: {  	v5 =	vadd.f32 v12, v5;
	v12 =	vshll.u32 v8, $0x10;
	v3 =	vadd.f32 v8, v3;
	v8 =	vld.idx.msk [tilespmem:v1+s13+$0x40 ss:$0x1], $0xffff  }
0x185: {  	v2 =	vadd.f32 v12, v2;
	v12 =	vshll.u32 v9, $0x10;
	v4 =	vadd.f32 v9, v4;
	v9 =	vld.idx.msk [tilespmem:v1+s13+$0x50 ss:$0x1], $0xffff  }
0x186: {  	v5 =	vadd.f32 v12, v5;
	v12 =	vshll.u32 v10, $0x10;
	v3 =	vadd.f32 v10, v3;
	v10 =	vld.idx.msk [tilespmem:v1+s13+$0x60 ss:$0x1], $0xffff  }
0x187: {  	v2 =	vadd.f32 v12, v2;
	v12 =	vshll.u32 v11, $0x10;
	v4 =	vadd.f32 v11, v4;
	v11 =	vld.idx.msk [tilespmem:v1+s13+$0x70 ss:$0x1], $0xffff  }
0x188: {  	v5 =	vadd.f32 v12, v5;
	v12 =	vshll.u32 v6, $0x10;
	v3 =	vadd.f32 v6, v3;
	v6 =	vld.idx.msk [tilespmem:v1+s13+$0x80 ss:$0x1], $0xffff  }
0x189: {  	v2 =	vadd.f32 v12, v2;
	v12 =	vshll.u32 v7, $0x10;
	v4 =	vadd.f32 v7, v4;
	v7 =	vld.idx.msk [tilespmem:v1+s13+$0x90 ss:$0x1], $0xffff  }
0x18a: {  	v5 =	vadd.f32 v12, v5;
	v12 =	vshll.u32 v8, $0x10;
	v3 =	vadd.f32 v8, v3;
	v8 =	vld.idx.msk [tilespmem:v1+s13+$0xA0 ss:$0x1], $0xffff  }
0x18b: {  	v2 =	vadd.f32 v12, v2;
	v12 =	vshll.u32 v9, $0x10;
	v4 =	vadd.f32 v9, v4;
	v9 =	vld.idx.msk [tilespmem:v1+s13+$0xB0 ss:$0x1], $0xffff  }
0x18c: {  	v5 =	vadd.f32 v12, v5;
	v12 =	vshll.u32 v10, $0x10;
	v3 =	vadd.f32 v10, v3;
	v10 =	vld.idx.msk [tilespmem:v1+s13+$0xC0 ss:$0x1], $0xffff  }
0x18d: {  	v2 =	vadd.f32 v12, v2;
	v12 =	vshll.u32 v11, $0x10;
	v4 =	vadd.f32 v11, v4;
	v11 =	vld.idx.msk [tilespmem:v1+s13+$0xD0 ss:$0x1], $0xffff  }
0x18e: {  	v5 =	vadd.f32 v12, v5;
	v12 =	vshll.u32 v6, $0x10;
	v3 =	vadd.f32 v6, v3;
	v6 =	vld.idx.msk [tilespmem:v1+s13+$0xE0 ss:$0x1], $0xffff  }
0x18f: {  	v2 =	vadd.f32 v12, v2;
	v12 =	vshll.u32 v7, $0x10;
	v4 =	vadd.f32 v7, v4;
	v7 =	vld.idx.msk [tilespmem:v1+s13+$0xF0 ss:$0x1], $0xffff  }
0x190: {  	v5 =	vadd.f32 v12, v5;
	v12 =	vshll.u32 v8, $0x10;
	v3 =	vadd.f32 v8, v3;
	v8 =	vld.idx.msk [tilespmem:v1+s13+$0x100 ss:$0x1], $0xffff  }
0x191: {  	v2 =	vadd.f32 v12, v2;
	v12 =	vshll.u32 v9, $0x10;
	v4 =	vadd.f32 v9, v4;
	v9 =	vld.idx.msk [tilespmem:v1+s13+$0x110 ss:$0x1], $0xffff  }
0x192: {  	v5 =	vadd.f32 v12, v5;
	v12 =	vshll.u32 v10, $0x10;
	v3 =	vadd.f32 v10, v3;
	v10 =	vld.idx.msk [tilespmem:v1+s13+$0x120 ss:$0x1], $0xffff  }
0x193: {  	v2 =	vadd.f32 v12, v2;
	v12 =	vshll.u32 v11, $0x10;
	v4 =	vadd.f32 v11, v4;
	v11 =	vld.idx.msk [tilespmem:v1+s13+$0x130 ss:$0x1], $0xffff  }
0x194: {  	v5 =	vadd.f32 v12, v5;
	v12 =	vshll.u32 v6, $0x10;
	v3 =	vadd.f32 v6, v3;
	v6 =	vld.idx.msk [tilespmem:v1+s13+$0x140 ss:$0x1], $0xffff  }
0x195: {  	v2 =	vadd.f32 v12, v2;
	v12 =	vshll.u32 v7, $0x10;
	v4 =	vadd.f32 v7, v4;
	v7 =	vld.idx.msk [tilespmem:v1+s13+$0x150 ss:$0x1], $0xffff  }
0x196: {  	v5 =	vadd.f32 v12, v5;
	v12 =	vshll.u32 v8, $0x10;
	v3 =	vadd.f32 v8, v3;
	v8 =	vld.idx.msk [tilespmem:v1+s13+$0x160 ss:$0x1], $0xffff  }
0x197: {  	v2 =	vadd.f32 v12, v2;
	v12 =	vshll.u32 v9, $0x10;
	v4 =	vadd.f32 v9, v4;
	v9 =	vld.idx.msk [tilespmem:v1+s13+$0x170 ss:$0x1], $0xffff  }
0x198: {  	v5 =	vadd.f32 v12, v5;
	v12 =	vshll.u32 v10, $0x10;
	v3 =	vadd.f32 v10, v3;
	v10 =	vld.idx.msk [tilespmem:v1+s13+$0x180 ss:$0x1], $0xffff  }
0x199: {  	v2 =	vadd.f32 v12, v2;
	v12 =	vshll.u32 v11, $0x10;
	v4 =	vadd.f32 v11, v4;
	v11 =	vld.idx.msk [tilespmem:v1+s13+$0x190 ss:$0x1], $0xffff  }
0x19a: {  	v5 =	vadd.f32 v12, v5;
	v12 =	vshll.u32 v6, $0x10;
	v3 =	vadd.f32 v6, v3;
	v6 =	vld.idx.msk [tilespmem:v1+s13+$0x1A0 ss:$0x1], $0xffff  }
0x19b: {  	v2 =	vadd.f32 v12, v2;
	v12 =	vshll.u32 v7, $0x10;
	v4 =	vadd.f32 v7, v4;
	v7 =	vld.idx.msk [tilespmem:v1+s13+$0x1B0 ss:$0x1], $0xffff  }
0x19c: {  	v5 =	vadd.f32 v12, v5;
	v12 =	vshll.u32 v8, $0x10;
	v3 =	vadd.f32 v8, v3;
	v8 =	vld.idx.msk [tilespmem:v1+s13+$0x1C0 ss:$0x1], $0xffff  }
0x19d: {  	v2 =	vadd.f32 v12, v2;
	v12 =	vshll.u32 v9, $0x10;
	v4 =	vadd.f32 v9, v4;
	v9 =	vld.idx.msk [tilespmem:v1+s13+$0x1D0 ss:$0x1], $0xffff  }
0x19e: {  	v5 =	vadd.f32 v12, v5;
	v12 =	vshll.u32 v10, $0x10;
	v3 =	vadd.f32 v10, v3;
	v10 =	vld.idx.msk [tilespmem:v1+s13+$0x1E0 ss:$0x1], $0xffff  }
0x19f: {  	v2 =	vadd.f32 v12, v2;
	v12 =	vshll.u32 v11, $0x10;
	v4 =	vadd.f32 v11, v4;
	v11 =	vld.idx.msk [tilespmem:v1+s13+$0x1F0 ss:$0x1], $0xffff  }
0x1a0: {  	v5 =	vadd.f32 v12, v5;
	v12 =	vshll.u32 v6, $0x10;
	v3 =	vadd.f32 v6, v3;
	v6 =	vld.idx.msk [tilespmem:v1+s13+$0x200 ss:$0x1], $0xffff  }
0x1a1: {  	v2 =	vadd.f32 v12, v2;
	v12 =	vshll.u32 v7, $0x10;
	v4 =	vadd.f32 v7, v4;
	v7 =	vld.idx.msk [tilespmem:v1+s13+$0x210 ss:$0x1], $0xffff  }
0x1a2: {  	v5 =	vadd.f32 v12, v5;
	v12 =	vshll.u32 v8, $0x10;
	v3 =	vadd.f32 v8, v3;
	v8 =	vld.idx.msk [tilespmem:v1+s13+$0x220 ss:$0x1], $0xffff  }
0x1a3: {  	v2 =	vadd.f32 v12, v2;
	v12 =	vshll.u32 v9, $0x10;
	v4 =	vadd.f32 v9, v4;
	v9 =	vld.idx.msk [tilespmem:v1+s13+$0x230 ss:$0x1], $0xffff  }
0x1a4: {  	v5 =	vadd.f32 v12, v5;
	v12 =	vshll.u32 v10, $0x10;
	v3 =	vadd.f32 v10, v3;
	v10 =	vld.idx.msk [tilespmem:v1+s13+$0x240 ss:$0x1], $0xffff  }
0x1a5: {  	v2 =	vadd.f32 v12, v2;
	v12 =	vshll.u32 v11, $0x10;
	v4 =	vadd.f32 v11, v4;
	v11 =	vld.idx.msk [tilespmem:v1+s13+$0x250 ss:$0x1], $0xffff  }
0x1a6: {  	v5 =	vadd.f32 v12, v5;
	v12 =	vshll.u32 v6, $0x10;
	v3 =	vadd.f32 v6, v3;
	v6 =	vld.idx.msk [tilespmem:v1+s13+$0x260 ss:$0x1], $0xffff  }
0x1a7: {  	v2 =	vadd.f32 v12, v2;
	v12 =	vshll.u32 v7, $0x10;
	v4 =	vadd.f32 v7, v4;
	v7 =	vld.idx.msk [tilespmem:v1+s13+$0x270 ss:$0x1], $0xffff  }
0x1a8: {  	v5 =	vadd.f32 v12, v5;
	v12 =	vshll.u32 v8, $0x10;
	v3 =	vadd.f32 v8, v3  }
.Ltmp2:
0x1a9: {  	v2 =	vadd.f32 v12, v2;
	v8 =	vshll.u32 v9, $0x10;
	v4 =	vadd.f32 v9, v4;
	(pc) =	sbr.rel @p1 .LBB2_8-.Ltmp2, $4  }
0x1aa: {  	v5 =	vadd.f32 v8, v5;
	v8 =	vshll.u32 v10, $0x10;
	v3 =	vadd.f32 v10, v3  }
0x1ab: {  	v2 =	vadd.f32 v8, v2;
	v8 =	vshll.u32 v11, $0x10;
	v4 =	vadd.f32 v11, v4  }
0x1ac: {  	v5 =	vadd.f32 v8, v5;
	v8 =	vshll.u32 v6, $0x10;
	v3 =	vadd.f32 v6, v3  }
0x1ad: {  	v2 =	vadd.f32 v8, v2;
	v6 =	vshll.u32 v7, $0x10;
	v4 =	vadd.f32 v7, v4  }
0x1ae: {  	[tilespmem:$0x14E50] =	vst v3  }
0x1af: {  	v1 =	vadd.f32 v6, v5;
	[tilespmem:$0x14E40] =	vst v2  }
0x1b0: {  	s8 =	sshll.u32 s8, $0x6;
	[tilespmem:$0x14E70] =	vst v4  }
0x1b1: {  	s8 =	sand.u32 $0x3FFFFFC0, s8;
	[tilespmem:$0x14E60] =	vst v1  }
0x1b2: {  	[tilespmem:v0+s8+$0x80 ss:$0x1] =	vst.idx.msk $0xffff, v2  }
0x1b3: {  	v1 =	vld [tilespmem:$0x14E50];
	_ =	sdelay $0x4  }
0x1b4: {  	[tilespmem:v0+s8+$0x90 ss:$0x1] =	vst.idx.msk $0xffff, v1  }
0x1b5: {  	v1 =	vld [tilespmem:$0x14E60];
	_ =	sdelay $0x4  }
0x1b6: {  	[tilespmem:v0+s8+$0xA0 ss:$0x1] =	vst.idx.msk $0xffff, v1  }
0x1b7: {  	v1 =	vld [tilespmem:$0x14E70]  }
.Ltmp3:
0x1b8: {  	_ = 	snop;
	(pc) =	sbr.rel @p0 .LBB2_7-.Ltmp3, $2  }
0x1b9: {  	_ =	sdelay $0x2  }
0x1ba: {  	p1 =	por $0x0, $0x0;
	[tilespmem:v0+s8+$0xB0 ss:$0x1] =	vst.idx.msk $0xffff, v1;
	s8 =	simm.s32 $0x1  }
0x1bb: {  	s8 =	sadd.s32 s7, s10  }
0x1bc: {  	s8 =	smul.u32 $0xC8, s8;
	_ =	sdelay $0x1  }
0x1bd: {  	_ =	swait.ge [sflag:s28], $0x3200;
	s8 =	smin.u32 s8, $0x31FE70  }
0x1be: {  	[sflag:s28] =	ssyncset.done $0x0;
	s8 =	sshrl.u32 s8, $0x3  }
0x1bf: {  	[sflag:s28] =	ssyncadd.s32 $0xFFFFCE00;
	s12 =	sadd.s32 s3, s8;
	s8 =	simm.s32 $0x0  }
0x1c0: {  	[tilespmem:s14], [sflag:$0x6] =	stream.linear.gather [hbm4b:s12+s8], $0x190, $0x38;
	[tilespmem:$0x14E80] =	vst v63  }
0x1c1: {  	_ =	swait.ge [sflag:s16], $0x190  }
0x1c2: {  	[sflag:s16] =	ssyncset.done $0x0  }
0x1c3: {  	p1 =	por $0x1, $0x1;
	[sflag:s16] =	ssyncadd.s32 $0xFFFFFE70  }
0x1c4: {  	[tilespmem:s17], [sflag:$0x1] =	stream.indirect.gather [hbm4b:s4+s14], $0x20, s8, s14, $0xb8;
	[tilespmem:$0x14E80] =	vst v63  }
.LBB2_11:
0x1c5: {  	s12 =	smul.u32 $0x6400, s8;
	_ =	sdelay $0x1  }
0x1c6: {  	s12 =	sshra.s32 s12, $0x2  }
0x1c7: {  	s12 =	sadd.s32 $0x6CC0, s12  }
0x1c8: {  	v2 =	vimm.f32 $0.0e+00;
	v1 =	vmov s12  }
0x1c9: {  	[tilespmem:$0x14E40] =	vst v2  }
0x1ca: {  	[tilespmem:$0x14E50] =	vst v2  }
0x1cb: {  	[tilespmem:$0x14E60] =	vst v2  }
0x1cc: {  	s13 =	simm.s32 $0x0;
	[tilespmem:$0x14E70] =	vst v2  }
0x1cd: {  	v3 =	vld.idx.msk [tilespmem:v1+s13+$0xFFFFFD80 ss:$0x1], $0xffff  }
0x1ce: {  	v4 =	vld.idx.msk [tilespmem:v1+s13+$0xFFFFFD90 ss:$0x1], $0xffff  }
0x1cf: {  	v5 =	vld.idx.msk [tilespmem:v1+s13+$0xFFFFFDA0 ss:$0x1], $0xffff  }
0x1d0: {  	v6 =	vld.idx.msk [tilespmem:v1+s13+$0xFFFFFDB0 ss:$0x1], $0xffff  }
0x1d1: {  	v7 =	vld.idx.msk [tilespmem:v1+s13+$0xFFFFFDC0 ss:$0x1], $0xffff  }
0x1d2: {  	v8 =	vld.idx.msk [tilespmem:v1+s13+$0xFFFFFDD0 ss:$0x1], $0xffff;
	v9 =	vshll.u32 v3, $0x10;
	v3 =	vadd.f32 v3, v2  }
0x1d3: {  	v10 =	vld.idx.msk [tilespmem:v1+s13+$0xFFFFFDE0 ss:$0x1], $0xffff;
	v11 =	vshll.u32 v4, $0x10;
	v4 =	vadd.f32 v4, v2;
	v9 =	vadd.f32 v9, v2  }
0x1d4: {  	v12 =	vld.idx.msk [tilespmem:v1+s13+$0xFFFFFDF0 ss:$0x1], $0xffff;
	v16 =	vshll.u32 v5, $0x10;
	v2 =	vadd.f32 v11, v2;
	v3 =	vadd.f32 v5, v3  }
0x1d5: {  	v17 =	vshll.u32 v6, $0x10;
	v5 =	vld.idx.msk [tilespmem:v1+s13+$0xFFFFFE00 ss:$0x1], $0xffff;
	v4 =	vadd.f32 v6, v4;
	v9 =	vadd.f32 v16, v9  }
0x1d6: {  	v18 =	vshll.u32 v7, $0x10;
	v6 =	vld.idx.msk [tilespmem:v1+s13+$0xFFFFFE10 ss:$0x1], $0xffff;
	v2 =	vadd.f32 v17, v2;
	v3 =	vadd.f32 v7, v3  }
0x1d7: {  	v19 =	vshll.u32 v8, $0x10;
	v7 =	vld.idx.msk [tilespmem:v1+s13+$0xFFFFFE20 ss:$0x1], $0xffff;
	v4 =	vadd.f32 v8, v4;
	v9 =	vadd.f32 v18, v9  }
0x1d8: {  	v20 =	vshll.u32 v10, $0x10;
	v8 =	vld.idx.msk [tilespmem:v1+s13+$0xFFFFFE30 ss:$0x1], $0xffff;
	v2 =	vadd.f32 v19, v2;
	v3 =	vadd.f32 v10, v3  }
0x1d9: {  	v21 =	vld.idx.msk [tilespmem:v1+s13+$0xFFFFFE40 ss:$0x1], $0xffff;
	v22 =	vshll.u32 v12, $0x10;
	v4 =	vadd.f32 v12, v4;
	v9 =	vadd.f32 v20, v9  }
0x1da: {  	v23 =	vld.idx.msk [tilespmem:v1+s13+$0xFFFFFE50 ss:$0x1], $0xffff;
	v2 =	vadd.f32 v22, v2;
	v24 =	vshll.u32 v5, $0x10;
	v3 =	vadd.f32 v5, v3  }
0x1db: {  	v25 =	vshll.u32 v6, $0x10;
	v5 =	vld.idx.msk [tilespmem:v1+s13+$0xFFFFFE60 ss:$0x1], $0xffff;
	v4 =	vadd.f32 v6, v4;
	v9 =	vadd.f32 v24, v9  }
0x1dc: {  	v6 =	vld.idx.msk [tilespmem:v1+s13+$0xFFFFFE70 ss:$0x1], $0xffff;
	v2 =	vadd.f32 v25, v2;
	v26 =	vshll.u32 v7, $0x10;
	v3 =	vadd.f32 v7, v3  }
0x1dd: {  	v27 =	vshll.u32 v8, $0x10;
	v7 =	vld.idx.msk [tilespmem:v1+s13+$0xFFFFFE80 ss:$0x1], $0xffff;
	v4 =	vadd.f32 v8, v4;
	v9 =	vadd.f32 v26, v9  }
0x1de: {  	v28 =	vshll.u32 v21, $0x10;
	v8 =	vld.idx.msk [tilespmem:v1+s13+$0xFFFFFE90 ss:$0x1], $0xffff;
	v2 =	vadd.f32 v27, v2;
	v3 =	vadd.f32 v21, v3  }
0x1df: {  	v29 =	vld.idx.msk [tilespmem:v1+s13+$0xFFFFFEA0 ss:$0x1], $0xffff;
	v30 =	vshll.u32 v23, $0x10;
	v4 =	vadd.f32 v23, v4;
	v9 =	vadd.f32 v28, v9  }
0x1e0: {  	v31 =	vld.idx.msk [tilespmem:v1+s13+$0xFFFFFEB0 ss:$0x1], $0xffff;
	v2 =	vadd.f32 v30, v2;
	v32 =	vshll.u32 v5, $0x10;
	v3 =	vadd.f32 v5, v3  }
0x1e1: {  	v33 =	vshll.u32 v6, $0x10;
	v5 =	vld.idx.msk [tilespmem:v1+s13+$0xFFFFFEC0 ss:$0x1], $0xffff;
	v4 =	vadd.f32 v6, v4;
	v9 =	vadd.f32 v32, v9  }
0x1e2: {  	v6 =	vld.idx.msk [tilespmem:v1+s13+$0xFFFFFED0 ss:$0x1], $0xffff;
	v2 =	vadd.f32 v33, v2;
	v34 =	vshll.u32 v7, $0x10;
	v3 =	vadd.f32 v7, v3  }
0x1e3: {  	v35 =	vshll.u32 v8, $0x10;
	v7 =	vld.idx.msk [tilespmem:v1+s13+$0xFFFFFEE0 ss:$0x1], $0xffff;
	v4 =	vadd.f32 v8, v4;
	v9 =	vadd.f32 v34, v9  }
0x1e4: {  	v36 =	vshll.u32 v29, $0x10;
	v8 =	vld.idx.msk [tilespmem:v1+s13+$0xFFFFFEF0 ss:$0x1], $0xffff;
	v2 =	vadd.f32 v35, v2;
	v3 =	vadd.f32 v29, v3  }
0x1e5: {  	v37 =	vld.idx.msk [tilespmem:v1+s13+$0xFFFFFF00 ss:$0x1], $0xffff;
	v38 =	vshll.u32 v31, $0x10;
	v4 =	vadd.f32 v31, v4;
	v9 =	vadd.f32 v36, v9  }
0x1e6: {  	v39 =	vld.idx.msk [tilespmem:v1+s13+$0xFFFFFF10 ss:$0x1], $0xffff;
	v2 =	vadd.f32 v38, v2;
	v40 =	vshll.u32 v5, $0x10;
	v3 =	vadd.f32 v5, v3  }
0x1e7: {  	v41 =	vshll.u32 v6, $0x10;
	v5 =	vld.idx.msk [tilespmem:v1+s13+$0xFFFFFF20 ss:$0x1], $0xffff;
	v4 =	vadd.f32 v6, v4;
	v9 =	vadd.f32 v40, v9  }
0x1e8: {  	v6 =	vld.idx.msk [tilespmem:v1+s13+$0xFFFFFF30 ss:$0x1], $0xffff;
	v2 =	vadd.f32 v41, v2;
	v42 =	vshll.u32 v7, $0x10;
	v3 =	vadd.f32 v7, v3  }
0x1e9: {  	v43 =	vshll.u32 v8, $0x10;
	v7 =	vld.idx.msk [tilespmem:v1+s13+$0xFFFFFF40 ss:$0x1], $0xffff;
	v4 =	vadd.f32 v8, v4;
	v9 =	vadd.f32 v42, v9  }
0x1ea: {  	v44 =	vshll.u32 v37, $0x10;
	v8 =	vld.idx.msk [tilespmem:v1+s13+$0xFFFFFF50 ss:$0x1], $0xffff;
	v2 =	vadd.f32 v43, v2;
	v3 =	vadd.f32 v37, v3  }
0x1eb: {  	v45 =	vld.idx.msk [tilespmem:v1+s13+$0xFFFFFF60 ss:$0x1], $0xffff;
	v46 =	vshll.u32 v39, $0x10;
	v4 =	vadd.f32 v39, v4;
	v9 =	vadd.f32 v44, v9  }
0x1ec: {  	v47 =	vld.idx.msk [tilespmem:v1+s13+$0xFFFFFF70 ss:$0x1], $0xffff;
	v2 =	vadd.f32 v46, v2;
	v48 =	vshll.u32 v5, $0x10;
	v3 =	vadd.f32 v5, v3  }
0x1ed: {  	v49 =	vshll.u32 v6, $0x10;
	v5 =	vld.idx.msk [tilespmem:v1+s13+$0xFFFFFF80 ss:$0x1], $0xffff;
	v4 =	vadd.f32 v6, v4;
	v9 =	vadd.f32 v48, v9  }
0x1ee: {  	v6 =	vld.idx.msk [tilespmem:v1+s13+$0xFFFFFF90 ss:$0x1], $0xffff;
	v2 =	vadd.f32 v49, v2;
	v50 =	vshll.u32 v7, $0x10;
	v3 =	vadd.f32 v7, v3  }
0x1ef: {  	v51 =	vshll.u32 v8, $0x10;
	v7 =	vld.idx.msk [tilespmem:v1+s13+$0xFFFFFFA0 ss:$0x1], $0xffff;
	v4 =	vadd.f32 v8, v4;
	v9 =	vadd.f32 v50, v9  }
0x1f0: {  	v52 =	vshll.u32 v45, $0x10;
	v8 =	vld.idx.msk [tilespmem:v1+s13+$0xFFFFFFB0 ss:$0x1], $0xffff;
	v2 =	vadd.f32 v51, v2;
	v3 =	vadd.f32 v45, v3  }
0x1f1: {  	v53 =	vld.idx.msk [tilespmem:v1+s13+$0xFFFFFFC0 ss:$0x1], $0xffff;
	v54 =	vshll.u32 v47, $0x10;
	v4 =	vadd.f32 v47, v4;
	v9 =	vadd.f32 v52, v9  }
0x1f2: {  	v55 =	vld.idx.msk [tilespmem:v1+s13+$0xFFFFFFD0 ss:$0x1], $0xffff;
	v2 =	vadd.f32 v54, v2;
	v56 =	vshll.u32 v5, $0x10;
	v3 =	vadd.f32 v5, v3  }
0x1f3: {  	v57 =	vshll.u32 v6, $0x10;
	v5 =	vld.idx.msk [tilespmem:v1+s13+$0xFFFFFFE0 ss:$0x1], $0xffff;
	v4 =	vadd.f32 v6, v4;
	v9 =	vadd.f32 v56, v9  }
0x1f4: {  	v6 =	vld.idx.msk [tilespmem:v1+s13+$0xFFFFFFF0 ss:$0x1], $0xffff;
	v2 =	vadd.f32 v57, v2;
	v58 =	vshll.u32 v7, $0x10;
	v3 =	vadd.f32 v7, v3  }
0x1f5: {  	v59 =	vshll.u32 v8, $0x10;
	v7 =	vld.idx.msk [tilespmem:v1+s13+$0x0 ss:$0x1], $0xffff;
	v4 =	vadd.f32 v8, v4;
	v9 =	vadd.f32 v58, v9  }
0x1f6: {  	v60 =	vshll.u32 v53, $0x10;
	v8 =	vld.idx.msk [tilespmem:v1+s13+$0x10 ss:$0x1], $0xffff;
	v2 =	vadd.f32 v59, v2;
	v3 =	vadd.f32 v53, v3  }
0x1f7: {  	v61 =	vld.idx.msk [tilespmem:v1+s13+$0x20 ss:$0x1], $0xffff;
	v62 =	vshll.u32 v55, $0x10;
	v4 =	vadd.f32 v55, v4;
	v9 =	vadd.f32 v60, v9  }
0x1f8: {  	v63 =	vld.idx.msk [tilespmem:v1+s13+$0x30 ss:$0x1], $0xffff;
	v2 =	vadd.f32 v62, v2;
	v14 =	vshll.u32 v5, $0x10;
	v3 =	vadd.f32 v5, v3  }
0x1f9: {  	v15 =	vshll.u32 v6, $0x10;
	v5 =	vld.idx.msk [tilespmem:v1+s13+$0x40 ss:$0x1], $0xffff;
	v4 =	vadd.f32 v6, v4;
	v9 =	vadd.f32 v14, v9  }
0x1fa: {  	v6 =	vld.idx.msk [tilespmem:v1+s13+$0x50 ss:$0x1], $0xffff;
	v2 =	vadd.f32 v15, v2;
	v16 =	vshll.u32 v7, $0x10;
	v3 =	vadd.f32 v7, v3  }
0x1fb: {  	v17 =	vshll.u32 v8, $0x10;
	v7 =	vld.idx.msk [tilespmem:v1+s13+$0x60 ss:$0x1], $0xffff;
	v4 =	vadd.f32 v8, v4;
	v9 =	vadd.f32 v16, v9  }
0x1fc: {  	v18 =	vshll.u32 v61, $0x10;
	v8 =	vld.idx.msk [tilespmem:v1+s13+$0x70 ss:$0x1], $0xffff;
	v2 =	vadd.f32 v17, v2;
	v3 =	vadd.f32 v61, v3  }
0x1fd: {  	v19 =	vld.idx.msk [tilespmem:v1+s13+$0x80 ss:$0x1], $0xffff;
	v20 =	vshll.u32 v63, $0x10;
	v4 =	vadd.f32 v63, v4;
	v9 =	vadd.f32 v18, v9  }
0x1fe: {  	v21 =	vld.idx.msk [tilespmem:v1+s13+$0x90 ss:$0x1], $0xffff;
	v2 =	vadd.f32 v20, v2;
	v22 =	vshll.u32 v5, $0x10;
	v3 =	vadd.f32 v5, v3  }
0x1ff: {  	v23 =	vshll.u32 v6, $0x10;
	v5 =	vld.idx.msk [tilespmem:v1+s13+$0xA0 ss:$0x1], $0xffff;
	v4 =	vadd.f32 v6, v4;
	v9 =	vadd.f32 v22, v9  }
0x200: {  	v6 =	vld.idx.msk [tilespmem:v1+s13+$0xB0 ss:$0x1], $0xffff;
	v2 =	vadd.f32 v23, v2;
	v24 =	vshll.u32 v7, $0x10;
	v3 =	vadd.f32 v7, v3  }
0x201: {  	v25 =	vshll.u32 v8, $0x10;
	v7 =	vld.idx.msk [tilespmem:v1+s13+$0xC0 ss:$0x1], $0xffff;
	v4 =	vadd.f32 v8, v4;
	v9 =	vadd.f32 v24, v9  }
0x202: {  	v26 =	vshll.u32 v19, $0x10;
	v8 =	vld.idx.msk [tilespmem:v1+s13+$0xD0 ss:$0x1], $0xffff;
	v2 =	vadd.f32 v25, v2;
	v3 =	vadd.f32 v19, v3  }
0x203: {  	v27 =	vld.idx.msk [tilespmem:v1+s13+$0xE0 ss:$0x1], $0xffff;
	v28 =	vshll.u32 v21, $0x10;
	v4 =	vadd.f32 v21, v4;
	v9 =	vadd.f32 v26, v9  }
0x204: {  	v29 =	vld.idx.msk [tilespmem:v1+s13+$0xF0 ss:$0x1], $0xffff;
	v2 =	vadd.f32 v28, v2;
	v30 =	vshll.u32 v5, $0x10;
	v3 =	vadd.f32 v5, v3  }
0x205: {  	v31 =	vshll.u32 v6, $0x10;
	v5 =	vld.idx.msk [tilespmem:v1+s13+$0x100 ss:$0x1], $0xffff;
	v4 =	vadd.f32 v6, v4;
	v9 =	vadd.f32 v30, v9  }
0x206: {  	v6 =	vld.idx.msk [tilespmem:v1+s13+$0x110 ss:$0x1], $0xffff;
	v2 =	vadd.f32 v31, v2;
	v32 =	vshll.u32 v7, $0x10;
	v3 =	vadd.f32 v7, v3  }
0x207: {  	v33 =	vshll.u32 v8, $0x10;
	v7 =	vld.idx.msk [tilespmem:v1+s13+$0x120 ss:$0x1], $0xffff;
	v4 =	vadd.f32 v8, v4;
	v9 =	vadd.f32 v32, v9  }
0x208: {  	v34 =	vshll.u32 v27, $0x10;
	v8 =	vld.idx.msk [tilespmem:v1+s13+$0x130 ss:$0x1], $0xffff;
	v2 =	vadd.f32 v33, v2;
	v3 =	vadd.f32 v27, v3  }
0x209: {  	v35 =	vld.idx.msk [tilespmem:v1+s13+$0x140 ss:$0x1], $0xffff;
	v36 =	vshll.u32 v29, $0x10;
	v4 =	vadd.f32 v29, v4;
	v9 =	vadd.f32 v34, v9  }
0x20a: {  	v37 =	vld.idx.msk [tilespmem:v1+s13+$0x150 ss:$0x1], $0xffff;
	v2 =	vadd.f32 v36, v2;
	v38 =	vshll.u32 v5, $0x10;
	v3 =	vadd.f32 v5, v3  }
0x20b: {  	v39 =	vshll.u32 v6, $0x10;
	v5 =	vld.idx.msk [tilespmem:v1+s13+$0x160 ss:$0x1], $0xffff;
	v4 =	vadd.f32 v6, v4;
	v9 =	vadd.f32 v38, v9  }
0x20c: {  	v6 =	vld.idx.msk [tilespmem:v1+s13+$0x170 ss:$0x1], $0xffff;
	v2 =	vadd.f32 v39, v2;
	v40 =	vshll.u32 v7, $0x10;
	v3 =	vadd.f32 v7, v3  }
0x20d: {  	v41 =	vshll.u32 v8, $0x10;
	v7 =	vld.idx.msk [tilespmem:v1+s13+$0x180 ss:$0x1], $0xffff;
	v4 =	vadd.f32 v8, v4;
	v9 =	vadd.f32 v40, v9  }
0x20e: {  	v42 =	vshll.u32 v35, $0x10;
	v8 =	vld.idx.msk [tilespmem:v1+s13+$0x190 ss:$0x1], $0xffff;
	v2 =	vadd.f32 v41, v2;
	v3 =	vadd.f32 v35, v3  }
0x20f: {  	v43 =	vld.idx.msk [tilespmem:v1+s13+$0x1A0 ss:$0x1], $0xffff;
	v44 =	vshll.u32 v37, $0x10;
	v4 =	vadd.f32 v37, v4;
	v9 =	vadd.f32 v42, v9  }
0x210: {  	v45 =	vld.idx.msk [tilespmem:v1+s13+$0x1B0 ss:$0x1], $0xffff;
	v2 =	vadd.f32 v44, v2;
	v46 =	vshll.u32 v5, $0x10;
	v3 =	vadd.f32 v5, v3  }
0x211: {  	v47 =	vshll.u32 v6, $0x10;
	v5 =	vld.idx.msk [tilespmem:v1+s13+$0x1C0 ss:$0x1], $0xffff;
	v4 =	vadd.f32 v6, v4;
	v9 =	vadd.f32 v46, v9  }
0x212: {  	v6 =	vld.idx.msk [tilespmem:v1+s13+$0x1D0 ss:$0x1], $0xffff;
	v2 =	vadd.f32 v47, v2;
	v48 =	vshll.u32 v7, $0x10;
	v3 =	vadd.f32 v7, v3  }
0x213: {  	v49 =	vshll.u32 v8, $0x10;
	v7 =	vld.idx.msk [tilespmem:v1+s13+$0x1E0 ss:$0x1], $0xffff;
	v4 =	vadd.f32 v8, v4;
	v9 =	vadd.f32 v48, v9  }
0x214: {  	v50 =	vshll.u32 v43, $0x10;
	v8 =	vld.idx.msk [tilespmem:v1+s13+$0x1F0 ss:$0x1], $0xffff;
	v2 =	vadd.f32 v49, v2;
	v3 =	vadd.f32 v43, v3  }
0x215: {  	v51 =	vld.idx.msk [tilespmem:v1+s13+$0x200 ss:$0x1], $0xffff;
	v52 =	vshll.u32 v45, $0x10;
	v4 =	vadd.f32 v45, v4;
	v9 =	vadd.f32 v50, v9  }
0x216: {  	v53 =	vld.idx.msk [tilespmem:v1+s13+$0x210 ss:$0x1], $0xffff;
	v2 =	vadd.f32 v52, v2;
	v54 =	vshll.u32 v5, $0x10;
	v3 =	vadd.f32 v5, v3  }
0x217: {  	v55 =	vshll.u32 v6, $0x10;
	v5 =	vld.idx.msk [tilespmem:v1+s13+$0x220 ss:$0x1], $0xffff;
	v4 =	vadd.f32 v6, v4;
	v9 =	vadd.f32 v54, v9  }
0x218: {  	v6 =	vld.idx.msk [tilespmem:v1+s13+$0x230 ss:$0x1], $0xffff;
	v2 =	vadd.f32 v55, v2;
	v56 =	vshll.u32 v7, $0x10;
	v3 =	vadd.f32 v7, v3  }
0x219: {  	v57 =	vshll.u32 v8, $0x10;
	v7 =	vld.idx.msk [tilespmem:v1+s13+$0x240 ss:$0x1], $0xffff;
	v4 =	vadd.f32 v8, v4;
	v9 =	vadd.f32 v56, v9  }
0x21a: {  	v58 =	vshll.u32 v51, $0x10;
	v8 =	vld.idx.msk [tilespmem:v1+s13+$0x250 ss:$0x1], $0xffff;
	v2 =	vadd.f32 v57, v2;
	v3 =	vadd.f32 v51, v3  }
0x21b: {  	v59 =	vld.idx.msk [tilespmem:v1+s13+$0x260 ss:$0x1], $0xffff;
	v60 =	vshll.u32 v53, $0x10;
	v4 =	vadd.f32 v53, v4;
	v9 =	vadd.f32 v58, v9  }
0x21c: {  	v61 =	vld.idx.msk [tilespmem:v1+s13+$0x270 ss:$0x1], $0xffff;
	v2 =	vadd.f32 v60, v2;
	v62 =	vshll.u32 v5, $0x10;
	v3 =	vadd.f32 v5, v3  }
0x21d: {  	v63 =	vshll.u32 v6, $0x10;
	v4 =	vadd.f32 v6, v4;
	v5 =	vadd.f32 v62, v9  }
0x21e: {  	v2 =	vadd.f32 v63, v2;
	v6 =	vshll.u32 v7, $0x10;
	v3 =	vadd.f32 v7, v3  }
0x21f: {  	v4 =	vadd.f32 v8, v4;
	v6 =	vadd.f32 v6, v5;
	v5 =	vshll.u32 v8, $0x10  }
0x220: {  	v5 =	vadd.f32 v5, v2;
	v2 =	vshll.u32 v59, $0x10;
	v3 =	vadd.f32 v59, v3  }
0x221: {  	p0 =	por p1, p1;
	s12 =	simm.s32 $0x1400;
	v4 =	vadd.f32 v61, v4;
	v2 =	vadd.f32 v2, v6;
	v6 =	vshll.u32 v61, $0x10  }
.LBB2_12:
0x222: {  	p1 =	sne.s32 s12, $0x5000;
	v5 =	vadd.f32 v6, v5;
	[tilespmem:$0x14E50] =	vst v3;
	s13 =	smov.u32 s12;
	s12 =	sadd.s32 $0x1400, s12  }
0x223: {  	[tilespmem:$0x14E40] =	vst v2  }
0x224: {  	s13 =	sshra.s32 s13, $0x2;
	[tilespmem:$0x14E60] =	vst v5  }
0x225: {  	[tilespmem:$0x14E70] =	vst v4  }
0x226: {  	v6 =	vld.idx.msk [tilespmem:v1+s13+$0xFFFFFD80 ss:$0x1], $0xffff  }
0x227: {  	v7 =	vld.idx.msk [tilespmem:v1+s13+$0xFFFFFD90 ss:$0x1], $0xffff  }
0x228: {  	v8 =	vld.idx.msk [tilespmem:v1+s13+$0xFFFFFDA0 ss:$0x1], $0xffff  }
0x229: {  	v9 =	vld.idx.msk [tilespmem:v1+s13+$0xFFFFFDB0 ss:$0x1], $0xffff  }
0x22a: {  	v10 =	vld.idx.msk [tilespmem:v1+s13+$0xFFFFFDC0 ss:$0x1], $0xffff  }
0x22b: {  	v11 =	vld.idx.msk [tilespmem:v1+s13+$0xFFFFFDD0 ss:$0x1], $0xffff  }
0x22c: {  	v12 =	vshll.u32 v6, $0x10;
	v3 =	vadd.f32 v6, v3;
	v6 =	vld.idx.msk [tilespmem:v1+s13+$0xFFFFFDE0 ss:$0x1], $0xffff  }
0x22d: {  	v2 =	vadd.f32 v12, v2;
	v12 =	vshll.u32 v7, $0x10;
	v4 =	vadd.f32 v7, v4;
	v7 =	vld.idx.msk [tilespmem:v1+s13+$0xFFFFFDF0 ss:$0x1], $0xffff  }
0x22e: {  	v5 =	vadd.f32 v12, v5;
	v12 =	vshll.u32 v8, $0x10;
	v3 =	vadd.f32 v8, v3;
	v8 =	vld.idx.msk [tilespmem:v1+s13+$0xFFFFFE00 ss:$0x1], $0xffff  }
0x22f: {  	v2 =	vadd.f32 v12, v2;
	v12 =	vshll.u32 v9, $0x10;
	v4 =	vadd.f32 v9, v4;
	v9 =	vld.idx.msk [tilespmem:v1+s13+$0xFFFFFE10 ss:$0x1], $0xffff  }
0x230: {  	v5 =	vadd.f32 v12, v5;
	v12 =	vshll.u32 v10, $0x10;
	v3 =	vadd.f32 v10, v3;
	v10 =	vld.idx.msk [tilespmem:v1+s13+$0xFFFFFE20 ss:$0x1], $0xffff  }
0x231: {  	v2 =	vadd.f32 v12, v2;
	v12 =	vshll.u32 v11, $0x10;
	v4 =	vadd.f32 v11, v4;
	v11 =	vld.idx.msk [tilespmem:v1+s13+$0xFFFFFE30 ss:$0x1], $0xffff  }
0x232: {  	v5 =	vadd.f32 v12, v5;
	v12 =	vshll.u32 v6, $0x10;
	v3 =	vadd.f32 v6, v3;
	v6 =	vld.idx.msk [tilespmem:v1+s13+$0xFFFFFE40 ss:$0x1], $0xffff  }
0x233: {  	v2 =	vadd.f32 v12, v2;
	v12 =	vshll.u32 v7, $0x10;
	v4 =	vadd.f32 v7, v4;
	v7 =	vld.idx.msk [tilespmem:v1+s13+$0xFFFFFE50 ss:$0x1], $0xffff  }
0x234: {  	v5 =	vadd.f32 v12, v5;
	v12 =	vshll.u32 v8, $0x10;
	v3 =	vadd.f32 v8, v3;
	v8 =	vld.idx.msk [tilespmem:v1+s13+$0xFFFFFE60 ss:$0x1], $0xffff  }
0x235: {  	v2 =	vadd.f32 v12, v2;
	v12 =	vshll.u32 v9, $0x10;
	v4 =	vadd.f32 v9, v4;
	v9 =	vld.idx.msk [tilespmem:v1+s13+$0xFFFFFE70 ss:$0x1], $0xffff  }
0x236: {  	v5 =	vadd.f32 v12, v5;
	v12 =	vshll.u32 v10, $0x10;
	v3 =	vadd.f32 v10, v3;
	v10 =	vld.idx.msk [tilespmem:v1+s13+$0xFFFFFE80 ss:$0x1], $0xffff  }
0x237: {  	v2 =	vadd.f32 v12, v2;
	v12 =	vshll.u32 v11, $0x10;
	v4 =	vadd.f32 v11, v4;
	v11 =	vld.idx.msk [tilespmem:v1+s13+$0xFFFFFE90 ss:$0x1], $0xffff  }
0x238: {  	v5 =	vadd.f32 v12, v5;
	v12 =	vshll.u32 v6, $0x10;
	v3 =	vadd.f32 v6, v3;
	v6 =	vld.idx.msk [tilespmem:v1+s13+$0xFFFFFEA0 ss:$0x1], $0xffff  }
0x239: {  	v2 =	vadd.f32 v12, v2;
	v12 =	vshll.u32 v7, $0x10;
	v4 =	vadd.f32 v7, v4;
	v7 =	vld.idx.msk [tilespmem:v1+s13+$0xFFFFFEB0 ss:$0x1], $0xffff  }
0x23a: {  	v5 =	vadd.f32 v12, v5;
	v12 =	vshll.u32 v8, $0x10;
	v3 =	vadd.f32 v8, v3;
	v8 =	vld.idx.msk [tilespmem:v1+s13+$0xFFFFFEC0 ss:$0x1], $0xffff  }
0x23b: {  	v2 =	vadd.f32 v12, v2;
	v12 =	vshll.u32 v9, $0x10;
	v4 =	vadd.f32 v9, v4;
	v9 =	vld.idx.msk [tilespmem:v1+s13+$0xFFFFFED0 ss:$0x1], $0xffff  }
0x23c: {  	v5 =	vadd.f32 v12, v5;
	v12 =	vshll.u32 v10, $0x10;
	v3 =	vadd.f32 v10, v3;
	v10 =	vld.idx.msk [tilespmem:v1+s13+$0xFFFFFEE0 ss:$0x1], $0xffff  }
0x23d: {  	v2 =	vadd.f32 v12, v2;
	v12 =	vshll.u32 v11, $0x10;
	v4 =	vadd.f32 v11, v4;
	v11 =	vld.idx.msk [tilespmem:v1+s13+$0xFFFFFEF0 ss:$0x1], $0xffff  }
0x23e: {  	v5 =	vadd.f32 v12, v5;
	v12 =	vshll.u32 v6, $0x10;
	v3 =	vadd.f32 v6, v3;
	v6 =	vld.idx.msk [tilespmem:v1+s13+$0xFFFFFF00 ss:$0x1], $0xffff  }
0x23f: {  	v2 =	vadd.f32 v12, v2;
	v12 =	vshll.u32 v7, $0x10;
	v4 =	vadd.f32 v7, v4;
	v7 =	vld.idx.msk [tilespmem:v1+s13+$0xFFFFFF10 ss:$0x1], $0xffff  }
0x240: {  	v5 =	vadd.f32 v12, v5;
	v12 =	vshll.u32 v8, $0x10;
	v3 =	vadd.f32 v8, v3;
	v8 =	vld.idx.msk [tilespmem:v1+s13+$0xFFFFFF20 ss:$0x1], $0xffff  }
0x241: {  	v2 =	vadd.f32 v12, v2;
	v12 =	vshll.u32 v9, $0x10;
	v4 =	vadd.f32 v9, v4;
	v9 =	vld.idx.msk [tilespmem:v1+s13+$0xFFFFFF30 ss:$0x1], $0xffff  }
0x242: {  	v5 =	vadd.f32 v12, v5;
	v12 =	vshll.u32 v10, $0x10;
	v3 =	vadd.f32 v10, v3;
	v10 =	vld.idx.msk [tilespmem:v1+s13+$0xFFFFFF40 ss:$0x1], $0xffff  }
0x243: {  	v2 =	vadd.f32 v12, v2;
	v12 =	vshll.u32 v11, $0x10;
	v4 =	vadd.f32 v11, v4;
	v11 =	vld.idx.msk [tilespmem:v1+s13+$0xFFFFFF50 ss:$0x1], $0xffff  }
0x244: {  	v5 =	vadd.f32 v12, v5;
	v12 =	vshll.u32 v6, $0x10;
	v3 =	vadd.f32 v6, v3;
	v6 =	vld.idx.msk [tilespmem:v1+s13+$0xFFFFFF60 ss:$0x1], $0xffff  }
0x245: {  	v2 =	vadd.f32 v12, v2;
	v12 =	vshll.u32 v7, $0x10;
	v4 =	vadd.f32 v7, v4;
	v7 =	vld.idx.msk [tilespmem:v1+s13+$0xFFFFFF70 ss:$0x1], $0xffff  }
0x246: {  	v5 =	vadd.f32 v12, v5;
	v12 =	vshll.u32 v8, $0x10;
	v3 =	vadd.f32 v8, v3;
	v8 =	vld.idx.msk [tilespmem:v1+s13+$0xFFFFFF80 ss:$0x1], $0xffff  }
0x247: {  	v2 =	vadd.f32 v12, v2;
	v12 =	vshll.u32 v9, $0x10;
	v4 =	vadd.f32 v9, v4;
	v9 =	vld.idx.msk [tilespmem:v1+s13+$0xFFFFFF90 ss:$0x1], $0xffff  }
0x248: {  	v5 =	vadd.f32 v12, v5;
	v12 =	vshll.u32 v10, $0x10;
	v3 =	vadd.f32 v10, v3;
	v10 =	vld.idx.msk [tilespmem:v1+s13+$0xFFFFFFA0 ss:$0x1], $0xffff  }
0x249: {  	v2 =	vadd.f32 v12, v2;
	v12 =	vshll.u32 v11, $0x10;
	v4 =	vadd.f32 v11, v4;
	v11 =	vld.idx.msk [tilespmem:v1+s13+$0xFFFFFFB0 ss:$0x1], $0xffff  }
0x24a: {  	v5 =	vadd.f32 v12, v5;
	v12 =	vshll.u32 v6, $0x10;
	v3 =	vadd.f32 v6, v3;
	v6 =	vld.idx.msk [tilespmem:v1+s13+$0xFFFFFFC0 ss:$0x1], $0xffff  }
0x24b: {  	v2 =	vadd.f32 v12, v2;
	v12 =	vshll.u32 v7, $0x10;
	v4 =	vadd.f32 v7, v4;
	v7 =	vld.idx.msk [tilespmem:v1+s13+$0xFFFFFFD0 ss:$0x1], $0xffff  }
0x24c: {  	v5 =	vadd.f32 v12, v5;
	v12 =	vshll.u32 v8, $0x10;
	v3 =	vadd.f32 v8, v3;
	v8 =	vld.idx.msk [tilespmem:v1+s13+$0xFFFFFFE0 ss:$0x1], $0xffff  }
0x24d: {  	v2 =	vadd.f32 v12, v2;
	v12 =	vshll.u32 v9, $0x10;
	v4 =	vadd.f32 v9, v4;
	v9 =	vld.idx.msk [tilespmem:v1+s13+$0xFFFFFFF0 ss:$0x1], $0xffff  }
0x24e: {  	v5 =	vadd.f32 v12, v5;
	v12 =	vshll.u32 v10, $0x10;
	v3 =	vadd.f32 v10, v3;
	v10 =	vld.idx.msk [tilespmem:v1+s13+$0x0 ss:$0x1], $0xffff  }
0x24f: {  	v2 =	vadd.f32 v12, v2;
	v12 =	vshll.u32 v11, $0x10;
	v4 =	vadd.f32 v11, v4;
	v11 =	vld.idx.msk [tilespmem:v1+s13+$0x10 ss:$0x1], $0xffff  }
0x250: {  	v5 =	vadd.f32 v12, v5;
	v12 =	vshll.u32 v6, $0x10;
	v3 =	vadd.f32 v6, v3;
	v6 =	vld.idx.msk [tilespmem:v1+s13+$0x20 ss:$0x1], $0xffff  }
0x251: {  	v2 =	vadd.f32 v12, v2;
	v12 =	vshll.u32 v7, $0x10;
	v4 =	vadd.f32 v7, v4;
	v7 =	vld.idx.msk [tilespmem:v1+s13+$0x30 ss:$0x1], $0xffff  }
0x252: {  	v5 =	vadd.f32 v12, v5;
	v12 =	vshll.u32 v8, $0x10;
	v3 =	vadd.f32 v8, v3;
	v8 =	vld.idx.msk [tilespmem:v1+s13+$0x40 ss:$0x1], $0xffff  }
0x253: {  	v2 =	vadd.f32 v12, v2;
	v12 =	vshll.u32 v9, $0x10;
	v4 =	vadd.f32 v9, v4;
	v9 =	vld.idx.msk [tilespmem:v1+s13+$0x50 ss:$0x1], $0xffff  }
0x254: {  	v5 =	vadd.f32 v12, v5;
	v12 =	vshll.u32 v10, $0x10;
	v3 =	vadd.f32 v10, v3;
	v10 =	vld.idx.msk [tilespmem:v1+s13+$0x60 ss:$0x1], $0xffff  }
0x255: {  	v2 =	vadd.f32 v12, v2;
	v12 =	vshll.u32 v11, $0x10;
	v4 =	vadd.f32 v11, v4;
	v11 =	vld.idx.msk [tilespmem:v1+s13+$0x70 ss:$0x1], $0xffff  }
0x256: {  	v5 =	vadd.f32 v12, v5;
	v12 =	vshll.u32 v6, $0x10;
	v3 =	vadd.f32 v6, v3;
	v6 =	vld.idx.msk [tilespmem:v1+s13+$0x80 ss:$0x1], $0xffff  }
0x257: {  	v2 =	vadd.f32 v12, v2;
	v12 =	vshll.u32 v7, $0x10;
	v4 =	vadd.f32 v7, v4;
	v7 =	vld.idx.msk [tilespmem:v1+s13+$0x90 ss:$0x1], $0xffff  }
0x258: {  	v5 =	vadd.f32 v12, v5;
	v12 =	vshll.u32 v8, $0x10;
	v3 =	vadd.f32 v8, v3;
	v8 =	vld.idx.msk [tilespmem:v1+s13+$0xA0 ss:$0x1], $0xffff  }
0x259: {  	v2 =	vadd.f32 v12, v2;
	v12 =	vshll.u32 v9, $0x10;
	v4 =	vadd.f32 v9, v4;
	v9 =	vld.idx.msk [tilespmem:v1+s13+$0xB0 ss:$0x1], $0xffff  }
0x25a: {  	v5 =	vadd.f32 v12, v5;
	v12 =	vshll.u32 v10, $0x10;
	v3 =	vadd.f32 v10, v3;
	v10 =	vld.idx.msk [tilespmem:v1+s13+$0xC0 ss:$0x1], $0xffff  }
0x25b: {  	v2 =	vadd.f32 v12, v2;
	v12 =	vshll.u32 v11, $0x10;
	v4 =	vadd.f32 v11, v4;
	v11 =	vld.idx.msk [tilespmem:v1+s13+$0xD0 ss:$0x1], $0xffff  }
0x25c: {  	v5 =	vadd.f32 v12, v5;
	v12 =	vshll.u32 v6, $0x10;
	v3 =	vadd.f32 v6, v3;
	v6 =	vld.idx.msk [tilespmem:v1+s13+$0xE0 ss:$0x1], $0xffff  }
0x25d: {  	v2 =	vadd.f32 v12, v2;
	v12 =	vshll.u32 v7, $0x10;
	v4 =	vadd.f32 v7, v4;
	v7 =	vld.idx.msk [tilespmem:v1+s13+$0xF0 ss:$0x1], $0xffff  }
0x25e: {  	v5 =	vadd.f32 v12, v5;
	v12 =	vshll.u32 v8, $0x10;
	v3 =	vadd.f32 v8, v3;
	v8 =	vld.idx.msk [tilespmem:v1+s13+$0x100 ss:$0x1], $0xffff  }
0x25f: {  	v2 =	vadd.f32 v12, v2;
	v12 =	vshll.u32 v9, $0x10;
	v4 =	vadd.f32 v9, v4;
	v9 =	vld.idx.msk [tilespmem:v1+s13+$0x110 ss:$0x1], $0xffff  }
0x260: {  	v5 =	vadd.f32 v12, v5;
	v12 =	vshll.u32 v10, $0x10;
	v3 =	vadd.f32 v10, v3;
	v10 =	vld.idx.msk [tilespmem:v1+s13+$0x120 ss:$0x1], $0xffff  }
0x261: {  	v2 =	vadd.f32 v12, v2;
	v12 =	vshll.u32 v11, $0x10;
	v4 =	vadd.f32 v11, v4;
	v11 =	vld.idx.msk [tilespmem:v1+s13+$0x130 ss:$0x1], $0xffff  }
0x262: {  	v5 =	vadd.f32 v12, v5;
	v12 =	vshll.u32 v6, $0x10;
	v3 =	vadd.f32 v6, v3;
	v6 =	vld.idx.msk [tilespmem:v1+s13+$0x140 ss:$0x1], $0xffff  }
0x263: {  	v2 =	vadd.f32 v12, v2;
	v12 =	vshll.u32 v7, $0x10;
	v4 =	vadd.f32 v7, v4;
	v7 =	vld.idx.msk [tilespmem:v1+s13+$0x150 ss:$0x1], $0xffff  }
0x264: {  	v5 =	vadd.f32 v12, v5;
	v12 =	vshll.u32 v8, $0x10;
	v3 =	vadd.f32 v8, v3;
	v8 =	vld.idx.msk [tilespmem:v1+s13+$0x160 ss:$0x1], $0xffff  }
0x265: {  	v2 =	vadd.f32 v12, v2;
	v12 =	vshll.u32 v9, $0x10;
	v4 =	vadd.f32 v9, v4;
	v9 =	vld.idx.msk [tilespmem:v1+s13+$0x170 ss:$0x1], $0xffff  }
0x266: {  	v5 =	vadd.f32 v12, v5;
	v12 =	vshll.u32 v10, $0x10;
	v3 =	vadd.f32 v10, v3;
	v10 =	vld.idx.msk [tilespmem:v1+s13+$0x180 ss:$0x1], $0xffff  }
0x267: {  	v2 =	vadd.f32 v12, v2;
	v12 =	vshll.u32 v11, $0x10;
	v4 =	vadd.f32 v11, v4;
	v11 =	vld.idx.msk [tilespmem:v1+s13+$0x190 ss:$0x1], $0xffff  }
0x268: {  	v5 =	vadd.f32 v12, v5;
	v12 =	vshll.u32 v6, $0x10;
	v3 =	vadd.f32 v6, v3;
	v6 =	vld.idx.msk [tilespmem:v1+s13+$0x1A0 ss:$0x1], $0xffff  }
0x269: {  	v2 =	vadd.f32 v12, v2;
	v12 =	vshll.u32 v7, $0x10;
	v4 =	vadd.f32 v7, v4;
	v7 =	vld.idx.msk [tilespmem:v1+s13+$0x1B0 ss:$0x1], $0xffff  }
0x26a: {  	v5 =	vadd.f32 v12, v5;
	v12 =	vshll.u32 v8, $0x10;
	v3 =	vadd.f32 v8, v3;
	v8 =	vld.idx.msk [tilespmem:v1+s13+$0x1C0 ss:$0x1], $0xffff  }
0x26b: {  	v2 =	vadd.f32 v12, v2;
	v12 =	vshll.u32 v9, $0x10;
	v4 =	vadd.f32 v9, v4;
	v9 =	vld.idx.msk [tilespmem:v1+s13+$0x1D0 ss:$0x1], $0xffff  }
0x26c: {  	v5 =	vadd.f32 v12, v5;
	v12 =	vshll.u32 v10, $0x10;
	v3 =	vadd.f32 v10, v3;
	v10 =	vld.idx.msk [tilespmem:v1+s13+$0x1E0 ss:$0x1], $0xffff  }
0x26d: {  	v2 =	vadd.f32 v12, v2;
	v12 =	vshll.u32 v11, $0x10;
	v4 =	vadd.f32 v11, v4;
	v11 =	vld.idx.msk [tilespmem:v1+s13+$0x1F0 ss:$0x1], $0xffff  }
0x26e: {  	v5 =	vadd.f32 v12, v5;
	v12 =	vshll.u32 v6, $0x10;
	v3 =	vadd.f32 v6, v3;
	v6 =	vld.idx.msk [tilespmem:v1+s13+$0x200 ss:$0x1], $0xffff  }
0x26f: {  	v2 =	vadd.f32 v12, v2;
	v12 =	vshll.u32 v7, $0x10;
	v4 =	vadd.f32 v7, v4;
	v7 =	vld.idx.msk [tilespmem:v1+s13+$0x210 ss:$0x1], $0xffff  }
0x270: {  	v5 =	vadd.f32 v12, v5;
	v12 =	vshll.u32 v8, $0x10;
	v3 =	vadd.f32 v8, v3;
	v8 =	vld.idx.msk [tilespmem:v1+s13+$0x220 ss:$0x1], $0xffff  }
0x271: {  	v2 =	vadd.f32 v12, v2;
	v12 =	vshll.u32 v9, $0x10;
	v4 =	vadd.f32 v9, v4;
	v9 =	vld.idx.msk [tilespmem:v1+s13+$0x230 ss:$0x1], $0xffff  }
0x272: {  	v5 =	vadd.f32 v12, v5;
	v12 =	vshll.u32 v10, $0x10;
	v3 =	vadd.f32 v10, v3;
	v10 =	vld.idx.msk [tilespmem:v1+s13+$0x240 ss:$0x1], $0xffff  }
0x273: {  	v2 =	vadd.f32 v12, v2;
	v12 =	vshll.u32 v11, $0x10;
	v4 =	vadd.f32 v11, v4;
	v11 =	vld.idx.msk [tilespmem:v1+s13+$0x250 ss:$0x1], $0xffff  }
0x274: {  	v5 =	vadd.f32 v12, v5;
	v12 =	vshll.u32 v6, $0x10;
	v3 =	vadd.f32 v6, v3;
	v6 =	vld.idx.msk [tilespmem:v1+s13+$0x260 ss:$0x1], $0xffff  }
0x275: {  	v2 =	vadd.f32 v12, v2;
	v12 =	vshll.u32 v7, $0x10;
	v4 =	vadd.f32 v7, v4;
	v7 =	vld.idx.msk [tilespmem:v1+s13+$0x270 ss:$0x1], $0xffff  }
0x276: {  	v5 =	vadd.f32 v12, v5;
	v12 =	vshll.u32 v8, $0x10;
	v3 =	vadd.f32 v8, v3  }
.Ltmp4:
0x277: {  	v2 =	vadd.f32 v12, v2;
	v8 =	vshll.u32 v9, $0x10;
	v4 =	vadd.f32 v9, v4;
	(pc) =	sbr.rel @p1 .LBB2_12-.Ltmp4, $4  }
0x278: {  	v5 =	vadd.f32 v8, v5;
	v8 =	vshll.u32 v10, $0x10;
	v3 =	vadd.f32 v10, v3  }
0x279: {  	v2 =	vadd.f32 v8, v2;
	v8 =	vshll.u32 v11, $0x10;
	v4 =	vadd.f32 v11, v4  }
0x27a: {  	v5 =	vadd.f32 v8, v5;
	v8 =	vshll.u32 v6, $0x10;
	v3 =	vadd.f32 v6, v3  }
0x27b: {  	v2 =	vadd.f32 v8, v2;
	v6 =	vshll.u32 v7, $0x10;
	v4 =	vadd.f32 v7, v4  }
0x27c: {  	[tilespmem:$0x14E50] =	vst v3  }
0x27d: {  	v1 =	vadd.f32 v6, v5;
	[tilespmem:$0x14E40] =	vst v2  }
0x27e: {  	s8 =	sshll.u32 s8, $0x6;
	[tilespmem:$0x14E70] =	vst v4  }
0x27f: {  	s8 =	sand.u32 $0x3FFFFFC0, s8;
	[tilespmem:$0x14E60] =	vst v1  }
0x280: {  	[tilespmem:v0+s8+$0x100 ss:$0x1] =	vst.idx.msk $0xffff, v2  }
0x281: {  	v1 =	vld [tilespmem:$0x14E50];
	_ =	sdelay $0x4  }
0x282: {  	[tilespmem:v0+s8+$0x110 ss:$0x1] =	vst.idx.msk $0xffff, v1  }
0x283: {  	v1 =	vld [tilespmem:$0x14E60];
	_ =	sdelay $0x4  }
0x284: {  	[tilespmem:v0+s8+$0x120 ss:$0x1] =	vst.idx.msk $0xffff, v1  }
0x285: {  	v1 =	vld [tilespmem:$0x14E70]  }
.Ltmp5:
0x286: {  	_ = 	snop;
	(pc) =	sbr.rel @p0 .LBB2_11-.Ltmp5, $2  }
0x287: {  	_ =	sdelay $0x2  }
0x288: {  	p1 =	por $0x0, $0x0;
	[tilespmem:v0+s8+$0x130 ss:$0x1] =	vst.idx.msk $0xffff, v1;
	s8 =	simm.s32 $0x1  }
0x289: {  	s7 =	sadd.s32 s7, s11  }
0x28a: {  	s7 =	smul.u32 $0xC8, s7;
	_ =	sdelay $0x1  }
0x28b: {  	_ =	swait.ge [sflag:s29], $0x3200;
	s7 =	smin.u32 s7, $0x31FE70  }
0x28c: {  	[sflag:s29] =	ssyncset.done $0x0;
	s7 =	sshrl.u32 s7, $0x3  }
0x28d: {  	[sflag:s29] =	ssyncadd.s32 $0xFFFFCE00;
	s8 =	sadd.s32 s3, s7;
	s7 =	simm.s32 $0x0  }
0x28e: {  	[tilespmem:s15], [sflag:$0x7] =	stream.linear.gather [hbm4b:s8+s7], $0x190, $0x38;
	[tilespmem:$0x14E80] =	vst v63  }
0x28f: {  	_ =	swait.ge [sflag:s18], $0x190  }
0x290: {  	[sflag:s18] =	ssyncset.done $0x0  }
0x291: {  	p1 =	por $0x1, $0x1;
	[sflag:s18] =	ssyncadd.s32 $0xFFFFFE70  }
0x292: {  	[tilespmem:s19], [sflag:$0x2] =	stream.indirect.gather [hbm4b:s4+s14], $0x20, s14, s14, $0xb8;
	[tilespmem:$0x14E80] =	vst v63  }
.LBB2_15:
0x293: {  	s8 =	smul.u32 $0x6400, s7;
	_ =	sdelay $0x1  }
0x294: {  	s8 =	sshra.s32 s8, $0x2  }
0x295: {  	s8 =	sadd.s32 $0x9EC0, s8  }
0x296: {  	v1 =	vimm.f32 $0.0e+00;
	v0 =	vmov s8  }
0x297: {  	[tilespmem:$0x14E40] =	vst v1  }
0x298: {  	[tilespmem:$0x14E50] =	vst v1  }
0x299: {  	[tilespmem:$0x14E60] =	vst v1  }
0x29a: {  	s13 =	simm.s32 $0x0;
	[tilespmem:$0x14E70] =	vst v1  }
0x29b: {  	v2 =	vld.idx.msk [tilespmem:v0+s13+$0xFFFFFD80 ss:$0x1], $0xffff  }
0x29c: {  	v3 =	vld.idx.msk [tilespmem:v0+s13+$0xFFFFFD90 ss:$0x1], $0xffff  }
0x29d: {  	v4 =	vld.idx.msk [tilespmem:v0+s13+$0xFFFFFDA0 ss:$0x1], $0xffff  }
0x29e: {  	v5 =	vld.idx.msk [tilespmem:v0+s13+$0xFFFFFDB0 ss:$0x1], $0xffff  }
0x29f: {  	v6 =	vld.idx.msk [tilespmem:v0+s13+$0xFFFFFDC0 ss:$0x1], $0xffff  }
0x2a0: {  	v7 =	vld.idx.msk [tilespmem:v0+s13+$0xFFFFFDD0 ss:$0x1], $0xffff;
	v8 =	vshll.u32 v2, $0x10;
	v2 =	vadd.f32 v2, v1  }
0x2a1: {  	v9 =	vld.idx.msk [tilespmem:v0+s13+$0xFFFFFDE0 ss:$0x1], $0xffff;
	v10 =	vshll.u32 v3, $0x10;
	v3 =	vadd.f32 v3, v1;
	v8 =	vadd.f32 v8, v1  }
0x2a2: {  	v11 =	vld.idx.msk [tilespmem:v0+s13+$0xFFFFFDF0 ss:$0x1], $0xffff;
	v18 =	vshll.u32 v4, $0x10;
	v1 =	vadd.f32 v10, v1;
	v2 =	vadd.f32 v4, v2  }
0x2a3: {  	v19 =	vshll.u32 v5, $0x10;
	v4 =	vld.idx.msk [tilespmem:v0+s13+$0xFFFFFE00 ss:$0x1], $0xffff;
	v3 =	vadd.f32 v5, v3;
	v8 =	vadd.f32 v18, v8  }
0x2a4: {  	v20 =	vshll.u32 v6, $0x10;
	v5 =	vld.idx.msk [tilespmem:v0+s13+$0xFFFFFE10 ss:$0x1], $0xffff;
	v1 =	vadd.f32 v19, v1;
	v2 =	vadd.f32 v6, v2  }
0x2a5: {  	v21 =	vshll.u32 v7, $0x10;
	v6 =	vld.idx.msk [tilespmem:v0+s13+$0xFFFFFE20 ss:$0x1], $0xffff;
	v3 =	vadd.f32 v7, v3;
	v8 =	vadd.f32 v20, v8  }
0x2a6: {  	v22 =	vshll.u32 v9, $0x10;
	v7 =	vld.idx.msk [tilespmem:v0+s13+$0xFFFFFE30 ss:$0x1], $0xffff;
	v1 =	vadd.f32 v21, v1;
	v2 =	vadd.f32 v9, v2  }
0x2a7: {  	v23 =	vld.idx.msk [tilespmem:v0+s13+$0xFFFFFE40 ss:$0x1], $0xffff;
	v24 =	vshll.u32 v11, $0x10;
	v3 =	vadd.f32 v11, v3;
	v8 =	vadd.f32 v22, v8  }
0x2a8: {  	v25 =	vld.idx.msk [tilespmem:v0+s13+$0xFFFFFE50 ss:$0x1], $0xffff;
	v1 =	vadd.f32 v24, v1;
	v26 =	vshll.u32 v4, $0x10;
	v2 =	vadd.f32 v4, v2  }
0x2a9: {  	v27 =	vshll.u32 v5, $0x10;
	v4 =	vld.idx.msk [tilespmem:v0+s13+$0xFFFFFE60 ss:$0x1], $0xffff;
	v3 =	vadd.f32 v5, v3;
	v8 =	vadd.f32 v26, v8  }
0x2aa: {  	v5 =	vld.idx.msk [tilespmem:v0+s13+$0xFFFFFE70 ss:$0x1], $0xffff;
	v1 =	vadd.f32 v27, v1;
	v28 =	vshll.u32 v6, $0x10;
	v2 =	vadd.f32 v6, v2  }
0x2ab: {  	v29 =	vshll.u32 v7, $0x10;
	v6 =	vld.idx.msk [tilespmem:v0+s13+$0xFFFFFE80 ss:$0x1], $0xffff;
	v3 =	vadd.f32 v7, v3;
	v8 =	vadd.f32 v28, v8  }
0x2ac: {  	v30 =	vshll.u32 v23, $0x10;
	v7 =	vld.idx.msk [tilespmem:v0+s13+$0xFFFFFE90 ss:$0x1], $0xffff;
	v1 =	vadd.f32 v29, v1;
	v2 =	vadd.f32 v23, v2  }
0x2ad: {  	v31 =	vld.idx.msk [tilespmem:v0+s13+$0xFFFFFEA0 ss:$0x1], $0xffff;
	v32 =	vshll.u32 v25, $0x10;
	v3 =	vadd.f32 v25, v3;
	v8 =	vadd.f32 v30, v8  }
0x2ae: {  	v33 =	vld.idx.msk [tilespmem:v0+s13+$0xFFFFFEB0 ss:$0x1], $0xffff;
	v1 =	vadd.f32 v32, v1;
	v34 =	vshll.u32 v4, $0x10;
	v2 =	vadd.f32 v4, v2  }
0x2af: {  	v35 =	vshll.u32 v5, $0x10;
	v4 =	vld.idx.msk [tilespmem:v0+s13+$0xFFFFFEC0 ss:$0x1], $0xffff;
	v3 =	vadd.f32 v5, v3;
	v8 =	vadd.f32 v34, v8  }
0x2b0: {  	v5 =	vld.idx.msk [tilespmem:v0+s13+$0xFFFFFED0 ss:$0x1], $0xffff;
	v1 =	vadd.f32 v35, v1;
	v36 =	vshll.u32 v6, $0x10;
	v2 =	vadd.f32 v6, v2  }
0x2b1: {  	v37 =	vshll.u32 v7, $0x10;
	v6 =	vld.idx.msk [tilespmem:v0+s13+$0xFFFFFEE0 ss:$0x1], $0xffff;
	v3 =	vadd.f32 v7, v3;
	v8 =	vadd.f32 v36, v8  }
0x2b2: {  	v38 =	vshll.u32 v31, $0x10;
	v7 =	vld.idx.msk [tilespmem:v0+s13+$0xFFFFFEF0 ss:$0x1], $0xffff;
	v1 =	vadd.f32 v37, v1;
	v2 =	vadd.f32 v31, v2  }
0x2b3: {  	v39 =	vld.idx.msk [tilespmem:v0+s13+$0xFFFFFF00 ss:$0x1], $0xffff;
	v40 =	vshll.u32 v33, $0x10;
	v3 =	vadd.f32 v33, v3;
	v8 =	vadd.f32 v38, v8  }
0x2b4: {  	v41 =	vld.idx.msk [tilespmem:v0+s13+$0xFFFFFF10 ss:$0x1], $0xffff;
	v1 =	vadd.f32 v40, v1;
	v42 =	vshll.u32 v4, $0x10;
	v2 =	vadd.f32 v4, v2  }
0x2b5: {  	v43 =	vshll.u32 v5, $0x10;
	v4 =	vld.idx.msk [tilespmem:v0+s13+$0xFFFFFF20 ss:$0x1], $0xffff;
	v3 =	vadd.f32 v5, v3;
	v8 =	vadd.f32 v42, v8  }
0x2b6: {  	v5 =	vld.idx.msk [tilespmem:v0+s13+$0xFFFFFF30 ss:$0x1], $0xffff;
	v1 =	vadd.f32 v43, v1;
	v44 =	vshll.u32 v6, $0x10;
	v2 =	vadd.f32 v6, v2  }
0x2b7: {  	v45 =	vshll.u32 v7, $0x10;
	v6 =	vld.idx.msk [tilespmem:v0+s13+$0xFFFFFF40 ss:$0x1], $0xffff;
	v3 =	vadd.f32 v7, v3;
	v8 =	vadd.f32 v44, v8  }
0x2b8: {  	v46 =	vshll.u32 v39, $0x10;
	v7 =	vld.idx.msk [tilespmem:v0+s13+$0xFFFFFF50 ss:$0x1], $0xffff;
	v1 =	vadd.f32 v45, v1;
	v2 =	vadd.f32 v39, v2  }
0x2b9: {  	v47 =	vld.idx.msk [tilespmem:v0+s13+$0xFFFFFF60 ss:$0x1], $0xffff;
	v48 =	vshll.u32 v41, $0x10;
	v3 =	vadd.f32 v41, v3;
	v8 =	vadd.f32 v46, v8  }
0x2ba: {  	v49 =	vld.idx.msk [tilespmem:v0+s13+$0xFFFFFF70 ss:$0x1], $0xffff;
	v1 =	vadd.f32 v48, v1;
	v50 =	vshll.u32 v4, $0x10;
	v2 =	vadd.f32 v4, v2  }
0x2bb: {  	v51 =	vshll.u32 v5, $0x10;
	v4 =	vld.idx.msk [tilespmem:v0+s13+$0xFFFFFF80 ss:$0x1], $0xffff;
	v3 =	vadd.f32 v5, v3;
	v8 =	vadd.f32 v50, v8  }
0x2bc: {  	v5 =	vld.idx.msk [tilespmem:v0+s13+$0xFFFFFF90 ss:$0x1], $0xffff;
	v1 =	vadd.f32 v51, v1;
	v52 =	vshll.u32 v6, $0x10;
	v2 =	vadd.f32 v6, v2  }
0x2bd: {  	v53 =	vshll.u32 v7, $0x10;
	v6 =	vld.idx.msk [tilespmem:v0+s13+$0xFFFFFFA0 ss:$0x1], $0xffff;
	v3 =	vadd.f32 v7, v3;
	v8 =	vadd.f32 v52, v8  }
0x2be: {  	v54 =	vshll.u32 v47, $0x10;
	v7 =	vld.idx.msk [tilespmem:v0+s13+$0xFFFFFFB0 ss:$0x1], $0xffff;
	v1 =	vadd.f32 v53, v1;
	v2 =	vadd.f32 v47, v2  }
0x2bf: {  	v55 =	vld.idx.msk [tilespmem:v0+s13+$0xFFFFFFC0 ss:$0x1], $0xffff;
	v56 =	vshll.u32 v49, $0x10;
	v3 =	vadd.f32 v49, v3;
	v8 =	vadd.f32 v54, v8  }
0x2c0: {  	v57 =	vld.idx.msk [tilespmem:v0+s13+$0xFFFFFFD0 ss:$0x1], $0xffff;
	v1 =	vadd.f32 v56, v1;
	v58 =	vshll.u32 v4, $0x10;
	v2 =	vadd.f32 v4, v2  }
0x2c1: {  	v59 =	vshll.u32 v5, $0x10;
	v4 =	vld.idx.msk [tilespmem:v0+s13+$0xFFFFFFE0 ss:$0x1], $0xffff;
	v3 =	vadd.f32 v5, v3;
	v8 =	vadd.f32 v58, v8  }
0x2c2: {  	v5 =	vld.idx.msk [tilespmem:v0+s13+$0xFFFFFFF0 ss:$0x1], $0xffff;
	v1 =	vadd.f32 v59, v1;
	v60 =	vshll.u32 v6, $0x10;
	v2 =	vadd.f32 v6, v2  }
0x2c3: {  	v61 =	vshll.u32 v7, $0x10;
	v6 =	vld.idx.msk [tilespmem:v0+s13+$0x0 ss:$0x1], $0xffff;
	v3 =	vadd.f32 v7, v3;
	v8 =	vadd.f32 v60, v8  }
0x2c4: {  	v62 =	vshll.u32 v55, $0x10;
	v7 =	vld.idx.msk [tilespmem:v0+s13+$0x10 ss:$0x1], $0xffff;
	v1 =	vadd.f32 v61, v1;
	v2 =	vadd.f32 v55, v2  }
0x2c5: {  	v63 =	vld.idx.msk [tilespmem:v0+s13+$0x20 ss:$0x1], $0xffff;
	v12 =	vshll.u32 v57, $0x10;
	v3 =	vadd.f32 v57, v3;
	v8 =	vadd.f32 v62, v8  }
0x2c6: {  	v13 =	vld.idx.msk [tilespmem:v0+s13+$0x30 ss:$0x1], $0xffff;
	v1 =	vadd.f32 v12, v1;
	v14 =	vshll.u32 v4, $0x10;
	v2 =	vadd.f32 v4, v2  }
0x2c7: {  	v15 =	vshll.u32 v5, $0x10;
	v4 =	vld.idx.msk [tilespmem:v0+s13+$0x40 ss:$0x1], $0xffff;
	v3 =	vadd.f32 v5, v3;
	v8 =	vadd.f32 v14, v8  }
0x2c8: {  	v5 =	vld.idx.msk [tilespmem:v0+s13+$0x50 ss:$0x1], $0xffff;
	v1 =	vadd.f32 v15, v1;
	v16 =	vshll.u32 v6, $0x10;
	v2 =	vadd.f32 v6, v2  }
0x2c9: {  	v17 =	vshll.u32 v7, $0x10;
	v6 =	vld.idx.msk [tilespmem:v0+s13+$0x60 ss:$0x1], $0xffff;
	v3 =	vadd.f32 v7, v3;
	v8 =	vadd.f32 v16, v8  }
0x2ca: {  	v18 =	vshll.u32 v63, $0x10;
	v7 =	vld.idx.msk [tilespmem:v0+s13+$0x70 ss:$0x1], $0xffff;
	v1 =	vadd.f32 v17, v1;
	v2 =	vadd.f32 v63, v2  }
0x2cb: {  	v19 =	vld.idx.msk [tilespmem:v0+s13+$0x80 ss:$0x1], $0xffff;
	v20 =	vshll.u32 v13, $0x10;
	v3 =	vadd.f32 v13, v3;
	v8 =	vadd.f32 v18, v8  }
0x2cc: {  	v21 =	vld.idx.msk [tilespmem:v0+s13+$0x90 ss:$0x1], $0xffff;
	v1 =	vadd.f32 v20, v1;
	v22 =	vshll.u32 v4, $0x10;
	v2 =	vadd.f32 v4, v2  }
0x2cd: {  	v23 =	vshll.u32 v5, $0x10;
	v4 =	vld.idx.msk [tilespmem:v0+s13+$0xA0 ss:$0x1], $0xffff;
	v3 =	vadd.f32 v5, v3;
	v8 =	vadd.f32 v22, v8  }
0x2ce: {  	v5 =	vld.idx.msk [tilespmem:v0+s13+$0xB0 ss:$0x1], $0xffff;
	v1 =	vadd.f32 v23, v1;
	v24 =	vshll.u32 v6, $0x10;
	v2 =	vadd.f32 v6, v2  }
0x2cf: {  	v25 =	vshll.u32 v7, $0x10;
	v6 =	vld.idx.msk [tilespmem:v0+s13+$0xC0 ss:$0x1], $0xffff;
	v3 =	vadd.f32 v7, v3;
	v8 =	vadd.f32 v24, v8  }
0x2d0: {  	v26 =	vshll.u32 v19, $0x10;
	v7 =	vld.idx.msk [tilespmem:v0+s13+$0xD0 ss:$0x1], $0xffff;
	v1 =	vadd.f32 v25, v1;
	v2 =	vadd.f32 v19, v2  }
0x2d1: {  	v27 =	vld.idx.msk [tilespmem:v0+s13+$0xE0 ss:$0x1], $0xffff;
	v28 =	vshll.u32 v21, $0x10;
	v3 =	vadd.f32 v21, v3;
	v8 =	vadd.f32 v26, v8  }
0x2d2: {  	v29 =	vld.idx.msk [tilespmem:v0+s13+$0xF0 ss:$0x1], $0xffff;
	v1 =	vadd.f32 v28, v1;
	v30 =	vshll.u32 v4, $0x10;
	v2 =	vadd.f32 v4, v2  }
0x2d3: {  	v31 =	vshll.u32 v5, $0x10;
	v4 =	vld.idx.msk [tilespmem:v0+s13+$0x100 ss:$0x1], $0xffff;
	v3 =	vadd.f32 v5, v3;
	v8 =	vadd.f32 v30, v8  }
0x2d4: {  	v5 =	vld.idx.msk [tilespmem:v0+s13+$0x110 ss:$0x1], $0xffff;
	v1 =	vadd.f32 v31, v1;
	v32 =	vshll.u32 v6, $0x10;
	v2 =	vadd.f32 v6, v2  }
0x2d5: {  	v33 =	vshll.u32 v7, $0x10;
	v6 =	vld.idx.msk [tilespmem:v0+s13+$0x120 ss:$0x1], $0xffff;
	v3 =	vadd.f32 v7, v3;
	v8 =	vadd.f32 v32, v8  }
0x2d6: {  	v34 =	vshll.u32 v27, $0x10;
	v7 =	vld.idx.msk [tilespmem:v0+s13+$0x130 ss:$0x1], $0xffff;
	v1 =	vadd.f32 v33, v1;
	v2 =	vadd.f32 v27, v2  }
0x2d7: {  	v35 =	vld.idx.msk [tilespmem:v0+s13+$0x140 ss:$0x1], $0xffff;
	v36 =	vshll.u32 v29, $0x10;
	v3 =	vadd.f32 v29, v3;
	v8 =	vadd.f32 v34, v8  }
0x2d8: {  	v37 =	vld.idx.msk [tilespmem:v0+s13+$0x150 ss:$0x1], $0xffff;
	v1 =	vadd.f32 v36, v1;
	v38 =	vshll.u32 v4, $0x10;
	v2 =	vadd.f32 v4, v2  }
0x2d9: {  	v39 =	vshll.u32 v5, $0x10;
	v4 =	vld.idx.msk [tilespmem:v0+s13+$0x160 ss:$0x1], $0xffff;
	v3 =	vadd.f32 v5, v3;
	v8 =	vadd.f32 v38, v8  }
0x2da: {  	v5 =	vld.idx.msk [tilespmem:v0+s13+$0x170 ss:$0x1], $0xffff;
	v1 =	vadd.f32 v39, v1;
	v40 =	vshll.u32 v6, $0x10;
	v2 =	vadd.f32 v6, v2  }
0x2db: {  	v41 =	vshll.u32 v7, $0x10;
	v6 =	vld.idx.msk [tilespmem:v0+s13+$0x180 ss:$0x1], $0xffff;
	v3 =	vadd.f32 v7, v3;
	v8 =	vadd.f32 v40, v8  }
0x2dc: {  	v42 =	vshll.u32 v35, $0x10;
	v7 =	vld.idx.msk [tilespmem:v0+s13+$0x190 ss:$0x1], $0xffff;
	v1 =	vadd.f32 v41, v1;
	v2 =	vadd.f32 v35, v2  }
0x2dd: {  	v43 =	vld.idx.msk [tilespmem:v0+s13+$0x1A0 ss:$0x1], $0xffff;
	v44 =	vshll.u32 v37, $0x10;
	v3 =	vadd.f32 v37, v3;
	v8 =	vadd.f32 v42, v8  }
0x2de: {  	v45 =	vld.idx.msk [tilespmem:v0+s13+$0x1B0 ss:$0x1], $0xffff;
	v1 =	vadd.f32 v44, v1;
	v46 =	vshll.u32 v4, $0x10;
	v2 =	vadd.f32 v4, v2  }
0x2df: {  	v47 =	vshll.u32 v5, $0x10;
	v4 =	vld.idx.msk [tilespmem:v0+s13+$0x1C0 ss:$0x1], $0xffff;
	v3 =	vadd.f32 v5, v3;
	v8 =	vadd.f32 v46, v8  }
0x2e0: {  	v5 =	vld.idx.msk [tilespmem:v0+s13+$0x1D0 ss:$0x1], $0xffff;
	v1 =	vadd.f32 v47, v1;
	v48 =	vshll.u32 v6, $0x10;
	v2 =	vadd.f32 v6, v2  }
0x2e1: {  	v49 =	vshll.u32 v7, $0x10;
	v6 =	vld.idx.msk [tilespmem:v0+s13+$0x1E0 ss:$0x1], $0xffff;
	v3 =	vadd.f32 v7, v3;
	v8 =	vadd.f32 v48, v8  }
0x2e2: {  	v50 =	vshll.u32 v43, $0x10;
	v7 =	vld.idx.msk [tilespmem:v0+s13+$0x1F0 ss:$0x1], $0xffff;
	v1 =	vadd.f32 v49, v1;
	v2 =	vadd.f32 v43, v2  }
0x2e3: {  	v51 =	vld.idx.msk [tilespmem:v0+s13+$0x200 ss:$0x1], $0xffff;
	v52 =	vshll.u32 v45, $0x10;
	v3 =	vadd.f32 v45, v3;
	v8 =	vadd.f32 v50, v8  }
0x2e4: {  	v53 =	vld.idx.msk [tilespmem:v0+s13+$0x210 ss:$0x1], $0xffff;
	v1 =	vadd.f32 v52, v1;
	v54 =	vshll.u32 v4, $0x10;
	v2 =	vadd.f32 v4, v2  }
0x2e5: {  	v55 =	vshll.u32 v5, $0x10;
	v4 =	vld.idx.msk [tilespmem:v0+s13+$0x220 ss:$0x1], $0xffff;
	v3 =	vadd.f32 v5, v3;
	v8 =	vadd.f32 v54, v8  }
0x2e6: {  	v5 =	vld.idx.msk [tilespmem:v0+s13+$0x230 ss:$0x1], $0xffff;
	v1 =	vadd.f32 v55, v1;
	v56 =	vshll.u32 v6, $0x10;
	v2 =	vadd.f32 v6, v2  }
0x2e7: {  	v57 =	vshll.u32 v7, $0x10;
	v6 =	vld.idx.msk [tilespmem:v0+s13+$0x240 ss:$0x1], $0xffff;
	v3 =	vadd.f32 v7, v3;
	v8 =	vadd.f32 v56, v8  }
0x2e8: {  	v58 =	vshll.u32 v51, $0x10;
	v7 =	vld.idx.msk [tilespmem:v0+s13+$0x250 ss:$0x1], $0xffff;
	v1 =	vadd.f32 v57, v1;
	v2 =	vadd.f32 v51, v2  }
0x2e9: {  	v59 =	vld.idx.msk [tilespmem:v0+s13+$0x260 ss:$0x1], $0xffff;
	v60 =	vshll.u32 v53, $0x10;
	v3 =	vadd.f32 v53, v3;
	v8 =	vadd.f32 v58, v8  }
0x2ea: {  	v61 =	vld.idx.msk [tilespmem:v0+s13+$0x270 ss:$0x1], $0xffff;
	v1 =	vadd.f32 v60, v1;
	v62 =	vshll.u32 v4, $0x10;
	v2 =	vadd.f32 v4, v2  }
0x2eb: {  	v63 =	vshll.u32 v5, $0x10;
	v3 =	vadd.f32 v5, v3;
	v4 =	vadd.f32 v62, v8  }
0x2ec: {  	v1 =	vadd.f32 v63, v1;
	v5 =	vshll.u32 v6, $0x10;
	v2 =	vadd.f32 v6, v2  }
0x2ed: {  	v6 =	vadd.f32 v7, v3;
	v5 =	vadd.f32 v5, v4;
	v4 =	vshll.u32 v7, $0x10  }
0x2ee: {  	v4 =	vadd.f32 v4, v1;
	v1 =	vshll.u32 v59, $0x10;
	v3 =	vadd.f32 v59, v2  }
0x2ef: {  	p0 =	por p1, p1;
	s8 =	simm.s32 $0x1400;
	v2 =	vadd.f32 v61, v6;
	v1 =	vadd.f32 v1, v5;
	v5 =	vshll.u32 v61, $0x10  }
.LBB2_16:
0x2f0: {  	p1 =	sne.s32 s8, $0x5000;
	v4 =	vadd.f32 v5, v4;
	[tilespmem:$0x14E50] =	vst v3;
	s12 =	smov.u32 s8;
	s8 =	sadd.s32 $0x1400, s8  }
0x2f1: {  	[tilespmem:$0x14E40] =	vst v1  }
0x2f2: {  	s12 =	sshra.s32 s12, $0x2;
	[tilespmem:$0x14E60] =	vst v4  }
0x2f3: {  	[tilespmem:$0x14E70] =	vst v2  }
0x2f4: {  	v5 =	vld.idx.msk [tilespmem:v0+s12+$0xFFFFFD80 ss:$0x1], $0xffff  }
0x2f5: {  	v6 =	vld.idx.msk [tilespmem:v0+s12+$0xFFFFFD90 ss:$0x1], $0xffff  }
0x2f6: {  	v7 =	vld.idx.msk [tilespmem:v0+s12+$0xFFFFFDA0 ss:$0x1], $0xffff  }
0x2f7: {  	v8 =	vld.idx.msk [tilespmem:v0+s12+$0xFFFFFDB0 ss:$0x1], $0xffff  }
0x2f8: {  	v9 =	vld.idx.msk [tilespmem:v0+s12+$0xFFFFFDC0 ss:$0x1], $0xffff  }
0x2f9: {  	v10 =	vld.idx.msk [tilespmem:v0+s12+$0xFFFFFDD0 ss:$0x1], $0xffff  }
0x2fa: {  	v11 =	vshll.u32 v5, $0x10;
	v3 =	vadd.f32 v5, v3;
	v5 =	vld.idx.msk [tilespmem:v0+s12+$0xFFFFFDE0 ss:$0x1], $0xffff  }
0x2fb: {  	v1 =	vadd.f32 v11, v1;
	v11 =	vshll.u32 v6, $0x10;
	v2 =	vadd.f32 v6, v2;
	v6 =	vld.idx.msk [tilespmem:v0+s12+$0xFFFFFDF0 ss:$0x1], $0xffff  }
0x2fc: {  	v4 =	vadd.f32 v11, v4;
	v11 =	vshll.u32 v7, $0x10;
	v3 =	vadd.f32 v7, v3;
	v7 =	vld.idx.msk [tilespmem:v0+s12+$0xFFFFFE00 ss:$0x1], $0xffff  }
0x2fd: {  	v1 =	vadd.f32 v11, v1;
	v11 =	vshll.u32 v8, $0x10;
	v2 =	vadd.f32 v8, v2;
	v8 =	vld.idx.msk [tilespmem:v0+s12+$0xFFFFFE10 ss:$0x1], $0xffff  }
0x2fe: {  	v4 =	vadd.f32 v11, v4;
	v11 =	vshll.u32 v9, $0x10;
	v3 =	vadd.f32 v9, v3;
	v9 =	vld.idx.msk [tilespmem:v0+s12+$0xFFFFFE20 ss:$0x1], $0xffff  }
0x2ff: {  	v1 =	vadd.f32 v11, v1;
	v11 =	vshll.u32 v10, $0x10;
	v2 =	vadd.f32 v10, v2;
	v10 =	vld.idx.msk [tilespmem:v0+s12+$0xFFFFFE30 ss:$0x1], $0xffff  }
0x300: {  	v4 =	vadd.f32 v11, v4;
	v11 =	vshll.u32 v5, $0x10;
	v3 =	vadd.f32 v5, v3;
	v5 =	vld.idx.msk [tilespmem:v0+s12+$0xFFFFFE40 ss:$0x1], $0xffff  }
0x301: {  	v1 =	vadd.f32 v11, v1;
	v11 =	vshll.u32 v6, $0x10;
	v2 =	vadd.f32 v6, v2;
	v6 =	vld.idx.msk [tilespmem:v0+s12+$0xFFFFFE50 ss:$0x1], $0xffff  }
0x302: {  	v4 =	vadd.f32 v11, v4;
	v11 =	vshll.u32 v7, $0x10;
	v3 =	vadd.f32 v7, v3;
	v7 =	vld.idx.msk [tilespmem:v0+s12+$0xFFFFFE60 ss:$0x1], $0xffff  }
0x303: {  	v1 =	vadd.f32 v11, v1;
	v11 =	vshll.u32 v8, $0x10;
	v2 =	vadd.f32 v8, v2;
	v8 =	vld.idx.msk [tilespmem:v0+s12+$0xFFFFFE70 ss:$0x1], $0xffff  }
0x304: {  	v4 =	vadd.f32 v11, v4;
	v11 =	vshll.u32 v9, $0x10;
	v3 =	vadd.f32 v9, v3;
	v9 =	vld.idx.msk [tilespmem:v0+s12+$0xFFFFFE80 ss:$0x1], $0xffff  }
0x305: {  	v1 =	vadd.f32 v11, v1;
	v11 =	vshll.u32 v10, $0x10;
	v2 =	vadd.f32 v10, v2;
	v10 =	vld.idx.msk [tilespmem:v0+s12+$0xFFFFFE90 ss:$0x1], $0xffff  }
0x306: {  	v4 =	vadd.f32 v11, v4;
	v11 =	vshll.u32 v5, $0x10;
	v3 =	vadd.f32 v5, v3;
	v5 =	vld.idx.msk [tilespmem:v0+s12+$0xFFFFFEA0 ss:$0x1], $0xffff  }
0x307: {  	v1 =	vadd.f32 v11, v1;
	v11 =	vshll.u32 v6, $0x10;
	v2 =	vadd.f32 v6, v2;
	v6 =	vld.idx.msk [tilespmem:v0+s12+$0xFFFFFEB0 ss:$0x1], $0xffff  }
0x308: {  	v4 =	vadd.f32 v11, v4;
	v11 =	vshll.u32 v7, $0x10;
	v3 =	vadd.f32 v7, v3;
	v7 =	vld.idx.msk [tilespmem:v0+s12+$0xFFFFFEC0 ss:$0x1], $0xffff  }
0x309: {  	v1 =	vadd.f32 v11, v1;
	v11 =	vshll.u32 v8, $0x10;
	v2 =	vadd.f32 v8, v2;
	v8 =	vld.idx.msk [tilespmem:v0+s12+$0xFFFFFED0 ss:$0x1], $0xffff  }
0x30a: {  	v4 =	vadd.f32 v11, v4;
	v11 =	vshll.u32 v9, $0x10;
	v3 =	vadd.f32 v9, v3;
	v9 =	vld.idx.msk [tilespmem:v0+s12+$0xFFFFFEE0 ss:$0x1], $0xffff  }
0x30b: {  	v1 =	vadd.f32 v11, v1;
	v11 =	vshll.u32 v10, $0x10;
	v2 =	vadd.f32 v10, v2;
	v10 =	vld.idx.msk [tilespmem:v0+s12+$0xFFFFFEF0 ss:$0x1], $0xffff  }
0x30c: {  	v4 =	vadd.f32 v11, v4;
	v11 =	vshll.u32 v5, $0x10;
	v3 =	vadd.f32 v5, v3;
	v5 =	vld.idx.msk [tilespmem:v0+s12+$0xFFFFFF00 ss:$0x1], $0xffff  }
0x30d: {  	v1 =	vadd.f32 v11, v1;
	v11 =	vshll.u32 v6, $0x10;
	v2 =	vadd.f32 v6, v2;
	v6 =	vld.idx.msk [tilespmem:v0+s12+$0xFFFFFF10 ss:$0x1], $0xffff  }
0x30e: {  	v4 =	vadd.f32 v11, v4;
	v11 =	vshll.u32 v7, $0x10;
	v3 =	vadd.f32 v7, v3;
	v7 =	vld.idx.msk [tilespmem:v0+s12+$0xFFFFFF20 ss:$0x1], $0xffff  }
0x30f: {  	v1 =	vadd.f32 v11, v1;
	v11 =	vshll.u32 v8, $0x10;
	v2 =	vadd.f32 v8, v2;
	v8 =	vld.idx.msk [tilespmem:v0+s12+$0xFFFFFF30 ss:$0x1], $0xffff  }
0x310: {  	v4 =	vadd.f32 v11, v4;
	v11 =	vshll.u32 v9, $0x10;
	v3 =	vadd.f32 v9, v3;
	v9 =	vld.idx.msk [tilespmem:v0+s12+$0xFFFFFF40 ss:$0x1], $0xffff  }
0x311: {  	v1 =	vadd.f32 v11, v1;
	v11 =	vshll.u32 v10, $0x10;
	v2 =	vadd.f32 v10, v2;
	v10 =	vld.idx.msk [tilespmem:v0+s12+$0xFFFFFF50 ss:$0x1], $0xffff  }
0x312: {  	v4 =	vadd.f32 v11, v4;
	v11 =	vshll.u32 v5, $0x10;
	v3 =	vadd.f32 v5, v3;
	v5 =	vld.idx.msk [tilespmem:v0+s12+$0xFFFFFF60 ss:$0x1], $0xffff  }
0x313: {  	v1 =	vadd.f32 v11, v1;
	v11 =	vshll.u32 v6, $0x10;
	v2 =	vadd.f32 v6, v2;
	v6 =	vld.idx.msk [tilespmem:v0+s12+$0xFFFFFF70 ss:$0x1], $0xffff  }
0x314: {  	v4 =	vadd.f32 v11, v4;
	v11 =	vshll.u32 v7, $0x10;
	v3 =	vadd.f32 v7, v3;
	v7 =	vld.idx.msk [tilespmem:v0+s12+$0xFFFFFF80 ss:$0x1], $0xffff  }
0x315: {  	v1 =	vadd.f32 v11, v1;
	v11 =	vshll.u32 v8, $0x10;
	v2 =	vadd.f32 v8, v2;
	v8 =	vld.idx.msk [tilespmem:v0+s12+$0xFFFFFF90 ss:$0x1], $0xffff  }
0x316: {  	v4 =	vadd.f32 v11, v4;
	v11 =	vshll.u32 v9, $0x10;
	v3 =	vadd.f32 v9, v3;
	v9 =	vld.idx.msk [tilespmem:v0+s12+$0xFFFFFFA0 ss:$0x1], $0xffff  }
0x317: {  	v1 =	vadd.f32 v11, v1;
	v11 =	vshll.u32 v10, $0x10;
	v2 =	vadd.f32 v10, v2;
	v10 =	vld.idx.msk [tilespmem:v0+s12+$0xFFFFFFB0 ss:$0x1], $0xffff  }
0x318: {  	v4 =	vadd.f32 v11, v4;
	v11 =	vshll.u32 v5, $0x10;
	v3 =	vadd.f32 v5, v3;
	v5 =	vld.idx.msk [tilespmem:v0+s12+$0xFFFFFFC0 ss:$0x1], $0xffff  }
0x319: {  	v1 =	vadd.f32 v11, v1;
	v11 =	vshll.u32 v6, $0x10;
	v2 =	vadd.f32 v6, v2;
	v6 =	vld.idx.msk [tilespmem:v0+s12+$0xFFFFFFD0 ss:$0x1], $0xffff  }
0x31a: {  	v4 =	vadd.f32 v11, v4;
	v11 =	vshll.u32 v7, $0x10;
	v3 =	vadd.f32 v7, v3;
	v7 =	vld.idx.msk [tilespmem:v0+s12+$0xFFFFFFE0 ss:$0x1], $0xffff  }
0x31b: {  	v1 =	vadd.f32 v11, v1;
	v11 =	vshll.u32 v8, $0x10;
	v2 =	vadd.f32 v8, v2;
	v8 =	vld.idx.msk [tilespmem:v0+s12+$0xFFFFFFF0 ss:$0x1], $0xffff  }
0x31c: {  	v4 =	vadd.f32 v11, v4;
	v11 =	vshll.u32 v9, $0x10;
	v3 =	vadd.f32 v9, v3;
	v9 =	vld.idx.msk [tilespmem:v0+s12+$0x0 ss:$0x1], $0xffff  }
0x31d: {  	v1 =	vadd.f32 v11, v1;
	v11 =	vshll.u32 v10, $0x10;
	v2 =	vadd.f32 v10, v2;
	v10 =	vld.idx.msk [tilespmem:v0+s12+$0x10 ss:$0x1], $0xffff  }
0x31e: {  	v4 =	vadd.f32 v11, v4;
	v11 =	vshll.u32 v5, $0x10;
	v3 =	vadd.f32 v5, v3;
	v5 =	vld.idx.msk [tilespmem:v0+s12+$0x20 ss:$0x1], $0xffff  }
0x31f: {  	v1 =	vadd.f32 v11, v1;
	v11 =	vshll.u32 v6, $0x10;
	v2 =	vadd.f32 v6, v2;
	v6 =	vld.idx.msk [tilespmem:v0+s12+$0x30 ss:$0x1], $0xffff  }
0x320: {  	v4 =	vadd.f32 v11, v4;
	v11 =	vshll.u32 v7, $0x10;
	v3 =	vadd.f32 v7, v3;
	v7 =	vld.idx.msk [tilespmem:v0+s12+$0x40 ss:$0x1], $0xffff  }
0x321: {  	v1 =	vadd.f32 v11, v1;
	v11 =	vshll.u32 v8, $0x10;
	v2 =	vadd.f32 v8, v2;
	v8 =	vld.idx.msk [tilespmem:v0+s12+$0x50 ss:$0x1], $0xffff  }
0x322: {  	v4 =	vadd.f32 v11, v4;
	v11 =	vshll.u32 v9, $0x10;
	v3 =	vadd.f32 v9, v3;
	v9 =	vld.idx.msk [tilespmem:v0+s12+$0x60 ss:$0x1], $0xffff  }
0x323: {  	v1 =	vadd.f32 v11, v1;
	v11 =	vshll.u32 v10, $0x10;
	v2 =	vadd.f32 v10, v2;
	v10 =	vld.idx.msk [tilespmem:v0+s12+$0x70 ss:$0x1], $0xffff  }
0x324: {  	v4 =	vadd.f32 v11, v4;
	v11 =	vshll.u32 v5, $0x10;
	v3 =	vadd.f32 v5, v3;
	v5 =	vld.idx.msk [tilespmem:v0+s12+$0x80 ss:$0x1], $0xffff  }
0x325: {  	v1 =	vadd.f32 v11, v1;
	v11 =	vshll.u32 v6, $0x10;
	v2 =	vadd.f32 v6, v2;
	v6 =	vld.idx.msk [tilespmem:v0+s12+$0x90 ss:$0x1], $0xffff  }
0x326: {  	v4 =	vadd.f32 v11, v4;
	v11 =	vshll.u32 v7, $0x10;
	v3 =	vadd.f32 v7, v3;
	v7 =	vld.idx.msk [tilespmem:v0+s12+$0xA0 ss:$0x1], $0xffff  }
0x327: {  	v1 =	vadd.f32 v11, v1;
	v11 =	vshll.u32 v8, $0x10;
	v2 =	vadd.f32 v8, v2;
	v8 =	vld.idx.msk [tilespmem:v0+s12+$0xB0 ss:$0x1], $0xffff  }
0x328: {  	v4 =	vadd.f32 v11, v4;
	v11 =	vshll.u32 v9, $0x10;
	v3 =	vadd.f32 v9, v3;
	v9 =	vld.idx.msk [tilespmem:v0+s12+$0xC0 ss:$0x1], $0xffff  }
0x329: {  	v1 =	vadd.f32 v11, v1;
	v11 =	vshll.u32 v10, $0x10;
	v2 =	vadd.f32 v10, v2;
	v10 =	vld.idx.msk [tilespmem:v0+s12+$0xD0 ss:$0x1], $0xffff  }
0x32a: {  	v4 =	vadd.f32 v11, v4;
	v11 =	vshll.u32 v5, $0x10;
	v3 =	vadd.f32 v5, v3;
	v5 =	vld.idx.msk [tilespmem:v0+s12+$0xE0 ss:$0x1], $0xffff  }
0x32b: {  	v1 =	vadd.f32 v11, v1;
	v11 =	vshll.u32 v6, $0x10;
	v2 =	vadd.f32 v6, v2;
	v6 =	vld.idx.msk [tilespmem:v0+s12+$0xF0 ss:$0x1], $0xffff  }
0x32c: {  	v4 =	vadd.f32 v11, v4;
	v11 =	vshll.u32 v7, $0x10;
	v3 =	vadd.f32 v7, v3;
	v7 =	vld.idx.msk [tilespmem:v0+s12+$0x100 ss:$0x1], $0xffff  }
0x32d: {  	v1 =	vadd.f32 v11, v1;
	v11 =	vshll.u32 v8, $0x10;
	v2 =	vadd.f32 v8, v2;
	v8 =	vld.idx.msk [tilespmem:v0+s12+$0x110 ss:$0x1], $0xffff  }
0x32e: {  	v4 =	vadd.f32 v11, v4;
	v11 =	vshll.u32 v9, $0x10;
	v3 =	vadd.f32 v9, v3;
	v9 =	vld.idx.msk [tilespmem:v0+s12+$0x120 ss:$0x1], $0xffff  }
0x32f: {  	v1 =	vadd.f32 v11, v1;
	v11 =	vshll.u32 v10, $0x10;
	v2 =	vadd.f32 v10, v2;
	v10 =	vld.idx.msk [tilespmem:v0+s12+$0x130 ss:$0x1], $0xffff  }
0x330: {  	v4 =	vadd.f32 v11, v4;
	v11 =	vshll.u32 v5, $0x10;
	v3 =	vadd.f32 v5, v3;
	v5 =	vld.idx.msk [tilespmem:v0+s12+$0x140 ss:$0x1], $0xffff  }
0x331: {  	v1 =	vadd.f32 v11, v1;
	v11 =	vshll.u32 v6, $0x10;
	v2 =	vadd.f32 v6, v2;
	v6 =	vld.idx.msk [tilespmem:v0+s12+$0x150 ss:$0x1], $0xffff  }
0x332: {  	v4 =	vadd.f32 v11, v4;
	v11 =	vshll.u32 v7, $0x10;
	v3 =	vadd.f32 v7, v3;
	v7 =	vld.idx.msk [tilespmem:v0+s12+$0x160 ss:$0x1], $0xffff  }
0x333: {  	v1 =	vadd.f32 v11, v1;
	v11 =	vshll.u32 v8, $0x10;
	v2 =	vadd.f32 v8, v2;
	v8 =	vld.idx.msk [tilespmem:v0+s12+$0x170 ss:$0x1], $0xffff  }
0x334: {  	v4 =	vadd.f32 v11, v4;
	v11 =	vshll.u32 v9, $0x10;
	v3 =	vadd.f32 v9, v3;
	v9 =	vld.idx.msk [tilespmem:v0+s12+$0x180 ss:$0x1], $0xffff  }
0x335: {  	v1 =	vadd.f32 v11, v1;
	v11 =	vshll.u32 v10, $0x10;
	v2 =	vadd.f32 v10, v2;
	v10 =	vld.idx.msk [tilespmem:v0+s12+$0x190 ss:$0x1], $0xffff  }
0x336: {  	v4 =	vadd.f32 v11, v4;
	v11 =	vshll.u32 v5, $0x10;
	v3 =	vadd.f32 v5, v3;
	v5 =	vld.idx.msk [tilespmem:v0+s12+$0x1A0 ss:$0x1], $0xffff  }
0x337: {  	v1 =	vadd.f32 v11, v1;
	v11 =	vshll.u32 v6, $0x10;
	v2 =	vadd.f32 v6, v2;
	v6 =	vld.idx.msk [tilespmem:v0+s12+$0x1B0 ss:$0x1], $0xffff  }
0x338: {  	v4 =	vadd.f32 v11, v4;
	v11 =	vshll.u32 v7, $0x10;
	v3 =	vadd.f32 v7, v3;
	v7 =	vld.idx.msk [tilespmem:v0+s12+$0x1C0 ss:$0x1], $0xffff  }
0x339: {  	v1 =	vadd.f32 v11, v1;
	v11 =	vshll.u32 v8, $0x10;
	v2 =	vadd.f32 v8, v2;
	v8 =	vld.idx.msk [tilespmem:v0+s12+$0x1D0 ss:$0x1], $0xffff  }
0x33a: {  	v4 =	vadd.f32 v11, v4;
	v11 =	vshll.u32 v9, $0x10;
	v3 =	vadd.f32 v9, v3;
	v9 =	vld.idx.msk [tilespmem:v0+s12+$0x1E0 ss:$0x1], $0xffff  }
0x33b: {  	v1 =	vadd.f32 v11, v1;
	v11 =	vshll.u32 v10, $0x10;
	v2 =	vadd.f32 v10, v2;
	v10 =	vld.idx.msk [tilespmem:v0+s12+$0x1F0 ss:$0x1], $0xffff  }
0x33c: {  	v4 =	vadd.f32 v11, v4;
	v11 =	vshll.u32 v5, $0x10;
	v3 =	vadd.f32 v5, v3;
	v5 =	vld.idx.msk [tilespmem:v0+s12+$0x200 ss:$0x1], $0xffff  }
0x33d: {  	v1 =	vadd.f32 v11, v1;
	v11 =	vshll.u32 v6, $0x10;
	v2 =	vadd.f32 v6, v2;
	v6 =	vld.idx.msk [tilespmem:v0+s12+$0x210 ss:$0x1], $0xffff  }
0x33e: {  	v4 =	vadd.f32 v11, v4;
	v11 =	vshll.u32 v7, $0x10;
	v3 =	vadd.f32 v7, v3;
	v7 =	vld.idx.msk [tilespmem:v0+s12+$0x220 ss:$0x1], $0xffff  }
0x33f: {  	v1 =	vadd.f32 v11, v1;
	v11 =	vshll.u32 v8, $0x10;
	v2 =	vadd.f32 v8, v2;
	v8 =	vld.idx.msk [tilespmem:v0+s12+$0x230 ss:$0x1], $0xffff  }
0x340: {  	v4 =	vadd.f32 v11, v4;
	v11 =	vshll.u32 v9, $0x10;
	v3 =	vadd.f32 v9, v3;
	v9 =	vld.idx.msk [tilespmem:v0+s12+$0x240 ss:$0x1], $0xffff  }
0x341: {  	v1 =	vadd.f32 v11, v1;
	v11 =	vshll.u32 v10, $0x10;
	v2 =	vadd.f32 v10, v2;
	v10 =	vld.idx.msk [tilespmem:v0+s12+$0x250 ss:$0x1], $0xffff  }
0x342: {  	v4 =	vadd.f32 v11, v4;
	v11 =	vshll.u32 v5, $0x10;
	v3 =	vadd.f32 v5, v3;
	v5 =	vld.idx.msk [tilespmem:v0+s12+$0x260 ss:$0x1], $0xffff  }
0x343: {  	v1 =	vadd.f32 v11, v1;
	v11 =	vshll.u32 v6, $0x10;
	v2 =	vadd.f32 v6, v2;
	v6 =	vld.idx.msk [tilespmem:v0+s12+$0x270 ss:$0x1], $0xffff  }
0x344: {  	v4 =	vadd.f32 v11, v4;
	v11 =	vshll.u32 v7, $0x10;
	v3 =	vadd.f32 v7, v3  }
.Ltmp6:
0x345: {  	v1 =	vadd.f32 v11, v1;
	v7 =	vshll.u32 v8, $0x10;
	v2 =	vadd.f32 v8, v2;
	(pc) =	sbr.rel @p1 .LBB2_16-.Ltmp6, $4  }
0x346: {  	v4 =	vadd.f32 v7, v4;
	v7 =	vshll.u32 v9, $0x10;
	v3 =	vadd.f32 v9, v3  }
0x347: {  	v1 =	vadd.f32 v7, v1;
	v7 =	vshll.u32 v10, $0x10;
	v2 =	vadd.f32 v10, v2  }
0x348: {  	v4 =	vadd.f32 v7, v4;
	v7 =	vshll.u32 v5, $0x10;
	v3 =	vadd.f32 v5, v3  }
0x349: {  	v1 =	vadd.f32 v7, v1;
	v5 =	vshll.u32 v6, $0x10;
	v2 =	vadd.f32 v6, v2  }
0x34a: {  	[tilespmem:$0x14E50] =	vst v3  }
0x34b: {  	v0 =	vadd.f32 v5, v4;
	s7 =	sor.u32 s30, s7;
	[tilespmem:$0x14E40] =	vst v1  }
0x34c: {  	s7 =	sshll.u32 s7, $0x6;
	[tilespmem:$0x14E70] =	vst v2  }
0x34d: {  	[tilespmem:$0x14E60] =	vst v0;
	s7 =	sand.u32 $0x3FFFFFC0, s7  }
0x34e: {  	[tilespmem:s7+$0xCE40] =	vst v1  }
0x34f: {  	v63 =	vld [tilespmem:$0x14E50];
	_ =	sdelay $0x4  }
0x350: {  	[tilespmem:s7+$0xCE50] =	vst v63  }
0x351: {  	v0 =	vld [tilespmem:$0x14E60];
	_ =	sdelay $0x4  }
0x352: {  	[tilespmem:s7+$0xCE60] =	vst v0  }
0x353: {  	v0 =	vld [tilespmem:$0x14E70]  }
.Ltmp7:
0x354: {  	_ = 	snop;
	(pc) =	sbr.rel @p0 .LBB2_15-.Ltmp7, $2  }
0x355: {  	_ =	sdelay $0x2  }
0x356: {  	p1 =	por $0x0, $0x0;
	[tilespmem:s7+$0xCE70] =	vst v0;
	s7 =	simm.s32 $0x1  }
0x357: {  	s1 =	sadd.s32 $0x1, s1  }
0x358: {  	p0 =	sne.s32 s1, $0x40  }
.Ltmp8:
0x359: {  	_ = 	snop;
	(pc) =	sbr.rel @p0 .LBB2_2-.Ltmp8, $1  }
0x35a: {  	_ =	sdelay $0x3  }
0x35b: {  	_ =	swait.ge [sflag:s20], $0x3200  }
0x35c: {  	[sflag:s20] =	ssyncset.done $0x0  }
0x35d: {  	[sflag:s20] =	ssyncadd.s32 $0xFFFFCE00  }
0x35e: {  	_ =	swait.ge [sflag:s24], $0x3200  }
0x35f: {  	[sflag:s24] =	ssyncset.done $0x0  }
0x360: {  	[sflag:s24] =	ssyncadd.s32 $0xFFFFCE00  }
0x361: {  	_ =	swait.ge [sflag:s22], $0x190  }
0x362: {  	[sflag:s22] =	ssyncset.done $0x0  }
0x363: {  	s7 =	simm.s32 $0xCE40;
	s1 =	rddreg [dreg:$0x4];
	[sflag:s22] =	ssyncadd.s32 $0xFFFFFE70  }
0x364: {  	[hbm4b:s1+s2] =	stream.linear.scatter [tilespmem:s7], [sflag:$0x9], $0x8000, $0x38;
	[tilespmem:$0x14E80] =	vst v63  }
0x365: {  	_ =	swait.ge [sflag:s31], $0x8000  }
0x366: {  	s0 =	sadd.s32 $0x1, s0;
	s30 =	rddreg [dreg:$0x5]  }
0x367: {  	p0 =	sne.s32 s0, s30  }
.Ltmp9:
0x368: {  	_ = 	snop;
	(pc) =	sbr.rel @p0 .LBB2_1-.Ltmp9, $3  }
0x369: {  	_ =	sdelay $0x1  }
0x36a: {  	[sflag:s31] =	ssyncset.done $0x0  }
0x36b: {  	[sflag:s31] =	ssyncadd.s32 $0xFFFF8000  }
0x36c: {  	_ =	sfence.sel $0x180000  }
0x36d: {  	[bflag:$0x0] =	sbarrier.arrive $0xFFFF  }
0x36e: {  	_ =	strace $0x90000047  }
0x36f: {  	s0 =	stileid.u32;
	[bflag:$0x2] =	sbarrier.arrive $0xFFFF  }
0x370: {  	p0 =	sne.s32 s0, $0x0;
	s0 =	rddreg [dreg:$0x1]  }
0x371: {  	s0 =	sadd.s32 @!p0 $0x100000, s0  }
0x372: {  	[sflag:s0] =	ssyncadd.tile.s32 @!p0 $0x1;
	_ =	shalt  }
.Lfunc_end2:
_tile_overlayer_lowered:
.L_overlay_start_2:
0x373: {  	(tag) =	ssettag $0x2  }
0x374: {  	s0 =	rddreg [dreg:$0x0];
	s2 =	stileid.u32  }
0x375: {  	s1 =	rddreg [dreg:$0x1];
	p0 =	sne.s32 s2, $0x0  }
0x376: {  	s3 =	rddreg [dreg:$0x2];
	[bflag:$0x3] =	sbarrier.arrive $0xFFFF;
	s2 =	simm.s32 @!p0 $0x1C09  }
0x377: {  	[timem:s3], [sflag:s2] =	dma.local @!p0 [hbm:s0], s1  }
0x378: {  	s0 =	simm.s32 @!p0 $0x9  }
0x379: {  	_ =	swait.ge @!p0 [sflag:s0], s1  }
0x37a: {  	s1 =	ssub.s32 @!p0 $0x0, s1;
	[sflag:s0] =	ssyncset.done @!p0 $0x0  }
0x37b: {  	[sflag:s0] =	ssyncadd.s32 @!p0 s1  }
0x37c: {  	[bflag:$0x3] =	sbarrier.arrive $0xFFFF  }
0x37d: {  	_ =	shalt  }

</sc_bundles>
